<compile_context>
chip_gen: v7x
topology: tpu7x:2x2x1
jax: 0.10.2.dev20260603
libtpu: 0.0.44.dev20260713+nightly
codegen_flags: <defaults>
</compile_context>

<pallas_src>
import functools

import jax
import jax.numpy as jnp
from jax import lax
from jax.experimental import pallas as pl
from jax.experimental.pallas import tpu as pltpu
from jax.experimental.pallas import tpu_sc as plsc

_B = 16
_N = 20000
_C = 80
_M = 1000
_S = 8000
_T = _B * _M
_R = 1024
_NG = _R // 16
_NCH = 32
_LDUMP = 1024


def _gather16(x, idx):
    dnums = lax.GatherDimensionNumbers(
        offset_dims=(), collapsed_slice_dims=(0,), start_index_map=(0,))
    return lax.gather(x, idx[:, None], dnums, (1,),
                      mode=lax.GatherScatterMode.PROMISE_IN_BOUNDS)


def _cumsum16(x):
    idx = lax.iota(jnp.int32, 16)
    y = x
    for sh in (1, 2, 4, 8):
        src = jnp.where(idx >= sh, idx - sh, 0)
        g = _gather16(y, src)
        y = y + jnp.where(idx >= sh, g, 0)
    return y


def _lane15(x):
    return _gather16(x, jnp.full((16,), 15, jnp.int32))


def _sc_body(sel1d, boxes_t, scores_t,
             counts, oboxes, oscores, oclasses,
             sel_b, list_v, xidx_v, lidx_v, xg, lg,
             pbuf, cbuf, sobuf, sstA, sstB, bstA, bstB, ibuf,
             drain96, drain48, cnt_ref, gsem, semA, semB):
    b = lax.axis_index("s")
    h = lax.axis_index("c")
    zero16 = jnp.zeros((16,), jnp.int32)
    zf16 = jnp.zeros((16,), jnp.float32)

    @pl.loop(0, _R // 16)
    def _z1(g):
        sobuf[pl.ds(g * 16, 16)] = zf16
        cbuf[pl.ds(g * 16, 16)] = zero16

    @pl.loop(0, 4 * _R // 16)
    def _z2(g):
        ibuf[pl.ds(g * 16, 16)] = zf16

    pltpu.sync_copy(sel1d.at[pl.ds(0, _S)], sel_b.at[pl.ds(0, _S)])

    @pl.loop(0, _LDUMP // 16)
    def _z3(g):
        list_v[pl.ds(g * 16, 16)] = zero16
    cnt_ref[...] = zero16

    base_iota = lax.iota(jnp.int32, 16)

    def _filter(g, cv):
        bv = sel_b[pl.ds(g * 16, 16)]
        m = bv == b
        mi = jnp.where(m, jnp.int32(1), jnp.int32(0))
        cs = plsc.cumsum(mi)
        pos = cv + cs - 1
        pos = jnp.where(m, pos, _S + base_iota)
        pos = jnp.minimum(pos, _LDUMP + base_iota)
        plsc.store_scatter(list_v, [pos], base_iota + g * 16)
        return cv + _lane15(cs)

    cnt_vec = lax.fori_loop(0, _S // 16, _filter, jnp.zeros((16,), jnp.int32))
    cnt_ref[...] = cnt_vec
    cap_vec = jnp.minimum(cnt_vec, _M)
    cap_s = cap_vec[0]

    @pl.loop(0, _NG)
    def _bidx(g):
        rid = list_v[pl.ds(g * 16, 16)]
        xidx_v[g >> 3, pl.ds((g & 7) * 16, 16)] = rid + 2 * _S
        lidx_v[g >> 3, pl.ds((g & 7) * 16, 16)] = rid + _S
    idx_copies = []
    for r in range(8):
        idx_copies.append(pltpu.async_copy(
            sel1d.at[xidx_v.at[r]], xg.at[pl.ds(r * 128, 128)], gsem))
        idx_copies.append(pltpu.async_copy(
            sel1d.at[lidx_v.at[r]], lg.at[pl.ds(r * 128, 128)], gsem))
    for cp in idx_copies:
        cp.wait()

    @pl.loop(0, _NG)
    def _pack(g):
        sl = pl.ds(g * 16, 16)
        x = xg[sl]
        l = lg[sl]
        rvec = g * 16 + base_iota
        valid = rvec < cap_vec
        pbuf[sl] = jnp.where(valid, l * 32768 + x, (rvec * 128) & 16383)
        cbuf[sl] = jnp.where(valid, l, 0)

    def issue(k, sst, bst, sem):
        gr = (2 * k + h) * 16
        pv = pbuf[pl.ds(gr, 16)]
        lv8 = (pv >> 15) & 120
        xv128 = ((pv & 32767) >> 7) * 128
        for j in range(16):
            l8 = pl.multiple_of(lv8[j], 8)
            x128 = pl.multiple_of(xv128[j], 128)
            pltpu.async_copy(scores_t.at[b, pl.ds(l8, 8), pl.ds(x128, 128)],
                             sst.at[:, pl.ds(j * 128, 128)], sem)
            pltpu.async_copy(boxes_t.at[b, :, pl.ds(x128, 128)],
                             bst.at[:, pl.ds(j * 128, 128)], sem)

    def drain(sst, bst, sem):
        pltpu.make_async_copy(
            scores_t.at[0, pl.ds(0, 8), pl.ds(0, 2048)], sst, sem).wait()
        pltpu.make_async_copy(
            boxes_t.at[0, :, pl.ds(0, 2048)], bst, sem).wait()

    col_ids = [jnp.full((16,), c, jnp.int32) for c in range(4)]

    def extract(k, sst, bst):
        gr = (2 * k + h) * 16
        p = pbuf[pl.ds(gr, 16)]
        x = p & 32767
        la = (p >> 15) & 7
        rvec = gr + base_iota
        invalid = rvec >= cap_vec
        spos = base_iota * 128 + (x & 127)
        sval = plsc.load_gather(sst, [la, spos])
        plsc.store_scatter(sobuf, [rvec], jnp.where(invalid, zf16, sval))
        for c in range(4):
            bval = plsc.load_gather(bst, [col_ids[c], spos])
            bval = jnp.where(invalid, zf16, bval)
            plsc.store_scatter(ibuf, [rvec * 4 + c], bval)

    def active(k):
        return (2 * k + h) * 16 < cap_s

    @pl.when(active(0))
    def _():
        issue(0, sstA, bstA, semA)

    @pl.loop(0, _NCH // 2)
    def _pipe(kk):
        c0 = 2 * kk
        @pl.when(active(c0 + 1))
        def _():
            issue(c0 + 1, sstB, bstB, semB)

        @pl.when(active(c0))
        def _():
            drain(sstA, bstA, semA)
            extract(c0, sstA, bstA)

        @pl.when((kk < _NCH // 2 - 1) & active(c0 + 2))
        def _():
            issue(c0 + 2, sstA, bstA, semA)

        @pl.when(active(c0 + 1))
        def _():
            drain(sstB, bstB, semB)
            extract(c0 + 1, sstB, bstB)

    @pl.loop(0, 31)
    def _out(k):
        gr = 32 * k + 16 * h
        pltpu.async_copy(ibuf.at[pl.ds(4 * gr, 64)],
                         oboxes.at[pl.ds(b * 4 * _M + 4 * gr, 64)], gsem)
        pltpu.async_copy(sobuf.at[pl.ds(gr, 16)],
                         oscores.at[pl.ds(b * _M + gr, 16)], gsem)
        pltpu.async_copy(cbuf.at[pl.ds(gr, 16)],
                         oclasses.at[pl.ds(b * _M + gr, 16)], gsem)

    @pl.when(h == 0)
    def _():
        pltpu.async_copy(ibuf.at[pl.ds(4 * 992, 32)],
                         oboxes.at[pl.ds(b * 4 * _M + 4 * 992, 32)], gsem)
        pltpu.async_copy(sobuf.at[pl.ds(992, 8)],
                         oscores.at[pl.ds(b * _M + 992, 8)], gsem)
        pltpu.async_copy(cbuf.at[pl.ds(992, 8)],
                         oclasses.at[pl.ds(b * _M + 992, 8)], gsem)
        pltpu.sync_copy(cnt_ref, counts.at[b])

    @pl.loop(0, 31)
    def _dr(k):
        pltpu.make_async_copy(
            oscores.at[pl.ds(0, 96)], drain96, gsem).wait()

    @pl.when(h == 0)
    def _():
        pltpu.make_async_copy(
            oscores.at[pl.ds(0, 48)], drain48, gsem).wait()


_sc_kernel = functools.partial(
    pl.kernel,
    out_type=[
        jax.ShapeDtypeStruct((_B, 16), jnp.int32),
        jax.ShapeDtypeStruct((_T * 4,), jnp.float32),
        jax.ShapeDtypeStruct((_T,), jnp.float32),
        jax.ShapeDtypeStruct((_T,), jnp.int32),
    ],
    mesh=plsc.VectorSubcoreMesh(core_axis_name="c", subcore_axis_name="s"),
    compiler_params=pltpu.CompilerParams(needs_layout_passes=False),
    scratch_types=[
        pltpu.VMEM((_S + 16,), jnp.int32),
        pltpu.VMEM((_LDUMP + 32,), jnp.int32),
        pltpu.VMEM((8, 128), jnp.int32),
        pltpu.VMEM((8, 128), jnp.int32),
        pltpu.VMEM((_R,), jnp.int32),
        pltpu.VMEM((_R,), jnp.int32),
        pltpu.VMEM((_R,), jnp.int32),
        pltpu.VMEM((_R,), jnp.int32),
        pltpu.VMEM((_R,), jnp.float32),
        pltpu.VMEM((8, 2048), jnp.float32),
        pltpu.VMEM((8, 2048), jnp.float32),
        pltpu.VMEM((4, 2048), jnp.float32),
        pltpu.VMEM((4, 2048), jnp.float32),
        pltpu.VMEM((_R * 4,), jnp.float32),
        pltpu.VMEM((96,), jnp.float32),
        pltpu.VMEM((48,), jnp.float32),
        pltpu.VMEM((16,), jnp.int32),
        pltpu.SemaphoreType.DMA,
        pltpu.SemaphoreType.DMA,
        pltpu.SemaphoreType.DMA,
    ],
)(_sc_body)


def kernel(pred_boxes, pred_scores, selected_indexes):
    sel1d = selected_indexes.astype(jnp.int32).T.reshape(3 * _S)
    boxes_t = jnp.transpose(pred_boxes, (0, 2, 1))
    scores_t = jnp.transpose(pred_scores, (0, 2, 1))
    counts, oboxes, oscores, oclasses = _sc_kernel(sel1d, boxes_t, scores_t)
    return (counts[:, :1],
            oboxes.reshape(_B, _M, 4),
            oscores.reshape(_B, _M),
            oclasses.reshape(_B, _M))

# --- scband reference (transcript-rebuilt; emitter-appended) ---
"""Pipeline reference for scband-pick-nmspredictions-and-return-as-batched-result-16406775071466 (READ-ONLY COPY).

The authoritative reference and input builder live on the scoring server;
editing this copy changes nothing except your own understanding.
"""

import jax, jax.numpy as jnp
import numpy as np

B = 16
N = 20000
C = 80
M = 1000
S = 8000


def setup_inputs(seed: int = 0) -> dict:
    key = jax.random.key(seed)
    k1, k2, k3, k4, k5 = jax.random.split(key, 5)
    pred_boxes = jax.random.uniform(k1, (B, N, 4), dtype=jnp.float32)
    pred_scores = jax.random.uniform(k2, (B, N, C), dtype=jnp.float32)
    bi = jax.random.randint(k3, (S, 1), 0, B)
    li = jax.random.randint(k4, (S, 1), 0, C)
    xi = jax.random.randint(k5, (S, 1), 0, N)
    selected_indexes = jnp.concatenate([bi, li, xi], axis=1)
    return {"pred_boxes": pred_boxes, "pred_scores": pred_scores, "selected_indexes": selected_indexes}


def _forward(pred_boxes, pred_scores, selected_indexes):
    dtype = pred_boxes.dtype
    batch_idx = selected_indexes[:, 0]
    label_idx = selected_indexes[:, 1]
    box_idx = selected_indexes[:, 2]
    # gather selected boxes and scores
    selected_boxes = pred_boxes[batch_idx, box_idx]                       # [S, 4]
    selected_scores = pred_scores[batch_idx, box_idx, label_idx]          # [S]
    predictions = jnp.concatenate([
        batch_idx[:, None].astype(dtype),
        selected_boxes,
        selected_scores[:, None],
        label_idx[:, None].astype(dtype),
    ], axis=1)                                                            # [S, 7]
    T = B * M
    pad_rows = T - predictions.shape[0]
    predictions = jnp.pad(predictions, ((0, pad_rows), (0, 0)), constant_values=-1.0)  # [T, 7]
    b_col = predictions[:, 0]
    # masks[i, j] = (batch i == predictions[j, 0])
    masks = jnp.arange(B, dtype=dtype)[:, None] == b_col[None, :]         # [B, T]
    num_predictions = jnp.sum(masks, axis=1).astype(jnp.int32)            # [B]
    # rank within batch: number of earlier rows with the same batch index
    onehot = (b_col[:, None] == jnp.arange(B, dtype=dtype)[None, :]).astype(jnp.int32)  # [T, B]
    csum = jnp.cumsum(onehot, axis=0)
    valid = b_col >= 0
    bint = jnp.clip(b_col.astype(jnp.int32), 0, B - 1)
    rank = jnp.take_along_axis(csum, bint[:, None], axis=1)[:, 0] - 1     # [T]
    dest_r = jnp.where(valid, rank, M)  # invalid / padded rows go out of range -> dropped
    batch_predictions = jnp.zeros((B, M, 6), dtype=dtype).at[bint, dest_r].set(predictions[:, 1:], mode='drop')
    out_boxes = batch_predictions[:, :, 0:4]
    out_scores = batch_predictions[:, :, 4]
    out_classes = batch_predictions[:, :, 5].astype(jnp.int32)
    return num_predictions[:, None], out_boxes, out_scores, out_classes


def reference(pred_boxes, pred_scores, selected_indexes):
    return _forward(pred_boxes, pred_scores, selected_indexes)

if __name__ == "__main__":
    import jax
    _d = setup_inputs()
    print(jax.jit(kernel)(*tuple(_d.values())))

</pallas_src>

<mosaic_0001>
#map = affine_map<(d0, d1) -> (0)>
#map1 = affine_map<(d0, d1) -> (0, 0, 0)>
#map2 = affine_map<(d0, d1) -> (0, 0)>
module attributes {stable_mosaic.version = 14 : i64} {
  func.func @_sc_body(%arg0: i32, %arg1: i32, %arg2: memref<24000xi32, #tpu.memory_space<hbm>>, %arg3: memref<16x4x20000xf32, #tpu.memory_space<hbm>>, %arg4: memref<16x80x20000xf32, #tpu.memory_space<hbm>>, %arg5: memref<16x16xi32, #tpu.memory_space<hbm>>, %arg6: memref<64000xf32, #tpu.memory_space<hbm>>, %arg7: memref<16000xf32, #tpu.memory_space<hbm>>, %arg8: memref<16000xi32, #tpu.memory_space<hbm>>, %arg9: memref<8016xi32, #tpu.memory_space<vmem>>, %arg10: memref<1056xi32, #tpu.memory_space<vmem>>, %arg11: memref<8x128xi32, #tpu.memory_space<vmem>>, %arg12: memref<8x128xi32, #tpu.memory_space<vmem>>, %arg13: memref<1024xi32, #tpu.memory_space<vmem>>, %arg14: memref<1024xi32, #tpu.memory_space<vmem>>, %arg15: memref<1024xi32, #tpu.memory_space<vmem>>, %arg16: memref<1024xi32, #tpu.memory_space<vmem>>, %arg17: memref<1024xf32, #tpu.memory_space<vmem>>, %arg18: memref<8x2048xf32, #tpu.memory_space<vmem>>, %arg19: memref<8x2048xf32, #tpu.memory_space<vmem>>, %arg20: memref<4x2048xf32, #tpu.memory_space<vmem>>, %arg21: memref<4x2048xf32, #tpu.memory_space<vmem>>, %arg22: memref<4096xf32, #tpu.memory_space<vmem>>, %arg23: memref<96xf32, #tpu.memory_space<vmem>>, %arg24: memref<48xf32, #tpu.memory_space<vmem>>, %arg25: memref<16xi32, #tpu.memory_space<vmem>>, %arg26: memref<!tpu.dma_semaphore, #tpu.memory_space<semaphore_mem>>, %arg27: memref<!tpu.dma_semaphore, #tpu.memory_space<semaphore_mem>>, %arg28: memref<!tpu.dma_semaphore, #tpu.memory_space<semaphore_mem>>) attributes {dimension_semantics = [#tpu.dimension_semantics<core_parallel>, #tpu.dimension_semantics<subcore_parallel>], iteration_bounds = array<i64: 2, 16>, scalar_prefetch = 0 : i64, scratch_operands = 20 : i64, tpu.core_type = #tpu.core_type<sc_vector_subcore>, window_params = [{transform_indices = #map}, {transform_indices = #map1}, {transform_indices = #map1}, {transform_indices = #map2}, {transform_indices = #map}, {transform_indices = #map}, {transform_indices = #map}]} {
    %broadcast_in_dim3A = arith.constant 0 : i32
    %broadcast_in_dim3A_0 = vector.broadcast %broadcast_in_dim3A : i32 to vector<16xi32>
    %broadcast_in_dim3A_1 = arith.constant 0.000000e+00 : f32
    %broadcast_in_dim3A_2 = vector.broadcast %broadcast_in_dim3A_1 : f32 to vector<16xf32>
    %scan3A = arith.constant 0 : i32
    %scan3A_3 = arith.constant 64 : i32
    %scan3A_4 = arith.addi %scan3A, %scan3A_3 : i32
    %scan3A_5 = arith.constant 1 : i32
    scf.for %scan3A_329 = %scan3A to %scan3A_4 step %scan3A_5  : i32 {
      %mul3A_330 = arith.constant 1 : i32
      %mul3A_331 = arith.muli %scan3A_329, %mul3A_330 : i32
      %add3A_332 = arith.constant 0 : i32
      %add3A_333 = arith.addi %add3A_332, %mul3A_331 : i32
      %mul3A_334 = arith.constant 16 : i32
      %mul3A_335 = arith.muli %add3A_333, %mul3A_334 : i32
      %swap3A_336 = arith.index_cast %mul3A_335 : i32 to index
      %swap3A_337 = tpu.vector_load %arg17[%swap3A_336] {strides = array<i32>} : memref<1024xf32, #tpu.memory_space<vmem>>, vector<16xf32>,
      tpu.vector_store %arg17[%swap3A_336], %broadcast_in_dim3A_2 {strides = array<i32>} : memref<1024xf32, #tpu.memory_space<vmem>>, vector<16xf32>,
      %mul3A_338 = arith.constant 16 : i32
      %mul3A_339 = arith.muli %add3A_333, %mul3A_338 : i32
      %swap3A_340 = arith.index_cast %mul3A_339 : i32 to index
      %swap3A_341 = tpu.vector_load %arg16[%swap3A_340] {strides = array<i32>} : memref<1024xi32, #tpu.memory_space<vmem>>, vector<16xi32>,
      tpu.vector_store %arg16[%swap3A_340], %broadcast_in_dim3A_0 {strides = array<i32>} : memref<1024xi32, #tpu.memory_space<vmem>>, vector<16xi32>,
    }
    %scan3A_6 = arith.constant 64 : i32
    %scan3A_7 = arith.constant 0 : i32
    %scan3A_8 = arith.constant 256 : i32
    %scan3A_9 = arith.addi %scan3A_7, %scan3A_8 : i32
    %scan3A_10 = arith.constant 1 : i32
    scf.for %scan3A_329 = %scan3A_7 to %scan3A_9 step %scan3A_10  : i32 {
      %mul3A_330 = arith.constant 1 : i32
      %mul3A_331 = arith.muli %scan3A_329, %mul3A_330 : i32
      %add3A_332 = arith.constant 0 : i32
      %add3A_333 = arith.addi %add3A_332, %mul3A_331 : i32
      %mul3A_334 = arith.constant 16 : i32
      %mul3A_335 = arith.muli %add3A_333, %mul3A_334 : i32
      %swap3A_336 = arith.index_cast %mul3A_335 : i32 to index
      %swap3A_337 = tpu.vector_load %arg22[%swap3A_336] {strides = array<i32>} : memref<4096xf32, #tpu.memory_space<vmem>>, vector<16xf32>,
      tpu.vector_store %arg22[%swap3A_336], %broadcast_in_dim3A_2 {strides = array<i32>} : memref<4096xf32, #tpu.memory_space<vmem>>, vector<16xf32>,
    }
    %scan3A_11 = arith.constant 256 : i32
    "tpu.region"() ({
      %run_scoped3A = tpu.sem_alloc : memref<!tpu.dma_semaphore, #tpu.memory_space<semaphore_mem>>
      %dma_start3A_329 = arith.constant 0 : i32
      %dma_start3A_330 = tpu.memref_slice %arg9[%dma_start3A_329] : memref<8016xi32, #tpu.memory_space<vmem>> -> memref<8000xi32, #tpu.memory_space<vmem>>
      %dma_start3A_331 = arith.constant 0 : i32
      %dma_start3A_332 = tpu.memref_slice %arg2[%dma_start3A_331] : memref<24000xi32, #tpu.memory_space<hbm>> -> memref<8000xi32, #tpu.memory_space<hbm>>
      %dma_start3A_333 = arith.constant 0 : i32
      %dma_start3A_334 = tpu.memref_slice %arg9[%dma_start3A_333] : memref<8016xi32, #tpu.memory_space<vmem>> -> memref<8000xi32, #tpu.memory_space<vmem>>
      %dma_start3A_335 = arith.constant 0 : i32
      %dma_start3A_336 = tpu.memref_slice %arg2[%dma_start3A_335] : memref<24000xi32, #tpu.memory_space<hbm>> -> memref<8000xi32, #tpu.memory_space<hbm>>
      tpu.enqueue_dma source(%dma_start3A_336 : memref<8000xi32, #tpu.memory_space<hbm>>) target(%dma_start3A_334 : memref<8000xi32, #tpu.memory_space<vmem>>) target_semaphore(%run_scoped3A : memref<!tpu.dma_semaphore, #tpu.memory_space<semaphore_mem>>)
      %dma_wait3A_337 = arith.constant 0 : i32
      %dma_wait3A_338 = tpu.memref_slice %arg9[%dma_wait3A_337] : memref<8016xi32, #tpu.memory_space<vmem>> -> memref<8000xi32, #tpu.memory_space<vmem>>
      %dma_wait3A_339 = arith.constant 0 : i32
      %dma_wait3A_340 = tpu.memref_slice %arg2[%dma_wait3A_339] : memref<24000xi32, #tpu.memory_space<hbm>> -> memref<8000xi32, #tpu.memory_space<hbm>>
      %dma_wait3A_341 = arith.constant 0 : i32
      %dma_wait3A_342 = tpu.memref_slice %arg9[%dma_wait3A_341] : memref<8016xi32, #tpu.memory_space<vmem>> -> memref<8000xi32, #tpu.memory_space<vmem>>
      %dma_wait3A_343 = arith.constant 0 : i32
      %dma_wait3A_344 = tpu.memref_slice %arg2[%dma_wait3A_343] : memref<24000xi32, #tpu.memory_space<hbm>> -> memref<8000xi32, #tpu.memory_space<hbm>>
      tpu.wait_dma2 semaphore(%run_scoped3A : memref<!tpu.dma_semaphore, #tpu.memory_space<semaphore_mem>>) src(%dma_wait3A_344 : memref<8000xi32, #tpu.memory_space<hbm>>) dst(%dma_wait3A_342 : memref<8000xi32, #tpu.memory_space<vmem>>)
      tpu.yield
    }) : () -> ()
    %scan3A_12 = arith.constant 0 : i32
    %scan3A_13 = arith.constant 64 : i32
    %scan3A_14 = arith.addi %scan3A_12, %scan3A_13 : i32
    %scan3A_15 = arith.constant 1 : i32
    scf.for %scan3A_329 = %scan3A_12 to %scan3A_14 step %scan3A_15  : i32 {
      %mul3A_330 = arith.constant 1 : i32
      %mul3A_331 = arith.muli %scan3A_329, %mul3A_330 : i32
      %add3A_332 = arith.constant 0 : i32
      %add3A_333 = arith.addi %add3A_332, %mul3A_331 : i32
      %mul3A_334 = arith.constant 16 : i32
      %mul3A_335 = arith.muli %add3A_333, %mul3A_334 : i32
      %swap3A_336 = arith.index_cast %mul3A_335 : i32 to index
      %swap3A_337 = tpu.vector_load %arg10[%swap3A_336] {strides = array<i32>} : memref<1056xi32, #tpu.memory_space<vmem>>, vector<16xi32>,
      tpu.vector_store %arg10[%swap3A_336], %broadcast_in_dim3A_0 {strides = array<i32>} : memref<1056xi32, #tpu.memory_space<vmem>>, vector<16xi32>,
    }
    %scan3A_16 = arith.constant 64 : i32
    %swap3A = arith.constant 0 : index
    %swap3A_17 = tpu.vector_load %arg25[%swap3A] {strides = array<i32>} : memref<16xi32, #tpu.memory_space<vmem>>, vector<16xi32>,
    tpu.vector_store %arg25[%swap3A], %broadcast_in_dim3A_0 {strides = array<i32>} : memref<16xi32, #tpu.memory_space<vmem>>, vector<16xi32>,
    %iota3A = tpu.iota {dimensions = array<i32: 0>} : vector<16xi32>
    %broadcast_in_dim3A_18 = arith.constant 0 : i32
    %broadcast_in_dim3A_19 = vector.broadcast %broadcast_in_dim3A_18 : i32 to vector<16xi32>
    %scan3A_20 = arith.constant 0 : i32
    %scan3A_21 = arith.constant 500 : i32
    %scan3A_22 = arith.addi %scan3A_20, %scan3A_21 : i32
    %scan3A_23 = arith.constant 1 : i32
    %scan3A_24 = scf.for %scan3A_329 = %scan3A_20 to %scan3A_22 step %scan3A_23 iter_args(%scan3A_330 = %broadcast_in_dim3A_19) -> (vector<16xi32>)  : i32 {
      %mul3A_331 = arith.constant 16 : i32
      %mul3A_332 = arith.muli %scan3A_329, %mul3A_331 : i32
      %get3A = arith.index_cast %mul3A_332 : i32 to index
      %get3A_333 = tpu.vector_load %arg9[%get3A] {strides = array<i32>} : memref<8016xi32, #tpu.memory_space<vmem>>, vector<16xi32>,
      %eq3A_334 = vector.broadcast %arg1 : i32 to vector<16xi32>
      %eq3A_335 = arith.cmpi eq, %get3A_333, %eq3A_334 : vector<16xi32>
      %jit3A = arith.constant 1 : i32
      %jit3A_336 = arith.constant 0 : i32
      %broadcast_in_dim3A_337 = vector.broadcast %jit3A : i32 to vector<16xi32>
      %broadcast_in_dim3A_338 = vector.broadcast %jit3A_336 : i32 to vector<16xi32>
      %select_n3A = arith.select %eq3A_335, %broadcast_in_dim3A_337, %broadcast_in_dim3A_338 : vector<16xi1>, vector<16xi32>
      %broadcast_in_dim3A_339 = arith.constant true
      %broadcast_in_dim3A_340 = vector.broadcast %broadcast_in_dim3A_339 : i1 to vector<16xi1>
      %masked_cumsum3A = tpu.scan <sum>, %select_n3A masked %broadcast_in_dim3A_340 : vector<16xi32>, vector<16xi1> -> vector<16xi32>
      %add3A_341 = arith.addi %scan3A_330, %masked_cumsum3A : vector<16xi32>
      %sub3A = arith.constant 1 : i32
      %sub3A_342 = vector.broadcast %sub3A : i32 to vector<16xi32>
      %sub3A_343 = arith.subi %add3A_341, %sub3A_342 : vector<16xi32>
      %add3A_344 = arith.constant 8000 : i32
      %add3A_345 = vector.broadcast %add3A_344 : i32 to vector<16xi32>
      %add3A_346 = arith.addi %add3A_345, %iota3A : vector<16xi32>
      %select_n3A_347 = arith.select %eq3A_335, %sub3A_343, %add3A_346 : vector<16xi1>, vector<16xi32>
      %add3A_348 = arith.constant 1024 : i32
      %add3A_349 = vector.broadcast %add3A_348 : i32 to vector<16xi32>
      %add3A_350 = arith.addi %add3A_349, %iota3A : vector<16xi32>
      %min3A_351 = arith.minsi %select_n3A_347, %add3A_350 : vector<16xi32>
      %mul3A_352 = arith.constant 16 : i32
      %mul3A_353 = arith.muli %scan3A_329, %mul3A_352 : i32
      %add3A_354 = vector.broadcast %mul3A_353 : i32 to vector<16xi32>
      %add3A_355 = arith.addi %iota3A, %add3A_354 : vector<16xi32>
      tpu.vector_store_idx %arg10[%min3A_351], %add3A_355 : memref<1056xi32, #tpu.memory_space<vmem>>[vector<16xi32>], vector<16xi32>,
      %broadcast_in_dim3A_356 = arith.constant 15 : i32
      %broadcast_in_dim3A_357 = vector.broadcast %broadcast_in_dim3A_356 : i32 to vector<16xi32>
      %broadcast_in_dim3A_358 = vector.shape_cast %broadcast_in_dim3A_357 : vector<16xi32> to vector<16x1xi32>
      %gather3A = vector.shape_cast %broadcast_in_dim3A_358 : vector<16x1xi32> to vector<16xi32>
      %gather3A_359 = tpu.dynamic_gather %masked_cumsum3A[%gather3A] in [0] : vector<16xi32>, vector<16xi32> -> vector<16xi32>
      %add3A_360 = arith.addi %scan3A_330, %gather3A_359 : vector<16xi32>
      scf.yield %add3A_360 : vector<16xi32>
    }
    %scan3A_25 = arith.constant 500 : i32
    %swap3A_26 = arith.constant 0 : index
    %swap3A_27 = tpu.vector_load %arg25[%swap3A_26] {strides = array<i32>} : memref<16xi32, #tpu.memory_space<vmem>>, vector<16xi32>,
    tpu.vector_store %arg25[%swap3A_26], %scan3A_24 {strides = array<i32>} : memref<16xi32, #tpu.memory_space<vmem>>, vector<16xi32>,
    %min3A = arith.constant 1000 : i32
    %min3A_28 = vector.broadcast %min3A : i32 to vector<16xi32>
    %min3A_29 = arith.minsi %scan3A_24, %min3A_28 : vector<16xi32>
    %slice3A = vector.extract_strided_slice %min3A_29 {offsets = [0], sizes = [1], strides = [1]} : vector<16xi32> to vector<1xi32>
    %squeeze3A = vector.extract %slice3A[0] : i32 from vector<1xi32>
    %scan3A_30 = arith.constant 0 : i32
    %scan3A_31 = arith.constant 64 : i32
    %scan3A_32 = arith.addi %scan3A_30, %scan3A_31 : i32
    %scan3A_33 = arith.constant 1 : i32
    scf.for %scan3A_329 = %scan3A_30 to %scan3A_32 step %scan3A_33  : i32 {
      %mul3A_330 = arith.constant 1 : i32
      %mul3A_331 = arith.muli %scan3A_329, %mul3A_330 : i32
      %add3A_332 = arith.constant 0 : i32
      %add3A_333 = arith.addi %add3A_332, %mul3A_331 : i32
      %mul3A_334 = arith.constant 16 : i32
      %mul3A_335 = arith.muli %add3A_333, %mul3A_334 : i32
      %get3A = arith.index_cast %mul3A_335 : i32 to index
      %get3A_336 = tpu.vector_load %arg10[%get3A] {strides = array<i32>} : memref<1056xi32, #tpu.memory_space<vmem>>, vector<16xi32>,
      %add3A_337 = arith.constant 16000 : i32
      %add3A_338 = vector.broadcast %add3A_337 : i32 to vector<16xi32>
      %add3A_339 = arith.addi %get3A_336, %add3A_338 : vector<16xi32>
      %shift_right_arithmetic3A = arith.constant 3 : i32
      %shift_right_arithmetic3A_340 = arith.shrsi %add3A_333, %shift_right_arithmetic3A : i32
      %and3A = arith.constant 7 : i32
      %and3A_341 = arith.andi %add3A_333, %and3A : i32
      %mul3A_342 = arith.constant 16 : i32
      %mul3A_343 = arith.muli %and3A_341, %mul3A_342 : i32
      %swap3A_344 = arith.index_cast %shift_right_arithmetic3A_340 : i32 to index
      %swap3A_345 = arith.index_cast %mul3A_343 : i32 to index
      %swap3A_346 = tpu.vector_load %arg11[%swap3A_344, %swap3A_345] {strides = array<i32>} : memref<8x128xi32, #tpu.memory_space<vmem>>, vector<16xi32>,
      tpu.vector_store %arg11[%swap3A_344, %swap3A_345], %add3A_339 {strides = array<i32>} : memref<8x128xi32, #tpu.memory_space<vmem>>, vector<16xi32>,
      %add3A_347 = arith.constant 8000 : i32
      %add3A_348 = vector.broadcast %add3A_347 : i32 to vector<16xi32>
      %add3A_349 = arith.addi %get3A_336, %add3A_348 : vector<16xi32>
      %shift_right_arithmetic3A_350 = arith.constant 3 : i32
      %shift_right_arithmetic3A_351 = arith.shrsi %add3A_333, %shift_right_arithmetic3A_350 : i32
      %and3A_352 = arith.constant 7 : i32
      %and3A_353 = arith.andi %add3A_333, %and3A_352 : i32
      %mul3A_354 = arith.constant 16 : i32
      %mul3A_355 = arith.muli %and3A_353, %mul3A_354 : i32
      %swap3A_356 = arith.index_cast %shift_right_arithmetic3A_351 : i32 to index
      %swap3A_357 = arith.index_cast %mul3A_355 : i32 to index
      %swap3A_358 = tpu.vector_load %arg12[%swap3A_356, %swap3A_357] {strides = array<i32>} : memref<8x128xi32, #tpu.memory_space<vmem>>, vector<16xi32>,
      tpu.vector_store %arg12[%swap3A_356, %swap3A_357], %add3A_349 {strides = array<i32>} : memref<8x128xi32, #tpu.memory_space<vmem>>, vector<16xi32>,
    }
    %scan3A_34 = arith.constant 64 : i32
    %dma_start3A = arith.constant 0 : i32
    %dma_start3A_35 = arith.constant 0 : i32
    %dma_start3A_36 = tpu.memref_slice %arg13[%dma_start3A_35] : memref<1024xi32, #tpu.memory_space<vmem>> -> memref<128xi32, #tpu.memory_space<vmem>>
    %dma_start3A_37 = arith.constant 0 : i32
    %dma_start3A_38 = tpu.memref_slice %arg11[%dma_start3A, %dma_start3A_37] : memref<8x128xi32, #tpu.memory_space<vmem>> -> memref<1x128xi32, #tpu.memory_space<vmem>>
    %dma_start3A_39 = tpu.memref_squeeze %dma_start3A_38 : memref<1x128xi32, #tpu.memory_space<vmem>> -> memref<128xi32, #tpu.memory_space<vmem>>
    %dma_start3A_40 = arith.constant 0 : i32
    %dma_start3A_41 = tpu.memref_slice %arg2[%dma_start3A_40] : memref<24000xi32, #tpu.memory_space<hbm>> -> memref<24000xi32, #tpu.memory_space<hbm>>
    tpu.enqueue_indirect_dma source(%dma_start3A_41 : memref<24000xi32, #tpu.memory_space<hbm>>) target(%dma_start3A_36 : memref<128xi32, #tpu.memory_space<vmem>>) offsets(%dma_start3A_39 : memref<128xi32, #tpu.memory_space<vmem>>) semaphore(%arg26 : memref<!tpu.dma_semaphore, #tpu.memory_space<semaphore_mem>>)
    %dma_start3A_42 = arith.constant 0 : i32
    %dma_start3A_43 = arith.constant 0 : i32
    %dma_start3A_44 = tpu.memref_slice %arg14[%dma_start3A_43] : memref<1024xi32, #tpu.memory_space<vmem>> -> memref<128xi32, #tpu.memory_space<vmem>>
    %dma_start3A_45 = arith.constant 0 : i32
    %dma_start3A_46 = tpu.memref_slice %arg12[%dma_start3A_42, %dma_start3A_45] : memref<8x128xi32, #tpu.memory_space<vmem>> -> memref<1x128xi32, #tpu.memory_space<vmem>>
    %dma_start3A_47 = tpu.memref_squeeze %dma_start3A_46 : memref<1x128xi32, #tpu.memory_space<vmem>> -> memref<128xi32, #tpu.memory_space<vmem>>
    %dma_start3A_48 = arith.constant 0 : i32
    %dma_start3A_49 = tpu.memref_slice %arg2[%dma_start3A_48] : memref<24000xi32, #tpu.memory_space<hbm>> -> memref<24000xi32, #tpu.memory_space<hbm>>
    tpu.enqueue_indirect_dma source(%dma_start3A_49 : memref<24000xi32, #tpu.memory_space<hbm>>) target(%dma_start3A_44 : memref<128xi32, #tpu.memory_space<vmem>>) offsets(%dma_start3A_47 : memref<128xi32, #tpu.memory_space<vmem>>) semaphore(%arg26 : memref<!tpu.dma_semaphore, #tpu.memory_space<semaphore_mem>>)
    %dma_start3A_50 = arith.constant 1 : i32
    %dma_start3A_51 = arith.constant 128 : i32
    %dma_start3A_52 = tpu.memref_slice %arg13[%dma_start3A_51] : memref<1024xi32, #tpu.memory_space<vmem>> -> memref<128xi32, #tpu.memory_space<vmem>>
    %dma_start3A_53 = arith.constant 0 : i32
    %dma_start3A_54 = tpu.memref_slice %arg11[%dma_start3A_50, %dma_start3A_53] : memref<8x128xi32, #tpu.memory_space<vmem>> -> memref<1x128xi32, #tpu.memory_space<vmem>>
    %dma_start3A_55 = tpu.memref_squeeze %dma_start3A_54 : memref<1x128xi32, #tpu.memory_space<vmem>> -> memref<128xi32, #tpu.memory_space<vmem>>
    %dma_start3A_56 = arith.constant 0 : i32
    %dma_start3A_57 = tpu.memref_slice %arg2[%dma_start3A_56] : memref<24000xi32, #tpu.memory_space<hbm>> -> memref<24000xi32, #tpu.memory_space<hbm>>
    tpu.enqueue_indirect_dma source(%dma_start3A_57 : memref<24000xi32, #tpu.memory_space<hbm>>) target(%dma_start3A_52 : memref<128xi32, #tpu.memory_space<vmem>>) offsets(%dma_start3A_55 : memref<128xi32, #tpu.memory_space<vmem>>) semaphore(%arg26 : memref<!tpu.dma_semaphore, #tpu.memory_space<semaphore_mem>>)
    %dma_start3A_58 = arith.constant 1 : i32
    %dma_start3A_59 = arith.constant 128 : i32
    %dma_start3A_60 = tpu.memref_slice %arg14[%dma_start3A_59] : memref<1024xi32, #tpu.memory_space<vmem>> -> memref<128xi32, #tpu.memory_space<vmem>>
    %dma_start3A_61 = arith.constant 0 : i32
    %dma_start3A_62 = tpu.memref_slice %arg12[%dma_start3A_58, %dma_start3A_61] : memref<8x128xi32, #tpu.memory_space<vmem>> -> memref<1x128xi32, #tpu.memory_space<vmem>>
    %dma_start3A_63 = tpu.memref_squeeze %dma_start3A_62 : memref<1x128xi32, #tpu.memory_space<vmem>> -> memref<128xi32, #tpu.memory_space<vmem>>
    %dma_start3A_64 = arith.constant 0 : i32
    %dma_start3A_65 = tpu.memref_slice %arg2[%dma_start3A_64] : memref<24000xi32, #tpu.memory_space<hbm>> -> memref<24000xi32, #tpu.memory_space<hbm>>
    tpu.enqueue_indirect_dma source(%dma_start3A_65 : memref<24000xi32, #tpu.memory_space<hbm>>) target(%dma_start3A_60 : memref<128xi32, #tpu.memory_space<vmem>>) offsets(%dma_start3A_63 : memref<128xi32, #tpu.memory_space<vmem>>) semaphore(%arg26 : memref<!tpu.dma_semaphore, #tpu.memory_space<semaphore_mem>>)
    %dma_start3A_66 = arith.constant 2 : i32
    %dma_start3A_67 = arith.constant 256 : i32
    %dma_start3A_68 = tpu.memref_slice %arg13[%dma_start3A_67] : memref<1024xi32, #tpu.memory_space<vmem>> -> memref<128xi32, #tpu.memory_space<vmem>>
    %dma_start3A_69 = arith.constant 0 : i32
    %dma_start3A_70 = tpu.memref_slice %arg11[%dma_start3A_66, %dma_start3A_69] : memref<8x128xi32, #tpu.memory_space<vmem>> -> memref<1x128xi32, #tpu.memory_space<vmem>>
    %dma_start3A_71 = tpu.memref_squeeze %dma_start3A_70 : memref<1x128xi32, #tpu.memory_space<vmem>> -> memref<128xi32, #tpu.memory_space<vmem>>
    %dma_start3A_72 = arith.constant 0 : i32
    %dma_start3A_73 = tpu.memref_slice %arg2[%dma_start3A_72] : memref<24000xi32, #tpu.memory_space<hbm>> -> memref<24000xi32, #tpu.memory_space<hbm>>
    tpu.enqueue_indirect_dma source(%dma_start3A_73 : memref<24000xi32, #tpu.memory_space<hbm>>) target(%dma_start3A_68 : memref<128xi32, #tpu.memory_space<vmem>>) offsets(%dma_start3A_71 : memref<128xi32, #tpu.memory_space<vmem>>) semaphore(%arg26 : memref<!tpu.dma_semaphore, #tpu.memory_space<semaphore_mem>>)
    %dma_start3A_74 = arith.constant 2 : i32
    %dma_start3A_75 = arith.constant 256 : i32
    %dma_start3A_76 = tpu.memref_slice %arg14[%dma_start3A_75] : memref<1024xi32, #tpu.memory_space<vmem>> -> memref<128xi32, #tpu.memory_space<vmem>>
    %dma_start3A_77 = arith.constant 0 : i32
    %dma_start3A_78 = tpu.memref_slice %arg12[%dma_start3A_74, %dma_start3A_77] : memref<8x128xi32, #tpu.memory_space<vmem>> -> memref<1x128xi32, #tpu.memory_space<vmem>>
    %dma_start3A_79 = tpu.memref_squeeze %dma_start3A_78 : memref<1x128xi32, #tpu.memory_space<vmem>> -> memref<128xi32, #tpu.memory_space<vmem>>
    %dma_start3A_80 = arith.constant 0 : i32
    %dma_start3A_81 = tpu.memref_slice %arg2[%dma_start3A_80] : memref<24000xi32, #tpu.memory_space<hbm>> -> memref<24000xi32, #tpu.memory_space<hbm>>
    tpu.enqueue_indirect_dma source(%dma_start3A_81 : memref<24000xi32, #tpu.memory_space<hbm>>) target(%dma_start3A_76 : memref<128xi32, #tpu.memory_space<vmem>>) offsets(%dma_start3A_79 : memref<128xi32, #tpu.memory_space<vmem>>) semaphore(%arg26 : memref<!tpu.dma_semaphore, #tpu.memory_space<semaphore_mem>>)
    %dma_start3A_82 = arith.constant 3 : i32
    %dma_start3A_83 = arith.constant 384 : i32
    %dma_start3A_84 = tpu.memref_slice %arg13[%dma_start3A_83] : memref<1024xi32, #tpu.memory_space<vmem>> -> memref<128xi32, #tpu.memory_space<vmem>>
    %dma_start3A_85 = arith.constant 0 : i32
    %dma_start3A_86 = tpu.memref_slice %arg11[%dma_start3A_82, %dma_start3A_85] : memref<8x128xi32, #tpu.memory_space<vmem>> -> memref<1x128xi32, #tpu.memory_space<vmem>>
    %dma_start3A_87 = tpu.memref_squeeze %dma_start3A_86 : memref<1x128xi32, #tpu.memory_space<vmem>> -> memref<128xi32, #tpu.memory_space<vmem>>
    %dma_start3A_88 = arith.constant 0 : i32
    %dma_start3A_89 = tpu.memref_slice %arg2[%dma_start3A_88] : memref<24000xi32, #tpu.memory_space<hbm>> -> memref<24000xi32, #tpu.memory_space<hbm>>
    tpu.enqueue_indirect_dma source(%dma_start3A_89 : memref<24000xi32, #tpu.memory_space<hbm>>) target(%dma_start3A_84 : memref<128xi32, #tpu.memory_space<vmem>>) offsets(%dma_start3A_87 : memref<128xi32, #tpu.memory_space<vmem>>) semaphore(%arg26 : memref<!tpu.dma_semaphore, #tpu.memory_space<semaphore_mem>>)
    %dma_start3A_90 = arith.constant 3 : i32
    %dma_start3A_91 = arith.constant 384 : i32
    %dma_start3A_92 = tpu.memref_slice %arg14[%dma_start3A_91] : memref<1024xi32, #tpu.memory_space<vmem>> -> memref<128xi32, #tpu.memory_space<vmem>>
    %dma_start3A_93 = arith.constant 0 : i32
    %dma_start3A_94 = tpu.memref_slice %arg12[%dma_start3A_90, %dma_start3A_93] : memref<8x128xi32, #tpu.memory_space<vmem>> -> memref<1x128xi32, #tpu.memory_space<vmem>>
    %dma_start3A_95 = tpu.memref_squeeze %dma_start3A_94 : memref<1x128xi32, #tpu.memory_space<vmem>> -> memref<128xi32, #tpu.memory_space<vmem>>
    %dma_start3A_96 = arith.constant 0 : i32
    %dma_start3A_97 = tpu.memref_slice %arg2[%dma_start3A_96] : memref<24000xi32, #tpu.memory_space<hbm>> -> memref<24000xi32, #tpu.memory_space<hbm>>
    tpu.enqueue_indirect_dma source(%dma_start3A_97 : memref<24000xi32, #tpu.memory_space<hbm>>) target(%dma_start3A_92 : memref<128xi32, #tpu.memory_space<vmem>>) offsets(%dma_start3A_95 : memref<128xi32, #tpu.memory_space<vmem>>) semaphore(%arg26 : memref<!tpu.dma_semaphore, #tpu.memory_space<semaphore_mem>>)
    %dma_start3A_98 = arith.constant 4 : i32
    %dma_start3A_99 = arith.constant 512 : i32
    %dma_start3A_100 = tpu.memref_slice %arg13[%dma_start3A_99] : memref<1024xi32, #tpu.memory_space<vmem>> -> memref<128xi32, #tpu.memory_space<vmem>>
    %dma_start3A_101 = arith.constant 0 : i32
    %dma_start3A_102 = tpu.memref_slice %arg11[%dma_start3A_98, %dma_start3A_101] : memref<8x128xi32, #tpu.memory_space<vmem>> -> memref<1x128xi32, #tpu.memory_space<vmem>>
    %dma_start3A_103 = tpu.memref_squeeze %dma_start3A_102 : memref<1x128xi32, #tpu.memory_space<vmem>> -> memref<128xi32, #tpu.memory_space<vmem>>
    %dma_start3A_104 = arith.constant 0 : i32
    %dma_start3A_105 = tpu.memref_slice %arg2[%dma_start3A_104] : memref<24000xi32, #tpu.memory_space<hbm>> -> memref<24000xi32, #tpu.memory_space<hbm>>
    tpu.enqueue_indirect_dma source(%dma_start3A_105 : memref<24000xi32, #tpu.memory_space<hbm>>) target(%dma_start3A_100 : memref<128xi32, #tpu.memory_space<vmem>>) offsets(%dma_start3A_103 : memref<128xi32, #tpu.memory_space<vmem>>) semaphore(%arg26 : memref<!tpu.dma_semaphore, #tpu.memory_space<semaphore_mem>>)
    %dma_start3A_106 = arith.constant 4 : i32
    %dma_start3A_107 = arith.constant 512 : i32
    %dma_start3A_108 = tpu.memref_slice %arg14[%dma_start3A_107] : memref<1024xi32, #tpu.memory_space<vmem>> -> memref<128xi32, #tpu.memory_space<vmem>>
    %dma_start3A_109 = arith.constant 0 : i32
    %dma_start3A_110 = tpu.memref_slice %arg12[%dma_start3A_106, %dma_start3A_109] : memref<8x128xi32, #tpu.memory_space<vmem>> -> memref<1x128xi32, #tpu.memory_space<vmem>>
    %dma_start3A_111 = tpu.memref_squeeze %dma_start3A_110 : memref<1x128xi32, #tpu.memory_space<vmem>> -> memref<128xi32, #tpu.memory_space<vmem>>
    %dma_start3A_112 = arith.constant 0 : i32
    %dma_start3A_113 = tpu.memref_slice %arg2[%dma_start3A_112] : memref<24000xi32, #tpu.memory_space<hbm>> -> memref<24000xi32, #tpu.memory_space<hbm>>
    tpu.enqueue_indirect_dma source(%dma_start3A_113 : memref<24000xi32, #tpu.memory_space<hbm>>) target(%dma_start3A_108 : memref<128xi32, #tpu.memory_space<vmem>>) offsets(%dma_start3A_111 : memref<128xi32, #tpu.memory_space<vmem>>) semaphore(%arg26 : memref<!tpu.dma_semaphore, #tpu.memory_space<semaphore_mem>>)
    %dma_start3A_114 = arith.constant 5 : i32
    %dma_start3A_115 = arith.constant 640 : i32
    %dma_start3A_116 = tpu.memref_slice %arg13[%dma_start3A_115] : memref<1024xi32, #tpu.memory_space<vmem>> -> memref<128xi32, #tpu.memory_space<vmem>>
    %dma_start3A_117 = arith.constant 0 : i32
    %dma_start3A_118 = tpu.memref_slice %arg11[%dma_start3A_114, %dma_start3A_117] : memref<8x128xi32, #tpu.memory_space<vmem>> -> memref<1x128xi32, #tpu.memory_space<vmem>>
    %dma_start3A_119 = tpu.memref_squeeze %dma_start3A_118 : memref<1x128xi32, #tpu.memory_space<vmem>> -> memref<128xi32, #tpu.memory_space<vmem>>
    %dma_start3A_120 = arith.constant 0 : i32
    %dma_start3A_121 = tpu.memref_slice %arg2[%dma_start3A_120] : memref<24000xi32, #tpu.memory_space<hbm>> -> memref<24000xi32, #tpu.memory_space<hbm>>
    tpu.enqueue_indirect_dma source(%dma_start3A_121 : memref<24000xi32, #tpu.memory_space<hbm>>) target(%dma_start3A_116 : memref<128xi32, #tpu.memory_space<vmem>>) offsets(%dma_start3A_119 : memref<128xi32, #tpu.memory_space<vmem>>) semaphore(%arg26 : memref<!tpu.dma_semaphore, #tpu.memory_space<semaphore_mem>>)
    %dma_start3A_122 = arith.constant 5 : i32
    %dma_start3A_123 = arith.constant 640 : i32
    %dma_start3A_124 = tpu.memref_slice %arg14[%dma_start3A_123] : memref<1024xi32, #tpu.memory_space<vmem>> -> memref<128xi32, #tpu.memory_space<vmem>>
    %dma_start3A_125 = arith.constant 0 : i32
    %dma_start3A_126 = tpu.memref_slice %arg12[%dma_start3A_122, %dma_start3A_125] : memref<8x128xi32, #tpu.memory_space<vmem>> -> memref<1x128xi32, #tpu.memory_space<vmem>>
    %dma_start3A_127 = tpu.memref_squeeze %dma_start3A_126 : memref<1x128xi32, #tpu.memory_space<vmem>> -> memref<128xi32, #tpu.memory_space<vmem>>
    %dma_start3A_128 = arith.constant 0 : i32
    %dma_start3A_129 = tpu.memref_slice %arg2[%dma_start3A_128] : memref<24000xi32, #tpu.memory_space<hbm>> -> memref<24000xi32, #tpu.memory_space<hbm>>
    tpu.enqueue_indirect_dma source(%dma_start3A_129 : memref<24000xi32, #tpu.memory_space<hbm>>) target(%dma_start3A_124 : memref<128xi32, #tpu.memory_space<vmem>>) offsets(%dma_start3A_127 : memref<128xi32, #tpu.memory_space<vmem>>) semaphore(%arg26 : memref<!tpu.dma_semaphore, #tpu.memory_space<semaphore_mem>>)
    %dma_start3A_130 = arith.constant 6 : i32
    %dma_start3A_131 = arith.constant 768 : i32
    %dma_start3A_132 = tpu.memref_slice %arg13[%dma_start3A_131] : memref<1024xi32, #tpu.memory_space<vmem>> -> memref<128xi32, #tpu.memory_space<vmem>>
    %dma_start3A_133 = arith.constant 0 : i32
    %dma_start3A_134 = tpu.memref_slice %arg11[%dma_start3A_130, %dma_start3A_133] : memref<8x128xi32, #tpu.memory_space<vmem>> -> memref<1x128xi32, #tpu.memory_space<vmem>>
    %dma_start3A_135 = tpu.memref_squeeze %dma_start3A_134 : memref<1x128xi32, #tpu.memory_space<vmem>> -> memref<128xi32, #tpu.memory_space<vmem>>
    %dma_start3A_136 = arith.constant 0 : i32
    %dma_start3A_137 = tpu.memref_slice %arg2[%dma_start3A_136] : memref<24000xi32, #tpu.memory_space<hbm>> -> memref<24000xi32, #tpu.memory_space<hbm>>
    tpu.enqueue_indirect_dma source(%dma_start3A_137 : memref<24000xi32, #tpu.memory_space<hbm>>) target(%dma_start3A_132 : memref<128xi32, #tpu.memory_space<vmem>>) offsets(%dma_start3A_135 : memref<128xi32, #tpu.memory_space<vmem>>) semaphore(%arg26 : memref<!tpu.dma_semaphore, #tpu.memory_space<semaphore_mem>>)
    %dma_start3A_138 = arith.constant 6 : i32
    %dma_start3A_139 = arith.constant 768 : i32
    %dma_start3A_140 = tpu.memref_slice %arg14[%dma_start3A_139] : memref<1024xi32, #tpu.memory_space<vmem>> -> memref<128xi32, #tpu.memory_space<vmem>>
    %dma_start3A_141 = arith.constant 0 : i32
    %dma_start3A_142 = tpu.memref_slice %arg12[%dma_start3A_138, %dma_start3A_141] : memref<8x128xi32, #tpu.memory_space<vmem>> -> memref<1x128xi32, #tpu.memory_space<vmem>>
    %dma_start3A_143 = tpu.memref_squeeze %dma_start3A_142 : memref<1x128xi32, #tpu.memory_space<vmem>> -> memref<128xi32, #tpu.memory_space<vmem>>
    %dma_start3A_144 = arith.constant 0 : i32
    %dma_start3A_145 = tpu.memref_slice %arg2[%dma_start3A_144] : memref<24000xi32, #tpu.memory_space<hbm>> -> memref<24000xi32, #tpu.memory_space<hbm>>
    tpu.enqueue_indirect_dma source(%dma_start3A_145 : memref<24000xi32, #tpu.memory_space<hbm>>) target(%dma_start3A_140 : memref<128xi32, #tpu.memory_space<vmem>>) offsets(%dma_start3A_143 : memref<128xi32, #tpu.memory_space<vmem>>) semaphore(%arg26 : memref<!tpu.dma_semaphore, #tpu.memory_space<semaphore_mem>>)
    %dma_start3A_146 = arith.constant 7 : i32
    %dma_start3A_147 = arith.constant 896 : i32
    %dma_start3A_148 = tpu.memref_slice %arg13[%dma_start3A_147] : memref<1024xi32, #tpu.memory_space<vmem>> -> memref<128xi32, #tpu.memory_space<vmem>>
    %dma_start3A_149 = arith.constant 0 : i32
    %dma_start3A_150 = tpu.memref_slice %arg11[%dma_start3A_146, %dma_start3A_149] : memref<8x128xi32, #tpu.memory_space<vmem>> -> memref<1x128xi32, #tpu.memory_space<vmem>>
    %dma_start3A_151 = tpu.memref_squeeze %dma_start3A_150 : memref<1x128xi32, #tpu.memory_space<vmem>> -> memref<128xi32, #tpu.memory_space<vmem>>
    %dma_start3A_152 = arith.constant 0 : i32
    %dma_start3A_153 = tpu.memref_slice %arg2[%dma_start3A_152] : memref<24000xi32, #tpu.memory_space<hbm>> -> memref<24000xi32, #tpu.memory_space<hbm>>
    tpu.enqueue_indirect_dma source(%dma_start3A_153 : memref<24000xi32, #tpu.memory_space<hbm>>) target(%dma_start3A_148 : memref<128xi32, #tpu.memory_space<vmem>>) offsets(%dma_start3A_151 : memref<128xi32, #tpu.memory_space<vmem>>) semaphore(%arg26 : memref<!tpu.dma_semaphore, #tpu.memory_space<semaphore_mem>>)
    %dma_start3A_154 = arith.constant 7 : i32
    %dma_start3A_155 = arith.constant 896 : i32
    %dma_start3A_156 = tpu.memref_slice %arg14[%dma_start3A_155] : memref<1024xi32, #tpu.memory_space<vmem>> -> memref<128xi32, #tpu.memory_space<vmem>>
    %dma_start3A_157 = arith.constant 0 : i32
    %dma_start3A_158 = tpu.memref_slice %arg12[%dma_start3A_154, %dma_start3A_157] : memref<8x128xi32, #tpu.memory_space<vmem>> -> memref<1x128xi32, #tpu.memory_space<vmem>>
    %dma_start3A_159 = tpu.memref_squeeze %dma_start3A_158 : memref<1x128xi32, #tpu.memory_space<vmem>> -> memref<128xi32, #tpu.memory_space<vmem>>
    %dma_start3A_160 = arith.constant 0 : i32
    %dma_start3A_161 = tpu.memref_slice %arg2[%dma_start3A_160] : memref<24000xi32, #tpu.memory_space<hbm>> -> memref<24000xi32, #tpu.memory_space<hbm>>
    tpu.enqueue_indirect_dma source(%dma_start3A_161 : memref<24000xi32, #tpu.memory_space<hbm>>) target(%dma_start3A_156 : memref<128xi32, #tpu.memory_space<vmem>>) offsets(%dma_start3A_159 : memref<128xi32, #tpu.memory_space<vmem>>) semaphore(%arg26 : memref<!tpu.dma_semaphore, #tpu.memory_space<semaphore_mem>>)
    %dma_wait3A = arith.constant 0 : i32
    %dma_wait3A_162 = arith.constant 0 : i32
    %dma_wait3A_163 = tpu.memref_slice %arg13[%dma_wait3A_162] : memref<1024xi32, #tpu.memory_space<vmem>> -> memref<128xi32, #tpu.memory_space<vmem>>
    %dma_wait3A_164 = arith.constant 0 : i32
    %dma_wait3A_165 = tpu.memref_slice %arg11[%dma_wait3A, %dma_wait3A_164] : memref<8x128xi32, #tpu.memory_space<vmem>> -> memref<1x128xi32, #tpu.memory_space<vmem>>
    %dma_wait3A_166 = tpu.memref_squeeze %dma_wait3A_165 : memref<1x128xi32, #tpu.memory_space<vmem>> -> memref<128xi32, #tpu.memory_space<vmem>>
    %dma_wait3A_167 = arith.constant 0 : i32
    %dma_wait3A_168 = tpu.memref_slice %arg2[%dma_wait3A_167] : memref<24000xi32, #tpu.memory_space<hbm>> -> memref<24000xi32, #tpu.memory_space<hbm>>
    tpu.wait_indirect_dma semaphore(%arg26 : memref<!tpu.dma_semaphore, #tpu.memory_space<semaphore_mem>>) src(%dma_wait3A_168 : memref<24000xi32, #tpu.memory_space<hbm>>) dst(%dma_wait3A_163 : memref<128xi32, #tpu.memory_space<vmem>>)
    %dma_wait3A_169 = arith.constant 0 : i32
    %dma_wait3A_170 = arith.constant 0 : i32
    %dma_wait3A_171 = tpu.memref_slice %arg14[%dma_wait3A_170] : memref<1024xi32, #tpu.memory_space<vmem>> -> memref<128xi32, #tpu.memory_space<vmem>>
    %dma_wait3A_172 = arith.constant 0 : i32
    %dma_wait3A_173 = tpu.memref_slice %arg12[%dma_wait3A_169, %dma_wait3A_172] : memref<8x128xi32, #tpu.memory_space<vmem>> -> memref<1x128xi32, #tpu.memory_space<vmem>>
    %dma_wait3A_174 = tpu.memref_squeeze %dma_wait3A_173 : memref<1x128xi32, #tpu.memory_space<vmem>> -> memref<128xi32, #tpu.memory_space<vmem>>
    %dma_wait3A_175 = arith.constant 0 : i32
    %dma_wait3A_176 = tpu.memref_slice %arg2[%dma_wait3A_175] : memref<24000xi32, #tpu.memory_space<hbm>> -> memref<24000xi32, #tpu.memory_space<hbm>>
    tpu.wait_indirect_dma semaphore(%arg26 : memref<!tpu.dma_semaphore, #tpu.memory_space<semaphore_mem>>) src(%dma_wait3A_176 : memref<24000xi32, #tpu.memory_space<hbm>>) dst(%dma_wait3A_171 : memref<128xi32, #tpu.memory_space<vmem>>)
    %dma_wait3A_177 = arith.constant 1 : i32
    %dma_wait3A_178 = arith.constant 128 : i32
    %dma_wait3A_179 = tpu.memref_slice %arg13[%dma_wait3A_178] : memref<1024xi32, #tpu.memory_space<vmem>> -> memref<128xi32, #tpu.memory_space<vmem>>
    %dma_wait3A_180 = arith.constant 0 : i32
    %dma_wait3A_181 = tpu.memref_slice %arg11[%dma_wait3A_177, %dma_wait3A_180] : memref<8x128xi32, #tpu.memory_space<vmem>> -> memref<1x128xi32, #tpu.memory_space<vmem>>
    %dma_wait3A_182 = tpu.memref_squeeze %dma_wait3A_181 : memref<1x128xi32, #tpu.memory_space<vmem>> -> memref<128xi32, #tpu.memory_space<vmem>>
    %dma_wait3A_183 = arith.constant 0 : i32
    %dma_wait3A_184 = tpu.memref_slice %arg2[%dma_wait3A_183] : memref<24000xi32, #tpu.memory_space<hbm>> -> memref<24000xi32, #tpu.memory_space<hbm>>
    tpu.wait_indirect_dma semaphore(%arg26 : memref<!tpu.dma_semaphore, #tpu.memory_space<semaphore_mem>>) src(%dma_wait3A_184 : memref<24000xi32, #tpu.memory_space<hbm>>) dst(%dma_wait3A_179 : memref<128xi32, #tpu.memory_space<vmem>>)
    %dma_wait3A_185 = arith.constant 1 : i32
    %dma_wait3A_186 = arith.constant 128 : i32
    %dma_wait3A_187 = tpu.memref_slice %arg14[%dma_wait3A_186] : memref<1024xi32, #tpu.memory_space<vmem>> -> memref<128xi32, #tpu.memory_space<vmem>>
    %dma_wait3A_188 = arith.constant 0 : i32
    %dma_wait3A_189 = tpu.memref_slice %arg12[%dma_wait3A_185, %dma_wait3A_188] : memref<8x128xi32, #tpu.memory_space<vmem>> -> memref<1x128xi32, #tpu.memory_space<vmem>>
    %dma_wait3A_190 = tpu.memref_squeeze %dma_wait3A_189 : memref<1x128xi32, #tpu.memory_space<vmem>> -> memref<128xi32, #tpu.memory_space<vmem>>
    %dma_wait3A_191 = arith.constant 0 : i32
    %dma_wait3A_192 = tpu.memref_slice %arg2[%dma_wait3A_191] : memref<24000xi32, #tpu.memory_space<hbm>> -> memref<24000xi32, #tpu.memory_space<hbm>>
    tpu.wait_indirect_dma semaphore(%arg26 : memref<!tpu.dma_semaphore, #tpu.memory_space<semaphore_mem>>) src(%dma_wait3A_192 : memref<24000xi32, #tpu.memory_space<hbm>>) dst(%dma_wait3A_187 : memref<128xi32, #tpu.memory_space<vmem>>)
    %dma_wait3A_193 = arith.constant 2 : i32
    %dma_wait3A_194 = arith.constant 256 : i32
    %dma_wait3A_195 = tpu.memref_slice %arg13[%dma_wait3A_194] : memref<1024xi32, #tpu.memory_space<vmem>> -> memref<128xi32, #tpu.memory_space<vmem>>
    %dma_wait3A_196 = arith.constant 0 : i32
    %dma_wait3A_197 = tpu.memref_slice %arg11[%dma_wait3A_193, %dma_wait3A_196] : memref<8x128xi32, #tpu.memory_space<vmem>> -> memref<1x128xi32, #tpu.memory_space<vmem>>
    %dma_wait3A_198 = tpu.memref_squeeze %dma_wait3A_197 : memref<1x128xi32, #tpu.memory_space<vmem>> -> memref<128xi32, #tpu.memory_space<vmem>>
    %dma_wait3A_199 = arith.constant 0 : i32
    %dma_wait3A_200 = tpu.memref_slice %arg2[%dma_wait3A_199] : memref<24000xi32, #tpu.memory_space<hbm>> -> memref<24000xi32, #tpu.memory_space<hbm>>
    tpu.wait_indirect_dma semaphore(%arg26 : memref<!tpu.dma_semaphore, #tpu.memory_space<semaphore_mem>>) src(%dma_wait3A_200 : memref<24000xi32, #tpu.memory_space<hbm>>) dst(%dma_wait3A_195 : memref<128xi32, #tpu.memory_space<vmem>>)
    %dma_wait3A_201 = arith.constant 2 : i32
    %dma_wait3A_202 = arith.constant 256 : i32
    %dma_wait3A_203 = tpu.memref_slice %arg14[%dma_wait3A_202] : memref<1024xi32, #tpu.memory_space<vmem>> -> memref<128xi32, #tpu.memory_space<vmem>>
    %dma_wait3A_204 = arith.constant 0 : i32
    %dma_wait3A_205 = tpu.memref_slice %arg12[%dma_wait3A_201, %dma_wait3A_204] : memref<8x128xi32, #tpu.memory_space<vmem>> -> memref<1x128xi32, #tpu.memory_space<vmem>>
    %dma_wait3A_206 = tpu.memref_squeeze %dma_wait3A_205 : memref<1x128xi32, #tpu.memory_space<vmem>> -> memref<128xi32, #tpu.memory_space<vmem>>
    %dma_wait3A_207 = arith.constant 0 : i32
    %dma_wait3A_208 = tpu.memref_slice %arg2[%dma_wait3A_207] : memref<24000xi32, #tpu.memory_space<hbm>> -> memref<24000xi32, #tpu.memory_space<hbm>>
    tpu.wait_indirect_dma semaphore(%arg26 : memref<!tpu.dma_semaphore, #tpu.memory_space<semaphore_mem>>) src(%dma_wait3A_208 : memref<24000xi32, #tpu.memory_space<hbm>>) dst(%dma_wait3A_203 : memref<128xi32, #tpu.memory_space<vmem>>)
    %dma_wait3A_209 = arith.constant 3 : i32
    %dma_wait3A_210 = arith.constant 384 : i32
    %dma_wait3A_211 = tpu.memref_slice %arg13[%dma_wait3A_210] : memref<1024xi32, #tpu.memory_space<vmem>> -> memref<128xi32, #tpu.memory_space<vmem>>
    %dma_wait3A_212 = arith.constant 0 : i32
    %dma_wait3A_213 = tpu.memref_slice %arg11[%dma_wait3A_209, %dma_wait3A_212] : memref<8x128xi32, #tpu.memory_space<vmem>> -> memref<1x128xi32, #tpu.memory_space<vmem>>
    %dma_wait3A_214 = tpu.memref_squeeze %dma_wait3A_213 : memref<1x128xi32, #tpu.memory_space<vmem>> -> memref<128xi32, #tpu.memory_space<vmem>>
    %dma_wait3A_215 = arith.constant 0 : i32
    %dma_wait3A_216 = tpu.memref_slice %arg2[%dma_wait3A_215] : memref<24000xi32, #tpu.memory_space<hbm>> -> memref<24000xi32, #tpu.memory_space<hbm>>
    tpu.wait_indirect_dma semaphore(%arg26 : memref<!tpu.dma_semaphore, #tpu.memory_space<semaphore_mem>>) src(%dma_wait3A_216 : memref<24000xi32, #tpu.memory_space<hbm>>) dst(%dma_wait3A_211 : memref<128xi32, #tpu.memory_space<vmem>>)
    %dma_wait3A_217 = arith.constant 3 : i32
    %dma_wait3A_218 = arith.constant 384 : i32
    %dma_wait3A_219 = tpu.memref_slice %arg14[%dma_wait3A_218] : memref<1024xi32, #tpu.memory_space<vmem>> -> memref<128xi32, #tpu.memory_space<vmem>>
    %dma_wait3A_220 = arith.constant 0 : i32
    %dma_wait3A_221 = tpu.memref_slice %arg12[%dma_wait3A_217, %dma_wait3A_220] : memref<8x128xi32, #tpu.memory_space<vmem>> -> memref<1x128xi32, #tpu.memory_space<vmem>>
    %dma_wait3A_222 = tpu.memref_squeeze %dma_wait3A_221 : memref<1x128xi32, #tpu.memory_space<vmem>> -> memref<128xi32, #tpu.memory_space<vmem>>
    %dma_wait3A_223 = arith.constant 0 : i32
    %dma_wait3A_224 = tpu.memref_slice %arg2[%dma_wait3A_223] : memref<24000xi32, #tpu.memory_space<hbm>> -> memref<24000xi32, #tpu.memory_space<hbm>>
    tpu.wait_indirect_dma semaphore(%arg26 : memref<!tpu.dma_semaphore, #tpu.memory_space<semaphore_mem>>) src(%dma_wait3A_224 : memref<24000xi32, #tpu.memory_space<hbm>>) dst(%dma_wait3A_219 : memref<128xi32, #tpu.memory_space<vmem>>)
    %dma_wait3A_225 = arith.constant 4 : i32
    %dma_wait3A_226 = arith.constant 512 : i32
    %dma_wait3A_227 = tpu.memref_slice %arg13[%dma_wait3A_226] : memref<1024xi32, #tpu.memory_space<vmem>> -> memref<128xi32, #tpu.memory_space<vmem>>
    %dma_wait3A_228 = arith.constant 0 : i32
    %dma_wait3A_229 = tpu.memref_slice %arg11[%dma_wait3A_225, %dma_wait3A_228] : memref<8x128xi32, #tpu.memory_space<vmem>> -> memref<1x128xi32, #tpu.memory_space<vmem>>
    %dma_wait3A_230 = tpu.memref_squeeze %dma_wait3A_229 : memref<1x128xi32, #tpu.memory_space<vmem>> -> memref<128xi32, #tpu.memory_space<vmem>>
    %dma_wait3A_231 = arith.constant 0 : i32
    %dma_wait3A_232 = tpu.memref_slice %arg2[%dma_wait3A_231] : memref<24000xi32, #tpu.memory_space<hbm>> -> memref<24000xi32, #tpu.memory_space<hbm>>
    tpu.wait_indirect_dma semaphore(%arg26 : memref<!tpu.dma_semaphore, #tpu.memory_space<semaphore_mem>>) src(%dma_wait3A_232 : memref<24000xi32, #tpu.memory_space<hbm>>) dst(%dma_wait3A_227 : memref<128xi32, #tpu.memory_space<vmem>>)
    %dma_wait3A_233 = arith.constant 4 : i32
    %dma_wait3A_234 = arith.constant 512 : i32
    %dma_wait3A_235 = tpu.memref_slice %arg14[%dma_wait3A_234] : memref<1024xi32, #tpu.memory_space<vmem>> -> memref<128xi32, #tpu.memory_space<vmem>>
    %dma_wait3A_236 = arith.constant 0 : i32
    %dma_wait3A_237 = tpu.memref_slice %arg12[%dma_wait3A_233, %dma_wait3A_236] : memref<8x128xi32, #tpu.memory_space<vmem>> -> memref<1x128xi32, #tpu.memory_space<vmem>>
    %dma_wait3A_238 = tpu.memref_squeeze %dma_wait3A_237 : memref<1x128xi32, #tpu.memory_space<vmem>> -> memref<128xi32, #tpu.memory_space<vmem>>
    %dma_wait3A_239 = arith.constant 0 : i32
    %dma_wait3A_240 = tpu.memref_slice %arg2[%dma_wait3A_239] : memref<24000xi32, #tpu.memory_space<hbm>> -> memref<24000xi32, #tpu.memory_space<hbm>>
    tpu.wait_indirect_dma semaphore(%arg26 : memref<!tpu.dma_semaphore, #tpu.memory_space<semaphore_mem>>) src(%dma_wait3A_240 : memref<24000xi32, #tpu.memory_space<hbm>>) dst(%dma_wait3A_235 : memref<128xi32, #tpu.memory_space<vmem>>)
    %dma_wait3A_241 = arith.constant 5 : i32
    %dma_wait3A_242 = arith.constant 640 : i32
    %dma_wait3A_243 = tpu.memref_slice %arg13[%dma_wait3A_242] : memref<1024xi32, #tpu.memory_space<vmem>> -> memref<128xi32, #tpu.memory_space<vmem>>
    %dma_wait3A_244 = arith.constant 0 : i32
    %dma_wait3A_245 = tpu.memref_slice %arg11[%dma_wait3A_241, %dma_wait3A_244] : memref<8x128xi32, #tpu.memory_space<vmem>> -> memref<1x128xi32, #tpu.memory_space<vmem>>
    %dma_wait3A_246 = tpu.memref_squeeze %dma_wait3A_245 : memref<1x128xi32, #tpu.memory_space<vmem>> -> memref<128xi32, #tpu.memory_space<vmem>>
    %dma_wait3A_247 = arith.constant 0 : i32
    %dma_wait3A_248 = tpu.memref_slice %arg2[%dma_wait3A_247] : memref<24000xi32, #tpu.memory_space<hbm>> -> memref<24000xi32, #tpu.memory_space<hbm>>
    tpu.wait_indirect_dma semaphore(%arg26 : memref<!tpu.dma_semaphore, #tpu.memory_space<semaphore_mem>>) src(%dma_wait3A_248 : memref<24000xi32, #tpu.memory_space<hbm>>) dst(%dma_wait3A_243 : memref<128xi32, #tpu.memory_space<vmem>>)
    %dma_wait3A_249 = arith.constant 5 : i32
    %dma_wait3A_250 = arith.constant 640 : i32
    %dma_wait3A_251 = tpu.memref_slice %arg14[%dma_wait3A_250] : memref<1024xi32, #tpu.memory_space<vmem>> -> memref<128xi32, #tpu.memory_space<vmem>>
    %dma_wait3A_252 = arith.constant 0 : i32
    %dma_wait3A_253 = tpu.memref_slice %arg12[%dma_wait3A_249, %dma_wait3A_252] : memref<8x128xi32, #tpu.memory_space<vmem>> -> memref<1x128xi32, #tpu.memory_space<vmem>>
    %dma_wait3A_254 = tpu.memref_squeeze %dma_wait3A_253 : memref<1x128xi32, #tpu.memory_space<vmem>> -> memref<128xi32, #tpu.memory_space<vmem>>
    %dma_wait3A_255 = arith.constant 0 : i32
    %dma_wait3A_256 = tpu.memref_slice %arg2[%dma_wait3A_255] : memref<24000xi32, #tpu.memory_space<hbm>> -> memref<24000xi32, #tpu.memory_space<hbm>>
    tpu.wait_indirect_dma semaphore(%arg26 : memref<!tpu.dma_semaphore, #tpu.memory_space<semaphore_mem>>) src(%dma_wait3A_256 : memref<24000xi32, #tpu.memory_space<hbm>>) dst(%dma_wait3A_251 : memref<128xi32, #tpu.memory_space<vmem>>)
    %dma_wait3A_257 = arith.constant 6 : i32
    %dma_wait3A_258 = arith.constant 768 : i32
    %dma_wait3A_259 = tpu.memref_slice %arg13[%dma_wait3A_258] : memref<1024xi32, #tpu.memory_space<vmem>> -> memref<128xi32, #tpu.memory_space<vmem>>
    %dma_wait3A_260 = arith.constant 0 : i32
    %dma_wait3A_261 = tpu.memref_slice %arg11[%dma_wait3A_257, %dma_wait3A_260] : memref<8x128xi32, #tpu.memory_space<vmem>> -> memref<1x128xi32, #tpu.memory_space<vmem>>
    %dma_wait3A_262 = tpu.memref_squeeze %dma_wait3A_261 : memref<1x128xi32, #tpu.memory_space<vmem>> -> memref<128xi32, #tpu.memory_space<vmem>>
    %dma_wait3A_263 = arith.constant 0 : i32
    %dma_wait3A_264 = tpu.memref_slice %arg2[%dma_wait3A_263] : memref<24000xi32, #tpu.memory_space<hbm>> -> memref<24000xi32, #tpu.memory_space<hbm>>
    tpu.wait_indirect_dma semaphore(%arg26 : memref<!tpu.dma_semaphore, #tpu.memory_space<semaphore_mem>>) src(%dma_wait3A_264 : memref<24000xi32, #tpu.memory_space<hbm>>) dst(%dma_wait3A_259 : memref<128xi32, #tpu.memory_space<vmem>>)
    %dma_wait3A_265 = arith.constant 6 : i32
    %dma_wait3A_266 = arith.constant 768 : i32
    %dma_wait3A_267 = tpu.memref_slice %arg14[%dma_wait3A_266] : memref<1024xi32, #tpu.memory_space<vmem>> -> memref<128xi32, #tpu.memory_space<vmem>>
    %dma_wait3A_268 = arith.constant 0 : i32
    %dma_wait3A_269 = tpu.memref_slice %arg12[%dma_wait3A_265, %dma_wait3A_268] : memref<8x128xi32, #tpu.memory_space<vmem>> -> memref<1x128xi32, #tpu.memory_space<vmem>>
    %dma_wait3A_270 = tpu.memref_squeeze %dma_wait3A_269 : memref<1x128xi32, #tpu.memory_space<vmem>> -> memref<128xi32, #tpu.memory_space<vmem>>
    %dma_wait3A_271 = arith.constant 0 : i32
    %dma_wait3A_272 = tpu.memref_slice %arg2[%dma_wait3A_271] : memref<24000xi32, #tpu.memory_space<hbm>> -> memref<24000xi32, #tpu.memory_space<hbm>>
    tpu.wait_indirect_dma semaphore(%arg26 : memref<!tpu.dma_semaphore, #tpu.memory_space<semaphore_mem>>) src(%dma_wait3A_272 : memref<24000xi32, #tpu.memory_space<hbm>>) dst(%dma_wait3A_267 : memref<128xi32, #tpu.memory_space<vmem>>)
    %dma_wait3A_273 = arith.constant 7 : i32
    %dma_wait3A_274 = arith.constant 896 : i32
    %dma_wait3A_275 = tpu.memref_slice %arg13[%dma_wait3A_274] : memref<1024xi32, #tpu.memory_space<vmem>> -> memref<128xi32, #tpu.memory_space<vmem>>
    %dma_wait3A_276 = arith.constant 0 : i32
    %dma_wait3A_277 = tpu.memref_slice %arg11[%dma_wait3A_273, %dma_wait3A_276] : memref<8x128xi32, #tpu.memory_space<vmem>> -> memref<1x128xi32, #tpu.memory_space<vmem>>
    %dma_wait3A_278 = tpu.memref_squeeze %dma_wait3A_277 : memref<1x128xi32, #tpu.memory_space<vmem>> -> memref<128xi32, #tpu.memory_space<vmem>>
    %dma_wait3A_279 = arith.constant 0 : i32
    %dma_wait3A_280 = tpu.memref_slice %arg2[%dma_wait3A_279] : memref<24000xi32, #tpu.memory_space<hbm>> -> memref<24000xi32, #tpu.memory_space<hbm>>
    tpu.wait_indirect_dma semaphore(%arg26 : memref<!tpu.dma_semaphore, #tpu.memory_space<semaphore_mem>>) src(%dma_wait3A_280 : memref<24000xi32, #tpu.memory_space<hbm>>) dst(%dma_wait3A_275 : memref<128xi32, #tpu.memory_space<vmem>>)
    %dma_wait3A_281 = arith.constant 7 : i32
    %dma_wait3A_282 = arith.constant 896 : i32
    %dma_wait3A_283 = tpu.memref_slice %arg14[%dma_wait3A_282] : memref<1024xi32, #tpu.memory_space<vmem>> -> memref<128xi32, #tpu.memory_space<vmem>>
    %dma_wait3A_284 = arith.constant 0 : i32
    %dma_wait3A_285 = tpu.memref_slice %arg12[%dma_wait3A_281, %dma_wait3A_284] : memref<8x128xi32, #tpu.memory_space<vmem>> -> memref<1x128xi32, #tpu.memory_space<vmem>>
    %dma_wait3A_286 = tpu.memref_squeeze %dma_wait3A_285 : memref<1x128xi32, #tpu.memory_space<vmem>> -> memref<128xi32, #tpu.memory_space<vmem>>
    %dma_wait3A_287 = arith.constant 0 : i32
    %dma_wait3A_288 = tpu.memref_slice %arg2[%dma_wait3A_287] : memref<24000xi32, #tpu.memory_space<hbm>> -> memref<24000xi32, #tpu.memory_space<hbm>>
    tpu.wait_indirect_dma semaphore(%arg26 : memref<!tpu.dma_semaphore, #tpu.memory_space<semaphore_mem>>) src(%dma_wait3A_288 : memref<24000xi32, #tpu.memory_space<hbm>>) dst(%dma_wait3A_283 : memref<128xi32, #tpu.memory_space<vmem>>)
    %scan3A_289 = arith.constant 0 : i32
    %scan3A_290 = arith.constant 64 : i32
    %scan3A_291 = arith.addi %scan3A_289, %scan3A_290 : i32
    %scan3A_292 = arith.constant 1 : i32
    scf.for %scan3A_329 = %scan3A_289 to %scan3A_291 step %scan3A_292  : i32 {
      %mul3A_330 = arith.constant 1 : i32
      %mul3A_331 = arith.muli %scan3A_329, %mul3A_330 : i32
      %add3A_332 = arith.constant 0 : i32
      %add3A_333 = arith.addi %add3A_332, %mul3A_331 : i32
      %mul3A_334 = arith.constant 16 : i32
      %mul3A_335 = arith.muli %add3A_333, %mul3A_334 : i32
      %get3A = arith.index_cast %mul3A_335 : i32 to index
      %get3A_336 = tpu.vector_load %arg13[%get3A] {strides = array<i32>} : memref<1024xi32, #tpu.memory_space<vmem>>, vector<16xi32>,
      %get3A_337 = arith.index_cast %mul3A_335 : i32 to index
      %get3A_338 = tpu.vector_load %arg14[%get3A_337] {strides = array<i32>} : memref<1024xi32, #tpu.memory_space<vmem>>, vector<16xi32>,
      %mul3A_339 = arith.constant 16 : i32
      %mul3A_340 = arith.muli %add3A_333, %mul3A_339 : i32
      %add3A_341 = vector.broadcast %mul3A_340 : i32 to vector<16xi32>
      %add3A_342 = arith.addi %add3A_341, %iota3A : vector<16xi32>
      %lt3A_343 = arith.cmpi slt, %add3A_342, %min3A_29 : vector<16xi32>
      %mul3A_344 = arith.constant 32768 : i32
      %mul3A_345 = vector.broadcast %mul3A_344 : i32 to vector<16xi32>
      %mul3A_346 = arith.muli %get3A_338, %mul3A_345 : vector<16xi32>
      %add3A_347 = arith.addi %mul3A_346, %get3A_336 : vector<16xi32>
      %mul3A_348 = arith.constant 128 : i32
      %mul3A_349 = vector.broadcast %mul3A_348 : i32 to vector<16xi32>
      %mul3A_350 = arith.muli %add3A_342, %mul3A_349 : vector<16xi32>
      %and3A = arith.constant 16383 : i32
      %and3A_351 = vector.broadcast %and3A : i32 to vector<16xi32>
      %and3A_352 = arith.andi %mul3A_350, %and3A_351 : vector<16xi32>
      %select_n3A = arith.select %lt3A_343, %add3A_347, %and3A_352 : vector<16xi1>, vector<16xi32>
      %swap3A_353 = arith.index_cast %mul3A_335 : i32 to index
      %swap3A_354 = tpu.vector_load %arg15[%swap3A_353] {strides = array<i32>} : memref<1024xi32, #tpu.memory_space<vmem>>, vector<16xi32>,
      tpu.vector_store %arg15[%swap3A_353], %select_n3A {strides = array<i32>} : memref<1024xi32, #tpu.memory_space<vmem>>, vector<16xi32>,
      %jit3A = arith.constant 0 : i32
      %broadcast_in_dim3A_355 = vector.broadcast %jit3A : i32 to vector<16xi32>
      %select_n3A_356 = arith.select %lt3A_343, %get3A_338, %broadcast_in_dim3A_355 : vector<16xi1>, vector<16xi32>
      %swap3A_357 = arith.index_cast %mul3A_335 : i32 to index
      %swap3A_358 = tpu.vector_load %arg16[%swap3A_357] {strides = array<i32>} : memref<1024xi32, #tpu.memory_space<vmem>>, vector<16xi32>,
      tpu.vector_store %arg16[%swap3A_357], %select_n3A_356 {strides = array<i32>} : memref<1024xi32, #tpu.memory_space<vmem>>, vector<16xi32>,
    }
    %scan3A_293 = arith.constant 64 : i32
    %broadcast_in_dim3A_294 = arith.constant 0 : i32
    %broadcast_in_dim3A_295 = vector.broadcast %broadcast_in_dim3A_294 : i32 to vector<16xi32>
    %broadcast_in_dim3A_296 = arith.constant 1 : i32
    %broadcast_in_dim3A_297 = vector.broadcast %broadcast_in_dim3A_296 : i32 to vector<16xi32>
    %broadcast_in_dim3A_298 = arith.constant 2 : i32
    %broadcast_in_dim3A_299 = vector.broadcast %broadcast_in_dim3A_298 : i32 to vector<16xi32>
    %broadcast_in_dim3A_300 = arith.constant 3 : i32
    %broadcast_in_dim3A_301 = vector.broadcast %broadcast_in_dim3A_300 : i32 to vector<16xi32>
    %add3A = arith.constant 0 : i32
    %add3A_302 = arith.addi %add3A, %arg0 : i32
    %mul3A = arith.constant 16 : i32
    %mul3A_303 = arith.muli %add3A_302, %mul3A : i32
    %lt3A = arith.cmpi slt, %mul3A_303, %squeeze3A : i32
    %convert_element_type3A = arith.extui %lt3A : i1 to i32
    %cond3A = arith.constant 0 : i32
    %cond3A_304 = arith.cmpi ne, %convert_element_type3A, %cond3A : i32
    scf.if %cond3A_304 {
      %add3A_329 = arith.constant 0 : i32
      %add3A_330 = arith.addi %add3A_329, %arg0 : i32
      %mul3A_331 = arith.constant 16 : i32
      %mul3A_332 = arith.muli %add3A_330, %mul3A_331 : i32
      %get3A = arith.index_cast %mul3A_332 : i32 to index
      %get3A_333 = tpu.vector_load %arg15[%get3A] {strides = array<i32>} : memref<1024xi32, #tpu.memory_space<vmem>>, vector<16xi32>,
      %shift_right_arithmetic3A = arith.constant 15 : i32
      %shift_right_arithmetic3A_334 = vector.broadcast %shift_right_arithmetic3A : i32 to vector<16xi32>
      %shift_right_arithmetic3A_335 = arith.shrsi %get3A_333, %shift_right_arithmetic3A_334 : vector<16xi32>
      %and3A = arith.constant 120 : i32
      %and3A_336 = vector.broadcast %and3A : i32 to vector<16xi32>
      %and3A_337 = arith.andi %shift_right_arithmetic3A_335, %and3A_336 : vector<16xi32>
      %and3A_338 = arith.constant 32767 : i32
      %and3A_339 = vector.broadcast %and3A_338 : i32 to vector<16xi32>
      %and3A_340 = arith.andi %get3A_333, %and3A_339 : vector<16xi32>
      %shift_right_arithmetic3A_341 = arith.constant 7 : i32
      %shift_right_arithmetic3A_342 = vector.broadcast %shift_right_arithmetic3A_341 : i32 to vector<16xi32>
      %shift_right_arithmetic3A_343 = arith.shrsi %and3A_340, %shift_right_arithmetic3A_342 : vector<16xi32>
      %mul3A_344 = arith.constant 128 : i32
      %mul3A_345 = vector.broadcast %mul3A_344 : i32 to vector<16xi32>
      %mul3A_346 = arith.muli %shift_right_arithmetic3A_343, %mul3A_345 : vector<16xi32>
      %slice3A_347 = vector.extract_strided_slice %and3A_337 {offsets = [0], sizes = [1], strides = [1]} : vector<16xi32> to vector<1xi32>
      %squeeze3A_348 = vector.extract %slice3A_347[0] : i32 from vector<1xi32>
      %multiple_of3A = tpu.assume_multiple %squeeze3A_348, 8 : i32
      %slice3A_349 = vector.extract_strided_slice %mul3A_346 {offsets = [0], sizes = [1], strides = [1]} : vector<16xi32> to vector<1xi32>
      %squeeze3A_350 = vector.extract %slice3A_349[0] : i32 from vector<1xi32>
      %multiple_of3A_351 = tpu.assume_multiple %squeeze3A_350, 128 : i32
      %dma_start3A_352 = arith.constant 0 : i32
      %dma_start3A_353 = arith.constant 0 : i32
      %dma_start3A_354 = tpu.memref_slice %arg18[%dma_start3A_352, %dma_start3A_353] : memref<8x2048xf32, #tpu.memory_space<vmem>> -> memref<8x128xf32, #tpu.memory_space<vmem>>
      %dma_start3A_355 = tpu.memref_slice %arg4[%arg1, %multiple_of3A, %multiple_of3A_351] : memref<16x80x20000xf32, #tpu.memory_space<hbm>> -> memref<1x8x128xf32, #tpu.memory_space<hbm>>
      %dma_start3A_356 = tpu.memref_squeeze %dma_start3A_355 : memref<1x8x128xf32, #tpu.memory_space<hbm>> -> memref<8x128xf32, #tpu.memory_space<hbm>>
      %dma_start3A_357 = arith.constant 0 : i32
      %dma_start3A_358 = arith.constant 0 : i32
      %dma_start3A_359 = tpu.memref_slice %arg18[%dma_start3A_357, %dma_start3A_358] : memref<8x2048xf32, #tpu.memory_space<vmem>> -> memref<8x128xf32, #tpu.memory_space<vmem>>
      %dma_start3A_360 = tpu.memref_slice %arg4[%arg1, %multiple_of3A, %multiple_of3A_351] : memref<16x80x20000xf32, #tpu.memory_space<hbm>> -> memref<1x8x128xf32, #tpu.memory_space<hbm>>
      %dma_start3A_361 = tpu.memref_squeeze %dma_start3A_360 : memref<1x8x128xf32, #tpu.memory_space<hbm>> -> memref<8x128xf32, #tpu.memory_space<hbm>>
      tpu.enqueue_dma source(%dma_start3A_361 : memref<8x128xf32, #tpu.memory_space<hbm>>) target(%dma_start3A_359 : memref<8x128xf32, #tpu.memory_space<vmem>>) target_semaphore(%arg27 : memref<!tpu.dma_semaphore, #tpu.memory_space<semaphore_mem>>)
      %dma_start3A_362 = arith.constant 0 : i32
      %dma_start3A_363 = arith.constant 0 : i32
      %dma_start3A_364 = tpu.memref_slice %arg20[%dma_start3A_362, %dma_start3A_363] : memref<4x2048xf32, #tpu.memory_space<vmem>> -> memref<4x128xf32, #tpu.memory_space<vmem>>
      %dma_start3A_365 = arith.constant 0 : i32
      %dma_start3A_366 = tpu.memref_slice %arg3[%arg1, %dma_start3A_365, %multiple_of3A_351] : memref<16x4x20000xf32, #tpu.memory_space<hbm>> -> memref<1x4x128xf32, #tpu.memory_space<hbm>>
      %dma_start3A_367 = tpu.memref_squeeze %dma_start3A_366 : memref<1x4x128xf32, #tpu.memory_space<hbm>> -> memref<4x128xf32, #tpu.memory_space<hbm>>
      %dma_start3A_368 = arith.constant 0 : i32
      %dma_start3A_369 = arith.constant 0 : i32
      %dma_start3A_370 = tpu.memref_slice %arg20[%dma_start3A_368, %dma_start3A_369] : memref<4x2048xf32, #tpu.memory_space<vmem>> -> memref<4x128xf32, #tpu.memory_space<vmem>>
      %dma_start3A_371 = arith.constant 0 : i32
      %dma_start3A_372 = tpu.memref_slice %arg3[%arg1, %dma_start3A_371, %multiple_of3A_351] : memref<16x4x20000xf32, #tpu.memory_space<hbm>> -> memref<1x4x128xf32, #tpu.memory_space<hbm>>
      %dma_start3A_373 = tpu.memref_squeeze %dma_start3A_372 : memref<1x4x128xf32, #tpu.memory_space<hbm>> -> memref<4x128xf32, #tpu.memory_space<hbm>>
      tpu.enqueue_dma source(%dma_start3A_373 : memref<4x128xf32, #tpu.memory_space<hbm>>) target(%dma_start3A_370 : memref<4x128xf32, #tpu.memory_space<vmem>>) target_semaphore(%arg27 : memref<!tpu.dma_semaphore, #tpu.memory_space<semaphore_mem>>)
      %slice3A_374 = vector.extract_strided_slice %and3A_337 {offsets = [1], sizes = [1], strides = [1]} : vector<16xi32> to vector<1xi32>
      %squeeze3A_375 = vector.extract %slice3A_374[0] : i32 from vector<1xi32>
      %multiple_of3A_376 = tpu.assume_multiple %squeeze3A_375, 8 : i32
      %slice3A_377 = vector.extract_strided_slice %mul3A_346 {offsets = [1], sizes = [1], strides = [1]} : vector<16xi32> to vector<1xi32>
      %squeeze3A_378 = vector.extract %slice3A_377[0] : i32 from vector<1xi32>
      %multiple_of3A_379 = tpu.assume_multiple %squeeze3A_378, 128 : i32
      %dma_start3A_380 = arith.constant 0 : i32
      %dma_start3A_381 = arith.constant 128 : i32
      %dma_start3A_382 = tpu.memref_slice %arg18[%dma_start3A_380, %dma_start3A_381] : memref<8x2048xf32, #tpu.memory_space<vmem>> -> memref<8x128xf32, #tpu.memory_space<vmem>>
      %dma_start3A_383 = tpu.memref_slice %arg4[%arg1, %multiple_of3A_376, %multiple_of3A_379] : memref<16x80x20000xf32, #tpu.memory_space<hbm>> -> memref<1x8x128xf32, #tpu.memory_space<hbm>>
      %dma_start3A_384 = tpu.memref_squeeze %dma_start3A_383 : memref<1x8x128xf32, #tpu.memory_space<hbm>> -> memref<8x128xf32, #tpu.memory_space<hbm>>
      %dma_start3A_385 = arith.constant 0 : i32
      %dma_start3A_386 = arith.constant 128 : i32
      %dma_start3A_387 = tpu.memref_slice %arg18[%dma_start3A_385, %dma_start3A_386] : memref<8x2048xf32, #tpu.memory_space<vmem>> -> memref<8x128xf32, #tpu.memory_space<vmem>>
      %dma_start3A_388 = tpu.memref_slice %arg4[%arg1, %multiple_of3A_376, %multiple_of3A_379] : memref<16x80x20000xf32, #tpu.memory_space<hbm>> -> memref<1x8x128xf32, #tpu.memory_space<hbm>>
      %dma_start3A_389 = tpu.memref_squeeze %dma_start3A_388 : memref<1x8x128xf32, #tpu.memory_space<hbm>> -> memref<8x128xf32, #tpu.memory_space<hbm>>
      tpu.enqueue_dma source(%dma_start3A_389 : memref<8x128xf32, #tpu.memory_space<hbm>>) target(%dma_start3A_387 : memref<8x128xf32, #tpu.memory_space<vmem>>) target_semaphore(%arg27 : memref<!tpu.dma_semaphore, #tpu.memory_space<semaphore_mem>>)
      %dma_start3A_390 = arith.constant 0 : i32
      %dma_start3A_391 = arith.constant 128 : i32
      %dma_start3A_392 = tpu.memref_slice %arg20[%dma_start3A_390, %dma_start3A_391] : memref<4x2048xf32, #tpu.memory_space<vmem>> -> memref<4x128xf32, #tpu.memory_space<vmem>>
      %dma_start3A_393 = arith.constant 0 : i32
      %dma_start3A_394 = tpu.memref_slice %arg3[%arg1, %dma_start3A_393, %multiple_of3A_379] : memref<16x4x20000xf32, #tpu.memory_space<hbm>> -> memref<1x4x128xf32, #tpu.memory_space<hbm>>
      %dma_start3A_395 = tpu.memref_squeeze %dma_start3A_394 : memref<1x4x128xf32, #tpu.memory_space<hbm>> -> memref<4x128xf32, #tpu.memory_space<hbm>>
      %dma_start3A_396 = arith.constant 0 : i32
      %dma_start3A_397 = arith.constant 128 : i32
      %dma_start3A_398 = tpu.memref_slice %arg20[%dma_start3A_396, %dma_start3A_397] : memref<4x2048xf32, #tpu.memory_space<vmem>> -> memref<4x128xf32, #tpu.memory_space<vmem>>
      %dma_start3A_399 = arith.constant 0 : i32
      %dma_start3A_400 = tpu.memref_slice %arg3[%arg1, %dma_start3A_399, %multiple_of3A_379] : memref<16x4x20000xf32, #tpu.memory_space<hbm>> -> memref<1x4x128xf32, #tpu.memory_space<hbm>>
      %dma_start3A_401 = tpu.memref_squeeze %dma_start3A_400 : memref<1x4x128xf32, #tpu.memory_space<hbm>> -> memref<4x128xf32, #tpu.memory_space<hbm>>
      tpu.enqueue_dma source(%dma_start3A_401 : memref<4x128xf32, #tpu.memory_space<hbm>>) target(%dma_start3A_398 : memref<4x128xf32, #tpu.memory_space<vmem>>) target_semaphore(%arg27 : memref<!tpu.dma_semaphore, #tpu.memory_space<semaphore_mem>>)
      %slice3A_402 = vector.extract_strided_slice %and3A_337 {offsets = [2], sizes = [1], strides = [1]} : vector<16xi32> to vector<1xi32>
      %squeeze3A_403 = vector.extract %slice3A_402[0] : i32 from vector<1xi32>
      %multiple_of3A_404 = tpu.assume_multiple %squeeze3A_403, 8 : i32
      %slice3A_405 = vector.extract_strided_slice %mul3A_346 {offsets = [2], sizes = [1], strides = [1]} : vector<16xi32> to vector<1xi32>
      %squeeze3A_406 = vector.extract %slice3A_405[0] : i32 from vector<1xi32>
      %multiple_of3A_407 = tpu.assume_multiple %squeeze3A_406, 128 : i32
      %dma_start3A_408 = arith.constant 0 : i32
      %dma_start3A_409 = arith.constant 256 : i32
      %dma_start3A_410 = tpu.memref_slice %arg18[%dma_start3A_408, %dma_start3A_409] : memref<8x2048xf32, #tpu.memory_space<vmem>> -> memref<8x128xf32, #tpu.memory_space<vmem>>
      %dma_start3A_411 = tpu.memref_slice %arg4[%arg1, %multiple_of3A_404, %multiple_of3A_407] : memref<16x80x20000xf32, #tpu.memory_space<hbm>> -> memref<1x8x128xf32, #tpu.memory_space<hbm>>
      %dma_start3A_412 = tpu.memref_squeeze %dma_start3A_411 : memref<1x8x128xf32, #tpu.memory_space<hbm>> -> memref<8x128xf32, #tpu.memory_space<hbm>>
      %dma_start3A_413 = arith.constant 0 : i32
      %dma_start3A_414 = arith.constant 256 : i32
      %dma_start3A_415 = tpu.memref_slice %arg18[%dma_start3A_413, %dma_start3A_414] : memref<8x2048xf32, #tpu.memory_space<vmem>> -> memref<8x128xf32, #tpu.memory_space<vmem>>
      %dma_start3A_416 = tpu.memref_slice %arg4[%arg1, %multiple_of3A_404, %multiple_of3A_407] : memref<16x80x20000xf32, #tpu.memory_space<hbm>> -> memref<1x8x128xf32, #tpu.memory_space<hbm>>
      %dma_start3A_417 = tpu.memref_squeeze %dma_start3A_416 : memref<1x8x128xf32, #tpu.memory_space<hbm>> -> memref<8x128xf32, #tpu.memory_space<hbm>>
      tpu.enqueue_dma source(%dma_start3A_417 : memref<8x128xf32, #tpu.memory_space<hbm>>) target(%dma_start3A_415 : memref<8x128xf32, #tpu.memory_space<vmem>>) target_semaphore(%arg27 : memref<!tpu.dma_semaphore, #tpu.memory_space<semaphore_mem>>)
      %dma_start3A_418 = arith.constant 0 : i32
      %dma_start3A_419 = arith.constant 256 : i32
      %dma_start3A_420 = tpu.memref_slice %arg20[%dma_start3A_418, %dma_start3A_419] : memref<4x2048xf32, #tpu.memory_space<vmem>> -> memref<4x128xf32, #tpu.memory_space<vmem>>
      %dma_start3A_421 = arith.constant 0 : i32
      %dma_start3A_422 = tpu.memref_slice %arg3[%arg1, %dma_start3A_421, %multiple_of3A_407] : memref<16x4x20000xf32, #tpu.memory_space<hbm>> -> memref<1x4x128xf32, #tpu.memory_space<hbm>>
      %dma_start3A_423 = tpu.memref_squeeze %dma_start3A_422 : memref<1x4x128xf32, #tpu.memory_space<hbm>> -> memref<4x128xf32, #tpu.memory_space<hbm>>
      %dma_start3A_424 = arith.constant 0 : i32
      %dma_start3A_425 = arith.constant 256 : i32
      %dma_start3A_426 = tpu.memref_slice %arg20[%dma_start3A_424, %dma_start3A_425] : memref<4x2048xf32, #tpu.memory_space<vmem>> -> memref<4x128xf32, #tpu.memory_space<vmem>>
      %dma_start3A_427 = arith.constant 0 : i32
      %dma_start3A_428 = tpu.memref_slice %arg3[%arg1, %dma_start3A_427, %multiple_of3A_407] : memref<16x4x20000xf32, #tpu.memory_space<hbm>> -> memref<1x4x128xf32, #tpu.memory_space<hbm>>
      %dma_start3A_429 = tpu.memref_squeeze %dma_start3A_428 : memref<1x4x128xf32, #tpu.memory_space<hbm>> -> memref<4x128xf32, #tpu.memory_space<hbm>>
      tpu.enqueue_dma source(%dma_start3A_429 : memref<4x128xf32, #tpu.memory_space<hbm>>) target(%dma_start3A_426 : memref<4x128xf32, #tpu.memory_space<vmem>>) target_semaphore(%arg27 : memref<!tpu.dma_semaphore, #tpu.memory_space<semaphore_mem>>)
      %slice3A_430 = vector.extract_strided_slice %and3A_337 {offsets = [3], sizes = [1], strides = [1]} : vector<16xi32> to vector<1xi32>
      %squeeze3A_431 = vector.extract %slice3A_430[0] : i32 from vector<1xi32>
      %multiple_of3A_432 = tpu.assume_multiple %squeeze3A_431, 8 : i32
      %slice3A_433 = vector.extract_strided_slice %mul3A_346 {offsets = [3], sizes = [1], strides = [1]} : vector<16xi32> to vector<1xi32>
      %squeeze3A_434 = vector.extract %slice3A_433[0] : i32 from vector<1xi32>
      %multiple_of3A_435 = tpu.assume_multiple %squeeze3A_434, 128 : i32
      %dma_start3A_436 = arith.constant 0 : i32
      %dma_start3A_437 = arith.constant 384 : i32
      %dma_start3A_438 = tpu.memref_slice %arg18[%dma_start3A_436, %dma_start3A_437] : memref<8x2048xf32, #tpu.memory_space<vmem>> -> memref<8x128xf32, #tpu.memory_space<vmem>>
      %dma_start3A_439 = tpu.memref_slice %arg4[%arg1, %multiple_of3A_432, %multiple_of3A_435] : memref<16x80x20000xf32, #tpu.memory_space<hbm>> -> memref<1x8x128xf32, #tpu.memory_space<hbm>>
      %dma_start3A_440 = tpu.memref_squeeze %dma_start3A_439 : memref<1x8x128xf32, #tpu.memory_space<hbm>> -> memref<8x128xf32, #tpu.memory_space<hbm>>
      %dma_start3A_441 = arith.constant 0 : i32
      %dma_start3A_442 = arith.constant 384 : i32
      %dma_start3A_443 = tpu.memref_slice %arg18[%dma_start3A_441, %dma_start3A_442] : memref<8x2048xf32, #tpu.memory_space<vmem>> -> memref<8x128xf32, #tpu.memory_space<vmem>>
      %dma_start3A_444 = tpu.memref_slice %arg4[%arg1, %multiple_of3A_432, %multiple_of3A_435] : memref<16x80x20000xf32, #tpu.memory_space<hbm>> -> memref<1x8x128xf32, #tpu.memory_space<hbm>>
      %dma_start3A_445 = tpu.memref_squeeze %dma_start3A_444 : memref<1x8x128xf32, #tpu.memory_space<hbm>> -> memref<8x128xf32, #tpu.memory_space<hbm>>
      tpu.enqueue_dma source(%dma_start3A_445 : memref<8x128xf32, #tpu.memory_space<hbm>>) target(%dma_start3A_443 : memref<8x128xf32, #tpu.memory_space<vmem>>) target_semaphore(%arg27 : memref<!tpu.dma_semaphore, #tpu.memory_space<semaphore_mem>>)
      %dma_start3A_446 = arith.constant 0 : i32
      %dma_start3A_447 = arith.constant 384 : i32
      %dma_start3A_448 = tpu.memref_slice %arg20[%dma_start3A_446, %dma_start3A_447] : memref<4x2048xf32, #tpu.memory_space<vmem>> -> memref<4x128xf32, #tpu.memory_space<vmem>>
      %dma_start3A_449 = arith.constant 0 : i32
      %dma_start3A_450 = tpu.memref_slice %arg3[%arg1, %dma_start3A_449, %multiple_of3A_435] : memref<16x4x20000xf32, #tpu.memory_space<hbm>> -> memref<1x4x128xf32, #tpu.memory_space<hbm>>
      %dma_start3A_451 = tpu.memref_squeeze %dma_start3A_450 : memref<1x4x128xf32, #tpu.memory_space<hbm>> -> memref<4x128xf32, #tpu.memory_space<hbm>>
      %dma_start3A_452 = arith.constant 0 : i32
      %dma_start3A_453 = arith.constant 384 : i32
      %dma_start3A_454 = tpu.memref_slice %arg20[%dma_start3A_452, %dma_start3A_453] : memref<4x2048xf32, #tpu.memory_space<vmem>> -> memref<4x128xf32, #tpu.memory_space<vmem>>
      %dma_start3A_455 = arith.constant 0 : i32
      %dma_start3A_456 = tpu.memref_slice %arg3[%arg1, %dma_start3A_455, %multiple_of3A_435] : memref<16x4x20000xf32, #tpu.memory_space<hbm>> -> memref<1x4x128xf32, #tpu.memory_space<hbm>>
      %dma_start3A_457 = tpu.memref_squeeze %dma_start3A_456 : memref<1x4x128xf32, #tpu.memory_space<hbm>> -> memref<4x128xf32, #tpu.memory_space<hbm>>
      tpu.enqueue_dma source(%dma_start3A_457 : memref<4x128xf32, #tpu.memory_space<hbm>>) target(%dma_start3A_454 : memref<4x128xf32, #tpu.memory_space<vmem>>) target_semaphore(%arg27 : memref<!tpu.dma_semaphore, #tpu.memory_space<semaphore_mem>>)
      %slice3A_458 = vector.extract_strided_slice %and3A_337 {offsets = [4], sizes = [1], strides = [1]} : vector<16xi32> to vector<1xi32>
      %squeeze3A_459 = vector.extract %slice3A_458[0] : i32 from vector<1xi32>
      %multiple_of3A_460 = tpu.assume_multiple %squeeze3A_459, 8 : i32
      %slice3A_461 = vector.extract_strided_slice %mul3A_346 {offsets = [4], sizes = [1], strides = [1]} : vector<16xi32> to vector<1xi32>
      %squeeze3A_462 = vector.extract %slice3A_461[0] : i32 from vector<1xi32>
      %multiple_of3A_463 = tpu.assume_multiple %squeeze3A_462, 128 : i32
      %dma_start3A_464 = arith.constant 0 : i32
      %dma_start3A_465 = arith.constant 512 : i32
      %dma_start3A_466 = tpu.memref_slice %arg18[%dma_start3A_464, %dma_start3A_465] : memref<8x2048xf32, #tpu.memory_space<vmem>> -> memref<8x128xf32, #tpu.memory_space<vmem>>
      %dma_start3A_467 = tpu.memref_slice %arg4[%arg1, %multiple_of3A_460, %multiple_of3A_463] : memref<16x80x20000xf32, #tpu.memory_space<hbm>> -> memref<1x8x128xf32, #tpu.memory_space<hbm>>
      %dma_start3A_468 = tpu.memref_squeeze %dma_start3A_467 : memref<1x8x128xf32, #tpu.memory_space<hbm>> -> memref<8x128xf32, #tpu.memory_space<hbm>>
      %dma_start3A_469 = arith.constant 0 : i32
      %dma_start3A_470 = arith.constant 512 : i32
      %dma_start3A_471 = tpu.memref_slice %arg18[%dma_start3A_469, %dma_start3A_470] : memref<8x2048xf32, #tpu.memory_space<vmem>> -> memref<8x128xf32, #tpu.memory_space<vmem>>
      %dma_start3A_472 = tpu.memref_slice %arg4[%arg1, %multiple_of3A_460, %multiple_of3A_463] : memref<16x80x20000xf32, #tpu.memory_space<hbm>> -> memref<1x8x128xf32, #tpu.memory_space<hbm>>
      %dma_start3A_473 = tpu.memref_squeeze %dma_start3A_472 : memref<1x8x128xf32, #tpu.memory_space<hbm>> -> memref<8x128xf32, #tpu.memory_space<hbm>>
      tpu.enqueue_dma source(%dma_start3A_473 : memref<8x128xf32, #tpu.memory_space<hbm>>) target(%dma_start3A_471 : memref<8x128xf32, #tpu.memory_space<vmem>>) target_semaphore(%arg27 : memref<!tpu.dma_semaphore, #tpu.memory_space<semaphore_mem>>)
      %dma_start3A_474 = arith.constant 0 : i32
      %dma_start3A_475 = arith.constant 512 : i32
      %dma_start3A_476 = tpu.memref_slice %arg20[%dma_start3A_474, %dma_start3A_475] : memref<4x2048xf32, #tpu.memory_space<vmem>> -> memref<4x128xf32, #tpu.memory_space<vmem>>
      %dma_start3A_477 = arith.constant 0 : i32
      %dma_start3A_478 = tpu.memref_slice %arg3[%arg1, %dma_start3A_477, %multiple_of3A_463] : memref<16x4x20000xf32, #tpu.memory_space<hbm>> -> memref<1x4x128xf32, #tpu.memory_space<hbm>>
      %dma_start3A_479 = tpu.memref_squeeze %dma_start3A_478 : memref<1x4x128xf32, #tpu.memory_space<hbm>> -> memref<4x128xf32, #tpu.memory_space<hbm>>
      %dma_start3A_480 = arith.constant 0 : i32
      %dma_start3A_481 = arith.constant 512 : i32
      %dma_start3A_482 = tpu.memref_slice %arg20[%dma_start3A_480, %dma_start3A_481] : memref<4x2048xf32, #tpu.memory_space<vmem>> -> memref<4x128xf32, #tpu.memory_space<vmem>>
      %dma_start3A_483 = arith.constant 0 : i32
      %dma_start3A_484 = tpu.memref_slice %arg3[%arg1, %dma_start3A_483, %multiple_of3A_463] : memref<16x4x20000xf32, #tpu.memory_space<hbm>> -> memref<1x4x128xf32, #tpu.memory_space<hbm>>
      %dma_start3A_485 = tpu.memref_squeeze %dma_start3A_484 : memref<1x4x128xf32, #tpu.memory_space<hbm>> -> memref<4x128xf32, #tpu.memory_space<hbm>>
      tpu.enqueue_dma source(%dma_start3A_485 : memref<4x128xf32, #tpu.memory_space<hbm>>) target(%dma_start3A_482 : memref<4x128xf32, #tpu.memory_space<vmem>>) target_semaphore(%arg27 : memref<!tpu.dma_semaphore, #tpu.memory_space<semaphore_mem>>)
      %slice3A_486 = vector.extract_strided_slice %and3A_337 {offsets = [5], sizes = [1], strides = [1]} : vector<16xi32> to vector<1xi32>
      %squeeze3A_487 = vector.extract %slice3A_486[0] : i32 from vector<1xi32>
      %multiple_of3A_488 = tpu.assume_multiple %squeeze3A_487, 8 : i32
      %slice3A_489 = vector.extract_strided_slice %mul3A_346 {offsets = [5], sizes = [1], strides = [1]} : vector<16xi32> to vector<1xi32>
      %squeeze3A_490 = vector.extract %slice3A_489[0] : i32 from vector<1xi32>
      %multiple_of3A_491 = tpu.assume_multiple %squeeze3A_490, 128 : i32
      %dma_start3A_492 = arith.constant 0 : i32
      %dma_start3A_493 = arith.constant 640 : i32
      %dma_start3A_494 = tpu.memref_slice %arg18[%dma_start3A_492, %dma_start3A_493] : memref<8x2048xf32, #tpu.memory_space<vmem>> -> memref<8x128xf32, #tpu.memory_space<vmem>>
      %dma_start3A_495 = tpu.memref_slice %arg4[%arg1, %multiple_of3A_488, %multiple_of3A_491] : memref<16x80x20000xf32, #tpu.memory_space<hbm>> -> memref<1x8x128xf32, #tpu.memory_space<hbm>>
      %dma_start3A_496 = tpu.memref_squeeze %dma_start3A_495 : memref<1x8x128xf32, #tpu.memory_space<hbm>> -> memref<8x128xf32, #tpu.memory_space<hbm>>
      %dma_start3A_497 = arith.constant 0 : i32
      %dma_start3A_498 = arith.constant 640 : i32
      %dma_start3A_499 = tpu.memref_slice %arg18[%dma_start3A_497, %dma_start3A_498] : memref<8x2048xf32, #tpu.memory_space<vmem>> -> memref<8x128xf32, #tpu.memory_space<vmem>>
      %dma_start3A_500 = tpu.memref_slice %arg4[%arg1, %multiple_of3A_488, %multiple_of3A_491] : memref<16x80x20000xf32, #tpu.memory_space<hbm>> -> memref<1x8x128xf32, #tpu.memory_space<hbm>>
      %dma_start3A_501 = tpu.memref_squeeze %dma_start3A_500 : memref<1x8x128xf32, #tpu.memory_space<hbm>> -> memref<8x128xf32, #tpu.memory_space<hbm>>
      tpu.enqueue_dma source(%dma_start3A_501 : memref<8x128xf32, #tpu.memory_space<hbm>>) target(%dma_start3A_499 : memref<8x128xf32, #tpu.memory_space<vmem>>) target_semaphore(%arg27 : memref<!tpu.dma_semaphore, #tpu.memory_space<semaphore_mem>>)
      %dma_start3A_502 = arith.constant 0 : i32
      %dma_start3A_503 = arith.constant 640 : i32
      %dma_start3A_504 = tpu.memref_slice %arg20[%dma_start3A_502, %dma_start3A_503] : memref<4x2048xf32, #tpu.memory_space<vmem>> -> memref<4x128xf32, #tpu.memory_space<vmem>>
      %dma_start3A_505 = arith.constant 0 : i32
      %dma_start3A_506 = tpu.memref_slice %arg3[%arg1, %dma_start3A_505, %multiple_of3A_491] : memref<16x4x20000xf32, #tpu.memory_space<hbm>> -> memref<1x4x128xf32, #tpu.memory_space<hbm>>
      %dma_start3A_507 = tpu.memref_squeeze %dma_start3A_506 : memref<1x4x128xf32, #tpu.memory_space<hbm>> -> memref<4x128xf32, #tpu.memory_space<hbm>>
      %dma_start3A_508 = arith.constant 0 : i32
      %dma_start3A_509 = arith.constant 640 : i32
      %dma_start3A_510 = tpu.memref_slice %arg20[%dma_start3A_508, %dma_start3A_509] : memref<4x2048xf32, #tpu.memory_space<vmem>> -> memref<4x128xf32, #tpu.memory_space<vmem>>
      %dma_start3A_511 = arith.constant 0 : i32
      %dma_start3A_512 = tpu.memref_slice %arg3[%arg1, %dma_start3A_511, %multiple_of3A_491] : memref<16x4x20000xf32, #tpu.memory_space<hbm>> -> memref<1x4x128xf32, #tpu.memory_space<hbm>>
      %dma_start3A_513 = tpu.memref_squeeze %dma_start3A_512 : memref<1x4x128xf32, #tpu.memory_space<hbm>> -> memref<4x128xf32, #tpu.memory_space<hbm>>
      tpu.enqueue_dma source(%dma_start3A_513 : memref<4x128xf32, #tpu.memory_space<hbm>>) target(%dma_start3A_510 : memref<4x128xf32, #tpu.memory_space<vmem>>) target_semaphore(%arg27 : memref<!tpu.dma_semaphore, #tpu.memory_space<semaphore_mem>>)
      %slice3A_514 = vector.extract_strided_slice %and3A_337 {offsets = [6], sizes = [1], strides = [1]} : vector<16xi32> to vector<1xi32>
      %squeeze3A_515 = vector.extract %slice3A_514[0] : i32 from vector<1xi32>
      %multiple_of3A_516 = tpu.assume_multiple %squeeze3A_515, 8 : i32
      %slice3A_517 = vector.extract_strided_slice %mul3A_346 {offsets = [6], sizes = [1], strides = [1]} : vector<16xi32> to vector<1xi32>
      %squeeze3A_518 = vector.extract %slice3A_517[0] : i32 from vector<1xi32>
      %multiple_of3A_519 = tpu.assume_multiple %squeeze3A_518, 128 : i32
      %dma_start3A_520 = arith.constant 0 : i32
      %dma_start3A_521 = arith.constant 768 : i32
      %dma_start3A_522 = tpu.memref_slice %arg18[%dma_start3A_520, %dma_start3A_521] : memref<8x2048xf32, #tpu.memory_space<vmem>> -> memref<8x128xf32, #tpu.memory_space<vmem>>
      %dma_start3A_523 = tpu.memref_slice %arg4[%arg1, %multiple_of3A_516, %multiple_of3A_519] : memref<16x80x20000xf32, #tpu.memory_space<hbm>> -> memref<1x8x128xf32, #tpu.memory_space<hbm>>
      %dma_start3A_524 = tpu.memref_squeeze %dma_start3A_523 : memref<1x8x128xf32, #tpu.memory_space<hbm>> -> memref<8x128xf32, #tpu.memory_space<hbm>>
      %dma_start3A_525 = arith.constant 0 : i32
      %dma_start3A_526 = arith.constant 768 : i32
      %dma_start3A_527 = tpu.memref_slice %arg18[%dma_start3A_525, %dma_start3A_526] : memref<8x2048xf32, #tpu.memory_space<vmem>> -> memref<8x128xf32, #tpu.memory_space<vmem>>
      %dma_start3A_528 = tpu.memref_slice %arg4[%arg1, %multiple_of3A_516, %multiple_of3A_519] : memref<16x80x20000xf32, #tpu.memory_space<hbm>> -> memref<1x8x128xf32, #tpu.memory_space<hbm>>
      %dma_start3A_529 = tpu.memref_squeeze %dma_start3A_528 : memref<1x8x128xf32, #tpu.memory_space<hbm>> -> memref<8x128xf32, #tpu.memory_space<hbm>>
      tpu.enqueue_dma source(%dma_start3A_529 : memref<8x128xf32, #tpu.memory_space<hbm>>) target(%dma_start3A_527 : memref<8x128xf32, #tpu.memory_space<vmem>>) target_semaphore(%arg27 : memref<!tpu.dma_semaphore, #tpu.memory_space<semaphore_mem>>)
      %dma_start3A_530 = arith.constant 0 : i32
      %dma_start3A_531 = arith.constant 768 : i32
      %dma_start3A_532 = tpu.memref_slice %arg20[%dma_start3A_530, %dma_start3A_531] : memref<4x2048xf32, #tpu.memory_space<vmem>> -> memref<4x128xf32, #tpu.memory_space<vmem>>
      %dma_start3A_533 = arith.constant 0 : i32
      %dma_start3A_534 = tpu.memref_slice %arg3[%arg1, %dma_start3A_533, %multiple_of3A_519] : memref<16x4x20000xf32, #tpu.memory_space<hbm>> -> memref<1x4x128xf32, #tpu.memory_space<hbm>>
      %dma_start3A_535 = tpu.memref_squeeze %dma_start3A_534 : memref<1x4x128xf32, #tpu.memory_space<hbm>> -> memref<4x128xf32, #tpu.memory_space<hbm>>
      %dma_start3A_536 = arith.constant 0 : i32
      %dma_start3A_537 = arith.constant 768 : i32
      %dma_start3A_538 = tpu.memref_slice %arg20[%dma_start3A_536, %dma_start3A_537] : memref<4x2048xf32, #tpu.memory_space<vmem>> -> memref<4x128xf32, #tpu.memory_space<vmem>>
      %dma_start3A_539 = arith.constant 0 : i32
      %dma_start3A_540 = tpu.memref_slice %arg3[%arg1, %dma_start3A_539, %multiple_of3A_519] : memref<16x4x20000xf32, #tpu.memory_space<hbm>> -> memref<1x4x128xf32, #tpu.memory_space<hbm>>
      %dma_start3A_541 = tpu.memref_squeeze %dma_start3A_540 : memref<1x4x128xf32, #tpu.memory_space<hbm>> -> memref<4x128xf32, #tpu.memory_space<hbm>>
      tpu.enqueue_dma source(%dma_start3A_541 : memref<4x128xf32, #tpu.memory_space<hbm>>) target(%dma_start3A_538 : memref<4x128xf32, #tpu.memory_space<vmem>>) target_semaphore(%arg27 : memref<!tpu.dma_semaphore, #tpu.memory_space<semaphore_mem>>)
      %slice3A_542 = vector.extract_strided_slice %and3A_337 {offsets = [7], sizes = [1], strides = [1]} : vector<16xi32> to vector<1xi32>
      %squeeze3A_543 = vector.extract %slice3A_542[0] : i32 from vector<1xi32>
      %multiple_of3A_544 = tpu.assume_multiple %squeeze3A_543, 8 : i32
      %slice3A_545 = vector.extract_strided_slice %mul3A_346 {offsets = [7], sizes = [1], strides = [1]} : vector<16xi32> to vector<1xi32>
      %squeeze3A_546 = vector.extract %slice3A_545[0] : i32 from vector<1xi32>
      %multiple_of3A_547 = tpu.assume_multiple %squeeze3A_546, 128 : i32
      %dma_start3A_548 = arith.constant 0 : i32
      %dma_start3A_549 = arith.constant 896 : i32
      %dma_start3A_550 = tpu.memref_slice %arg18[%dma_start3A_548, %dma_start3A_549] : memref<8x2048xf32, #tpu.memory_space<vmem>> -> memref<8x128xf32, #tpu.memory_space<vmem>>
      %dma_start3A_551 = tpu.memref_slice %arg4[%arg1, %multiple_of3A_544, %multiple_of3A_547] : memref<16x80x20000xf32, #tpu.memory_space<hbm>> -> memref<1x8x128xf32, #tpu.memory_space<hbm>>
      %dma_start3A_552 = tpu.memref_squeeze %dma_start3A_551 : memref<1x8x128xf32, #tpu.memory_space<hbm>> -> memref<8x128xf32, #tpu.memory_space<hbm>>
      %dma_start3A_553 = arith.constant 0 : i32
      %dma_start3A_554 = arith.constant 896 : i32
      %dma_start3A_555 = tpu.memref_slice %arg18[%dma_start3A_553, %dma_start3A_554] : memref<8x2048xf32, #tpu.memory_space<vmem>> -> memref<8x128xf32, #tpu.memory_space<vmem>>
      %dma_start3A_556 = tpu.memref_slice %arg4[%arg1, %multiple_of3A_544, %multiple_of3A_547] : memref<16x80x20000xf32, #tpu.memory_space<hbm>> -> memref<1x8x128xf32, #tpu.memory_space<hbm>>
      %dma_start3A_557 = tpu.memref_squeeze %dma_start3A_556 : memref<1x8x128xf32, #tpu.memory_space<hbm>> -> memref<8x128xf32, #tpu.memory_space<hbm>>
      tpu.enqueue_dma source(%dma_start3A_557 : memref<8x128xf32, #tpu.memory_space<hbm>>) target(%dma_start3A_555 : memref<8x128xf32, #tpu.memory_space<vmem>>) target_semaphore(%arg27 : memref<!tpu.dma_semaphore, #tpu.memory_space<semaphore_mem>>)
      %dma_start3A_558 = arith.constant 0 : i32
      %dma_start3A_559 = arith.constant 896 : i32
      %dma_start3A_560 = tpu.memref_slice %arg20[%dma_start3A_558, %dma_start3A_559] : memref<4x2048xf32, #tpu.memory_space<vmem>> -> memref<4x128xf32, #tpu.memory_space<vmem>>
      %dma_start3A_561 = arith.constant 0 : i32
      %dma_start3A_562 = tpu.memref_slice %arg3[%arg1, %dma_start3A_561, %multiple_of3A_547] : memref<16x4x20000xf32, #tpu.memory_space<hbm>> -> memref<1x4x128xf32, #tpu.memory_space<hbm>>
      %dma_start3A_563 = tpu.memref_squeeze %dma_start3A_562 : memref<1x4x128xf32, #tpu.memory_space<hbm>> -> memref<4x128xf32, #tpu.memory_space<hbm>>
      %dma_start3A_564 = arith.constant 0 : i32
      %dma_start3A_565 = arith.constant 896 : i32
      %dma_start3A_566 = tpu.memref_slice %arg20[%dma_start3A_564, %dma_start3A_565] : memref<4x2048xf32, #tpu.memory_space<vmem>> -> memref<4x128xf32, #tpu.memory_space<vmem>>
      %dma_start3A_567 = arith.constant 0 : i32
      %dma_start3A_568 = tpu.memref_slice %arg3[%arg1, %dma_start3A_567, %multiple_of3A_547] : memref<16x4x20000xf32, #tpu.memory_space<hbm>> -> memref<1x4x128xf32, #tpu.memory_space<hbm>>
      %dma_start3A_569 = tpu.memref_squeeze %dma_start3A_568 : memref<1x4x128xf32, #tpu.memory_space<hbm>> -> memref<4x128xf32, #tpu.memory_space<hbm>>
      tpu.enqueue_dma source(%dma_start3A_569 : memref<4x128xf32, #tpu.memory_space<hbm>>) target(%dma_start3A_566 : memref<4x128xf32, #tpu.memory_space<vmem>>) target_semaphore(%arg27 : memref<!tpu.dma_semaphore, #tpu.memory_space<semaphore_mem>>)
      %slice3A_570 = vector.extract_strided_slice %and3A_337 {offsets = [8], sizes = [1], strides = [1]} : vector<16xi32> to vector<1xi32>
      %squeeze3A_571 = vector.extract %slice3A_570[0] : i32 from vector<1xi32>
      %multiple_of3A_572 = tpu.assume_multiple %squeeze3A_571, 8 : i32
      %slice3A_573 = vector.extract_strided_slice %mul3A_346 {offsets = [8], sizes = [1], strides = [1]} : vector<16xi32> to vector<1xi32>
      %squeeze3A_574 = vector.extract %slice3A_573[0] : i32 from vector<1xi32>
      %multiple_of3A_575 = tpu.assume_multiple %squeeze3A_574, 128 : i32
      %dma_start3A_576 = arith.constant 0 : i32
      %dma_start3A_577 = arith.constant 1024 : i32
      %dma_start3A_578 = tpu.memref_slice %arg18[%dma_start3A_576, %dma_start3A_577] : memref<8x2048xf32, #tpu.memory_space<vmem>> -> memref<8x128xf32, #tpu.memory_space<vmem>>
      %dma_start3A_579 = tpu.memref_slice %arg4[%arg1, %multiple_of3A_572, %multiple_of3A_575] : memref<16x80x20000xf32, #tpu.memory_space<hbm>> -> memref<1x8x128xf32, #tpu.memory_space<hbm>>
      %dma_start3A_580 = tpu.memref_squeeze %dma_start3A_579 : memref<1x8x128xf32, #tpu.memory_space<hbm>> -> memref<8x128xf32, #tpu.memory_space<hbm>>
      %dma_start3A_581 = arith.constant 0 : i32
      %dma_start3A_582 = arith.constant 1024 : i32
      %dma_start3A_583 = tpu.memref_slice %arg18[%dma_start3A_581, %dma_start3A_582] : memref<8x2048xf32, #tpu.memory_space<vmem>> -> memref<8x128xf32, #tpu.memory_space<vmem>>
      %dma_start3A_584 = tpu.memref_slice %arg4[%arg1, %multiple_of3A_572, %multiple_of3A_575] : memref<16x80x20000xf32, #tpu.memory_space<hbm>> -> memref<1x8x128xf32, #tpu.memory_space<hbm>>
      %dma_start3A_585 = tpu.memref_squeeze %dma_start3A_584 : memref<1x8x128xf32, #tpu.memory_space<hbm>> -> memref<8x128xf32, #tpu.memory_space<hbm>>
      tpu.enqueue_dma source(%dma_start3A_585 : memref<8x128xf32, #tpu.memory_space<hbm>>) target(%dma_start3A_583 : memref<8x128xf32, #tpu.memory_space<vmem>>) target_semaphore(%arg27 : memref<!tpu.dma_semaphore, #tpu.memory_space<semaphore_mem>>)
      %dma_start3A_586 = arith.constant 0 : i32
      %dma_start3A_587 = arith.constant 1024 : i32
      %dma_start3A_588 = tpu.memref_slice %arg20[%dma_start3A_586, %dma_start3A_587] : memref<4x2048xf32, #tpu.memory_space<vmem>> -> memref<4x128xf32, #tpu.memory_space<vmem>>
      %dma_start3A_589 = arith.constant 0 : i32
      %dma_start3A_590 = tpu.memref_slice %arg3[%arg1, %dma_start3A_589, %multiple_of3A_575] : memref<16x4x20000xf32, #tpu.memory_space<hbm>> -> memref<1x4x128xf32, #tpu.memory_space<hbm>>
      %dma_start3A_591 = tpu.memref_squeeze %dma_start3A_590 : memref<1x4x128xf32, #tpu.memory_space<hbm>> -> memref<4x128xf32, #tpu.memory_space<hbm>>
      %dma_start3A_592 = arith.constant 0 : i32
      %dma_start3A_593 = arith.constant 1024 : i32
      %dma_start3A_594 = tpu.memref_slice %arg20[%dma_start3A_592, %dma_start3A_593] : memref<4x2048xf32, #tpu.memory_space<vmem>> -> memref<4x128xf32, #tpu.memory_space<vmem>>
      %dma_start3A_595 = arith.constant 0 : i32
      %dma_start3A_596 = tpu.memref_slice %arg3[%arg1, %dma_start3A_595, %multiple_of3A_575] : memref<16x4x20000xf32, #tpu.memory_space<hbm>> -> memref<1x4x128xf32, #tpu.memory_space<hbm>>
      %dma_start3A_597 = tpu.memref_squeeze %dma_start3A_596 : memref<1x4x128xf32, #tpu.memory_space<hbm>> -> memref<4x128xf32, #tpu.memory_space<hbm>>
      tpu.enqueue_dma source(%dma_start3A_597 : memref<4x128xf32, #tpu.memory_space<hbm>>) target(%dma_start3A_594 : memref<4x128xf32, #tpu.memory_space<vmem>>) target_semaphore(%arg27 : memref<!tpu.dma_semaphore, #tpu.memory_space<semaphore_mem>>)
      %slice3A_598 = vector.extract_strided_slice %and3A_337 {offsets = [9], sizes = [1], strides = [1]} : vector<16xi32> to vector<1xi32>
      %squeeze3A_599 = vector.extract %slice3A_598[0] : i32 from vector<1xi32>
      %multiple_of3A_600 = tpu.assume_multiple %squeeze3A_599, 8 : i32
      %slice3A_601 = vector.extract_strided_slice %mul3A_346 {offsets = [9], sizes = [1], strides = [1]} : vector<16xi32> to vector<1xi32>
      %squeeze3A_602 = vector.extract %slice3A_601[0] : i32 from vector<1xi32>
      %multiple_of3A_603 = tpu.assume_multiple %squeeze3A_602, 128 : i32
      %dma_start3A_604 = arith.constant 0 : i32
      %dma_start3A_605 = arith.constant 1152 : i32
      %dma_start3A_606 = tpu.memref_slice %arg18[%dma_start3A_604, %dma_start3A_605] : memref<8x2048xf32, #tpu.memory_space<vmem>> -> memref<8x128xf32, #tpu.memory_space<vmem>>
      %dma_start3A_607 = tpu.memref_slice %arg4[%arg1, %multiple_of3A_600, %multiple_of3A_603] : memref<16x80x20000xf32, #tpu.memory_space<hbm>> -> memref<1x8x128xf32, #tpu.memory_space<hbm>>
      %dma_start3A_608 = tpu.memref_squeeze %dma_start3A_607 : memref<1x8x128xf32, #tpu.memory_space<hbm>> -> memref<8x128xf32, #tpu.memory_space<hbm>>
      %dma_start3A_609 = arith.constant 0 : i32
      %dma_start3A_610 = arith.constant 1152 : i32
      %dma_start3A_611 = tpu.memref_slice %arg18[%dma_start3A_609, %dma_start3A_610] : memref<8x2048xf32, #tpu.memory_space<vmem>> -> memref<8x128xf32, #tpu.memory_space<vmem>>
      %dma_start3A_612 = tpu.memref_slice %arg4[%arg1, %multiple_of3A_600, %multiple_of3A_603] : memref<16x80x20000xf32, #tpu.memory_space<hbm>> -> memref<1x8x128xf32, #tpu.memory_space<hbm>>
      %dma_start3A_613 = tpu.memref_squeeze %dma_start3A_612 : memref<1x8x128xf32, #tpu.memory_space<hbm>> -> memref<8x128xf32, #tpu.memory_space<hbm>>
      tpu.enqueue_dma source(%dma_start3A_613 : memref<8x128xf32, #tpu.memory_space<hbm>>) target(%dma_start3A_611 : memref<8x128xf32, #tpu.memory_space<vmem>>) target_semaphore(%arg27 : memref<!tpu.dma_semaphore, #tpu.memory_space<semaphore_mem>>)
      %dma_start3A_614 = arith.constant 0 : i32
      %dma_start3A_615 = arith.constant 1152 : i32
      %dma_start3A_616 = tpu.memref_slice %arg20[%dma_start3A_614, %dma_start3A_615] : memref<4x2048xf32, #tpu.memory_space<vmem>> -> memref<4x128xf32, #tpu.memory_space<vmem>>
      %dma_start3A_617 = arith.constant 0 : i32
      %dma_start3A_618 = tpu.memref_slice %arg3[%arg1, %dma_start3A_617, %multiple_of3A_603] : memref<16x4x20000xf32, #tpu.memory_space<hbm>> -> memref<1x4x128xf32, #tpu.memory_space<hbm>>
      %dma_start3A_619 = tpu.memref_squeeze %dma_start3A_618 : memref<1x4x128xf32, #tpu.memory_space<hbm>> -> memref<4x128xf32, #tpu.memory_space<hbm>>
      %dma_start3A_620 = arith.constant 0 : i32
      %dma_start3A_621 = arith.constant 1152 : i32
      %dma_start3A_622 = tpu.memref_slice %arg20[%dma_start3A_620, %dma_start3A_621] : memref<4x2048xf32, #tpu.memory_space<vmem>> -> memref<4x128xf32, #tpu.memory_space<vmem>>
      %dma_start3A_623 = arith.constant 0 : i32
      %dma_start3A_624 = tpu.memref_slice %arg3[%arg1, %dma_start3A_623, %multiple_of3A_603] : memref<16x4x20000xf32, #tpu.memory_space<hbm>> -> memref<1x4x128xf32, #tpu.memory_space<hbm>>
      %dma_start3A_625 = tpu.memref_squeeze %dma_start3A_624 : memref<1x4x128xf32, #tpu.memory_space<hbm>> -> memref<4x128xf32, #tpu.memory_space<hbm>>
      tpu.enqueue_dma source(%dma_start3A_625 : memref<4x128xf32, #tpu.memory_space<hbm>>) target(%dma_start3A_622 : memref<4x128xf32, #tpu.memory_space<vmem>>) target_semaphore(%arg27 : memref<!tpu.dma_semaphore, #tpu.memory_space<semaphore_mem>>)
      %slice3A_626 = vector.extract_strided_slice %and3A_337 {offsets = [10], sizes = [1], strides = [1]} : vector<16xi32> to vector<1xi32>
      %squeeze3A_627 = vector.extract %slice3A_626[0] : i32 from vector<1xi32>
      %multiple_of3A_628 = tpu.assume_multiple %squeeze3A_627, 8 : i32
      %slice3A_629 = vector.extract_strided_slice %mul3A_346 {offsets = [10], sizes = [1], strides = [1]} : vector<16xi32> to vector<1xi32>
      %squeeze3A_630 = vector.extract %slice3A_629[0] : i32 from vector<1xi32>
      %multiple_of3A_631 = tpu.assume_multiple %squeeze3A_630, 128 : i32
      %dma_start3A_632 = arith.constant 0 : i32
      %dma_start3A_633 = arith.constant 1280 : i32
      %dma_start3A_634 = tpu.memref_slice %arg18[%dma_start3A_632, %dma_start3A_633] : memref<8x2048xf32, #tpu.memory_space<vmem>> -> memref<8x128xf32, #tpu.memory_space<vmem>>
      %dma_start3A_635 = tpu.memref_slice %arg4[%arg1, %multiple_of3A_628, %multiple_of3A_631] : memref<16x80x20000xf32, #tpu.memory_space<hbm>> -> memref<1x8x128xf32, #tpu.memory_space<hbm>>
      %dma_start3A_636 = tpu.memref_squeeze %dma_start3A_635 : memref<1x8x128xf32, #tpu.memory_space<hbm>> -> memref<8x128xf32, #tpu.memory_space<hbm>>
      %dma_start3A_637 = arith.constant 0 : i32
      %dma_start3A_638 = arith.constant 1280 : i32
      %dma_start3A_639 = tpu.memref_slice %arg18[%dma_start3A_637, %dma_start3A_638] : memref<8x2048xf32, #tpu.memory_space<vmem>> -> memref<8x128xf32, #tpu.memory_space<vmem>>
      %dma_start3A_640 = tpu.memref_slice %arg4[%arg1, %multiple_of3A_628, %multiple_of3A_631] : memref<16x80x20000xf32, #tpu.memory_space<hbm>> -> memref<1x8x128xf32, #tpu.memory_space<hbm>>
      %dma_start3A_641 = tpu.memref_squeeze %dma_start3A_640 : memref<1x8x128xf32, #tpu.memory_space<hbm>> -> memref<8x128xf32, #tpu.memory_space<hbm>>
      tpu.enqueue_dma source(%dma_start3A_641 : memref<8x128xf32, #tpu.memory_space<hbm>>) target(%dma_start3A_639 : memref<8x128xf32, #tpu.memory_space<vmem>>) target_semaphore(%arg27 : memref<!tpu.dma_semaphore, #tpu.memory_space<semaphore_mem>>)
      %dma_start3A_642 = arith.constant 0 : i32
      %dma_start3A_643 = arith.constant 1280 : i32
      %dma_start3A_644 = tpu.memref_slice %arg20[%dma_start3A_642, %dma_start3A_643] : memref<4x2048xf32, #tpu.memory_space<vmem>> -> memref<4x128xf32, #tpu.memory_space<vmem>>
      %dma_start3A_645 = arith.constant 0 : i32
      %dma_start3A_646 = tpu.memref_slice %arg3[%arg1, %dma_start3A_645, %multiple_of3A_631] : memref<16x4x20000xf32, #tpu.memory_space<hbm>> -> memref<1x4x128xf32, #tpu.memory_space<hbm>>
      %dma_start3A_647 = tpu.memref_squeeze %dma_start3A_646 : memref<1x4x128xf32, #tpu.memory_space<hbm>> -> memref<4x128xf32, #tpu.memory_space<hbm>>
      %dma_start3A_648 = arith.constant 0 : i32
      %dma_start3A_649 = arith.constant 1280 : i32
      %dma_start3A_650 = tpu.memref_slice %arg20[%dma_start3A_648, %dma_start3A_649] : memref<4x2048xf32, #tpu.memory_space<vmem>> -> memref<4x128xf32, #tpu.memory_space<vmem>>
      %dma_start3A_651 = arith.constant 0 : i32
      %dma_start3A_652 = tpu.memref_slice %arg3[%arg1, %dma_start3A_651, %multiple_of3A_631] : memref<16x4x20000xf32, #tpu.memory_space<hbm>> -> memref<1x4x128xf32, #tpu.memory_space<hbm>>
      %dma_start3A_653 = tpu.memref_squeeze %dma_start3A_652 : memref<1x4x128xf32, #tpu.memory_space<hbm>> -> memref<4x128xf32, #tpu.memory_space<hbm>>
      tpu.enqueue_dma source(%dma_start3A_653 : memref<4x128xf32, #tpu.memory_space<hbm>>) target(%dma_start3A_650 : memref<4x128xf32, #tpu.memory_space<vmem>>) target_semaphore(%arg27 : memref<!tpu.dma_semaphore, #tpu.memory_space<semaphore_mem>>)
      %slice3A_654 = vector.extract_strided_slice %and3A_337 {offsets = [11], sizes = [1], strides = [1]} : vector<16xi32> to vector<1xi32>
      %squeeze3A_655 = vector.extract %slice3A_654[0] : i32 from vector<1xi32>
      %multiple_of3A_656 = tpu.assume_multiple %squeeze3A_655, 8 : i32
      %slice3A_657 = vector.extract_strided_slice %mul3A_346 {offsets = [11], sizes = [1], strides = [1]} : vector<16xi32> to vector<1xi32>
      %squeeze3A_658 = vector.extract %slice3A_657[0] : i32 from vector<1xi32>
      %multiple_of3A_659 = tpu.assume_multiple %squeeze3A_658, 128 : i32
      %dma_start3A_660 = arith.constant 0 : i32
      %dma_start3A_661 = arith.constant 1408 : i32
      %dma_start3A_662 = tpu.memref_slice %arg18[%dma_start3A_660, %dma_start3A_661] : memref<8x2048xf32, #tpu.memory_space<vmem>> -> memref<8x128xf32, #tpu.memory_space<vmem>>
      %dma_start3A_663 = tpu.memref_slice %arg4[%arg1, %multiple_of3A_656, %multiple_of3A_659] : memref<16x80x20000xf32, #tpu.memory_space<hbm>> -> memref<1x8x128xf32, #tpu.memory_space<hbm>>
      %dma_start3A_664 = tpu.memref_squeeze %dma_start3A_663 : memref<1x8x128xf32, #tpu.memory_space<hbm>> -> memref<8x128xf32, #tpu.memory_space<hbm>>
      %dma_start3A_665 = arith.constant 0 : i32
      %dma_start3A_666 = arith.constant 1408 : i32
      %dma_start3A_667 = tpu.memref_slice %arg18[%dma_start3A_665, %dma_start3A_666] : memref<8x2048xf32, #tpu.memory_space<vmem>> -> memref<8x128xf32, #tpu.memory_space<vmem>>
      %dma_start3A_668 = tpu.memref_slice %arg4[%arg1, %multiple_of3A_656, %multiple_of3A_659] : memref<16x80x20000xf32, #tpu.memory_space<hbm>> -> memref<1x8x128xf32, #tpu.memory_space<hbm>>
      %dma_start3A_669 = tpu.memref_squeeze %dma_start3A_668 : memref<1x8x128xf32, #tpu.memory_space<hbm>> -> memref<8x128xf32, #tpu.memory_space<hbm>>
      tpu.enqueue_dma source(%dma_start3A_669 : memref<8x128xf32, #tpu.memory_space<hbm>>) target(%dma_start3A_667 : memref<8x128xf32, #tpu.memory_space<vmem>>) target_semaphore(%arg27 : memref<!tpu.dma_semaphore, #tpu.memory_space<semaphore_mem>>)
      %dma_start3A_670 = arith.constant 0 : i32
      %dma_start3A_671 = arith.constant 1408 : i32
      %dma_start3A_672 = tpu.memref_slice %arg20[%dma_start3A_670, %dma_start3A_671] : memref<4x2048xf32, #tpu.memory_space<vmem>> -> memref<4x128xf32, #tpu.memory_space<vmem>>
      %dma_start3A_673 = arith.constant 0 : i32
      %dma_start3A_674 = tpu.memref_slice %arg3[%arg1, %dma_start3A_673, %multiple_of3A_659] : memref<16x4x20000xf32, #tpu.memory_space<hbm>> -> memref<1x4x128xf32, #tpu.memory_space<hbm>>
      %dma_start3A_675 = tpu.memref_squeeze %dma_start3A_674 : memref<1x4x128xf32, #tpu.memory_space<hbm>> -> memref<4x128xf32, #tpu.memory_space<hbm>>
      %dma_start3A_676 = arith.constant 0 : i32
      %dma_start3A_677 = arith.constant 1408 : i32
      %dma_start3A_678 = tpu.memref_slice %arg20[%dma_start3A_676, %dma_start3A_677] : memref<4x2048xf32, #tpu.memory_space<vmem>> -> memref<4x128xf32, #tpu.memory_space<vmem>>
      %dma_start3A_679 = arith.constant 0 : i32
      %dma_start3A_680 = tpu.memref_slice %arg3[%arg1, %dma_start3A_679, %multiple_of3A_659] : memref<16x4x20000xf32, #tpu.memory_space<hbm>> -> memref<1x4x128xf32, #tpu.memory_space<hbm>>
      %dma_start3A_681 = tpu.memref_squeeze %dma_start3A_680 : memref<1x4x128xf32, #tpu.memory_space<hbm>> -> memref<4x128xf32, #tpu.memory_space<hbm>>
      tpu.enqueue_dma source(%dma_start3A_681 : memref<4x128xf32, #tpu.memory_space<hbm>>) target(%dma_start3A_678 : memref<4x128xf32, #tpu.memory_space<vmem>>) target_semaphore(%arg27 : memref<!tpu.dma_semaphore, #tpu.memory_space<semaphore_mem>>)
      %slice3A_682 = vector.extract_strided_slice %and3A_337 {offsets = [12], sizes = [1], strides = [1]} : vector<16xi32> to vector<1xi32>
      %squeeze3A_683 = vector.extract %slice3A_682[0] : i32 from vector<1xi32>
      %multiple_of3A_684 = tpu.assume_multiple %squeeze3A_683, 8 : i32
      %slice3A_685 = vector.extract_strided_slice %mul3A_346 {offsets = [12], sizes = [1], strides = [1]} : vector<16xi32> to vector<1xi32>
      %squeeze3A_686 = vector.extract %slice3A_685[0] : i32 from vector<1xi32>
      %multiple_of3A_687 = tpu.assume_multiple %squeeze3A_686, 128 : i32
      %dma_start3A_688 = arith.constant 0 : i32
      %dma_start3A_689 = arith.constant 1536 : i32
      %dma_start3A_690 = tpu.memref_slice %arg18[%dma_start3A_688, %dma_start3A_689] : memref<8x2048xf32, #tpu.memory_space<vmem>> -> memref<8x128xf32, #tpu.memory_space<vmem>>
      %dma_start3A_691 = tpu.memref_slice %arg4[%arg1, %multiple_of3A_684, %multiple_of3A_687] : memref<16x80x20000xf32, #tpu.memory_space<hbm>> -> memref<1x8x128xf32, #tpu.memory_space<hbm>>
      %dma_start3A_692 = tpu.memref_squeeze %dma_start3A_691 : memref<1x8x128xf32, #tpu.memory_space<hbm>> -> memref<8x128xf32, #tpu.memory_space<hbm>>
      %dma_start3A_693 = arith.constant 0 : i32
      %dma_start3A_694 = arith.constant 1536 : i32
      %dma_start3A_695 = tpu.memref_slice %arg18[%dma_start3A_693, %dma_start3A_694] : memref<8x2048xf32, #tpu.memory_space<vmem>> -> memref<8x128xf32, #tpu.memory_space<vmem>>
      %dma_start3A_696 = tpu.memref_slice %arg4[%arg1, %multiple_of3A_684, %multiple_of3A_687] : memref<16x80x20000xf32, #tpu.memory_space<hbm>> -> memref<1x8x128xf32, #tpu.memory_space<hbm>>
      %dma_start3A_697 = tpu.memref_squeeze %dma_start3A_696 : memref<1x8x128xf32, #tpu.memory_space<hbm>> -> memref<8x128xf32, #tpu.memory_space<hbm>>
      tpu.enqueue_dma source(%dma_start3A_697 : memref<8x128xf32, #tpu.memory_space<hbm>>) target(%dma_start3A_695 : memref<8x128xf32, #tpu.memory_space<vmem>>) target_semaphore(%arg27 : memref<!tpu.dma_semaphore, #tpu.memory_space<semaphore_mem>>)
      %dma_start3A_698 = arith.constant 0 : i32
      %dma_start3A_699 = arith.constant 1536 : i32
      %dma_start3A_700 = tpu.memref_slice %arg20[%dma_start3A_698, %dma_start3A_699] : memref<4x2048xf32, #tpu.memory_space<vmem>> -> memref<4x128xf32, #tpu.memory_space<vmem>>
      %dma_start3A_701 = arith.constant 0 : i32
      %dma_start3A_702 = tpu.memref_slice %arg3[%arg1, %dma_start3A_701, %multiple_of3A_687] : memref<16x4x20000xf32, #tpu.memory_space<hbm>> -> memref<1x4x128xf32, #tpu.memory_space<hbm>>
      %dma_start3A_703 = tpu.memref_squeeze %dma_start3A_702 : memref<1x4x128xf32, #tpu.memory_space<hbm>> -> memref<4x128xf32, #tpu.memory_space<hbm>>
      %dma_start3A_704 = arith.constant 0 : i32
      %dma_start3A_705 = arith.constant 1536 : i32
      %dma_start3A_706 = tpu.memref_slice %arg20[%dma_start3A_704, %dma_start3A_705] : memref<4x2048xf32, #tpu.memory_space<vmem>> -> memref<4x128xf32, #tpu.memory_space<vmem>>
      %dma_start3A_707 = arith.constant 0 : i32
      %dma_start3A_708 = tpu.memref_slice %arg3[%arg1, %dma_start3A_707, %multiple_of3A_687] : memref<16x4x20000xf32, #tpu.memory_space<hbm>> -> memref<1x4x128xf32, #tpu.memory_space<hbm>>
      %dma_start3A_709 = tpu.memref_squeeze %dma_start3A_708 : memref<1x4x128xf32, #tpu.memory_space<hbm>> -> memref<4x128xf32, #tpu.memory_space<hbm>>
      tpu.enqueue_dma source(%dma_start3A_709 : memref<4x128xf32, #tpu.memory_space<hbm>>) target(%dma_start3A_706 : memref<4x128xf32, #tpu.memory_space<vmem>>) target_semaphore(%arg27 : memref<!tpu.dma_semaphore, #tpu.memory_space<semaphore_mem>>)
      %slice3A_710 = vector.extract_strided_slice %and3A_337 {offsets = [13], sizes = [1], strides = [1]} : vector<16xi32> to vector<1xi32>
      %squeeze3A_711 = vector.extract %slice3A_710[0] : i32 from vector<1xi32>
      %multiple_of3A_712 = tpu.assume_multiple %squeeze3A_711, 8 : i32
      %slice3A_713 = vector.extract_strided_slice %mul3A_346 {offsets = [13], sizes = [1], strides = [1]} : vector<16xi32> to vector<1xi32>
      %squeeze3A_714 = vector.extract %slice3A_713[0] : i32 from vector<1xi32>
      %multiple_of3A_715 = tpu.assume_multiple %squeeze3A_714, 128 : i32
      %dma_start3A_716 = arith.constant 0 : i32
      %dma_start3A_717 = arith.constant 1664 : i32
      %dma_start3A_718 = tpu.memref_slice %arg18[%dma_start3A_716, %dma_start3A_717] : memref<8x2048xf32, #tpu.memory_space<vmem>> -> memref<8x128xf32, #tpu.memory_space<vmem>>
      %dma_start3A_719 = tpu.memref_slice %arg4[%arg1, %multiple_of3A_712, %multiple_of3A_715] : memref<16x80x20000xf32, #tpu.memory_space<hbm>> -> memref<1x8x128xf32, #tpu.memory_space<hbm>>
      %dma_start3A_720 = tpu.memref_squeeze %dma_start3A_719 : memref<1x8x128xf32, #tpu.memory_space<hbm>> -> memref<8x128xf32, #tpu.memory_space<hbm>>
      %dma_start3A_721 = arith.constant 0 : i32
      %dma_start3A_722 = arith.constant 1664 : i32
      %dma_start3A_723 = tpu.memref_slice %arg18[%dma_start3A_721, %dma_start3A_722] : memref<8x2048xf32, #tpu.memory_space<vmem>> -> memref<8x128xf32, #tpu.memory_space<vmem>>
      %dma_start3A_724 = tpu.memref_slice %arg4[%arg1, %multiple_of3A_712, %multiple_of3A_715] : memref<16x80x20000xf32, #tpu.memory_space<hbm>> -> memref<1x8x128xf32, #tpu.memory_space<hbm>>
      %dma_start3A_725 = tpu.memref_squeeze %dma_start3A_724 : memref<1x8x128xf32, #tpu.memory_space<hbm>> -> memref<8x128xf32, #tpu.memory_space<hbm>>
      tpu.enqueue_dma source(%dma_start3A_725 : memref<8x128xf32, #tpu.memory_space<hbm>>) target(%dma_start3A_723 : memref<8x128xf32, #tpu.memory_space<vmem>>) target_semaphore(%arg27 : memref<!tpu.dma_semaphore, #tpu.memory_space<semaphore_mem>>)
      %dma_start3A_726 = arith.constant 0 : i32
      %dma_start3A_727 = arith.constant 1664 : i32
      %dma_start3A_728 = tpu.memref_slice %arg20[%dma_start3A_726, %dma_start3A_727] : memref<4x2048xf32, #tpu.memory_space<vmem>> -> memref<4x128xf32, #tpu.memory_space<vmem>>
      %dma_start3A_729 = arith.constant 0 : i32
      %dma_start3A_730 = tpu.memref_slice %arg3[%arg1, %dma_start3A_729, %multiple_of3A_715] : memref<16x4x20000xf32, #tpu.memory_space<hbm>> -> memref<1x4x128xf32, #tpu.memory_space<hbm>>
      %dma_start3A_731 = tpu.memref_squeeze %dma_start3A_730 : memref<1x4x128xf32, #tpu.memory_space<hbm>> -> memref<4x128xf32, #tpu.memory_space<hbm>>
      %dma_start3A_732 = arith.constant 0 : i32
      %dma_start3A_733 = arith.constant 1664 : i32
      %dma_start3A_734 = tpu.memref_slice %arg20[%dma_start3A_732, %dma_start3A_733] : memref<4x2048xf32, #tpu.memory_space<vmem>> -> memref<4x128xf32, #tpu.memory_space<vmem>>
      %dma_start3A_735 = arith.constant 0 : i32
      %dma_start3A_736 = tpu.memref_slice %arg3[%arg1, %dma_start3A_735, %multiple_of3A_715] : memref<16x4x20000xf32, #tpu.memory_space<hbm>> -> memref<1x4x128xf32, #tpu.memory_space<hbm>>
      %dma_start3A_737 = tpu.memref_squeeze %dma_start3A_736 : memref<1x4x128xf32, #tpu.memory_space<hbm>> -> memref<4x128xf32, #tpu.memory_space<hbm>>
      tpu.enqueue_dma source(%dma_start3A_737 : memref<4x128xf32, #tpu.memory_space<hbm>>) target(%dma_start3A_734 : memref<4x128xf32, #tpu.memory_space<vmem>>) target_semaphore(%arg27 : memref<!tpu.dma_semaphore, #tpu.memory_space<semaphore_mem>>)
      %slice3A_738 = vector.extract_strided_slice %and3A_337 {offsets = [14], sizes = [1], strides = [1]} : vector<16xi32> to vector<1xi32>
      %squeeze3A_739 = vector.extract %slice3A_738[0] : i32 from vector<1xi32>
      %multiple_of3A_740 = tpu.assume_multiple %squeeze3A_739, 8 : i32
      %slice3A_741 = vector.extract_strided_slice %mul3A_346 {offsets = [14], sizes = [1], strides = [1]} : vector<16xi32> to vector<1xi32>
      %squeeze3A_742 = vector.extract %slice3A_741[0] : i32 from vector<1xi32>
      %multiple_of3A_743 = tpu.assume_multiple %squeeze3A_742, 128 : i32
      %dma_start3A_744 = arith.constant 0 : i32
      %dma_start3A_745 = arith.constant 1792 : i32
      %dma_start3A_746 = tpu.memref_slice %arg18[%dma_start3A_744, %dma_start3A_745] : memref<8x2048xf32, #tpu.memory_space<vmem>> -> memref<8x128xf32, #tpu.memory_space<vmem>>
      %dma_start3A_747 = tpu.memref_slice %arg4[%arg1, %multiple_of3A_740, %multiple_of3A_743] : memref<16x80x20000xf32, #tpu.memory_space<hbm>> -> memref<1x8x128xf32, #tpu.memory_space<hbm>>
      %dma_start3A_748 = tpu.memref_squeeze %dma_start3A_747 : memref<1x8x128xf32, #tpu.memory_space<hbm>> -> memref<8x128xf32, #tpu.memory_space<hbm>>
      %dma_start3A_749 = arith.constant 0 : i32
      %dma_start3A_750 = arith.constant 1792 : i32
      %dma_start3A_751 = tpu.memref_slice %arg18[%dma_start3A_749, %dma_start3A_750] : memref<8x2048xf32, #tpu.memory_space<vmem>> -> memref<8x128xf32, #tpu.memory_space<vmem>>
      %dma_start3A_752 = tpu.memref_slice %arg4[%arg1, %multiple_of3A_740, %multiple_of3A_743] : memref<16x80x20000xf32, #tpu.memory_space<hbm>> -> memref<1x8x128xf32, #tpu.memory_space<hbm>>
      %dma_start3A_753 = tpu.memref_squeeze %dma_start3A_752 : memref<1x8x128xf32, #tpu.memory_space<hbm>> -> memref<8x128xf32, #tpu.memory_space<hbm>>
      tpu.enqueue_dma source(%dma_start3A_753 : memref<8x128xf32, #tpu.memory_space<hbm>>) target(%dma_start3A_751 : memref<8x128xf32, #tpu.memory_space<vmem>>) target_semaphore(%arg27 : memref<!tpu.dma_semaphore, #tpu.memory_space<semaphore_mem>>)
      %dma_start3A_754 = arith.constant 0 : i32
      %dma_start3A_755 = arith.constant 1792 : i32
      %dma_start3A_756 = tpu.memref_slice %arg20[%dma_start3A_754, %dma_start3A_755] : memref<4x2048xf32, #tpu.memory_space<vmem>> -> memref<4x128xf32, #tpu.memory_space<vmem>>
      %dma_start3A_757 = arith.constant 0 : i32
      %dma_start3A_758 = tpu.memref_slice %arg3[%arg1, %dma_start3A_757, %multiple_of3A_743] : memref<16x4x20000xf32, #tpu.memory_space<hbm>> -> memref<1x4x128xf32, #tpu.memory_space<hbm>>
      %dma_start3A_759 = tpu.memref_squeeze %dma_start3A_758 : memref<1x4x128xf32, #tpu.memory_space<hbm>> -> memref<4x128xf32, #tpu.memory_space<hbm>>
      %dma_start3A_760 = arith.constant 0 : i32
      %dma_start3A_761 = arith.constant 1792 : i32
      %dma_start3A_762 = tpu.memref_slice %arg20[%dma_start3A_760, %dma_start3A_761] : memref<4x2048xf32, #tpu.memory_space<vmem>> -> memref<4x128xf32, #tpu.memory_space<vmem>>
      %dma_start3A_763 = arith.constant 0 : i32
      %dma_start3A_764 = tpu.memref_slice %arg3[%arg1, %dma_start3A_763, %multiple_of3A_743] : memref<16x4x20000xf32, #tpu.memory_space<hbm>> -> memref<1x4x128xf32, #tpu.memory_space<hbm>>
      %dma_start3A_765 = tpu.memref_squeeze %dma_start3A_764 : memref<1x4x128xf32, #tpu.memory_space<hbm>> -> memref<4x128xf32, #tpu.memory_space<hbm>>
      tpu.enqueue_dma source(%dma_start3A_765 : memref<4x128xf32, #tpu.memory_space<hbm>>) target(%dma_start3A_762 : memref<4x128xf32, #tpu.memory_space<vmem>>) target_semaphore(%arg27 : memref<!tpu.dma_semaphore, #tpu.memory_space<semaphore_mem>>)
      %slice3A_766 = vector.extract_strided_slice %and3A_337 {offsets = [15], sizes = [1], strides = [1]} : vector<16xi32> to vector<1xi32>
      %squeeze3A_767 = vector.extract %slice3A_766[0] : i32 from vector<1xi32>
      %multiple_of3A_768 = tpu.assume_multiple %squeeze3A_767, 8 : i32
      %slice3A_769 = vector.extract_strided_slice %mul3A_346 {offsets = [15], sizes = [1], strides = [1]} : vector<16xi32> to vector<1xi32>
      %squeeze3A_770 = vector.extract %slice3A_769[0] : i32 from vector<1xi32>
      %multiple_of3A_771 = tpu.assume_multiple %squeeze3A_770, 128 : i32
      %dma_start3A_772 = arith.constant 0 : i32
      %dma_start3A_773 = arith.constant 1920 : i32
      %dma_start3A_774 = tpu.memref_slice %arg18[%dma_start3A_772, %dma_start3A_773] : memref<8x2048xf32, #tpu.memory_space<vmem>> -> memref<8x128xf32, #tpu.memory_space<vmem>>
      %dma_start3A_775 = tpu.memref_slice %arg4[%arg1, %multiple_of3A_768, %multiple_of3A_771] : memref<16x80x20000xf32, #tpu.memory_space<hbm>> -> memref<1x8x128xf32, #tpu.memory_space<hbm>>
      %dma_start3A_776 = tpu.memref_squeeze %dma_start3A_775 : memref<1x8x128xf32, #tpu.memory_space<hbm>> -> memref<8x128xf32, #tpu.memory_space<hbm>>
      %dma_start3A_777 = arith.constant 0 : i32
      %dma_start3A_778 = arith.constant 1920 : i32
      %dma_start3A_779 = tpu.memref_slice %arg18[%dma_start3A_777, %dma_start3A_778] : memref<8x2048xf32, #tpu.memory_space<vmem>> -> memref<8x128xf32, #tpu.memory_space<vmem>>
      %dma_start3A_780 = tpu.memref_slice %arg4[%arg1, %multiple_of3A_768, %multiple_of3A_771] : memref<16x80x20000xf32, #tpu.memory_space<hbm>> -> memref<1x8x128xf32, #tpu.memory_space<hbm>>
      %dma_start3A_781 = tpu.memref_squeeze %dma_start3A_780 : memref<1x8x128xf32, #tpu.memory_space<hbm>> -> memref<8x128xf32, #tpu.memory_space<hbm>>
      tpu.enqueue_dma source(%dma_start3A_781 : memref<8x128xf32, #tpu.memory_space<hbm>>) target(%dma_start3A_779 : memref<8x128xf32, #tpu.memory_space<vmem>>) target_semaphore(%arg27 : memref<!tpu.dma_semaphore, #tpu.memory_space<semaphore_mem>>)
      %dma_start3A_782 = arith.constant 0 : i32
      %dma_start3A_783 = arith.constant 1920 : i32
      %dma_start3A_784 = tpu.memref_slice %arg20[%dma_start3A_782, %dma_start3A_783] : memref<4x2048xf32, #tpu.memory_space<vmem>> -> memref<4x128xf32, #tpu.memory_space<vmem>>
      %dma_start3A_785 = arith.constant 0 : i32
      %dma_start3A_786 = tpu.memref_slice %arg3[%arg1, %dma_start3A_785, %multiple_of3A_771] : memref<16x4x20000xf32, #tpu.memory_space<hbm>> -> memref<1x4x128xf32, #tpu.memory_space<hbm>>
      %dma_start3A_787 = tpu.memref_squeeze %dma_start3A_786 : memref<1x4x128xf32, #tpu.memory_space<hbm>> -> memref<4x128xf32, #tpu.memory_space<hbm>>
      %dma_start3A_788 = arith.constant 0 : i32
      %dma_start3A_789 = arith.constant 1920 : i32
      %dma_start3A_790 = tpu.memref_slice %arg20[%dma_start3A_788, %dma_start3A_789] : memref<4x2048xf32, #tpu.memory_space<vmem>> -> memref<4x128xf32, #tpu.memory_space<vmem>>
      %dma_start3A_791 = arith.constant 0 : i32
      %dma_start3A_792 = tpu.memref_slice %arg3[%arg1, %dma_start3A_791, %multiple_of3A_771] : memref<16x4x20000xf32, #tpu.memory_space<hbm>> -> memref<1x4x128xf32, #tpu.memory_space<hbm>>
      %dma_start3A_793 = tpu.memref_squeeze %dma_start3A_792 : memref<1x4x128xf32, #tpu.memory_space<hbm>> -> memref<4x128xf32, #tpu.memory_space<hbm>>
      tpu.enqueue_dma source(%dma_start3A_793 : memref<4x128xf32, #tpu.memory_space<hbm>>) target(%dma_start3A_790 : memref<4x128xf32, #tpu.memory_space<vmem>>) target_semaphore(%arg27 : memref<!tpu.dma_semaphore, #tpu.memory_space<semaphore_mem>>)
    } else {
    }
    %scan3A_305 = arith.constant 0 : i32
    %scan3A_306 = arith.constant 16 : i32
    %scan3A_307 = arith.addi %scan3A_305, %scan3A_306 : i32
    %scan3A_308 = arith.constant 1 : i32
    scf.for %scan3A_329 = %scan3A_305 to %scan3A_307 step %scan3A_308  : i32 {
      %mul3A_330 = arith.constant 1 : i32
      %mul3A_331 = arith.muli %scan3A_329, %mul3A_330 : i32
      %add3A_332 = arith.constant 0 : i32
      %add3A_333 = arith.addi %add3A_332, %mul3A_331 : i32
      %mul3A_334 = arith.constant 2 : i32
      %mul3A_335 = arith.muli %mul3A_334, %add3A_333 : i32
      %add3A_336 = arith.constant 1 : i32
      %add3A_337 = arith.addi %mul3A_335, %add3A_336 : i32
      %mul3A_338 = arith.constant 2 : i32
      %mul3A_339 = arith.muli %mul3A_338, %add3A_337 : i32
      %add3A_340 = arith.addi %mul3A_339, %arg0 : i32
      %mul3A_341 = arith.constant 16 : i32
      %mul3A_342 = arith.muli %add3A_340, %mul3A_341 : i32
      %lt3A_343 = arith.cmpi slt, %mul3A_342, %squeeze3A : i32
      %convert_element_type3A_344 = arith.extui %lt3A_343 : i1 to i32
      %cond3A_345 = arith.constant 0 : i32
      %cond3A_346 = arith.cmpi ne, %convert_element_type3A_344, %cond3A_345 : i32
      scf.if %cond3A_346 {
        %add3A_380 = arith.constant 1 : i32
        %add3A_381 = arith.addi %mul3A_335, %add3A_380 : i32
        %mul3A_382 = arith.constant 2 : i32
        %mul3A_383 = arith.muli %mul3A_382, %add3A_381 : i32
        %add3A_384 = arith.addi %mul3A_383, %arg0 : i32
        %mul3A_385 = arith.constant 16 : i32
        %mul3A_386 = arith.muli %add3A_384, %mul3A_385 : i32
        %get3A = arith.index_cast %mul3A_386 : i32 to index
        %get3A_387 = tpu.vector_load %arg15[%get3A] {strides = array<i32>} : memref<1024xi32, #tpu.memory_space<vmem>>, vector<16xi32>,
        %shift_right_arithmetic3A = arith.constant 15 : i32
        %shift_right_arithmetic3A_388 = vector.broadcast %shift_right_arithmetic3A : i32 to vector<16xi32>
        %shift_right_arithmetic3A_389 = arith.shrsi %get3A_387, %shift_right_arithmetic3A_388 : vector<16xi32>
        %and3A_390 = arith.constant 120 : i32
        %and3A_391 = vector.broadcast %and3A_390 : i32 to vector<16xi32>
        %and3A_392 = arith.andi %shift_right_arithmetic3A_389, %and3A_391 : vector<16xi32>
        %and3A_393 = arith.constant 32767 : i32
        %and3A_394 = vector.broadcast %and3A_393 : i32 to vector<16xi32>
        %and3A_395 = arith.andi %get3A_387, %and3A_394 : vector<16xi32>
        %shift_right_arithmetic3A_396 = arith.constant 7 : i32
        %shift_right_arithmetic3A_397 = vector.broadcast %shift_right_arithmetic3A_396 : i32 to vector<16xi32>
        %shift_right_arithmetic3A_398 = arith.shrsi %and3A_395, %shift_right_arithmetic3A_397 : vector<16xi32>
        %mul3A_399 = arith.constant 128 : i32
        %mul3A_400 = vector.broadcast %mul3A_399 : i32 to vector<16xi32>
        %mul3A_401 = arith.muli %shift_right_arithmetic3A_398, %mul3A_400 : vector<16xi32>
        %slice3A_402 = vector.extract_strided_slice %and3A_392 {offsets = [0], sizes = [1], strides = [1]} : vector<16xi32> to vector<1xi32>
        %squeeze3A_403 = vector.extract %slice3A_402[0] : i32 from vector<1xi32>
        %multiple_of3A = tpu.assume_multiple %squeeze3A_403, 8 : i32
        %slice3A_404 = vector.extract_strided_slice %mul3A_401 {offsets = [0], sizes = [1], strides = [1]} : vector<16xi32> to vector<1xi32>
        %squeeze3A_405 = vector.extract %slice3A_404[0] : i32 from vector<1xi32>
        %multiple_of3A_406 = tpu.assume_multiple %squeeze3A_405, 128 : i32
        %dma_start3A_407 = arith.constant 0 : i32
        %dma_start3A_408 = arith.constant 0 : i32
        %dma_start3A_409 = tpu.memref_slice %arg19[%dma_start3A_407, %dma_start3A_408] : memref<8x2048xf32, #tpu.memory_space<vmem>> -> memref<8x128xf32, #tpu.memory_space<vmem>>
        %dma_start3A_410 = tpu.memref_slice %arg4[%arg1, %multiple_of3A, %multiple_of3A_406] : memref<16x80x20000xf32, #tpu.memory_space<hbm>> -> memref<1x8x128xf32, #tpu.memory_space<hbm>>
        %dma_start3A_411 = tpu.memref_squeeze %dma_start3A_410 : memref<1x8x128xf32, #tpu.memory_space<hbm>> -> memref<8x128xf32, #tpu.memory_space<hbm>>
        %dma_start3A_412 = arith.constant 0 : i32
        %dma_start3A_413 = arith.constant 0 : i32
        %dma_start3A_414 = tpu.memref_slice %arg19[%dma_start3A_412, %dma_start3A_413] : memref<8x2048xf32, #tpu.memory_space<vmem>> -> memref<8x128xf32, #tpu.memory_space<vmem>>
        %dma_start3A_415 = tpu.memref_slice %arg4[%arg1, %multiple_of3A, %multiple_of3A_406] : memref<16x80x20000xf32, #tpu.memory_space<hbm>> -> memref<1x8x128xf32, #tpu.memory_space<hbm>>
        %dma_start3A_416 = tpu.memref_squeeze %dma_start3A_415 : memref<1x8x128xf32, #tpu.memory_space<hbm>> -> memref<8x128xf32, #tpu.memory_space<hbm>>
        tpu.enqueue_dma source(%dma_start3A_416 : memref<8x128xf32, #tpu.memory_space<hbm>>) target(%dma_start3A_414 : memref<8x128xf32, #tpu.memory_space<vmem>>) target_semaphore(%arg28 : memref<!tpu.dma_semaphore, #tpu.memory_space<semaphore_mem>>)
        %dma_start3A_417 = arith.constant 0 : i32
        %dma_start3A_418 = arith.constant 0 : i32
        %dma_start3A_419 = tpu.memref_slice %arg21[%dma_start3A_417, %dma_start3A_418] : memref<4x2048xf32, #tpu.memory_space<vmem>> -> memref<4x128xf32, #tpu.memory_space<vmem>>
        %dma_start3A_420 = arith.constant 0 : i32
        %dma_start3A_421 = tpu.memref_slice %arg3[%arg1, %dma_start3A_420, %multiple_of3A_406] : memref<16x4x20000xf32, #tpu.memory_space<hbm>> -> memref<1x4x128xf32, #tpu.memory_space<hbm>>
        %dma_start3A_422 = tpu.memref_squeeze %dma_start3A_421 : memref<1x4x128xf32, #tpu.memory_space<hbm>> -> memref<4x128xf32, #tpu.memory_space<hbm>>
        %dma_start3A_423 = arith.constant 0 : i32
        %dma_start3A_424 = arith.constant 0 : i32
        %dma_start3A_425 = tpu.memref_slice %arg21[%dma_start3A_423, %dma_start3A_424] : memref<4x2048xf32, #tpu.memory_space<vmem>> -> memref<4x128xf32, #tpu.memory_space<vmem>>
        %dma_start3A_426 = arith.constant 0 : i32
        %dma_start3A_427 = tpu.memref_slice %arg3[%arg1, %dma_start3A_426, %multiple_of3A_406] : memref<16x4x20000xf32, #tpu.memory_space<hbm>> -> memref<1x4x128xf32, #tpu.memory_space<hbm>>
        %dma_start3A_428 = tpu.memref_squeeze %dma_start3A_427 : memref<1x4x128xf32, #tpu.memory_space<hbm>> -> memref<4x128xf32, #tpu.memory_space<hbm>>
        tpu.enqueue_dma source(%dma_start3A_428 : memref<4x128xf32, #tpu.memory_space<hbm>>) target(%dma_start3A_425 : memref<4x128xf32, #tpu.memory_space<vmem>>) target_semaphore(%arg28 : memref<!tpu.dma_semaphore, #tpu.memory_space<semaphore_mem>>)
        %slice3A_429 = vector.extract_strided_slice %and3A_392 {offsets = [1], sizes = [1], strides = [1]} : vector<16xi32> to vector<1xi32>
        %squeeze3A_430 = vector.extract %slice3A_429[0] : i32 from vector<1xi32>
        %multiple_of3A_431 = tpu.assume_multiple %squeeze3A_430, 8 : i32
        %slice3A_432 = vector.extract_strided_slice %mul3A_401 {offsets = [1], sizes = [1], strides = [1]} : vector<16xi32> to vector<1xi32>
        %squeeze3A_433 = vector.extract %slice3A_432[0] : i32 from vector<1xi32>
        %multiple_of3A_434 = tpu.assume_multiple %squeeze3A_433, 128 : i32
        %dma_start3A_435 = arith.constant 0 : i32
        %dma_start3A_436 = arith.constant 128 : i32
        %dma_start3A_437 = tpu.memref_slice %arg19[%dma_start3A_435, %dma_start3A_436] : memref<8x2048xf32, #tpu.memory_space<vmem>> -> memref<8x128xf32, #tpu.memory_space<vmem>>
        %dma_start3A_438 = tpu.memref_slice %arg4[%arg1, %multiple_of3A_431, %multiple_of3A_434] : memref<16x80x20000xf32, #tpu.memory_space<hbm>> -> memref<1x8x128xf32, #tpu.memory_space<hbm>>
        %dma_start3A_439 = tpu.memref_squeeze %dma_start3A_438 : memref<1x8x128xf32, #tpu.memory_space<hbm>> -> memref<8x128xf32, #tpu.memory_space<hbm>>
        %dma_start3A_440 = arith.constant 0 : i32
        %dma_start3A_441 = arith.constant 128 : i32
        %dma_start3A_442 = tpu.memref_slice %arg19[%dma_start3A_440, %dma_start3A_441] : memref<8x2048xf32, #tpu.memory_space<vmem>> -> memref<8x128xf32, #tpu.memory_space<vmem>>
        %dma_start3A_443 = tpu.memref_slice %arg4[%arg1, %multiple_of3A_431, %multiple_of3A_434] : memref<16x80x20000xf32, #tpu.memory_space<hbm>> -> memref<1x8x128xf32, #tpu.memory_space<hbm>>
        %dma_start3A_444 = tpu.memref_squeeze %dma_start3A_443 : memref<1x8x128xf32, #tpu.memory_space<hbm>> -> memref<8x128xf32, #tpu.memory_space<hbm>>
        tpu.enqueue_dma source(%dma_start3A_444 : memref<8x128xf32, #tpu.memory_space<hbm>>) target(%dma_start3A_442 : memref<8x128xf32, #tpu.memory_space<vmem>>) target_semaphore(%arg28 : memref<!tpu.dma_semaphore, #tpu.memory_space<semaphore_mem>>)
        %dma_start3A_445 = arith.constant 0 : i32
        %dma_start3A_446 = arith.constant 128 : i32
        %dma_start3A_447 = tpu.memref_slice %arg21[%dma_start3A_445, %dma_start3A_446] : memref<4x2048xf32, #tpu.memory_space<vmem>> -> memref<4x128xf32, #tpu.memory_space<vmem>>
        %dma_start3A_448 = arith.constant 0 : i32
        %dma_start3A_449 = tpu.memref_slice %arg3[%arg1, %dma_start3A_448, %multiple_of3A_434] : memref<16x4x20000xf32, #tpu.memory_space<hbm>> -> memref<1x4x128xf32, #tpu.memory_space<hbm>>
        %dma_start3A_450 = tpu.memref_squeeze %dma_start3A_449 : memref<1x4x128xf32, #tpu.memory_space<hbm>> -> memref<4x128xf32, #tpu.memory_space<hbm>>
        %dma_start3A_451 = arith.constant 0 : i32
        %dma_start3A_452 = arith.constant 128 : i32
        %dma_start3A_453 = tpu.memref_slice %arg21[%dma_start3A_451, %dma_start3A_452] : memref<4x2048xf32, #tpu.memory_space<vmem>> -> memref<4x128xf32, #tpu.memory_space<vmem>>
        %dma_start3A_454 = arith.constant 0 : i32
        %dma_start3A_455 = tpu.memref_slice %arg3[%arg1, %dma_start3A_454, %multiple_of3A_434] : memref<16x4x20000xf32, #tpu.memory_space<hbm>> -> memref<1x4x128xf32, #tpu.memory_space<hbm>>
        %dma_start3A_456 = tpu.memref_squeeze %dma_start3A_455 : memref<1x4x128xf32, #tpu.memory_space<hbm>> -> memref<4x128xf32, #tpu.memory_space<hbm>>
        tpu.enqueue_dma source(%dma_start3A_456 : memref<4x128xf32, #tpu.memory_space<hbm>>) target(%dma_start3A_453 : memref<4x128xf32, #tpu.memory_space<vmem>>) target_semaphore(%arg28 : memref<!tpu.dma_semaphore, #tpu.memory_space<semaphore_mem>>)
        %slice3A_457 = vector.extract_strided_slice %and3A_392 {offsets = [2], sizes = [1], strides = [1]} : vector<16xi32> to vector<1xi32>
        %squeeze3A_458 = vector.extract %slice3A_457[0] : i32 from vector<1xi32>
        %multiple_of3A_459 = tpu.assume_multiple %squeeze3A_458, 8 : i32
        %slice3A_460 = vector.extract_strided_slice %mul3A_401 {offsets = [2], sizes = [1], strides = [1]} : vector<16xi32> to vector<1xi32>
        %squeeze3A_461 = vector.extract %slice3A_460[0] : i32 from vector<1xi32>
        %multiple_of3A_462 = tpu.assume_multiple %squeeze3A_461, 128 : i32
        %dma_start3A_463 = arith.constant 0 : i32
        %dma_start3A_464 = arith.constant 256 : i32
        %dma_start3A_465 = tpu.memref_slice %arg19[%dma_start3A_463, %dma_start3A_464] : memref<8x2048xf32, #tpu.memory_space<vmem>> -> memref<8x128xf32, #tpu.memory_space<vmem>>
        %dma_start3A_466 = tpu.memref_slice %arg4[%arg1, %multiple_of3A_459, %multiple_of3A_462] : memref<16x80x20000xf32, #tpu.memory_space<hbm>> -> memref<1x8x128xf32, #tpu.memory_space<hbm>>
        %dma_start3A_467 = tpu.memref_squeeze %dma_start3A_466 : memref<1x8x128xf32, #tpu.memory_space<hbm>> -> memref<8x128xf32, #tpu.memory_space<hbm>>
        %dma_start3A_468 = arith.constant 0 : i32
        %dma_start3A_469 = arith.constant 256 : i32
        %dma_start3A_470 = tpu.memref_slice %arg19[%dma_start3A_468, %dma_start3A_469] : memref<8x2048xf32, #tpu.memory_space<vmem>> -> memref<8x128xf32, #tpu.memory_space<vmem>>
        %dma_start3A_471 = tpu.memref_slice %arg4[%arg1, %multiple_of3A_459, %multiple_of3A_462] : memref<16x80x20000xf32, #tpu.memory_space<hbm>> -> memref<1x8x128xf32, #tpu.memory_space<hbm>>
        %dma_start3A_472 = tpu.memref_squeeze %dma_start3A_471 : memref<1x8x128xf32, #tpu.memory_space<hbm>> -> memref<8x128xf32, #tpu.memory_space<hbm>>
        tpu.enqueue_dma source(%dma_start3A_472 : memref<8x128xf32, #tpu.memory_space<hbm>>) target(%dma_start3A_470 : memref<8x128xf32, #tpu.memory_space<vmem>>) target_semaphore(%arg28 : memref<!tpu.dma_semaphore, #tpu.memory_space<semaphore_mem>>)
        %dma_start3A_473 = arith.constant 0 : i32
        %dma_start3A_474 = arith.constant 256 : i32
        %dma_start3A_475 = tpu.memref_slice %arg21[%dma_start3A_473, %dma_start3A_474] : memref<4x2048xf32, #tpu.memory_space<vmem>> -> memref<4x128xf32, #tpu.memory_space<vmem>>
        %dma_start3A_476 = arith.constant 0 : i32
        %dma_start3A_477 = tpu.memref_slice %arg3[%arg1, %dma_start3A_476, %multiple_of3A_462] : memref<16x4x20000xf32, #tpu.memory_space<hbm>> -> memref<1x4x128xf32, #tpu.memory_space<hbm>>
        %dma_start3A_478 = tpu.memref_squeeze %dma_start3A_477 : memref<1x4x128xf32, #tpu.memory_space<hbm>> -> memref<4x128xf32, #tpu.memory_space<hbm>>
        %dma_start3A_479 = arith.constant 0 : i32
        %dma_start3A_480 = arith.constant 256 : i32
        %dma_start3A_481 = tpu.memref_slice %arg21[%dma_start3A_479, %dma_start3A_480] : memref<4x2048xf32, #tpu.memory_space<vmem>> -> memref<4x128xf32, #tpu.memory_space<vmem>>
        %dma_start3A_482 = arith.constant 0 : i32
        %dma_start3A_483 = tpu.memref_slice %arg3[%arg1, %dma_start3A_482, %multiple_of3A_462] : memref<16x4x20000xf32, #tpu.memory_space<hbm>> -> memref<1x4x128xf32, #tpu.memory_space<hbm>>
        %dma_start3A_484 = tpu.memref_squeeze %dma_start3A_483 : memref<1x4x128xf32, #tpu.memory_space<hbm>> -> memref<4x128xf32, #tpu.memory_space<hbm>>
        tpu.enqueue_dma source(%dma_start3A_484 : memref<4x128xf32, #tpu.memory_space<hbm>>) target(%dma_start3A_481 : memref<4x128xf32, #tpu.memory_space<vmem>>) target_semaphore(%arg28 : memref<!tpu.dma_semaphore, #tpu.memory_space<semaphore_mem>>)
        %slice3A_485 = vector.extract_strided_slice %and3A_392 {offsets = [3], sizes = [1], strides = [1]} : vector<16xi32> to vector<1xi32>
        %squeeze3A_486 = vector.extract %slice3A_485[0] : i32 from vector<1xi32>
        %multiple_of3A_487 = tpu.assume_multiple %squeeze3A_486, 8 : i32
        %slice3A_488 = vector.extract_strided_slice %mul3A_401 {offsets = [3], sizes = [1], strides = [1]} : vector<16xi32> to vector<1xi32>
        %squeeze3A_489 = vector.extract %slice3A_488[0] : i32 from vector<1xi32>
        %multiple_of3A_490 = tpu.assume_multiple %squeeze3A_489, 128 : i32
        %dma_start3A_491 = arith.constant 0 : i32
        %dma_start3A_492 = arith.constant 384 : i32
        %dma_start3A_493 = tpu.memref_slice %arg19[%dma_start3A_491, %dma_start3A_492] : memref<8x2048xf32, #tpu.memory_space<vmem>> -> memref<8x128xf32, #tpu.memory_space<vmem>>
        %dma_start3A_494 = tpu.memref_slice %arg4[%arg1, %multiple_of3A_487, %multiple_of3A_490] : memref<16x80x20000xf32, #tpu.memory_space<hbm>> -> memref<1x8x128xf32, #tpu.memory_space<hbm>>
        %dma_start3A_495 = tpu.memref_squeeze %dma_start3A_494 : memref<1x8x128xf32, #tpu.memory_space<hbm>> -> memref<8x128xf32, #tpu.memory_space<hbm>>
        %dma_start3A_496 = arith.constant 0 : i32
        %dma_start3A_497 = arith.constant 384 : i32
        %dma_start3A_498 = tpu.memref_slice %arg19[%dma_start3A_496, %dma_start3A_497] : memref<8x2048xf32, #tpu.memory_space<vmem>> -> memref<8x128xf32, #tpu.memory_space<vmem>>
        %dma_start3A_499 = tpu.memref_slice %arg4[%arg1, %multiple_of3A_487, %multiple_of3A_490] : memref<16x80x20000xf32, #tpu.memory_space<hbm>> -> memref<1x8x128xf32, #tpu.memory_space<hbm>>
        %dma_start3A_500 = tpu.memref_squeeze %dma_start3A_499 : memref<1x8x128xf32, #tpu.memory_space<hbm>> -> memref<8x128xf32, #tpu.memory_space<hbm>>
        tpu.enqueue_dma source(%dma_start3A_500 : memref<8x128xf32, #tpu.memory_space<hbm>>) target(%dma_start3A_498 : memref<8x128xf32, #tpu.memory_space<vmem>>) target_semaphore(%arg28 : memref<!tpu.dma_semaphore, #tpu.memory_space<semaphore_mem>>)
        %dma_start3A_501 = arith.constant 0 : i32
        %dma_start3A_502 = arith.constant 384 : i32
        %dma_start3A_503 = tpu.memref_slice %arg21[%dma_start3A_501, %dma_start3A_502] : memref<4x2048xf32, #tpu.memory_space<vmem>> -> memref<4x128xf32, #tpu.memory_space<vmem>>
        %dma_start3A_504 = arith.constant 0 : i32
        %dma_start3A_505 = tpu.memref_slice %arg3[%arg1, %dma_start3A_504, %multiple_of3A_490] : memref<16x4x20000xf32, #tpu.memory_space<hbm>> -> memref<1x4x128xf32, #tpu.memory_space<hbm>>
        %dma_start3A_506 = tpu.memref_squeeze %dma_start3A_505 : memref<1x4x128xf32, #tpu.memory_space<hbm>> -> memref<4x128xf32, #tpu.memory_space<hbm>>
        %dma_start3A_507 = arith.constant 0 : i32
        %dma_start3A_508 = arith.constant 384 : i32
        %dma_start3A_509 = tpu.memref_slice %arg21[%dma_start3A_507, %dma_start3A_508] : memref<4x2048xf32, #tpu.memory_space<vmem>> -> memref<4x128xf32, #tpu.memory_space<vmem>>
        %dma_start3A_510 = arith.constant 0 : i32
        %dma_start3A_511 = tpu.memref_slice %arg3[%arg1, %dma_start3A_510, %multiple_of3A_490] : memref<16x4x20000xf32, #tpu.memory_space<hbm>> -> memref<1x4x128xf32, #tpu.memory_space<hbm>>
        %dma_start3A_512 = tpu.memref_squeeze %dma_start3A_511 : memref<1x4x128xf32, #tpu.memory_space<hbm>> -> memref<4x128xf32, #tpu.memory_space<hbm>>
        tpu.enqueue_dma source(%dma_start3A_512 : memref<4x128xf32, #tpu.memory_space<hbm>>) target(%dma_start3A_509 : memref<4x128xf32, #tpu.memory_space<vmem>>) target_semaphore(%arg28 : memref<!tpu.dma_semaphore, #tpu.memory_space<semaphore_mem>>)
        %slice3A_513 = vector.extract_strided_slice %and3A_392 {offsets = [4], sizes = [1], strides = [1]} : vector<16xi32> to vector<1xi32>
        %squeeze3A_514 = vector.extract %slice3A_513[0] : i32 from vector<1xi32>
        %multiple_of3A_515 = tpu.assume_multiple %squeeze3A_514, 8 : i32
        %slice3A_516 = vector.extract_strided_slice %mul3A_401 {offsets = [4], sizes = [1], strides = [1]} : vector<16xi32> to vector<1xi32>
        %squeeze3A_517 = vector.extract %slice3A_516[0] : i32 from vector<1xi32>
        %multiple_of3A_518 = tpu.assume_multiple %squeeze3A_517, 128 : i32
        %dma_start3A_519 = arith.constant 0 : i32
        %dma_start3A_520 = arith.constant 512 : i32
        %dma_start3A_521 = tpu.memref_slice %arg19[%dma_start3A_519, %dma_start3A_520] : memref<8x2048xf32, #tpu.memory_space<vmem>> -> memref<8x128xf32, #tpu.memory_space<vmem>>
        %dma_start3A_522 = tpu.memref_slice %arg4[%arg1, %multiple_of3A_515, %multiple_of3A_518] : memref<16x80x20000xf32, #tpu.memory_space<hbm>> -> memref<1x8x128xf32, #tpu.memory_space<hbm>>
        %dma_start3A_523 = tpu.memref_squeeze %dma_start3A_522 : memref<1x8x128xf32, #tpu.memory_space<hbm>> -> memref<8x128xf32, #tpu.memory_space<hbm>>
        %dma_start3A_524 = arith.constant 0 : i32
        %dma_start3A_525 = arith.constant 512 : i32
        %dma_start3A_526 = tpu.memref_slice %arg19[%dma_start3A_524, %dma_start3A_525] : memref<8x2048xf32, #tpu.memory_space<vmem>> -> memref<8x128xf32, #tpu.memory_space<vmem>>
        %dma_start3A_527 = tpu.memref_slice %arg4[%arg1, %multiple_of3A_515, %multiple_of3A_518] : memref<16x80x20000xf32, #tpu.memory_space<hbm>> -> memref<1x8x128xf32, #tpu.memory_space<hbm>>
        %dma_start3A_528 = tpu.memref_squeeze %dma_start3A_527 : memref<1x8x128xf32, #tpu.memory_space<hbm>> -> memref<8x128xf32, #tpu.memory_space<hbm>>
        tpu.enqueue_dma source(%dma_start3A_528 : memref<8x128xf32, #tpu.memory_space<hbm>>) target(%dma_start3A_526 : memref<8x128xf32, #tpu.memory_space<vmem>>) target_semaphore(%arg28 : memref<!tpu.dma_semaphore, #tpu.memory_space<semaphore_mem>>)
        %dma_start3A_529 = arith.constant 0 : i32
        %dma_start3A_530 = arith.constant 512 : i32
        %dma_start3A_531 = tpu.memref_slice %arg21[%dma_start3A_529, %dma_start3A_530] : memref<4x2048xf32, #tpu.memory_space<vmem>> -> memref<4x128xf32, #tpu.memory_space<vmem>>
        %dma_start3A_532 = arith.constant 0 : i32
        %dma_start3A_533 = tpu.memref_slice %arg3[%arg1, %dma_start3A_532, %multiple_of3A_518] : memref<16x4x20000xf32, #tpu.memory_space<hbm>> -> memref<1x4x128xf32, #tpu.memory_space<hbm>>
        %dma_start3A_534 = tpu.memref_squeeze %dma_start3A_533 : memref<1x4x128xf32, #tpu.memory_space<hbm>> -> memref<4x128xf32, #tpu.memory_space<hbm>>
        %dma_start3A_535 = arith.constant 0 : i32
        %dma_start3A_536 = arith.constant 512 : i32
        %dma_start3A_537 = tpu.memref_slice %arg21[%dma_start3A_535, %dma_start3A_536] : memref<4x2048xf32, #tpu.memory_space<vmem>> -> memref<4x128xf32, #tpu.memory_space<vmem>>
        %dma_start3A_538 = arith.constant 0 : i32
        %dma_start3A_539 = tpu.memref_slice %arg3[%arg1, %dma_start3A_538, %multiple_of3A_518] : memref<16x4x20000xf32, #tpu.memory_space<hbm>> -> memref<1x4x128xf32, #tpu.memory_space<hbm>>
        %dma_start3A_540 = tpu.memref_squeeze %dma_start3A_539 : memref<1x4x128xf32, #tpu.memory_space<hbm>> -> memref<4x128xf32, #tpu.memory_space<hbm>>
        tpu.enqueue_dma source(%dma_start3A_540 : memref<4x128xf32, #tpu.memory_space<hbm>>) target(%dma_start3A_537 : memref<4x128xf32, #tpu.memory_space<vmem>>) target_semaphore(%arg28 : memref<!tpu.dma_semaphore, #tpu.memory_space<semaphore_mem>>)
        %slice3A_541 = vector.extract_strided_slice %and3A_392 {offsets = [5], sizes = [1], strides = [1]} : vector<16xi32> to vector<1xi32>
        %squeeze3A_542 = vector.extract %slice3A_541[0] : i32 from vector<1xi32>
        %multiple_of3A_543 = tpu.assume_multiple %squeeze3A_542, 8 : i32
        %slice3A_544 = vector.extract_strided_slice %mul3A_401 {offsets = [5], sizes = [1], strides = [1]} : vector<16xi32> to vector<1xi32>
        %squeeze3A_545 = vector.extract %slice3A_544[0] : i32 from vector<1xi32>
        %multiple_of3A_546 = tpu.assume_multiple %squeeze3A_545, 128 : i32
        %dma_start3A_547 = arith.constant 0 : i32
        %dma_start3A_548 = arith.constant 640 : i32
        %dma_start3A_549 = tpu.memref_slice %arg19[%dma_start3A_547, %dma_start3A_548] : memref<8x2048xf32, #tpu.memory_space<vmem>> -> memref<8x128xf32, #tpu.memory_space<vmem>>
        %dma_start3A_550 = tpu.memref_slice %arg4[%arg1, %multiple_of3A_543, %multiple_of3A_546] : memref<16x80x20000xf32, #tpu.memory_space<hbm>> -> memref<1x8x128xf32, #tpu.memory_space<hbm>>
        %dma_start3A_551 = tpu.memref_squeeze %dma_start3A_550 : memref<1x8x128xf32, #tpu.memory_space<hbm>> -> memref<8x128xf32, #tpu.memory_space<hbm>>
        %dma_start3A_552 = arith.constant 0 : i32
        %dma_start3A_553 = arith.constant 640 : i32
        %dma_start3A_554 = tpu.memref_slice %arg19[%dma_start3A_552, %dma_start3A_553] : memref<8x2048xf32, #tpu.memory_space<vmem>> -> memref<8x128xf32, #tpu.memory_space<vmem>>
        %dma_start3A_555 = tpu.memref_slice %arg4[%arg1, %multiple_of3A_543, %multiple_of3A_546] : memref<16x80x20000xf32, #tpu.memory_space<hbm>> -> memref<1x8x128xf32, #tpu.memory_space<hbm>>
        %dma_start3A_556 = tpu.memref_squeeze %dma_start3A_555 : memref<1x8x128xf32, #tpu.memory_space<hbm>> -> memref<8x128xf32, #tpu.memory_space<hbm>>
        tpu.enqueue_dma source(%dma_start3A_556 : memref<8x128xf32, #tpu.memory_space<hbm>>) target(%dma_start3A_554 : memref<8x128xf32, #tpu.memory_space<vmem>>) target_semaphore(%arg28 : memref<!tpu.dma_semaphore, #tpu.memory_space<semaphore_mem>>)
        %dma_start3A_557 = arith.constant 0 : i32
        %dma_start3A_558 = arith.constant 640 : i32
        %dma_start3A_559 = tpu.memref_slice %arg21[%dma_start3A_557, %dma_start3A_558] : memref<4x2048xf32, #tpu.memory_space<vmem>> -> memref<4x128xf32, #tpu.memory_space<vmem>>
        %dma_start3A_560 = arith.constant 0 : i32
        %dma_start3A_561 = tpu.memref_slice %arg3[%arg1, %dma_start3A_560, %multiple_of3A_546] : memref<16x4x20000xf32, #tpu.memory_space<hbm>> -> memref<1x4x128xf32, #tpu.memory_space<hbm>>
        %dma_start3A_562 = tpu.memref_squeeze %dma_start3A_561 : memref<1x4x128xf32, #tpu.memory_space<hbm>> -> memref<4x128xf32, #tpu.memory_space<hbm>>
        %dma_start3A_563 = arith.constant 0 : i32
        %dma_start3A_564 = arith.constant 640 : i32
        %dma_start3A_565 = tpu.memref_slice %arg21[%dma_start3A_563, %dma_start3A_564] : memref<4x2048xf32, #tpu.memory_space<vmem>> -> memref<4x128xf32, #tpu.memory_space<vmem>>
        %dma_start3A_566 = arith.constant 0 : i32
        %dma_start3A_567 = tpu.memref_slice %arg3[%arg1, %dma_start3A_566, %multiple_of3A_546] : memref<16x4x20000xf32, #tpu.memory_space<hbm>> -> memref<1x4x128xf32, #tpu.memory_space<hbm>>
        %dma_start3A_568 = tpu.memref_squeeze %dma_start3A_567 : memref<1x4x128xf32, #tpu.memory_space<hbm>> -> memref<4x128xf32, #tpu.memory_space<hbm>>
        tpu.enqueue_dma source(%dma_start3A_568 : memref<4x128xf32, #tpu.memory_space<hbm>>) target(%dma_start3A_565 : memref<4x128xf32, #tpu.memory_space<vmem>>) target_semaphore(%arg28 : memref<!tpu.dma_semaphore, #tpu.memory_space<semaphore_mem>>)
        %slice3A_569 = vector.extract_strided_slice %and3A_392 {offsets = [6], sizes = [1], strides = [1]} : vector<16xi32> to vector<1xi32>
        %squeeze3A_570 = vector.extract %slice3A_569[0] : i32 from vector<1xi32>
        %multiple_of3A_571 = tpu.assume_multiple %squeeze3A_570, 8 : i32
        %slice3A_572 = vector.extract_strided_slice %mul3A_401 {offsets = [6], sizes = [1], strides = [1]} : vector<16xi32> to vector<1xi32>
        %squeeze3A_573 = vector.extract %slice3A_572[0] : i32 from vector<1xi32>
        %multiple_of3A_574 = tpu.assume_multiple %squeeze3A_573, 128 : i32
        %dma_start3A_575 = arith.constant 0 : i32
        %dma_start3A_576 = arith.constant 768 : i32
        %dma_start3A_577 = tpu.memref_slice %arg19[%dma_start3A_575, %dma_start3A_576] : memref<8x2048xf32, #tpu.memory_space<vmem>> -> memref<8x128xf32, #tpu.memory_space<vmem>>
        %dma_start3A_578 = tpu.memref_slice %arg4[%arg1, %multiple_of3A_571, %multiple_of3A_574] : memref<16x80x20000xf32, #tpu.memory_space<hbm>> -> memref<1x8x128xf32, #tpu.memory_space<hbm>>
        %dma_start3A_579 = tpu.memref_squeeze %dma_start3A_578 : memref<1x8x128xf32, #tpu.memory_space<hbm>> -> memref<8x128xf32, #tpu.memory_space<hbm>>
        %dma_start3A_580 = arith.constant 0 : i32
        %dma_start3A_581 = arith.constant 768 : i32
        %dma_start3A_582 = tpu.memref_slice %arg19[%dma_start3A_580, %dma_start3A_581] : memref<8x2048xf32, #tpu.memory_space<vmem>> -> memref<8x128xf32, #tpu.memory_space<vmem>>
        %dma_start3A_583 = tpu.memref_slice %arg4[%arg1, %multiple_of3A_571, %multiple_of3A_574] : memref<16x80x20000xf32, #tpu.memory_space<hbm>> -> memref<1x8x128xf32, #tpu.memory_space<hbm>>
        %dma_start3A_584 = tpu.memref_squeeze %dma_start3A_583 : memref<1x8x128xf32, #tpu.memory_space<hbm>> -> memref<8x128xf32, #tpu.memory_space<hbm>>
        tpu.enqueue_dma source(%dma_start3A_584 : memref<8x128xf32, #tpu.memory_space<hbm>>) target(%dma_start3A_582 : memref<8x128xf32, #tpu.memory_space<vmem>>) target_semaphore(%arg28 : memref<!tpu.dma_semaphore, #tpu.memory_space<semaphore_mem>>)
        %dma_start3A_585 = arith.constant 0 : i32
        %dma_start3A_586 = arith.constant 768 : i32
        %dma_start3A_587 = tpu.memref_slice %arg21[%dma_start3A_585, %dma_start3A_586] : memref<4x2048xf32, #tpu.memory_space<vmem>> -> memref<4x128xf32, #tpu.memory_space<vmem>>
        %dma_start3A_588 = arith.constant 0 : i32
        %dma_start3A_589 = tpu.memref_slice %arg3[%arg1, %dma_start3A_588, %multiple_of3A_574] : memref<16x4x20000xf32, #tpu.memory_space<hbm>> -> memref<1x4x128xf32, #tpu.memory_space<hbm>>
        %dma_start3A_590 = tpu.memref_squeeze %dma_start3A_589 : memref<1x4x128xf32, #tpu.memory_space<hbm>> -> memref<4x128xf32, #tpu.memory_space<hbm>>
        %dma_start3A_591 = arith.constant 0 : i32
        %dma_start3A_592 = arith.constant 768 : i32
        %dma_start3A_593 = tpu.memref_slice %arg21[%dma_start3A_591, %dma_start3A_592] : memref<4x2048xf32, #tpu.memory_space<vmem>> -> memref<4x128xf32, #tpu.memory_space<vmem>>
        %dma_start3A_594 = arith.constant 0 : i32
        %dma_start3A_595 = tpu.memref_slice %arg3[%arg1, %dma_start3A_594, %multiple_of3A_574] : memref<16x4x20000xf32, #tpu.memory_space<hbm>> -> memref<1x4x128xf32, #tpu.memory_space<hbm>>
        %dma_start3A_596 = tpu.memref_squeeze %dma_start3A_595 : memref<1x4x128xf32, #tpu.memory_space<hbm>> -> memref<4x128xf32, #tpu.memory_space<hbm>>
        tpu.enqueue_dma source(%dma_start3A_596 : memref<4x128xf32, #tpu.memory_space<hbm>>) target(%dma_start3A_593 : memref<4x128xf32, #tpu.memory_space<vmem>>) target_semaphore(%arg28 : memref<!tpu.dma_semaphore, #tpu.memory_space<semaphore_mem>>)
        %slice3A_597 = vector.extract_strided_slice %and3A_392 {offsets = [7], sizes = [1], strides = [1]} : vector<16xi32> to vector<1xi32>
        %squeeze3A_598 = vector.extract %slice3A_597[0] : i32 from vector<1xi32>
        %multiple_of3A_599 = tpu.assume_multiple %squeeze3A_598, 8 : i32
        %slice3A_600 = vector.extract_strided_slice %mul3A_401 {offsets = [7], sizes = [1], strides = [1]} : vector<16xi32> to vector<1xi32>
        %squeeze3A_601 = vector.extract %slice3A_600[0] : i32 from vector<1xi32>
        %multiple_of3A_602 = tpu.assume_multiple %squeeze3A_601, 128 : i32
        %dma_start3A_603 = arith.constant 0 : i32
        %dma_start3A_604 = arith.constant 896 : i32
        %dma_start3A_605 = tpu.memref_slice %arg19[%dma_start3A_603, %dma_start3A_604] : memref<8x2048xf32, #tpu.memory_space<vmem>> -> memref<8x128xf32, #tpu.memory_space<vmem>>
        %dma_start3A_606 = tpu.memref_slice %arg4[%arg1, %multiple_of3A_599, %multiple_of3A_602] : memref<16x80x20000xf32, #tpu.memory_space<hbm>> -> memref<1x8x128xf32, #tpu.memory_space<hbm>>
        %dma_start3A_607 = tpu.memref_squeeze %dma_start3A_606 : memref<1x8x128xf32, #tpu.memory_space<hbm>> -> memref<8x128xf32, #tpu.memory_space<hbm>>
        %dma_start3A_608 = arith.constant 0 : i32
        %dma_start3A_609 = arith.constant 896 : i32
        %dma_start3A_610 = tpu.memref_slice %arg19[%dma_start3A_608, %dma_start3A_609] : memref<8x2048xf32, #tpu.memory_space<vmem>> -> memref<8x128xf32, #tpu.memory_space<vmem>>
        %dma_start3A_611 = tpu.memref_slice %arg4[%arg1, %multiple_of3A_599, %multiple_of3A_602] : memref<16x80x20000xf32, #tpu.memory_space<hbm>> -> memref<1x8x128xf32, #tpu.memory_space<hbm>>
        %dma_start3A_612 = tpu.memref_squeeze %dma_start3A_611 : memref<1x8x128xf32, #tpu.memory_space<hbm>> -> memref<8x128xf32, #tpu.memory_space<hbm>>
        tpu.enqueue_dma source(%dma_start3A_612 : memref<8x128xf32, #tpu.memory_space<hbm>>) target(%dma_start3A_610 : memref<8x128xf32, #tpu.memory_space<vmem>>) target_semaphore(%arg28 : memref<!tpu.dma_semaphore, #tpu.memory_space<semaphore_mem>>)
        %dma_start3A_613 = arith.constant 0 : i32
        %dma_start3A_614 = arith.constant 896 : i32
        %dma_start3A_615 = tpu.memref_slice %arg21[%dma_start3A_613, %dma_start3A_614] : memref<4x2048xf32, #tpu.memory_space<vmem>> -> memref<4x128xf32, #tpu.memory_space<vmem>>
        %dma_start3A_616 = arith.constant 0 : i32
        %dma_start3A_617 = tpu.memref_slice %arg3[%arg1, %dma_start3A_616, %multiple_of3A_602] : memref<16x4x20000xf32, #tpu.memory_space<hbm>> -> memref<1x4x128xf32, #tpu.memory_space<hbm>>
        %dma_start3A_618 = tpu.memref_squeeze %dma_start3A_617 : memref<1x4x128xf32, #tpu.memory_space<hbm>> -> memref<4x128xf32, #tpu.memory_space<hbm>>
        %dma_start3A_619 = arith.constant 0 : i32
        %dma_start3A_620 = arith.constant 896 : i32
        %dma_start3A_621 = tpu.memref_slice %arg21[%dma_start3A_619, %dma_start3A_620] : memref<4x2048xf32, #tpu.memory_space<vmem>> -> memref<4x128xf32, #tpu.memory_space<vmem>>
        %dma_start3A_622 = arith.constant 0 : i32
        %dma_start3A_623 = tpu.memref_slice %arg3[%arg1, %dma_start3A_622, %multiple_of3A_602] : memref<16x4x20000xf32, #tpu.memory_space<hbm>> -> memref<1x4x128xf32, #tpu.memory_space<hbm>>
        %dma_start3A_624 = tpu.memref_squeeze %dma_start3A_623 : memref<1x4x128xf32, #tpu.memory_space<hbm>> -> memref<4x128xf32, #tpu.memory_space<hbm>>
        tpu.enqueue_dma source(%dma_start3A_624 : memref<4x128xf32, #tpu.memory_space<hbm>>) target(%dma_start3A_621 : memref<4x128xf32, #tpu.memory_space<vmem>>) target_semaphore(%arg28 : memref<!tpu.dma_semaphore, #tpu.memory_space<semaphore_mem>>)
        %slice3A_625 = vector.extract_strided_slice %and3A_392 {offsets = [8], sizes = [1], strides = [1]} : vector<16xi32> to vector<1xi32>
        %squeeze3A_626 = vector.extract %slice3A_625[0] : i32 from vector<1xi32>
        %multiple_of3A_627 = tpu.assume_multiple %squeeze3A_626, 8 : i32
        %slice3A_628 = vector.extract_strided_slice %mul3A_401 {offsets = [8], sizes = [1], strides = [1]} : vector<16xi32> to vector<1xi32>
        %squeeze3A_629 = vector.extract %slice3A_628[0] : i32 from vector<1xi32>
        %multiple_of3A_630 = tpu.assume_multiple %squeeze3A_629, 128 : i32
        %dma_start3A_631 = arith.constant 0 : i32
        %dma_start3A_632 = arith.constant 1024 : i32
        %dma_start3A_633 = tpu.memref_slice %arg19[%dma_start3A_631, %dma_start3A_632] : memref<8x2048xf32, #tpu.memory_space<vmem>> -> memref<8x128xf32, #tpu.memory_space<vmem>>
        %dma_start3A_634 = tpu.memref_slice %arg4[%arg1, %multiple_of3A_627, %multiple_of3A_630] : memref<16x80x20000xf32, #tpu.memory_space<hbm>> -> memref<1x8x128xf32, #tpu.memory_space<hbm>>
        %dma_start3A_635 = tpu.memref_squeeze %dma_start3A_634 : memref<1x8x128xf32, #tpu.memory_space<hbm>> -> memref<8x128xf32, #tpu.memory_space<hbm>>
        %dma_start3A_636 = arith.constant 0 : i32
        %dma_start3A_637 = arith.constant 1024 : i32
        %dma_start3A_638 = tpu.memref_slice %arg19[%dma_start3A_636, %dma_start3A_637] : memref<8x2048xf32, #tpu.memory_space<vmem>> -> memref<8x128xf32, #tpu.memory_space<vmem>>
        %dma_start3A_639 = tpu.memref_slice %arg4[%arg1, %multiple_of3A_627, %multiple_of3A_630] : memref<16x80x20000xf32, #tpu.memory_space<hbm>> -> memref<1x8x128xf32, #tpu.memory_space<hbm>>
        %dma_start3A_640 = tpu.memref_squeeze %dma_start3A_639 : memref<1x8x128xf32, #tpu.memory_space<hbm>> -> memref<8x128xf32, #tpu.memory_space<hbm>>
        tpu.enqueue_dma source(%dma_start3A_640 : memref<8x128xf32, #tpu.memory_space<hbm>>) target(%dma_start3A_638 : memref<8x128xf32, #tpu.memory_space<vmem>>) target_semaphore(%arg28 : memref<!tpu.dma_semaphore, #tpu.memory_space<semaphore_mem>>)
        %dma_start3A_641 = arith.constant 0 : i32
        %dma_start3A_642 = arith.constant 1024 : i32
        %dma_start3A_643 = tpu.memref_slice %arg21[%dma_start3A_641, %dma_start3A_642] : memref<4x2048xf32, #tpu.memory_space<vmem>> -> memref<4x128xf32, #tpu.memory_space<vmem>>
        %dma_start3A_644 = arith.constant 0 : i32
        %dma_start3A_645 = tpu.memref_slice %arg3[%arg1, %dma_start3A_644, %multiple_of3A_630] : memref<16x4x20000xf32, #tpu.memory_space<hbm>> -> memref<1x4x128xf32, #tpu.memory_space<hbm>>
        %dma_start3A_646 = tpu.memref_squeeze %dma_start3A_645 : memref<1x4x128xf32, #tpu.memory_space<hbm>> -> memref<4x128xf32, #tpu.memory_space<hbm>>
        %dma_start3A_647 = arith.constant 0 : i32
        %dma_start3A_648 = arith.constant 1024 : i32
        %dma_start3A_649 = tpu.memref_slice %arg21[%dma_start3A_647, %dma_start3A_648] : memref<4x2048xf32, #tpu.memory_space<vmem>> -> memref<4x128xf32, #tpu.memory_space<vmem>>
        %dma_start3A_650 = arith.constant 0 : i32
        %dma_start3A_651 = tpu.memref_slice %arg3[%arg1, %dma_start3A_650, %multiple_of3A_630] : memref<16x4x20000xf32, #tpu.memory_space<hbm>> -> memref<1x4x128xf32, #tpu.memory_space<hbm>>
        %dma_start3A_652 = tpu.memref_squeeze %dma_start3A_651 : memref<1x4x128xf32, #tpu.memory_space<hbm>> -> memref<4x128xf32, #tpu.memory_space<hbm>>
        tpu.enqueue_dma source(%dma_start3A_652 : memref<4x128xf32, #tpu.memory_space<hbm>>) target(%dma_start3A_649 : memref<4x128xf32, #tpu.memory_space<vmem>>) target_semaphore(%arg28 : memref<!tpu.dma_semaphore, #tpu.memory_space<semaphore_mem>>)
        %slice3A_653 = vector.extract_strided_slice %and3A_392 {offsets = [9], sizes = [1], strides = [1]} : vector<16xi32> to vector<1xi32>
        %squeeze3A_654 = vector.extract %slice3A_653[0] : i32 from vector<1xi32>
        %multiple_of3A_655 = tpu.assume_multiple %squeeze3A_654, 8 : i32
        %slice3A_656 = vector.extract_strided_slice %mul3A_401 {offsets = [9], sizes = [1], strides = [1]} : vector<16xi32> to vector<1xi32>
        %squeeze3A_657 = vector.extract %slice3A_656[0] : i32 from vector<1xi32>
        %multiple_of3A_658 = tpu.assume_multiple %squeeze3A_657, 128 : i32
        %dma_start3A_659 = arith.constant 0 : i32
        %dma_start3A_660 = arith.constant 1152 : i32
        %dma_start3A_661 = tpu.memref_slice %arg19[%dma_start3A_659, %dma_start3A_660] : memref<8x2048xf32, #tpu.memory_space<vmem>> -> memref<8x128xf32, #tpu.memory_space<vmem>>
        %dma_start3A_662 = tpu.memref_slice %arg4[%arg1, %multiple_of3A_655, %multiple_of3A_658] : memref<16x80x20000xf32, #tpu.memory_space<hbm>> -> memref<1x8x128xf32, #tpu.memory_space<hbm>>
        %dma_start3A_663 = tpu.memref_squeeze %dma_start3A_662 : memref<1x8x128xf32, #tpu.memory_space<hbm>> -> memref<8x128xf32, #tpu.memory_space<hbm>>
        %dma_start3A_664 = arith.constant 0 : i32
        %dma_start3A_665 = arith.constant 1152 : i32
        %dma_start3A_666 = tpu.memref_slice %arg19[%dma_start3A_664, %dma_start3A_665] : memref<8x2048xf32, #tpu.memory_space<vmem>> -> memref<8x128xf32, #tpu.memory_space<vmem>>
        %dma_start3A_667 = tpu.memref_slice %arg4[%arg1, %multiple_of3A_655, %multiple_of3A_658] : memref<16x80x20000xf32, #tpu.memory_space<hbm>> -> memref<1x8x128xf32, #tpu.memory_space<hbm>>
        %dma_start3A_668 = tpu.memref_squeeze %dma_start3A_667 : memref<1x8x128xf32, #tpu.memory_space<hbm>> -> memref<8x128xf32, #tpu.memory_space<hbm>>
        tpu.enqueue_dma source(%dma_start3A_668 : memref<8x128xf32, #tpu.memory_space<hbm>>) target(%dma_start3A_666 : memref<8x128xf32, #tpu.memory_space<vmem>>) target_semaphore(%arg28 : memref<!tpu.dma_semaphore, #tpu.memory_space<semaphore_mem>>)
        %dma_start3A_669 = arith.constant 0 : i32
        %dma_start3A_670 = arith.constant 1152 : i32
        %dma_start3A_671 = tpu.memref_slice %arg21[%dma_start3A_669, %dma_start3A_670] : memref<4x2048xf32, #tpu.memory_space<vmem>> -> memref<4x128xf32, #tpu.memory_space<vmem>>
        %dma_start3A_672 = arith.constant 0 : i32
        %dma_start3A_673 = tpu.memref_slice %arg3[%arg1, %dma_start3A_672, %multiple_of3A_658] : memref<16x4x20000xf32, #tpu.memory_space<hbm>> -> memref<1x4x128xf32, #tpu.memory_space<hbm>>
        %dma_start3A_674 = tpu.memref_squeeze %dma_start3A_673 : memref<1x4x128xf32, #tpu.memory_space<hbm>> -> memref<4x128xf32, #tpu.memory_space<hbm>>
        %dma_start3A_675 = arith.constant 0 : i32
        %dma_start3A_676 = arith.constant 1152 : i32
        %dma_start3A_677 = tpu.memref_slice %arg21[%dma_start3A_675, %dma_start3A_676] : memref<4x2048xf32, #tpu.memory_space<vmem>> -> memref<4x128xf32, #tpu.memory_space<vmem>>
        %dma_start3A_678 = arith.constant 0 : i32
        %dma_start3A_679 = tpu.memref_slice %arg3[%arg1, %dma_start3A_678, %multiple_of3A_658] : memref<16x4x20000xf32, #tpu.memory_space<hbm>> -> memref<1x4x128xf32, #tpu.memory_space<hbm>>
        %dma_start3A_680 = tpu.memref_squeeze %dma_start3A_679 : memref<1x4x128xf32, #tpu.memory_space<hbm>> -> memref<4x128xf32, #tpu.memory_space<hbm>>
        tpu.enqueue_dma source(%dma_start3A_680 : memref<4x128xf32, #tpu.memory_space<hbm>>) target(%dma_start3A_677 : memref<4x128xf32, #tpu.memory_space<vmem>>) target_semaphore(%arg28 : memref<!tpu.dma_semaphore, #tpu.memory_space<semaphore_mem>>)
        %slice3A_681 = vector.extract_strided_slice %and3A_392 {offsets = [10], sizes = [1], strides = [1]} : vector<16xi32> to vector<1xi32>
        %squeeze3A_682 = vector.extract %slice3A_681[0] : i32 from vector<1xi32>
        %multiple_of3A_683 = tpu.assume_multiple %squeeze3A_682, 8 : i32
        %slice3A_684 = vector.extract_strided_slice %mul3A_401 {offsets = [10], sizes = [1], strides = [1]} : vector<16xi32> to vector<1xi32>
        %squeeze3A_685 = vector.extract %slice3A_684[0] : i32 from vector<1xi32>
        %multiple_of3A_686 = tpu.assume_multiple %squeeze3A_685, 128 : i32
        %dma_start3A_687 = arith.constant 0 : i32
        %dma_start3A_688 = arith.constant 1280 : i32
        %dma_start3A_689 = tpu.memref_slice %arg19[%dma_start3A_687, %dma_start3A_688] : memref<8x2048xf32, #tpu.memory_space<vmem>> -> memref<8x128xf32, #tpu.memory_space<vmem>>
        %dma_start3A_690 = tpu.memref_slice %arg4[%arg1, %multiple_of3A_683, %multiple_of3A_686] : memref<16x80x20000xf32, #tpu.memory_space<hbm>> -> memref<1x8x128xf32, #tpu.memory_space<hbm>>
        %dma_start3A_691 = tpu.memref_squeeze %dma_start3A_690 : memref<1x8x128xf32, #tpu.memory_space<hbm>> -> memref<8x128xf32, #tpu.memory_space<hbm>>
        %dma_start3A_692 = arith.constant 0 : i32
        %dma_start3A_693 = arith.constant 1280 : i32
        %dma_start3A_694 = tpu.memref_slice %arg19[%dma_start3A_692, %dma_start3A_693] : memref<8x2048xf32, #tpu.memory_space<vmem>> -> memref<8x128xf32, #tpu.memory_space<vmem>>
        %dma_start3A_695 = tpu.memref_slice %arg4[%arg1, %multiple_of3A_683, %multiple_of3A_686] : memref<16x80x20000xf32, #tpu.memory_space<hbm>> -> memref<1x8x128xf32, #tpu.memory_space<hbm>>
        %dma_start3A_696 = tpu.memref_squeeze %dma_start3A_695 : memref<1x8x128xf32, #tpu.memory_space<hbm>> -> memref<8x128xf32, #tpu.memory_space<hbm>>
        tpu.enqueue_dma source(%dma_start3A_696 : memref<8x128xf32, #tpu.memory_space<hbm>>) target(%dma_start3A_694 : memref<8x128xf32, #tpu.memory_space<vmem>>) target_semaphore(%arg28 : memref<!tpu.dma_semaphore, #tpu.memory_space<semaphore_mem>>)
        %dma_start3A_697 = arith.constant 0 : i32
        %dma_start3A_698 = arith.constant 1280 : i32
        %dma_start3A_699 = tpu.memref_slice %arg21[%dma_start3A_697, %dma_start3A_698] : memref<4x2048xf32, #tpu.memory_space<vmem>> -> memref<4x128xf32, #tpu.memory_space<vmem>>
        %dma_start3A_700 = arith.constant 0 : i32
        %dma_start3A_701 = tpu.memref_slice %arg3[%arg1, %dma_start3A_700, %multiple_of3A_686] : memref<16x4x20000xf32, #tpu.memory_space<hbm>> -> memref<1x4x128xf32, #tpu.memory_space<hbm>>
        %dma_start3A_702 = tpu.memref_squeeze %dma_start3A_701 : memref<1x4x128xf32, #tpu.memory_space<hbm>> -> memref<4x128xf32, #tpu.memory_space<hbm>>
        %dma_start3A_703 = arith.constant 0 : i32
        %dma_start3A_704 = arith.constant 1280 : i32
        %dma_start3A_705 = tpu.memref_slice %arg21[%dma_start3A_703, %dma_start3A_704] : memref<4x2048xf32, #tpu.memory_space<vmem>> -> memref<4x128xf32, #tpu.memory_space<vmem>>
        %dma_start3A_706 = arith.constant 0 : i32
        %dma_start3A_707 = tpu.memref_slice %arg3[%arg1, %dma_start3A_706, %multiple_of3A_686] : memref<16x4x20000xf32, #tpu.memory_space<hbm>> -> memref<1x4x128xf32, #tpu.memory_space<hbm>>
        %dma_start3A_708 = tpu.memref_squeeze %dma_start3A_707 : memref<1x4x128xf32, #tpu.memory_space<hbm>> -> memref<4x128xf32, #tpu.memory_space<hbm>>
        tpu.enqueue_dma source(%dma_start3A_708 : memref<4x128xf32, #tpu.memory_space<hbm>>) target(%dma_start3A_705 : memref<4x128xf32, #tpu.memory_space<vmem>>) target_semaphore(%arg28 : memref<!tpu.dma_semaphore, #tpu.memory_space<semaphore_mem>>)
        %slice3A_709 = vector.extract_strided_slice %and3A_392 {offsets = [11], sizes = [1], strides = [1]} : vector<16xi32> to vector<1xi32>
        %squeeze3A_710 = vector.extract %slice3A_709[0] : i32 from vector<1xi32>
        %multiple_of3A_711 = tpu.assume_multiple %squeeze3A_710, 8 : i32
        %slice3A_712 = vector.extract_strided_slice %mul3A_401 {offsets = [11], sizes = [1], strides = [1]} : vector<16xi32> to vector<1xi32>
        %squeeze3A_713 = vector.extract %slice3A_712[0] : i32 from vector<1xi32>
        %multiple_of3A_714 = tpu.assume_multiple %squeeze3A_713, 128 : i32
        %dma_start3A_715 = arith.constant 0 : i32
        %dma_start3A_716 = arith.constant 1408 : i32
        %dma_start3A_717 = tpu.memref_slice %arg19[%dma_start3A_715, %dma_start3A_716] : memref<8x2048xf32, #tpu.memory_space<vmem>> -> memref<8x128xf32, #tpu.memory_space<vmem>>
        %dma_start3A_718 = tpu.memref_slice %arg4[%arg1, %multiple_of3A_711, %multiple_of3A_714] : memref<16x80x20000xf32, #tpu.memory_space<hbm>> -> memref<1x8x128xf32, #tpu.memory_space<hbm>>
        %dma_start3A_719 = tpu.memref_squeeze %dma_start3A_718 : memref<1x8x128xf32, #tpu.memory_space<hbm>> -> memref<8x128xf32, #tpu.memory_space<hbm>>
        %dma_start3A_720 = arith.constant 0 : i32
        %dma_start3A_721 = arith.constant 1408 : i32
        %dma_start3A_722 = tpu.memref_slice %arg19[%dma_start3A_720, %dma_start3A_721] : memref<8x2048xf32, #tpu.memory_space<vmem>> -> memref<8x128xf32, #tpu.memory_space<vmem>>
        %dma_start3A_723 = tpu.memref_slice %arg4[%arg1, %multiple_of3A_711, %multiple_of3A_714] : memref<16x80x20000xf32, #tpu.memory_space<hbm>> -> memref<1x8x128xf32, #tpu.memory_space<hbm>>
        %dma_start3A_724 = tpu.memref_squeeze %dma_start3A_723 : memref<1x8x128xf32, #tpu.memory_space<hbm>> -> memref<8x128xf32, #tpu.memory_space<hbm>>
        tpu.enqueue_dma source(%dma_start3A_724 : memref<8x128xf32, #tpu.memory_space<hbm>>) target(%dma_start3A_722 : memref<8x128xf32, #tpu.memory_space<vmem>>) target_semaphore(%arg28 : memref<!tpu.dma_semaphore, #tpu.memory_space<semaphore_mem>>)
        %dma_start3A_725 = arith.constant 0 : i32
        %dma_start3A_726 = arith.constant 1408 : i32
        %dma_start3A_727 = tpu.memref_slice %arg21[%dma_start3A_725, %dma_start3A_726] : memref<4x2048xf32, #tpu.memory_space<vmem>> -> memref<4x128xf32, #tpu.memory_space<vmem>>
        %dma_start3A_728 = arith.constant 0 : i32
        %dma_start3A_729 = tpu.memref_slice %arg3[%arg1, %dma_start3A_728, %multiple_of3A_714] : memref<16x4x20000xf32, #tpu.memory_space<hbm>> -> memref<1x4x128xf32, #tpu.memory_space<hbm>>
        %dma_start3A_730 = tpu.memref_squeeze %dma_start3A_729 : memref<1x4x128xf32, #tpu.memory_space<hbm>> -> memref<4x128xf32, #tpu.memory_space<hbm>>
        %dma_start3A_731 = arith.constant 0 : i32
        %dma_start3A_732 = arith.constant 1408 : i32
        %dma_start3A_733 = tpu.memref_slice %arg21[%dma_start3A_731, %dma_start3A_732] : memref<4x2048xf32, #tpu.memory_space<vmem>> -> memref<4x128xf32, #tpu.memory_space<vmem>>
        %dma_start3A_734 = arith.constant 0 : i32
        %dma_start3A_735 = tpu.memref_slice %arg3[%arg1, %dma_start3A_734, %multiple_of3A_714] : memref<16x4x20000xf32, #tpu.memory_space<hbm>> -> memref<1x4x128xf32, #tpu.memory_space<hbm>>
        %dma_start3A_736 = tpu.memref_squeeze %dma_start3A_735 : memref<1x4x128xf32, #tpu.memory_space<hbm>> -> memref<4x128xf32, #tpu.memory_space<hbm>>
        tpu.enqueue_dma source(%dma_start3A_736 : memref<4x128xf32, #tpu.memory_space<hbm>>) target(%dma_start3A_733 : memref<4x128xf32, #tpu.memory_space<vmem>>) target_semaphore(%arg28 : memref<!tpu.dma_semaphore, #tpu.memory_space<semaphore_mem>>)
        %slice3A_737 = vector.extract_strided_slice %and3A_392 {offsets = [12], sizes = [1], strides = [1]} : vector<16xi32> to vector<1xi32>
        %squeeze3A_738 = vector.extract %slice3A_737[0] : i32 from vector<1xi32>
        %multiple_of3A_739 = tpu.assume_multiple %squeeze3A_738, 8 : i32
        %slice3A_740 = vector.extract_strided_slice %mul3A_401 {offsets = [12], sizes = [1], strides = [1]} : vector<16xi32> to vector<1xi32>
        %squeeze3A_741 = vector.extract %slice3A_740[0] : i32 from vector<1xi32>
        %multiple_of3A_742 = tpu.assume_multiple %squeeze3A_741, 128 : i32
        %dma_start3A_743 = arith.constant 0 : i32
        %dma_start3A_744 = arith.constant 1536 : i32
        %dma_start3A_745 = tpu.memref_slice %arg19[%dma_start3A_743, %dma_start3A_744] : memref<8x2048xf32, #tpu.memory_space<vmem>> -> memref<8x128xf32, #tpu.memory_space<vmem>>
        %dma_start3A_746 = tpu.memref_slice %arg4[%arg1, %multiple_of3A_739, %multiple_of3A_742] : memref<16x80x20000xf32, #tpu.memory_space<hbm>> -> memref<1x8x128xf32, #tpu.memory_space<hbm>>
        %dma_start3A_747 = tpu.memref_squeeze %dma_start3A_746 : memref<1x8x128xf32, #tpu.memory_space<hbm>> -> memref<8x128xf32, #tpu.memory_space<hbm>>
        %dma_start3A_748 = arith.constant 0 : i32
        %dma_start3A_749 = arith.constant 1536 : i32
        %dma_start3A_750 = tpu.memref_slice %arg19[%dma_start3A_748, %dma_start3A_749] : memref<8x2048xf32, #tpu.memory_space<vmem>> -> memref<8x128xf32, #tpu.memory_space<vmem>>
        %dma_start3A_751 = tpu.memref_slice %arg4[%arg1, %multiple_of3A_739, %multiple_of3A_742] : memref<16x80x20000xf32, #tpu.memory_space<hbm>> -> memref<1x8x128xf32, #tpu.memory_space<hbm>>
        %dma_start3A_752 = tpu.memref_squeeze %dma_start3A_751 : memref<1x8x128xf32, #tpu.memory_space<hbm>> -> memref<8x128xf32, #tpu.memory_space<hbm>>
        tpu.enqueue_dma source(%dma_start3A_752 : memref<8x128xf32, #tpu.memory_space<hbm>>) target(%dma_start3A_750 : memref<8x128xf32, #tpu.memory_space<vmem>>) target_semaphore(%arg28 : memref<!tpu.dma_semaphore, #tpu.memory_space<semaphore_mem>>)
        %dma_start3A_753 = arith.constant 0 : i32
        %dma_start3A_754 = arith.constant 1536 : i32
        %dma_start3A_755 = tpu.memref_slice %arg21[%dma_start3A_753, %dma_start3A_754] : memref<4x2048xf32, #tpu.memory_space<vmem>> -> memref<4x128xf32, #tpu.memory_space<vmem>>
        %dma_start3A_756 = arith.constant 0 : i32
        %dma_start3A_757 = tpu.memref_slice %arg3[%arg1, %dma_start3A_756, %multiple_of3A_742] : memref<16x4x20000xf32, #tpu.memory_space<hbm>> -> memref<1x4x128xf32, #tpu.memory_space<hbm>>
        %dma_start3A_758 = tpu.memref_squeeze %dma_start3A_757 : memref<1x4x128xf32, #tpu.memory_space<hbm>> -> memref<4x128xf32, #tpu.memory_space<hbm>>
        %dma_start3A_759 = arith.constant 0 : i32
        %dma_start3A_760 = arith.constant 1536 : i32
        %dma_start3A_761 = tpu.memref_slice %arg21[%dma_start3A_759, %dma_start3A_760] : memref<4x2048xf32, #tpu.memory_space<vmem>> -> memref<4x128xf32, #tpu.memory_space<vmem>>
        %dma_start3A_762 = arith.constant 0 : i32
        %dma_start3A_763 = tpu.memref_slice %arg3[%arg1, %dma_start3A_762, %multiple_of3A_742] : memref<16x4x20000xf32, #tpu.memory_space<hbm>> -> memref<1x4x128xf32, #tpu.memory_space<hbm>>
        %dma_start3A_764 = tpu.memref_squeeze %dma_start3A_763 : memref<1x4x128xf32, #tpu.memory_space<hbm>> -> memref<4x128xf32, #tpu.memory_space<hbm>>
        tpu.enqueue_dma source(%dma_start3A_764 : memref<4x128xf32, #tpu.memory_space<hbm>>) target(%dma_start3A_761 : memref<4x128xf32, #tpu.memory_space<vmem>>) target_semaphore(%arg28 : memref<!tpu.dma_semaphore, #tpu.memory_space<semaphore_mem>>)
        %slice3A_765 = vector.extract_strided_slice %and3A_392 {offsets = [13], sizes = [1], strides = [1]} : vector<16xi32> to vector<1xi32>
        %squeeze3A_766 = vector.extract %slice3A_765[0] : i32 from vector<1xi32>
        %multiple_of3A_767 = tpu.assume_multiple %squeeze3A_766, 8 : i32
        %slice3A_768 = vector.extract_strided_slice %mul3A_401 {offsets = [13], sizes = [1], strides = [1]} : vector<16xi32> to vector<1xi32>
        %squeeze3A_769 = vector.extract %slice3A_768[0] : i32 from vector<1xi32>
        %multiple_of3A_770 = tpu.assume_multiple %squeeze3A_769, 128 : i32
        %dma_start3A_771 = arith.constant 0 : i32
        %dma_start3A_772 = arith.constant 1664 : i32
        %dma_start3A_773 = tpu.memref_slice %arg19[%dma_start3A_771, %dma_start3A_772] : memref<8x2048xf32, #tpu.memory_space<vmem>> -> memref<8x128xf32, #tpu.memory_space<vmem>>
        %dma_start3A_774 = tpu.memref_slice %arg4[%arg1, %multiple_of3A_767, %multiple_of3A_770] : memref<16x80x20000xf32, #tpu.memory_space<hbm>> -> memref<1x8x128xf32, #tpu.memory_space<hbm>>
        %dma_start3A_775 = tpu.memref_squeeze %dma_start3A_774 : memref<1x8x128xf32, #tpu.memory_space<hbm>> -> memref<8x128xf32, #tpu.memory_space<hbm>>
        %dma_start3A_776 = arith.constant 0 : i32
        %dma_start3A_777 = arith.constant 1664 : i32
        %dma_start3A_778 = tpu.memref_slice %arg19[%dma_start3A_776, %dma_start3A_777] : memref<8x2048xf32, #tpu.memory_space<vmem>> -> memref<8x128xf32, #tpu.memory_space<vmem>>
        %dma_start3A_779 = tpu.memref_slice %arg4[%arg1, %multiple_of3A_767, %multiple_of3A_770] : memref<16x80x20000xf32, #tpu.memory_space<hbm>> -> memref<1x8x128xf32, #tpu.memory_space<hbm>>
        %dma_start3A_780 = tpu.memref_squeeze %dma_start3A_779 : memref<1x8x128xf32, #tpu.memory_space<hbm>> -> memref<8x128xf32, #tpu.memory_space<hbm>>
        tpu.enqueue_dma source(%dma_start3A_780 : memref<8x128xf32, #tpu.memory_space<hbm>>) target(%dma_start3A_778 : memref<8x128xf32, #tpu.memory_space<vmem>>) target_semaphore(%arg28 : memref<!tpu.dma_semaphore, #tpu.memory_space<semaphore_mem>>)
        %dma_start3A_781 = arith.constant 0 : i32
        %dma_start3A_782 = arith.constant 1664 : i32
        %dma_start3A_783 = tpu.memref_slice %arg21[%dma_start3A_781, %dma_start3A_782] : memref<4x2048xf32, #tpu.memory_space<vmem>> -> memref<4x128xf32, #tpu.memory_space<vmem>>
        %dma_start3A_784 = arith.constant 0 : i32
        %dma_start3A_785 = tpu.memref_slice %arg3[%arg1, %dma_start3A_784, %multiple_of3A_770] : memref<16x4x20000xf32, #tpu.memory_space<hbm>> -> memref<1x4x128xf32, #tpu.memory_space<hbm>>
        %dma_start3A_786 = tpu.memref_squeeze %dma_start3A_785 : memref<1x4x128xf32, #tpu.memory_space<hbm>> -> memref<4x128xf32, #tpu.memory_space<hbm>>
        %dma_start3A_787 = arith.constant 0 : i32
        %dma_start3A_788 = arith.constant 1664 : i32
        %dma_start3A_789 = tpu.memref_slice %arg21[%dma_start3A_787, %dma_start3A_788] : memref<4x2048xf32, #tpu.memory_space<vmem>> -> memref<4x128xf32, #tpu.memory_space<vmem>>
        %dma_start3A_790 = arith.constant 0 : i32
        %dma_start3A_791 = tpu.memref_slice %arg3[%arg1, %dma_start3A_790, %multiple_of3A_770] : memref<16x4x20000xf32, #tpu.memory_space<hbm>> -> memref<1x4x128xf32, #tpu.memory_space<hbm>>
        %dma_start3A_792 = tpu.memref_squeeze %dma_start3A_791 : memref<1x4x128xf32, #tpu.memory_space<hbm>> -> memref<4x128xf32, #tpu.memory_space<hbm>>
        tpu.enqueue_dma source(%dma_start3A_792 : memref<4x128xf32, #tpu.memory_space<hbm>>) target(%dma_start3A_789 : memref<4x128xf32, #tpu.memory_space<vmem>>) target_semaphore(%arg28 : memref<!tpu.dma_semaphore, #tpu.memory_space<semaphore_mem>>)
        %slice3A_793 = vector.extract_strided_slice %and3A_392 {offsets = [14], sizes = [1], strides = [1]} : vector<16xi32> to vector<1xi32>
        %squeeze3A_794 = vector.extract %slice3A_793[0] : i32 from vector<1xi32>
        %multiple_of3A_795 = tpu.assume_multiple %squeeze3A_794, 8 : i32
        %slice3A_796 = vector.extract_strided_slice %mul3A_401 {offsets = [14], sizes = [1], strides = [1]} : vector<16xi32> to vector<1xi32>
        %squeeze3A_797 = vector.extract %slice3A_796[0] : i32 from vector<1xi32>
        %multiple_of3A_798 = tpu.assume_multiple %squeeze3A_797, 128 : i32
        %dma_start3A_799 = arith.constant 0 : i32
        %dma_start3A_800 = arith.constant 1792 : i32
        %dma_start3A_801 = tpu.memref_slice %arg19[%dma_start3A_799, %dma_start3A_800] : memref<8x2048xf32, #tpu.memory_space<vmem>> -> memref<8x128xf32, #tpu.memory_space<vmem>>
        %dma_start3A_802 = tpu.memref_slice %arg4[%arg1, %multiple_of3A_795, %multiple_of3A_798] : memref<16x80x20000xf32, #tpu.memory_space<hbm>> -> memref<1x8x128xf32, #tpu.memory_space<hbm>>
        %dma_start3A_803 = tpu.memref_squeeze %dma_start3A_802 : memref<1x8x128xf32, #tpu.memory_space<hbm>> -> memref<8x128xf32, #tpu.memory_space<hbm>>
        %dma_start3A_804 = arith.constant 0 : i32
        %dma_start3A_805 = arith.constant 1792 : i32
        %dma_start3A_806 = tpu.memref_slice %arg19[%dma_start3A_804, %dma_start3A_805] : memref<8x2048xf32, #tpu.memory_space<vmem>> -> memref<8x128xf32, #tpu.memory_space<vmem>>
        %dma_start3A_807 = tpu.memref_slice %arg4[%arg1, %multiple_of3A_795, %multiple_of3A_798] : memref<16x80x20000xf32, #tpu.memory_space<hbm>> -> memref<1x8x128xf32, #tpu.memory_space<hbm>>
        %dma_start3A_808 = tpu.memref_squeeze %dma_start3A_807 : memref<1x8x128xf32, #tpu.memory_space<hbm>> -> memref<8x128xf32, #tpu.memory_space<hbm>>
        tpu.enqueue_dma source(%dma_start3A_808 : memref<8x128xf32, #tpu.memory_space<hbm>>) target(%dma_start3A_806 : memref<8x128xf32, #tpu.memory_space<vmem>>) target_semaphore(%arg28 : memref<!tpu.dma_semaphore, #tpu.memory_space<semaphore_mem>>)
        %dma_start3A_809 = arith.constant 0 : i32
        %dma_start3A_810 = arith.constant 1792 : i32
        %dma_start3A_811 = tpu.memref_slice %arg21[%dma_start3A_809, %dma_start3A_810] : memref<4x2048xf32, #tpu.memory_space<vmem>> -> memref<4x128xf32, #tpu.memory_space<vmem>>
        %dma_start3A_812 = arith.constant 0 : i32
        %dma_start3A_813 = tpu.memref_slice %arg3[%arg1, %dma_start3A_812, %multiple_of3A_798] : memref<16x4x20000xf32, #tpu.memory_space<hbm>> -> memref<1x4x128xf32, #tpu.memory_space<hbm>>
        %dma_start3A_814 = tpu.memref_squeeze %dma_start3A_813 : memref<1x4x128xf32, #tpu.memory_space<hbm>> -> memref<4x128xf32, #tpu.memory_space<hbm>>
        %dma_start3A_815 = arith.constant 0 : i32
        %dma_start3A_816 = arith.constant 1792 : i32
        %dma_start3A_817 = tpu.memref_slice %arg21[%dma_start3A_815, %dma_start3A_816] : memref<4x2048xf32, #tpu.memory_space<vmem>> -> memref<4x128xf32, #tpu.memory_space<vmem>>
        %dma_start3A_818 = arith.constant 0 : i32
        %dma_start3A_819 = tpu.memref_slice %arg3[%arg1, %dma_start3A_818, %multiple_of3A_798] : memref<16x4x20000xf32, #tpu.memory_space<hbm>> -> memref<1x4x128xf32, #tpu.memory_space<hbm>>
        %dma_start3A_820 = tpu.memref_squeeze %dma_start3A_819 : memref<1x4x128xf32, #tpu.memory_space<hbm>> -> memref<4x128xf32, #tpu.memory_space<hbm>>
        tpu.enqueue_dma source(%dma_start3A_820 : memref<4x128xf32, #tpu.memory_space<hbm>>) target(%dma_start3A_817 : memref<4x128xf32, #tpu.memory_space<vmem>>) target_semaphore(%arg28 : memref<!tpu.dma_semaphore, #tpu.memory_space<semaphore_mem>>)
        %slice3A_821 = vector.extract_strided_slice %and3A_392 {offsets = [15], sizes = [1], strides = [1]} : vector<16xi32> to vector<1xi32>
        %squeeze3A_822 = vector.extract %slice3A_821[0] : i32 from vector<1xi32>
        %multiple_of3A_823 = tpu.assume_multiple %squeeze3A_822, 8 : i32
        %slice3A_824 = vector.extract_strided_slice %mul3A_401 {offsets = [15], sizes = [1], strides = [1]} : vector<16xi32> to vector<1xi32>
        %squeeze3A_825 = vector.extract %slice3A_824[0] : i32 from vector<1xi32>
        %multiple_of3A_826 = tpu.assume_multiple %squeeze3A_825, 128 : i32
        %dma_start3A_827 = arith.constant 0 : i32
        %dma_start3A_828 = arith.constant 1920 : i32
        %dma_start3A_829 = tpu.memref_slice %arg19[%dma_start3A_827, %dma_start3A_828] : memref<8x2048xf32, #tpu.memory_space<vmem>> -> memref<8x128xf32, #tpu.memory_space<vmem>>
        %dma_start3A_830 = tpu.memref_slice %arg4[%arg1, %multiple_of3A_823, %multiple_of3A_826] : memref<16x80x20000xf32, #tpu.memory_space<hbm>> -> memref<1x8x128xf32, #tpu.memory_space<hbm>>
        %dma_start3A_831 = tpu.memref_squeeze %dma_start3A_830 : memref<1x8x128xf32, #tpu.memory_space<hbm>> -> memref<8x128xf32, #tpu.memory_space<hbm>>
        %dma_start3A_832 = arith.constant 0 : i32
        %dma_start3A_833 = arith.constant 1920 : i32
        %dma_start3A_834 = tpu.memref_slice %arg19[%dma_start3A_832, %dma_start3A_833] : memref<8x2048xf32, #tpu.memory_space<vmem>> -> memref<8x128xf32, #tpu.memory_space<vmem>>
        %dma_start3A_835 = tpu.memref_slice %arg4[%arg1, %multiple_of3A_823, %multiple_of3A_826] : memref<16x80x20000xf32, #tpu.memory_space<hbm>> -> memref<1x8x128xf32, #tpu.memory_space<hbm>>
        %dma_start3A_836 = tpu.memref_squeeze %dma_start3A_835 : memref<1x8x128xf32, #tpu.memory_space<hbm>> -> memref<8x128xf32, #tpu.memory_space<hbm>>
        tpu.enqueue_dma source(%dma_start3A_836 : memref<8x128xf32, #tpu.memory_space<hbm>>) target(%dma_start3A_834 : memref<8x128xf32, #tpu.memory_space<vmem>>) target_semaphore(%arg28 : memref<!tpu.dma_semaphore, #tpu.memory_space<semaphore_mem>>)
        %dma_start3A_837 = arith.constant 0 : i32
        %dma_start3A_838 = arith.constant 1920 : i32
        %dma_start3A_839 = tpu.memref_slice %arg21[%dma_start3A_837, %dma_start3A_838] : memref<4x2048xf32, #tpu.memory_space<vmem>> -> memref<4x128xf32, #tpu.memory_space<vmem>>
        %dma_start3A_840 = arith.constant 0 : i32
        %dma_start3A_841 = tpu.memref_slice %arg3[%arg1, %dma_start3A_840, %multiple_of3A_826] : memref<16x4x20000xf32, #tpu.memory_space<hbm>> -> memref<1x4x128xf32, #tpu.memory_space<hbm>>
        %dma_start3A_842 = tpu.memref_squeeze %dma_start3A_841 : memref<1x4x128xf32, #tpu.memory_space<hbm>> -> memref<4x128xf32, #tpu.memory_space<hbm>>
        %dma_start3A_843 = arith.constant 0 : i32
        %dma_start3A_844 = arith.constant 1920 : i32
        %dma_start3A_845 = tpu.memref_slice %arg21[%dma_start3A_843, %dma_start3A_844] : memref<4x2048xf32, #tpu.memory_space<vmem>> -> memref<4x128xf32, #tpu.memory_space<vmem>>
        %dma_start3A_846 = arith.constant 0 : i32
        %dma_start3A_847 = tpu.memref_slice %arg3[%arg1, %dma_start3A_846, %multiple_of3A_826] : memref<16x4x20000xf32, #tpu.memory_space<hbm>> -> memref<1x4x128xf32, #tpu.memory_space<hbm>>
        %dma_start3A_848 = tpu.memref_squeeze %dma_start3A_847 : memref<1x4x128xf32, #tpu.memory_space<hbm>> -> memref<4x128xf32, #tpu.memory_space<hbm>>
        tpu.enqueue_dma source(%dma_start3A_848 : memref<4x128xf32, #tpu.memory_space<hbm>>) target(%dma_start3A_845 : memref<4x128xf32, #tpu.memory_space<vmem>>) target_semaphore(%arg28 : memref<!tpu.dma_semaphore, #tpu.memory_space<semaphore_mem>>)
      } else {
      }
      %mul3A_347 = arith.constant 2 : i32
      %mul3A_348 = arith.muli %mul3A_347, %mul3A_335 : i32
      %add3A_349 = arith.addi %mul3A_348, %arg0 : i32
      %mul3A_350 = arith.constant 16 : i32
      %mul3A_351 = arith.muli %add3A_349, %mul3A_350 : i32
      %lt3A_352 = arith.cmpi slt, %mul3A_351, %squeeze3A : i32
      %convert_element_type3A_353 = arith.extui %lt3A_352 : i1 to i32
      %cond3A_354 = arith.constant 0 : i32
      %cond3A_355 = arith.cmpi ne, %convert_element_type3A_353, %cond3A_354 : i32
      scf.if %cond3A_355 {
        %dma_wait3A_380 = arith.constant 0 : i32
        %dma_wait3A_381 = arith.constant 0 : i32
        %dma_wait3A_382 = arith.constant 0 : i32
        %dma_wait3A_383 = tpu.memref_slice %arg4[%dma_wait3A_380, %dma_wait3A_381, %dma_wait3A_382] : memref<16x80x20000xf32, #tpu.memory_space<hbm>> -> memref<1x8x2048xf32, #tpu.memory_space<hbm>>
        %dma_wait3A_384 = tpu.memref_squeeze %dma_wait3A_383 : memref<1x8x2048xf32, #tpu.memory_space<hbm>> -> memref<8x2048xf32, #tpu.memory_space<hbm>>
        %dma_wait3A_385 = arith.constant 0 : i32
        %dma_wait3A_386 = arith.constant 0 : i32
        %dma_wait3A_387 = tpu.memref_slice %arg4[%dma_wait3A_380, %dma_wait3A_385, %dma_wait3A_386] : memref<16x80x20000xf32, #tpu.memory_space<hbm>> -> memref<1x8x2048xf32, #tpu.memory_space<hbm>>
        %dma_wait3A_388 = tpu.memref_squeeze %dma_wait3A_387 : memref<1x8x2048xf32, #tpu.memory_space<hbm>> -> memref<8x2048xf32, #tpu.memory_space<hbm>>
        tpu.wait_dma2 semaphore(%arg27 : memref<!tpu.dma_semaphore, #tpu.memory_space<semaphore_mem>>) src(%dma_wait3A_388 : memref<8x2048xf32, #tpu.memory_space<hbm>>) dst(%arg18 : memref<8x2048xf32, #tpu.memory_space<vmem>>)
        %dma_wait3A_389 = arith.constant 0 : i32
        %dma_wait3A_390 = arith.constant 0 : i32
        %dma_wait3A_391 = arith.constant 0 : i32
        %dma_wait3A_392 = tpu.memref_slice %arg3[%dma_wait3A_389, %dma_wait3A_390, %dma_wait3A_391] : memref<16x4x20000xf32, #tpu.memory_space<hbm>> -> memref<1x4x2048xf32, #tpu.memory_space<hbm>>
        %dma_wait3A_393 = tpu.memref_squeeze %dma_wait3A_392 : memref<1x4x2048xf32, #tpu.memory_space<hbm>> -> memref<4x2048xf32, #tpu.memory_space<hbm>>
        %dma_wait3A_394 = arith.constant 0 : i32
        %dma_wait3A_395 = arith.constant 0 : i32
        %dma_wait3A_396 = tpu.memref_slice %arg3[%dma_wait3A_389, %dma_wait3A_394, %dma_wait3A_395] : memref<16x4x20000xf32, #tpu.memory_space<hbm>> -> memref<1x4x2048xf32, #tpu.memory_space<hbm>>
        %dma_wait3A_397 = tpu.memref_squeeze %dma_wait3A_396 : memref<1x4x2048xf32, #tpu.memory_space<hbm>> -> memref<4x2048xf32, #tpu.memory_space<hbm>>
        tpu.wait_dma2 semaphore(%arg27 : memref<!tpu.dma_semaphore, #tpu.memory_space<semaphore_mem>>) src(%dma_wait3A_397 : memref<4x2048xf32, #tpu.memory_space<hbm>>) dst(%arg20 : memref<4x2048xf32, #tpu.memory_space<vmem>>)
        %mul3A_398 = arith.constant 2 : i32
        %mul3A_399 = arith.muli %mul3A_398, %mul3A_335 : i32
        %add3A_400 = arith.addi %mul3A_399, %arg0 : i32
        %mul3A_401 = arith.constant 16 : i32
        %mul3A_402 = arith.muli %add3A_400, %mul3A_401 : i32
        %get3A = arith.index_cast %mul3A_402 : i32 to index
        %get3A_403 = tpu.vector_load %arg15[%get3A] {strides = array<i32>} : memref<1024xi32, #tpu.memory_space<vmem>>, vector<16xi32>,
        %and3A_404 = arith.constant 32767 : i32
        %and3A_405 = vector.broadcast %and3A_404 : i32 to vector<16xi32>
        %and3A_406 = arith.andi %get3A_403, %and3A_405 : vector<16xi32>
        %shift_right_arithmetic3A = arith.constant 15 : i32
        %shift_right_arithmetic3A_407 = vector.broadcast %shift_right_arithmetic3A : i32 to vector<16xi32>
        %shift_right_arithmetic3A_408 = arith.shrsi %get3A_403, %shift_right_arithmetic3A_407 : vector<16xi32>
        %and3A_409 = arith.constant 7 : i32
        %and3A_410 = vector.broadcast %and3A_409 : i32 to vector<16xi32>
        %and3A_411 = arith.andi %shift_right_arithmetic3A_408, %and3A_410 : vector<16xi32>
        %add3A_412 = vector.broadcast %mul3A_402 : i32 to vector<16xi32>
        %add3A_413 = arith.addi %add3A_412, %iota3A : vector<16xi32>
        %ge3A = arith.cmpi sge, %add3A_413, %min3A_29 : vector<16xi32>
        %mul3A_414 = arith.constant 128 : i32
        %mul3A_415 = vector.broadcast %mul3A_414 : i32 to vector<16xi32>
        %mul3A_416 = arith.muli %iota3A, %mul3A_415 : vector<16xi32>
        %and3A_417 = arith.constant 127 : i32
        %and3A_418 = vector.broadcast %and3A_417 : i32 to vector<16xi32>
        %and3A_419 = arith.andi %and3A_406, %and3A_418 : vector<16xi32>
        %add3A_420 = arith.addi %mul3A_416, %and3A_419 : vector<16xi32>
        %gather3A = tpu.vector_load_idx %arg18[%and3A_411, %add3A_420] : memref<8x2048xf32, #tpu.memory_space<vmem>>[vector<16xi32>, vector<16xi32>], vector<16xf32>,
        %select_n3A = arith.select %ge3A, %broadcast_in_dim3A_2, %gather3A : vector<16xi1>, vector<16xf32>
        tpu.vector_store_idx %arg17[%add3A_413], %select_n3A : memref<1024xf32, #tpu.memory_space<vmem>>[vector<16xi32>], vector<16xf32>,
        %gather3A_421 = tpu.vector_load_idx %arg20[%broadcast_in_dim3A_295, %add3A_420] : memref<4x2048xf32, #tpu.memory_space<vmem>>[vector<16xi32>, vector<16xi32>], vector<16xf32>,
        %select_n3A_422 = arith.select %ge3A, %broadcast_in_dim3A_2, %gather3A_421 : vector<16xi1>, vector<16xf32>
        %mul3A_423 = arith.constant 4 : i32
        %mul3A_424 = vector.broadcast %mul3A_423 : i32 to vector<16xi32>
        %mul3A_425 = arith.muli %add3A_413, %mul3A_424 : vector<16xi32>
        %add3A_426 = arith.constant 0 : i32
        %add3A_427 = vector.broadcast %add3A_426 : i32 to vector<16xi32>
        %add3A_428 = arith.addi %mul3A_425, %add3A_427 : vector<16xi32>
        tpu.vector_store_idx %arg22[%add3A_428], %select_n3A_422 : memref<4096xf32, #tpu.memory_space<vmem>>[vector<16xi32>], vector<16xf32>,
        %gather3A_429 = tpu.vector_load_idx %arg20[%broadcast_in_dim3A_297, %add3A_420] : memref<4x2048xf32, #tpu.memory_space<vmem>>[vector<16xi32>, vector<16xi32>], vector<16xf32>,
        %select_n3A_430 = arith.select %ge3A, %broadcast_in_dim3A_2, %gather3A_429 : vector<16xi1>, vector<16xf32>
        %mul3A_431 = arith.constant 4 : i32
        %mul3A_432 = vector.broadcast %mul3A_431 : i32 to vector<16xi32>
        %mul3A_433 = arith.muli %add3A_413, %mul3A_432 : vector<16xi32>
        %add3A_434 = arith.constant 1 : i32
        %add3A_435 = vector.broadcast %add3A_434 : i32 to vector<16xi32>
        %add3A_436 = arith.addi %mul3A_433, %add3A_435 : vector<16xi32>
        tpu.vector_store_idx %arg22[%add3A_436], %select_n3A_430 : memref<4096xf32, #tpu.memory_space<vmem>>[vector<16xi32>], vector<16xf32>,
        %gather3A_437 = tpu.vector_load_idx %arg20[%broadcast_in_dim3A_299, %add3A_420] : memref<4x2048xf32, #tpu.memory_space<vmem>>[vector<16xi32>, vector<16xi32>], vector<16xf32>,
        %select_n3A_438 = arith.select %ge3A, %broadcast_in_dim3A_2, %gather3A_437 : vector<16xi1>, vector<16xf32>
        %mul3A_439 = arith.constant 4 : i32
        %mul3A_440 = vector.broadcast %mul3A_439 : i32 to vector<16xi32>
        %mul3A_441 = arith.muli %add3A_413, %mul3A_440 : vector<16xi32>
        %add3A_442 = arith.constant 2 : i32
        %add3A_443 = vector.broadcast %add3A_442 : i32 to vector<16xi32>
        %add3A_444 = arith.addi %mul3A_441, %add3A_443 : vector<16xi32>
        tpu.vector_store_idx %arg22[%add3A_444], %select_n3A_438 : memref<4096xf32, #tpu.memory_space<vmem>>[vector<16xi32>], vector<16xf32>,
        %gather3A_445 = tpu.vector_load_idx %arg20[%broadcast_in_dim3A_301, %add3A_420] : memref<4x2048xf32, #tpu.memory_space<vmem>>[vector<16xi32>, vector<16xi32>], vector<16xf32>,
        %select_n3A_446 = arith.select %ge3A, %broadcast_in_dim3A_2, %gather3A_445 : vector<16xi1>, vector<16xf32>
        %mul3A_447 = arith.constant 4 : i32
        %mul3A_448 = vector.broadcast %mul3A_447 : i32 to vector<16xi32>
        %mul3A_449 = arith.muli %add3A_413, %mul3A_448 : vector<16xi32>
        %add3A_450 = arith.constant 3 : i32
        %add3A_451 = vector.broadcast %add3A_450 : i32 to vector<16xi32>
        %add3A_452 = arith.addi %mul3A_449, %add3A_451 : vector<16xi32>
        tpu.vector_store_idx %arg22[%add3A_452], %select_n3A_446 : memref<4096xf32, #tpu.memory_space<vmem>>[vector<16xi32>], vector<16xf32>,
      } else {
      }
      %lt3A_356 = arith.constant 15 : i32
      %lt3A_357 = arith.cmpi slt, %add3A_333, %lt3A_356 : i32
      %add3A_358 = arith.constant 2 : i32
      %add3A_359 = arith.addi %mul3A_335, %add3A_358 : i32
      %mul3A_360 = arith.constant 2 : i32
      %mul3A_361 = arith.muli %mul3A_360, %add3A_359 : i32
      %add3A_362 = arith.addi %mul3A_361, %arg0 : i32
      %mul3A_363 = arith.constant 16 : i32
      %mul3A_364 = arith.muli %add3A_362, %mul3A_363 : i32
      %lt3A_365 = arith.cmpi slt, %mul3A_364, %squeeze3A : i32
      %and3A = arith.andi %lt3A_357, %lt3A_365 : i1
      %convert_element_type3A_366 = arith.extui %and3A : i1 to i32
      %cond3A_367 = arith.constant 0 : i32
      %cond3A_368 = arith.cmpi ne, %convert_element_type3A_366, %cond3A_367 : i32
      scf.if %cond3A_368 {
        %add3A_380 = arith.constant 2 : i32
        %add3A_381 = arith.addi %mul3A_335, %add3A_380 : i32
        %mul3A_382 = arith.constant 2 : i32
        %mul3A_383 = arith.muli %mul3A_382, %add3A_381 : i32
        %add3A_384 = arith.addi %mul3A_383, %arg0 : i32
        %mul3A_385 = arith.constant 16 : i32
        %mul3A_386 = arith.muli %add3A_384, %mul3A_385 : i32
        %get3A = arith.index_cast %mul3A_386 : i32 to index
        %get3A_387 = tpu.vector_load %arg15[%get3A] {strides = array<i32>} : memref<1024xi32, #tpu.memory_space<vmem>>, vector<16xi32>,
        %shift_right_arithmetic3A = arith.constant 15 : i32
        %shift_right_arithmetic3A_388 = vector.broadcast %shift_right_arithmetic3A : i32 to vector<16xi32>
        %shift_right_arithmetic3A_389 = arith.shrsi %get3A_387, %shift_right_arithmetic3A_388 : vector<16xi32>
        %and3A_390 = arith.constant 120 : i32
        %and3A_391 = vector.broadcast %and3A_390 : i32 to vector<16xi32>
        %and3A_392 = arith.andi %shift_right_arithmetic3A_389, %and3A_391 : vector<16xi32>
        %and3A_393 = arith.constant 32767 : i32
        %and3A_394 = vector.broadcast %and3A_393 : i32 to vector<16xi32>
        %and3A_395 = arith.andi %get3A_387, %and3A_394 : vector<16xi32>
        %shift_right_arithmetic3A_396 = arith.constant 7 : i32
        %shift_right_arithmetic3A_397 = vector.broadcast %shift_right_arithmetic3A_396 : i32 to vector<16xi32>
        %shift_right_arithmetic3A_398 = arith.shrsi %and3A_395, %shift_right_arithmetic3A_397 : vector<16xi32>
        %mul3A_399 = arith.constant 128 : i32
        %mul3A_400 = vector.broadcast %mul3A_399 : i32 to vector<16xi32>
        %mul3A_401 = arith.muli %shift_right_arithmetic3A_398, %mul3A_400 : vector<16xi32>
        %slice3A_402 = vector.extract_strided_slice %and3A_392 {offsets = [0], sizes = [1], strides = [1]} : vector<16xi32> to vector<1xi32>
        %squeeze3A_403 = vector.extract %slice3A_402[0] : i32 from vector<1xi32>
        %multiple_of3A = tpu.assume_multiple %squeeze3A_403, 8 : i32
        %slice3A_404 = vector.extract_strided_slice %mul3A_401 {offsets = [0], sizes = [1], strides = [1]} : vector<16xi32> to vector<1xi32>
        %squeeze3A_405 = vector.extract %slice3A_404[0] : i32 from vector<1xi32>
        %multiple_of3A_406 = tpu.assume_multiple %squeeze3A_405, 128 : i32
        %dma_start3A_407 = arith.constant 0 : i32
        %dma_start3A_408 = arith.constant 0 : i32
        %dma_start3A_409 = tpu.memref_slice %arg18[%dma_start3A_407, %dma_start3A_408] : memref<8x2048xf32, #tpu.memory_space<vmem>> -> memref<8x128xf32, #tpu.memory_space<vmem>>
        %dma_start3A_410 = tpu.memref_slice %arg4[%arg1, %multiple_of3A, %multiple_of3A_406] : memref<16x80x20000xf32, #tpu.memory_space<hbm>> -> memref<1x8x128xf32, #tpu.memory_space<hbm>>
        %dma_start3A_411 = tpu.memref_squeeze %dma_start3A_410 : memref<1x8x128xf32, #tpu.memory_space<hbm>> -> memref<8x128xf32, #tpu.memory_space<hbm>>
        %dma_start3A_412 = arith.constant 0 : i32
        %dma_start3A_413 = arith.constant 0 : i32
        %dma_start3A_414 = tpu.memref_slice %arg18[%dma_start3A_412, %dma_start3A_413] : memref<8x2048xf32, #tpu.memory_space<vmem>> -> memref<8x128xf32, #tpu.memory_space<vmem>>
        %dma_start3A_415 = tpu.memref_slice %arg4[%arg1, %multiple_of3A, %multiple_of3A_406] : memref<16x80x20000xf32, #tpu.memory_space<hbm>> -> memref<1x8x128xf32, #tpu.memory_space<hbm>>
        %dma_start3A_416 = tpu.memref_squeeze %dma_start3A_415 : memref<1x8x128xf32, #tpu.memory_space<hbm>> -> memref<8x128xf32, #tpu.memory_space<hbm>>
        tpu.enqueue_dma source(%dma_start3A_416 : memref<8x128xf32, #tpu.memory_space<hbm>>) target(%dma_start3A_414 : memref<8x128xf32, #tpu.memory_space<vmem>>) target_semaphore(%arg27 : memref<!tpu.dma_semaphore, #tpu.memory_space<semaphore_mem>>)
        %dma_start3A_417 = arith.constant 0 : i32
        %dma_start3A_418 = arith.constant 0 : i32
        %dma_start3A_419 = tpu.memref_slice %arg20[%dma_start3A_417, %dma_start3A_418] : memref<4x2048xf32, #tpu.memory_space<vmem>> -> memref<4x128xf32, #tpu.memory_space<vmem>>
        %dma_start3A_420 = arith.constant 0 : i32
        %dma_start3A_421 = tpu.memref_slice %arg3[%arg1, %dma_start3A_420, %multiple_of3A_406] : memref<16x4x20000xf32, #tpu.memory_space<hbm>> -> memref<1x4x128xf32, #tpu.memory_space<hbm>>
        %dma_start3A_422 = tpu.memref_squeeze %dma_start3A_421 : memref<1x4x128xf32, #tpu.memory_space<hbm>> -> memref<4x128xf32, #tpu.memory_space<hbm>>
        %dma_start3A_423 = arith.constant 0 : i32
        %dma_start3A_424 = arith.constant 0 : i32
        %dma_start3A_425 = tpu.memref_slice %arg20[%dma_start3A_423, %dma_start3A_424] : memref<4x2048xf32, #tpu.memory_space<vmem>> -> memref<4x128xf32, #tpu.memory_space<vmem>>
        %dma_start3A_426 = arith.constant 0 : i32
        %dma_start3A_427 = tpu.memref_slice %arg3[%arg1, %dma_start3A_426, %multiple_of3A_406] : memref<16x4x20000xf32, #tpu.memory_space<hbm>> -> memref<1x4x128xf32, #tpu.memory_space<hbm>>
        %dma_start3A_428 = tpu.memref_squeeze %dma_start3A_427 : memref<1x4x128xf32, #tpu.memory_space<hbm>> -> memref<4x128xf32, #tpu.memory_space<hbm>>
        tpu.enqueue_dma source(%dma_start3A_428 : memref<4x128xf32, #tpu.memory_space<hbm>>) target(%dma_start3A_425 : memref<4x128xf32, #tpu.memory_space<vmem>>) target_semaphore(%arg27 : memref<!tpu.dma_semaphore, #tpu.memory_space<semaphore_mem>>)
        %slice3A_429 = vector.extract_strided_slice %and3A_392 {offsets = [1], sizes = [1], strides = [1]} : vector<16xi32> to vector<1xi32>
        %squeeze3A_430 = vector.extract %slice3A_429[0] : i32 from vector<1xi32>
        %multiple_of3A_431 = tpu.assume_multiple %squeeze3A_430, 8 : i32
        %slice3A_432 = vector.extract_strided_slice %mul3A_401 {offsets = [1], sizes = [1], strides = [1]} : vector<16xi32> to vector<1xi32>
        %squeeze3A_433 = vector.extract %slice3A_432[0] : i32 from vector<1xi32>
        %multiple_of3A_434 = tpu.assume_multiple %squeeze3A_433, 128 : i32
        %dma_start3A_435 = arith.constant 0 : i32
        %dma_start3A_436 = arith.constant 128 : i32
        %dma_start3A_437 = tpu.memref_slice %arg18[%dma_start3A_435, %dma_start3A_436] : memref<8x2048xf32, #tpu.memory_space<vmem>> -> memref<8x128xf32, #tpu.memory_space<vmem>>
        %dma_start3A_438 = tpu.memref_slice %arg4[%arg1, %multiple_of3A_431, %multiple_of3A_434] : memref<16x80x20000xf32, #tpu.memory_space<hbm>> -> memref<1x8x128xf32, #tpu.memory_space<hbm>>
        %dma_start3A_439 = tpu.memref_squeeze %dma_start3A_438 : memref<1x8x128xf32, #tpu.memory_space<hbm>> -> memref<8x128xf32, #tpu.memory_space<hbm>>
        %dma_start3A_440 = arith.constant 0 : i32
        %dma_start3A_441 = arith.constant 128 : i32
        %dma_start3A_442 = tpu.memref_slice %arg18[%dma_start3A_440, %dma_start3A_441] : memref<8x2048xf32, #tpu.memory_space<vmem>> -> memref<8x128xf32, #tpu.memory_space<vmem>>
        %dma_start3A_443 = tpu.memref_slice %arg4[%arg1, %multiple_of3A_431, %multiple_of3A_434] : memref<16x80x20000xf32, #tpu.memory_space<hbm>> -> memref<1x8x128xf32, #tpu.memory_space<hbm>>
        %dma_start3A_444 = tpu.memref_squeeze %dma_start3A_443 : memref<1x8x128xf32, #tpu.memory_space<hbm>> -> memref<8x128xf32, #tpu.memory_space<hbm>>
        tpu.enqueue_dma source(%dma_start3A_444 : memref<8x128xf32, #tpu.memory_space<hbm>>) target(%dma_start3A_442 : memref<8x128xf32, #tpu.memory_space<vmem>>) target_semaphore(%arg27 : memref<!tpu.dma_semaphore, #tpu.memory_space<semaphore_mem>>)
        %dma_start3A_445 = arith.constant 0 : i32
        %dma_start3A_446 = arith.constant 128 : i32
        %dma_start3A_447 = tpu.memref_slice %arg20[%dma_start3A_445, %dma_start3A_446] : memref<4x2048xf32, #tpu.memory_space<vmem>> -> memref<4x128xf32, #tpu.memory_space<vmem>>
        %dma_start3A_448 = arith.constant 0 : i32
        %dma_start3A_449 = tpu.memref_slice %arg3[%arg1, %dma_start3A_448, %multiple_of3A_434] : memref<16x4x20000xf32, #tpu.memory_space<hbm>> -> memref<1x4x128xf32, #tpu.memory_space<hbm>>
        %dma_start3A_450 = tpu.memref_squeeze %dma_start3A_449 : memref<1x4x128xf32, #tpu.memory_space<hbm>> -> memref<4x128xf32, #tpu.memory_space<hbm>>
        %dma_start3A_451 = arith.constant 0 : i32
        %dma_start3A_452 = arith.constant 128 : i32
        %dma_start3A_453 = tpu.memref_slice %arg20[%dma_start3A_451, %dma_start3A_452] : memref<4x2048xf32, #tpu.memory_space<vmem>> -> memref<4x128xf32, #tpu.memory_space<vmem>>
        %dma_start3A_454 = arith.constant 0 : i32
        %dma_start3A_455 = tpu.memref_slice %arg3[%arg1, %dma_start3A_454, %multiple_of3A_434] : memref<16x4x20000xf32, #tpu.memory_space<hbm>> -> memref<1x4x128xf32, #tpu.memory_space<hbm>>
        %dma_start3A_456 = tpu.memref_squeeze %dma_start3A_455 : memref<1x4x128xf32, #tpu.memory_space<hbm>> -> memref<4x128xf32, #tpu.memory_space<hbm>>
        tpu.enqueue_dma source(%dma_start3A_456 : memref<4x128xf32, #tpu.memory_space<hbm>>) target(%dma_start3A_453 : memref<4x128xf32, #tpu.memory_space<vmem>>) target_semaphore(%arg27 : memref<!tpu.dma_semaphore, #tpu.memory_space<semaphore_mem>>)
        %slice3A_457 = vector.extract_strided_slice %and3A_392 {offsets = [2], sizes = [1], strides = [1]} : vector<16xi32> to vector<1xi32>
        %squeeze3A_458 = vector.extract %slice3A_457[0] : i32 from vector<1xi32>
        %multiple_of3A_459 = tpu.assume_multiple %squeeze3A_458, 8 : i32
        %slice3A_460 = vector.extract_strided_slice %mul3A_401 {offsets = [2], sizes = [1], strides = [1]} : vector<16xi32> to vector<1xi32>
        %squeeze3A_461 = vector.extract %slice3A_460[0] : i32 from vector<1xi32>
        %multiple_of3A_462 = tpu.assume_multiple %squeeze3A_461, 128 : i32
        %dma_start3A_463 = arith.constant 0 : i32
        %dma_start3A_464 = arith.constant 256 : i32
        %dma_start3A_465 = tpu.memref_slice %arg18[%dma_start3A_463, %dma_start3A_464] : memref<8x2048xf32, #tpu.memory_space<vmem>> -> memref<8x128xf32, #tpu.memory_space<vmem>>
        %dma_start3A_466 = tpu.memref_slice %arg4[%arg1, %multiple_of3A_459, %multiple_of3A_462] : memref<16x80x20000xf32, #tpu.memory_space<hbm>> -> memref<1x8x128xf32, #tpu.memory_space<hbm>>
        %dma_start3A_467 = tpu.memref_squeeze %dma_start3A_466 : memref<1x8x128xf32, #tpu.memory_space<hbm>> -> memref<8x128xf32, #tpu.memory_space<hbm>>
        %dma_start3A_468 = arith.constant 0 : i32
        %dma_start3A_469 = arith.constant 256 : i32
        %dma_start3A_470 = tpu.memref_slice %arg18[%dma_start3A_468, %dma_start3A_469] : memref<8x2048xf32, #tpu.memory_space<vmem>> -> memref<8x128xf32, #tpu.memory_space<vmem>>
        %dma_start3A_471 = tpu.memref_slice %arg4[%arg1, %multiple_of3A_459, %multiple_of3A_462] : memref<16x80x20000xf32, #tpu.memory_space<hbm>> -> memref<1x8x128xf32, #tpu.memory_space<hbm>>
        %dma_start3A_472 = tpu.memref_squeeze %dma_start3A_471 : memref<1x8x128xf32, #tpu.memory_space<hbm>> -> memref<8x128xf32, #tpu.memory_space<hbm>>
        tpu.enqueue_dma source(%dma_start3A_472 : memref<8x128xf32, #tpu.memory_space<hbm>>) target(%dma_start3A_470 : memref<8x128xf32, #tpu.memory_space<vmem>>) target_semaphore(%arg27 : memref<!tpu.dma_semaphore, #tpu.memory_space<semaphore_mem>>)
        %dma_start3A_473 = arith.constant 0 : i32
        %dma_start3A_474 = arith.constant 256 : i32
        %dma_start3A_475 = tpu.memref_slice %arg20[%dma_start3A_473, %dma_start3A_474] : memref<4x2048xf32, #tpu.memory_space<vmem>> -> memref<4x128xf32, #tpu.memory_space<vmem>>
        %dma_start3A_476 = arith.constant 0 : i32
        %dma_start3A_477 = tpu.memref_slice %arg3[%arg1, %dma_start3A_476, %multiple_of3A_462] : memref<16x4x20000xf32, #tpu.memory_space<hbm>> -> memref<1x4x128xf32, #tpu.memory_space<hbm>>
        %dma_start3A_478 = tpu.memref_squeeze %dma_start3A_477 : memref<1x4x128xf32, #tpu.memory_space<hbm>> -> memref<4x128xf32, #tpu.memory_space<hbm>>
        %dma_start3A_479 = arith.constant 0 : i32
        %dma_start3A_480 = arith.constant 256 : i32
        %dma_start3A_481 = tpu.memref_slice %arg20[%dma_start3A_479, %dma_start3A_480] : memref<4x2048xf32, #tpu.memory_space<vmem>> -> memref<4x128xf32, #tpu.memory_space<vmem>>
        %dma_start3A_482 = arith.constant 0 : i32
        %dma_start3A_483 = tpu.memref_slice %arg3[%arg1, %dma_start3A_482, %multiple_of3A_462] : memref<16x4x20000xf32, #tpu.memory_space<hbm>> -> memref<1x4x128xf32, #tpu.memory_space<hbm>>
        %dma_start3A_484 = tpu.memref_squeeze %dma_start3A_483 : memref<1x4x128xf32, #tpu.memory_space<hbm>> -> memref<4x128xf32, #tpu.memory_space<hbm>>
        tpu.enqueue_dma source(%dma_start3A_484 : memref<4x128xf32, #tpu.memory_space<hbm>>) target(%dma_start3A_481 : memref<4x128xf32, #tpu.memory_space<vmem>>) target_semaphore(%arg27 : memref<!tpu.dma_semaphore, #tpu.memory_space<semaphore_mem>>)
        %slice3A_485 = vector.extract_strided_slice %and3A_392 {offsets = [3], sizes = [1], strides = [1]} : vector<16xi32> to vector<1xi32>
        %squeeze3A_486 = vector.extract %slice3A_485[0] : i32 from vector<1xi32>
        %multiple_of3A_487 = tpu.assume_multiple %squeeze3A_486, 8 : i32
        %slice3A_488 = vector.extract_strided_slice %mul3A_401 {offsets = [3], sizes = [1], strides = [1]} : vector<16xi32> to vector<1xi32>
        %squeeze3A_489 = vector.extract %slice3A_488[0] : i32 from vector<1xi32>
        %multiple_of3A_490 = tpu.assume_multiple %squeeze3A_489, 128 : i32
        %dma_start3A_491 = arith.constant 0 : i32
        %dma_start3A_492 = arith.constant 384 : i32
        %dma_start3A_493 = tpu.memref_slice %arg18[%dma_start3A_491, %dma_start3A_492] : memref<8x2048xf32, #tpu.memory_space<vmem>> -> memref<8x128xf32, #tpu.memory_space<vmem>>
        %dma_start3A_494 = tpu.memref_slice %arg4[%arg1, %multiple_of3A_487, %multiple_of3A_490] : memref<16x80x20000xf32, #tpu.memory_space<hbm>> -> memref<1x8x128xf32, #tpu.memory_space<hbm>>
        %dma_start3A_495 = tpu.memref_squeeze %dma_start3A_494 : memref<1x8x128xf32, #tpu.memory_space<hbm>> -> memref<8x128xf32, #tpu.memory_space<hbm>>
        %dma_start3A_496 = arith.constant 0 : i32
        %dma_start3A_497 = arith.constant 384 : i32
        %dma_start3A_498 = tpu.memref_slice %arg18[%dma_start3A_496, %dma_start3A_497] : memref<8x2048xf32, #tpu.memory_space<vmem>> -> memref<8x128xf32, #tpu.memory_space<vmem>>
        %dma_start3A_499 = tpu.memref_slice %arg4[%arg1, %multiple_of3A_487, %multiple_of3A_490] : memref<16x80x20000xf32, #tpu.memory_space<hbm>> -> memref<1x8x128xf32, #tpu.memory_space<hbm>>
        %dma_start3A_500 = tpu.memref_squeeze %dma_start3A_499 : memref<1x8x128xf32, #tpu.memory_space<hbm>> -> memref<8x128xf32, #tpu.memory_space<hbm>>
        tpu.enqueue_dma source(%dma_start3A_500 : memref<8x128xf32, #tpu.memory_space<hbm>>) target(%dma_start3A_498 : memref<8x128xf32, #tpu.memory_space<vmem>>) target_semaphore(%arg27 : memref<!tpu.dma_semaphore, #tpu.memory_space<semaphore_mem>>)
        %dma_start3A_501 = arith.constant 0 : i32
        %dma_start3A_502 = arith.constant 384 : i32
        %dma_start3A_503 = tpu.memref_slice %arg20[%dma_start3A_501, %dma_start3A_502] : memref<4x2048xf32, #tpu.memory_space<vmem>> -> memref<4x128xf32, #tpu.memory_space<vmem>>
        %dma_start3A_504 = arith.constant 0 : i32
        %dma_start3A_505 = tpu.memref_slice %arg3[%arg1, %dma_start3A_504, %multiple_of3A_490] : memref<16x4x20000xf32, #tpu.memory_space<hbm>> -> memref<1x4x128xf32, #tpu.memory_space<hbm>>
        %dma_start3A_506 = tpu.memref_squeeze %dma_start3A_505 : memref<1x4x128xf32, #tpu.memory_space<hbm>> -> memref<4x128xf32, #tpu.memory_space<hbm>>
        %dma_start3A_507 = arith.constant 0 : i32
        %dma_start3A_508 = arith.constant 384 : i32
        %dma_start3A_509 = tpu.memref_slice %arg20[%dma_start3A_507, %dma_start3A_508] : memref<4x2048xf32, #tpu.memory_space<vmem>> -> memref<4x128xf32, #tpu.memory_space<vmem>>
        %dma_start3A_510 = arith.constant 0 : i32
        %dma_start3A_511 = tpu.memref_slice %arg3[%arg1, %dma_start3A_510, %multiple_of3A_490] : memref<16x4x20000xf32, #tpu.memory_space<hbm>> -> memref<1x4x128xf32, #tpu.memory_space<hbm>>
        %dma_start3A_512 = tpu.memref_squeeze %dma_start3A_511 : memref<1x4x128xf32, #tpu.memory_space<hbm>> -> memref<4x128xf32, #tpu.memory_space<hbm>>
        tpu.enqueue_dma source(%dma_start3A_512 : memref<4x128xf32, #tpu.memory_space<hbm>>) target(%dma_start3A_509 : memref<4x128xf32, #tpu.memory_space<vmem>>) target_semaphore(%arg27 : memref<!tpu.dma_semaphore, #tpu.memory_space<semaphore_mem>>)
        %slice3A_513 = vector.extract_strided_slice %and3A_392 {offsets = [4], sizes = [1], strides = [1]} : vector<16xi32> to vector<1xi32>
        %squeeze3A_514 = vector.extract %slice3A_513[0] : i32 from vector<1xi32>
        %multiple_of3A_515 = tpu.assume_multiple %squeeze3A_514, 8 : i32
        %slice3A_516 = vector.extract_strided_slice %mul3A_401 {offsets = [4], sizes = [1], strides = [1]} : vector<16xi32> to vector<1xi32>
        %squeeze3A_517 = vector.extract %slice3A_516[0] : i32 from vector<1xi32>
        %multiple_of3A_518 = tpu.assume_multiple %squeeze3A_517, 128 : i32
        %dma_start3A_519 = arith.constant 0 : i32
        %dma_start3A_520 = arith.constant 512 : i32
        %dma_start3A_521 = tpu.memref_slice %arg18[%dma_start3A_519, %dma_start3A_520] : memref<8x2048xf32, #tpu.memory_space<vmem>> -> memref<8x128xf32, #tpu.memory_space<vmem>>
        %dma_start3A_522 = tpu.memref_slice %arg4[%arg1, %multiple_of3A_515, %multiple_of3A_518] : memref<16x80x20000xf32, #tpu.memory_space<hbm>> -> memref<1x8x128xf32, #tpu.memory_space<hbm>>
        %dma_start3A_523 = tpu.memref_squeeze %dma_start3A_522 : memref<1x8x128xf32, #tpu.memory_space<hbm>> -> memref<8x128xf32, #tpu.memory_space<hbm>>
        %dma_start3A_524 = arith.constant 0 : i32
        %dma_start3A_525 = arith.constant 512 : i32
        %dma_start3A_526 = tpu.memref_slice %arg18[%dma_start3A_524, %dma_start3A_525] : memref<8x2048xf32, #tpu.memory_space<vmem>> -> memref<8x128xf32, #tpu.memory_space<vmem>>
        %dma_start3A_527 = tpu.memref_slice %arg4[%arg1, %multiple_of3A_515, %multiple_of3A_518] : memref<16x80x20000xf32, #tpu.memory_space<hbm>> -> memref<1x8x128xf32, #tpu.memory_space<hbm>>
        %dma_start3A_528 = tpu.memref_squeeze %dma_start3A_527 : memref<1x8x128xf32, #tpu.memory_space<hbm>> -> memref<8x128xf32, #tpu.memory_space<hbm>>
        tpu.enqueue_dma source(%dma_start3A_528 : memref<8x128xf32, #tpu.memory_space<hbm>>) target(%dma_start3A_526 : memref<8x128xf32, #tpu.memory_space<vmem>>) target_semaphore(%arg27 : memref<!tpu.dma_semaphore, #tpu.memory_space<semaphore_mem>>)
        %dma_start3A_529 = arith.constant 0 : i32
        %dma_start3A_530 = arith.constant 512 : i32
        %dma_start3A_531 = tpu.memref_slice %arg20[%dma_start3A_529, %dma_start3A_530] : memref<4x2048xf32, #tpu.memory_space<vmem>> -> memref<4x128xf32, #tpu.memory_space<vmem>>
        %dma_start3A_532 = arith.constant 0 : i32
        %dma_start3A_533 = tpu.memref_slice %arg3[%arg1, %dma_start3A_532, %multiple_of3A_518] : memref<16x4x20000xf32, #tpu.memory_space<hbm>> -> memref<1x4x128xf32, #tpu.memory_space<hbm>>
        %dma_start3A_534 = tpu.memref_squeeze %dma_start3A_533 : memref<1x4x128xf32, #tpu.memory_space<hbm>> -> memref<4x128xf32, #tpu.memory_space<hbm>>
        %dma_start3A_535 = arith.constant 0 : i32
        %dma_start3A_536 = arith.constant 512 : i32
        %dma_start3A_537 = tpu.memref_slice %arg20[%dma_start3A_535, %dma_start3A_536] : memref<4x2048xf32, #tpu.memory_space<vmem>> -> memref<4x128xf32, #tpu.memory_space<vmem>>
        %dma_start3A_538 = arith.constant 0 : i32
        %dma_start3A_539 = tpu.memref_slice %arg3[%arg1, %dma_start3A_538, %multiple_of3A_518] : memref<16x4x20000xf32, #tpu.memory_space<hbm>> -> memref<1x4x128xf32, #tpu.memory_space<hbm>>
        %dma_start3A_540 = tpu.memref_squeeze %dma_start3A_539 : memref<1x4x128xf32, #tpu.memory_space<hbm>> -> memref<4x128xf32, #tpu.memory_space<hbm>>
        tpu.enqueue_dma source(%dma_start3A_540 : memref<4x128xf32, #tpu.memory_space<hbm>>) target(%dma_start3A_537 : memref<4x128xf32, #tpu.memory_space<vmem>>) target_semaphore(%arg27 : memref<!tpu.dma_semaphore, #tpu.memory_space<semaphore_mem>>)
        %slice3A_541 = vector.extract_strided_slice %and3A_392 {offsets = [5], sizes = [1], strides = [1]} : vector<16xi32> to vector<1xi32>
        %squeeze3A_542 = vector.extract %slice3A_541[0] : i32 from vector<1xi32>
        %multiple_of3A_543 = tpu.assume_multiple %squeeze3A_542, 8 : i32
        %slice3A_544 = vector.extract_strided_slice %mul3A_401 {offsets = [5], sizes = [1], strides = [1]} : vector<16xi32> to vector<1xi32>
        %squeeze3A_545 = vector.extract %slice3A_544[0] : i32 from vector<1xi32>
        %multiple_of3A_546 = tpu.assume_multiple %squeeze3A_545, 128 : i32
        %dma_start3A_547 = arith.constant 0 : i32
        %dma_start3A_548 = arith.constant 640 : i32
        %dma_start3A_549 = tpu.memref_slice %arg18[%dma_start3A_547, %dma_start3A_548] : memref<8x2048xf32, #tpu.memory_space<vmem>> -> memref<8x128xf32, #tpu.memory_space<vmem>>
        %dma_start3A_550 = tpu.memref_slice %arg4[%arg1, %multiple_of3A_543, %multiple_of3A_546] : memref<16x80x20000xf32, #tpu.memory_space<hbm>> -> memref<1x8x128xf32, #tpu.memory_space<hbm>>
        %dma_start3A_551 = tpu.memref_squeeze %dma_start3A_550 : memref<1x8x128xf32, #tpu.memory_space<hbm>> -> memref<8x128xf32, #tpu.memory_space<hbm>>
        %dma_start3A_552 = arith.constant 0 : i32
        %dma_start3A_553 = arith.constant 640 : i32
        %dma_start3A_554 = tpu.memref_slice %arg18[%dma_start3A_552, %dma_start3A_553] : memref<8x2048xf32, #tpu.memory_space<vmem>> -> memref<8x128xf32, #tpu.memory_space<vmem>>
        %dma_start3A_555 = tpu.memref_slice %arg4[%arg1, %multiple_of3A_543, %multiple_of3A_546] : memref<16x80x20000xf32, #tpu.memory_space<hbm>> -> memref<1x8x128xf32, #tpu.memory_space<hbm>>
        %dma_start3A_556 = tpu.memref_squeeze %dma_start3A_555 : memref<1x8x128xf32, #tpu.memory_space<hbm>> -> memref<8x128xf32, #tpu.memory_space<hbm>>
        tpu.enqueue_dma source(%dma_start3A_556 : memref<8x128xf32, #tpu.memory_space<hbm>>) target(%dma_start3A_554 : memref<8x128xf32, #tpu.memory_space<vmem>>) target_semaphore(%arg27 : memref<!tpu.dma_semaphore, #tpu.memory_space<semaphore_mem>>)
        %dma_start3A_557 = arith.constant 0 : i32
        %dma_start3A_558 = arith.constant 640 : i32
        %dma_start3A_559 = tpu.memref_slice %arg20[%dma_start3A_557, %dma_start3A_558] : memref<4x2048xf32, #tpu.memory_space<vmem>> -> memref<4x128xf32, #tpu.memory_space<vmem>>
        %dma_start3A_560 = arith.constant 0 : i32
        %dma_start3A_561 = tpu.memref_slice %arg3[%arg1, %dma_start3A_560, %multiple_of3A_546] : memref<16x4x20000xf32, #tpu.memory_space<hbm>> -> memref<1x4x128xf32, #tpu.memory_space<hbm>>
        %dma_start3A_562 = tpu.memref_squeeze %dma_start3A_561 : memref<1x4x128xf32, #tpu.memory_space<hbm>> -> memref<4x128xf32, #tpu.memory_space<hbm>>
        %dma_start3A_563 = arith.constant 0 : i32
        %dma_start3A_564 = arith.constant 640 : i32
        %dma_start3A_565 = tpu.memref_slice %arg20[%dma_start3A_563, %dma_start3A_564] : memref<4x2048xf32, #tpu.memory_space<vmem>> -> memref<4x128xf32, #tpu.memory_space<vmem>>
        %dma_start3A_566 = arith.constant 0 : i32
        %dma_start3A_567 = tpu.memref_slice %arg3[%arg1, %dma_start3A_566, %multiple_of3A_546] : memref<16x4x20000xf32, #tpu.memory_space<hbm>> -> memref<1x4x128xf32, #tpu.memory_space<hbm>>
        %dma_start3A_568 = tpu.memref_squeeze %dma_start3A_567 : memref<1x4x128xf32, #tpu.memory_space<hbm>> -> memref<4x128xf32, #tpu.memory_space<hbm>>
        tpu.enqueue_dma source(%dma_start3A_568 : memref<4x128xf32, #tpu.memory_space<hbm>>) target(%dma_start3A_565 : memref<4x128xf32, #tpu.memory_space<vmem>>) target_semaphore(%arg27 : memref<!tpu.dma_semaphore, #tpu.memory_space<semaphore_mem>>)
        %slice3A_569 = vector.extract_strided_slice %and3A_392 {offsets = [6], sizes = [1], strides = [1]} : vector<16xi32> to vector<1xi32>
        %squeeze3A_570 = vector.extract %slice3A_569[0] : i32 from vector<1xi32>
        %multiple_of3A_571 = tpu.assume_multiple %squeeze3A_570, 8 : i32
        %slice3A_572 = vector.extract_strided_slice %mul3A_401 {offsets = [6], sizes = [1], strides = [1]} : vector<16xi32> to vector<1xi32>
        %squeeze3A_573 = vector.extract %slice3A_572[0] : i32 from vector<1xi32>
        %multiple_of3A_574 = tpu.assume_multiple %squeeze3A_573, 128 : i32
        %dma_start3A_575 = arith.constant 0 : i32
        %dma_start3A_576 = arith.constant 768 : i32
        %dma_start3A_577 = tpu.memref_slice %arg18[%dma_start3A_575, %dma_start3A_576] : memref<8x2048xf32, #tpu.memory_space<vmem>> -> memref<8x128xf32, #tpu.memory_space<vmem>>
        %dma_start3A_578 = tpu.memref_slice %arg4[%arg1, %multiple_of3A_571, %multiple_of3A_574] : memref<16x80x20000xf32, #tpu.memory_space<hbm>> -> memref<1x8x128xf32, #tpu.memory_space<hbm>>
        %dma_start3A_579 = tpu.memref_squeeze %dma_start3A_578 : memref<1x8x128xf32, #tpu.memory_space<hbm>> -> memref<8x128xf32, #tpu.memory_space<hbm>>
        %dma_start3A_580 = arith.constant 0 : i32
        %dma_start3A_581 = arith.constant 768 : i32
        %dma_start3A_582 = tpu.memref_slice %arg18[%dma_start3A_580, %dma_start3A_581] : memref<8x2048xf32, #tpu.memory_space<vmem>> -> memref<8x128xf32, #tpu.memory_space<vmem>>
        %dma_start3A_583 = tpu.memref_slice %arg4[%arg1, %multiple_of3A_571, %multiple_of3A_574] : memref<16x80x20000xf32, #tpu.memory_space<hbm>> -> memref<1x8x128xf32, #tpu.memory_space<hbm>>
        %dma_start3A_584 = tpu.memref_squeeze %dma_start3A_583 : memref<1x8x128xf32, #tpu.memory_space<hbm>> -> memref<8x128xf32, #tpu.memory_space<hbm>>
        tpu.enqueue_dma source(%dma_start3A_584 : memref<8x128xf32, #tpu.memory_space<hbm>>) target(%dma_start3A_582 : memref<8x128xf32, #tpu.memory_space<vmem>>) target_semaphore(%arg27 : memref<!tpu.dma_semaphore, #tpu.memory_space<semaphore_mem>>)
        %dma_start3A_585 = arith.constant 0 : i32
        %dma_start3A_586 = arith.constant 768 : i32
        %dma_start3A_587 = tpu.memref_slice %arg20[%dma_start3A_585, %dma_start3A_586] : memref<4x2048xf32, #tpu.memory_space<vmem>> -> memref<4x128xf32, #tpu.memory_space<vmem>>
        %dma_start3A_588 = arith.constant 0 : i32
        %dma_start3A_589 = tpu.memref_slice %arg3[%arg1, %dma_start3A_588, %multiple_of3A_574] : memref<16x4x20000xf32, #tpu.memory_space<hbm>> -> memref<1x4x128xf32, #tpu.memory_space<hbm>>
        %dma_start3A_590 = tpu.memref_squeeze %dma_start3A_589 : memref<1x4x128xf32, #tpu.memory_space<hbm>> -> memref<4x128xf32, #tpu.memory_space<hbm>>
        %dma_start3A_591 = arith.constant 0 : i32
        %dma_start3A_592 = arith.constant 768 : i32
        %dma_start3A_593 = tpu.memref_slice %arg20[%dma_start3A_591, %dma_start3A_592] : memref<4x2048xf32, #tpu.memory_space<vmem>> -> memref<4x128xf32, #tpu.memory_space<vmem>>
        %dma_start3A_594 = arith.constant 0 : i32
        %dma_start3A_595 = tpu.memref_slice %arg3[%arg1, %dma_start3A_594, %multiple_of3A_574] : memref<16x4x20000xf32, #tpu.memory_space<hbm>> -> memref<1x4x128xf32, #tpu.memory_space<hbm>>
        %dma_start3A_596 = tpu.memref_squeeze %dma_start3A_595 : memref<1x4x128xf32, #tpu.memory_space<hbm>> -> memref<4x128xf32, #tpu.memory_space<hbm>>
        tpu.enqueue_dma source(%dma_start3A_596 : memref<4x128xf32, #tpu.memory_space<hbm>>) target(%dma_start3A_593 : memref<4x128xf32, #tpu.memory_space<vmem>>) target_semaphore(%arg27 : memref<!tpu.dma_semaphore, #tpu.memory_space<semaphore_mem>>)
        %slice3A_597 = vector.extract_strided_slice %and3A_392 {offsets = [7], sizes = [1], strides = [1]} : vector<16xi32> to vector<1xi32>
        %squeeze3A_598 = vector.extract %slice3A_597[0] : i32 from vector<1xi32>
        %multiple_of3A_599 = tpu.assume_multiple %squeeze3A_598, 8 : i32
        %slice3A_600 = vector.extract_strided_slice %mul3A_401 {offsets = [7], sizes = [1], strides = [1]} : vector<16xi32> to vector<1xi32>
        %squeeze3A_601 = vector.extract %slice3A_600[0] : i32 from vector<1xi32>
        %multiple_of3A_602 = tpu.assume_multiple %squeeze3A_601, 128 : i32
        %dma_start3A_603 = arith.constant 0 : i32
        %dma_start3A_604 = arith.constant 896 : i32
        %dma_start3A_605 = tpu.memref_slice %arg18[%dma_start3A_603, %dma_start3A_604] : memref<8x2048xf32, #tpu.memory_space<vmem>> -> memref<8x128xf32, #tpu.memory_space<vmem>>
        %dma_start3A_606 = tpu.memref_slice %arg4[%arg1, %multiple_of3A_599, %multiple_of3A_602] : memref<16x80x20000xf32, #tpu.memory_space<hbm>> -> memref<1x8x128xf32, #tpu.memory_space<hbm>>
        %dma_start3A_607 = tpu.memref_squeeze %dma_start3A_606 : memref<1x8x128xf32, #tpu.memory_space<hbm>> -> memref<8x128xf32, #tpu.memory_space<hbm>>
        %dma_start3A_608 = arith.constant 0 : i32
        %dma_start3A_609 = arith.constant 896 : i32
        %dma_start3A_610 = tpu.memref_slice %arg18[%dma_start3A_608, %dma_start3A_609] : memref<8x2048xf32, #tpu.memory_space<vmem>> -> memref<8x128xf32, #tpu.memory_space<vmem>>
        %dma_start3A_611 = tpu.memref_slice %arg4[%arg1, %multiple_of3A_599, %multiple_of3A_602] : memref<16x80x20000xf32, #tpu.memory_space<hbm>> -> memref<1x8x128xf32, #tpu.memory_space<hbm>>
        %dma_start3A_612 = tpu.memref_squeeze %dma_start3A_611 : memref<1x8x128xf32, #tpu.memory_space<hbm>> -> memref<8x128xf32, #tpu.memory_space<hbm>>
        tpu.enqueue_dma source(%dma_start3A_612 : memref<8x128xf32, #tpu.memory_space<hbm>>) target(%dma_start3A_610 : memref<8x128xf32, #tpu.memory_space<vmem>>) target_semaphore(%arg27 : memref<!tpu.dma_semaphore, #tpu.memory_space<semaphore_mem>>)
        %dma_start3A_613 = arith.constant 0 : i32
        %dma_start3A_614 = arith.constant 896 : i32
        %dma_start3A_615 = tpu.memref_slice %arg20[%dma_start3A_613, %dma_start3A_614] : memref<4x2048xf32, #tpu.memory_space<vmem>> -> memref<4x128xf32, #tpu.memory_space<vmem>>
        %dma_start3A_616 = arith.constant 0 : i32
        %dma_start3A_617 = tpu.memref_slice %arg3[%arg1, %dma_start3A_616, %multiple_of3A_602] : memref<16x4x20000xf32, #tpu.memory_space<hbm>> -> memref<1x4x128xf32, #tpu.memory_space<hbm>>
        %dma_start3A_618 = tpu.memref_squeeze %dma_start3A_617 : memref<1x4x128xf32, #tpu.memory_space<hbm>> -> memref<4x128xf32, #tpu.memory_space<hbm>>
        %dma_start3A_619 = arith.constant 0 : i32
        %dma_start3A_620 = arith.constant 896 : i32
        %dma_start3A_621 = tpu.memref_slice %arg20[%dma_start3A_619, %dma_start3A_620] : memref<4x2048xf32, #tpu.memory_space<vmem>> -> memref<4x128xf32, #tpu.memory_space<vmem>>
        %dma_start3A_622 = arith.constant 0 : i32
        %dma_start3A_623 = tpu.memref_slice %arg3[%arg1, %dma_start3A_622, %multiple_of3A_602] : memref<16x4x20000xf32, #tpu.memory_space<hbm>> -> memref<1x4x128xf32, #tpu.memory_space<hbm>>
        %dma_start3A_624 = tpu.memref_squeeze %dma_start3A_623 : memref<1x4x128xf32, #tpu.memory_space<hbm>> -> memref<4x128xf32, #tpu.memory_space<hbm>>
        tpu.enqueue_dma source(%dma_start3A_624 : memref<4x128xf32, #tpu.memory_space<hbm>>) target(%dma_start3A_621 : memref<4x128xf32, #tpu.memory_space<vmem>>) target_semaphore(%arg27 : memref<!tpu.dma_semaphore, #tpu.memory_space<semaphore_mem>>)
        %slice3A_625 = vector.extract_strided_slice %and3A_392 {offsets = [8], sizes = [1], strides = [1]} : vector<16xi32> to vector<1xi32>
        %squeeze3A_626 = vector.extract %slice3A_625[0] : i32 from vector<1xi32>
        %multiple_of3A_627 = tpu.assume_multiple %squeeze3A_626, 8 : i32
        %slice3A_628 = vector.extract_strided_slice %mul3A_401 {offsets = [8], sizes = [1], strides = [1]} : vector<16xi32> to vector<1xi32>
        %squeeze3A_629 = vector.extract %slice3A_628[0] : i32 from vector<1xi32>
        %multiple_of3A_630 = tpu.assume_multiple %squeeze3A_629, 128 : i32
        %dma_start3A_631 = arith.constant 0 : i32
        %dma_start3A_632 = arith.constant 1024 : i32
        %dma_start3A_633 = tpu.memref_slice %arg18[%dma_start3A_631, %dma_start3A_632] : memref<8x2048xf32, #tpu.memory_space<vmem>> -> memref<8x128xf32, #tpu.memory_space<vmem>>
        %dma_start3A_634 = tpu.memref_slice %arg4[%arg1, %multiple_of3A_627, %multiple_of3A_630] : memref<16x80x20000xf32, #tpu.memory_space<hbm>> -> memref<1x8x128xf32, #tpu.memory_space<hbm>>
        %dma_start3A_635 = tpu.memref_squeeze %dma_start3A_634 : memref<1x8x128xf32, #tpu.memory_space<hbm>> -> memref<8x128xf32, #tpu.memory_space<hbm>>
        %dma_start3A_636 = arith.constant 0 : i32
        %dma_start3A_637 = arith.constant 1024 : i32
        %dma_start3A_638 = tpu.memref_slice %arg18[%dma_start3A_636, %dma_start3A_637] : memref<8x2048xf32, #tpu.memory_space<vmem>> -> memref<8x128xf32, #tpu.memory_space<vmem>>
        %dma_start3A_639 = tpu.memref_slice %arg4[%arg1, %multiple_of3A_627, %multiple_of3A_630] : memref<16x80x20000xf32, #tpu.memory_space<hbm>> -> memref<1x8x128xf32, #tpu.memory_space<hbm>>
        %dma_start3A_640 = tpu.memref_squeeze %dma_start3A_639 : memref<1x8x128xf32, #tpu.memory_space<hbm>> -> memref<8x128xf32, #tpu.memory_space<hbm>>
        tpu.enqueue_dma source(%dma_start3A_640 : memref<8x128xf32, #tpu.memory_space<hbm>>) target(%dma_start3A_638 : memref<8x128xf32, #tpu.memory_space<vmem>>) target_semaphore(%arg27 : memref<!tpu.dma_semaphore, #tpu.memory_space<semaphore_mem>>)
        %dma_start3A_641 = arith.constant 0 : i32
        %dma_start3A_642 = arith.constant 1024 : i32
        %dma_start3A_643 = tpu.memref_slice %arg20[%dma_start3A_641, %dma_start3A_642] : memref<4x2048xf32, #tpu.memory_space<vmem>> -> memref<4x128xf32, #tpu.memory_space<vmem>>
        %dma_start3A_644 = arith.constant 0 : i32
        %dma_start3A_645 = tpu.memref_slice %arg3[%arg1, %dma_start3A_644, %multiple_of3A_630] : memref<16x4x20000xf32, #tpu.memory_space<hbm>> -> memref<1x4x128xf32, #tpu.memory_space<hbm>>
        %dma_start3A_646 = tpu.memref_squeeze %dma_start3A_645 : memref<1x4x128xf32, #tpu.memory_space<hbm>> -> memref<4x128xf32, #tpu.memory_space<hbm>>
        %dma_start3A_647 = arith.constant 0 : i32
        %dma_start3A_648 = arith.constant 1024 : i32
        %dma_start3A_649 = tpu.memref_slice %arg20[%dma_start3A_647, %dma_start3A_648] : memref<4x2048xf32, #tpu.memory_space<vmem>> -> memref<4x128xf32, #tpu.memory_space<vmem>>
        %dma_start3A_650 = arith.constant 0 : i32
        %dma_start3A_651 = tpu.memref_slice %arg3[%arg1, %dma_start3A_650, %multiple_of3A_630] : memref<16x4x20000xf32, #tpu.memory_space<hbm>> -> memref<1x4x128xf32, #tpu.memory_space<hbm>>
        %dma_start3A_652 = tpu.memref_squeeze %dma_start3A_651 : memref<1x4x128xf32, #tpu.memory_space<hbm>> -> memref<4x128xf32, #tpu.memory_space<hbm>>
        tpu.enqueue_dma source(%dma_start3A_652 : memref<4x128xf32, #tpu.memory_space<hbm>>) target(%dma_start3A_649 : memref<4x128xf32, #tpu.memory_space<vmem>>) target_semaphore(%arg27 : memref<!tpu.dma_semaphore, #tpu.memory_space<semaphore_mem>>)
        %slice3A_653 = vector.extract_strided_slice %and3A_392 {offsets = [9], sizes = [1], strides = [1]} : vector<16xi32> to vector<1xi32>
        %squeeze3A_654 = vector.extract %slice3A_653[0] : i32 from vector<1xi32>
        %multiple_of3A_655 = tpu.assume_multiple %squeeze3A_654, 8 : i32
        %slice3A_656 = vector.extract_strided_slice %mul3A_401 {offsets = [9], sizes = [1], strides = [1]} : vector<16xi32> to vector<1xi32>
        %squeeze3A_657 = vector.extract %slice3A_656[0] : i32 from vector<1xi32>
        %multiple_of3A_658 = tpu.assume_multiple %squeeze3A_657, 128 : i32
        %dma_start3A_659 = arith.constant 0 : i32
        %dma_start3A_660 = arith.constant 1152 : i32
        %dma_start3A_661 = tpu.memref_slice %arg18[%dma_start3A_659, %dma_start3A_660] : memref<8x2048xf32, #tpu.memory_space<vmem>> -> memref<8x128xf32, #tpu.memory_space<vmem>>
        %dma_start3A_662 = tpu.memref_slice %arg4[%arg1, %multiple_of3A_655, %multiple_of3A_658] : memref<16x80x20000xf32, #tpu.memory_space<hbm>> -> memref<1x8x128xf32, #tpu.memory_space<hbm>>
        %dma_start3A_663 = tpu.memref_squeeze %dma_start3A_662 : memref<1x8x128xf32, #tpu.memory_space<hbm>> -> memref<8x128xf32, #tpu.memory_space<hbm>>
        %dma_start3A_664 = arith.constant 0 : i32
        %dma_start3A_665 = arith.constant 1152 : i32
        %dma_start3A_666 = tpu.memref_slice %arg18[%dma_start3A_664, %dma_start3A_665] : memref<8x2048xf32, #tpu.memory_space<vmem>> -> memref<8x128xf32, #tpu.memory_space<vmem>>
        %dma_start3A_667 = tpu.memref_slice %arg4[%arg1, %multiple_of3A_655, %multiple_of3A_658] : memref<16x80x20000xf32, #tpu.memory_space<hbm>> -> memref<1x8x128xf32, #tpu.memory_space<hbm>>
        %dma_start3A_668 = tpu.memref_squeeze %dma_start3A_667 : memref<1x8x128xf32, #tpu.memory_space<hbm>> -> memref<8x128xf32, #tpu.memory_space<hbm>>
        tpu.enqueue_dma source(%dma_start3A_668 : memref<8x128xf32, #tpu.memory_space<hbm>>) target(%dma_start3A_666 : memref<8x128xf32, #tpu.memory_space<vmem>>) target_semaphore(%arg27 : memref<!tpu.dma_semaphore, #tpu.memory_space<semaphore_mem>>)
        %dma_start3A_669 = arith.constant 0 : i32
        %dma_start3A_670 = arith.constant 1152 : i32
        %dma_start3A_671 = tpu.memref_slice %arg20[%dma_start3A_669, %dma_start3A_670] : memref<4x2048xf32, #tpu.memory_space<vmem>> -> memref<4x128xf32, #tpu.memory_space<vmem>>
        %dma_start3A_672 = arith.constant 0 : i32
        %dma_start3A_673 = tpu.memref_slice %arg3[%arg1, %dma_start3A_672, %multiple_of3A_658] : memref<16x4x20000xf32, #tpu.memory_space<hbm>> -> memref<1x4x128xf32, #tpu.memory_space<hbm>>
        %dma_start3A_674 = tpu.memref_squeeze %dma_start3A_673 : memref<1x4x128xf32, #tpu.memory_space<hbm>> -> memref<4x128xf32, #tpu.memory_space<hbm>>
        %dma_start3A_675 = arith.constant 0 : i32
        %dma_start3A_676 = arith.constant 1152 : i32
        %dma_start3A_677 = tpu.memref_slice %arg20[%dma_start3A_675, %dma_start3A_676] : memref<4x2048xf32, #tpu.memory_space<vmem>> -> memref<4x128xf32, #tpu.memory_space<vmem>>
        %dma_start3A_678 = arith.constant 0 : i32
        %dma_start3A_679 = tpu.memref_slice %arg3[%arg1, %dma_start3A_678, %multiple_of3A_658] : memref<16x4x20000xf32, #tpu.memory_space<hbm>> -> memref<1x4x128xf32, #tpu.memory_space<hbm>>
        %dma_start3A_680 = tpu.memref_squeeze %dma_start3A_679 : memref<1x4x128xf32, #tpu.memory_space<hbm>> -> memref<4x128xf32, #tpu.memory_space<hbm>>
        tpu.enqueue_dma source(%dma_start3A_680 : memref<4x128xf32, #tpu.memory_space<hbm>>) target(%dma_start3A_677 : memref<4x128xf32, #tpu.memory_space<vmem>>) target_semaphore(%arg27 : memref<!tpu.dma_semaphore, #tpu.memory_space<semaphore_mem>>)
        %slice3A_681 = vector.extract_strided_slice %and3A_392 {offsets = [10], sizes = [1], strides = [1]} : vector<16xi32> to vector<1xi32>
        %squeeze3A_682 = vector.extract %slice3A_681[0] : i32 from vector<1xi32>
        %multiple_of3A_683 = tpu.assume_multiple %squeeze3A_682, 8 : i32
        %slice3A_684 = vector.extract_strided_slice %mul3A_401 {offsets = [10], sizes = [1], strides = [1]} : vector<16xi32> to vector<1xi32>
        %squeeze3A_685 = vector.extract %slice3A_684[0] : i32 from vector<1xi32>
        %multiple_of3A_686 = tpu.assume_multiple %squeeze3A_685, 128 : i32
        %dma_start3A_687 = arith.constant 0 : i32
        %dma_start3A_688 = arith.constant 1280 : i32
        %dma_start3A_689 = tpu.memref_slice %arg18[%dma_start3A_687, %dma_start3A_688] : memref<8x2048xf32, #tpu.memory_space<vmem>> -> memref<8x128xf32, #tpu.memory_space<vmem>>
        %dma_start3A_690 = tpu.memref_slice %arg4[%arg1, %multiple_of3A_683, %multiple_of3A_686] : memref<16x80x20000xf32, #tpu.memory_space<hbm>> -> memref<1x8x128xf32, #tpu.memory_space<hbm>>
        %dma_start3A_691 = tpu.memref_squeeze %dma_start3A_690 : memref<1x8x128xf32, #tpu.memory_space<hbm>> -> memref<8x128xf32, #tpu.memory_space<hbm>>
        %dma_start3A_692 = arith.constant 0 : i32
        %dma_start3A_693 = arith.constant 1280 : i32
        %dma_start3A_694 = tpu.memref_slice %arg18[%dma_start3A_692, %dma_start3A_693] : memref<8x2048xf32, #tpu.memory_space<vmem>> -> memref<8x128xf32, #tpu.memory_space<vmem>>
        %dma_start3A_695 = tpu.memref_slice %arg4[%arg1, %multiple_of3A_683, %multiple_of3A_686] : memref<16x80x20000xf32, #tpu.memory_space<hbm>> -> memref<1x8x128xf32, #tpu.memory_space<hbm>>
        %dma_start3A_696 = tpu.memref_squeeze %dma_start3A_695 : memref<1x8x128xf32, #tpu.memory_space<hbm>> -> memref<8x128xf32, #tpu.memory_space<hbm>>
        tpu.enqueue_dma source(%dma_start3A_696 : memref<8x128xf32, #tpu.memory_space<hbm>>) target(%dma_start3A_694 : memref<8x128xf32, #tpu.memory_space<vmem>>) target_semaphore(%arg27 : memref<!tpu.dma_semaphore, #tpu.memory_space<semaphore_mem>>)
        %dma_start3A_697 = arith.constant 0 : i32
        %dma_start3A_698 = arith.constant 1280 : i32
        %dma_start3A_699 = tpu.memref_slice %arg20[%dma_start3A_697, %dma_start3A_698] : memref<4x2048xf32, #tpu.memory_space<vmem>> -> memref<4x128xf32, #tpu.memory_space<vmem>>
        %dma_start3A_700 = arith.constant 0 : i32
        %dma_start3A_701 = tpu.memref_slice %arg3[%arg1, %dma_start3A_700, %multiple_of3A_686] : memref<16x4x20000xf32, #tpu.memory_space<hbm>> -> memref<1x4x128xf32, #tpu.memory_space<hbm>>
        %dma_start3A_702 = tpu.memref_squeeze %dma_start3A_701 : memref<1x4x128xf32, #tpu.memory_space<hbm>> -> memref<4x128xf32, #tpu.memory_space<hbm>>
        %dma_start3A_703 = arith.constant 0 : i32
        %dma_start3A_704 = arith.constant 1280 : i32
        %dma_start3A_705 = tpu.memref_slice %arg20[%dma_start3A_703, %dma_start3A_704] : memref<4x2048xf32, #tpu.memory_space<vmem>> -> memref<4x128xf32, #tpu.memory_space<vmem>>
        %dma_start3A_706 = arith.constant 0 : i32
        %dma_start3A_707 = tpu.memref_slice %arg3[%arg1, %dma_start3A_706, %multiple_of3A_686] : memref<16x4x20000xf32, #tpu.memory_space<hbm>> -> memref<1x4x128xf32, #tpu.memory_space<hbm>>
        %dma_start3A_708 = tpu.memref_squeeze %dma_start3A_707 : memref<1x4x128xf32, #tpu.memory_space<hbm>> -> memref<4x128xf32, #tpu.memory_space<hbm>>
        tpu.enqueue_dma source(%dma_start3A_708 : memref<4x128xf32, #tpu.memory_space<hbm>>) target(%dma_start3A_705 : memref<4x128xf32, #tpu.memory_space<vmem>>) target_semaphore(%arg27 : memref<!tpu.dma_semaphore, #tpu.memory_space<semaphore_mem>>)
        %slice3A_709 = vector.extract_strided_slice %and3A_392 {offsets = [11], sizes = [1], strides = [1]} : vector<16xi32> to vector<1xi32>
        %squeeze3A_710 = vector.extract %slice3A_709[0] : i32 from vector<1xi32>
        %multiple_of3A_711 = tpu.assume_multiple %squeeze3A_710, 8 : i32
        %slice3A_712 = vector.extract_strided_slice %mul3A_401 {offsets = [11], sizes = [1], strides = [1]} : vector<16xi32> to vector<1xi32>
        %squeeze3A_713 = vector.extract %slice3A_712[0] : i32 from vector<1xi32>
        %multiple_of3A_714 = tpu.assume_multiple %squeeze3A_713, 128 : i32
        %dma_start3A_715 = arith.constant 0 : i32
        %dma_start3A_716 = arith.constant 1408 : i32
        %dma_start3A_717 = tpu.memref_slice %arg18[%dma_start3A_715, %dma_start3A_716] : memref<8x2048xf32, #tpu.memory_space<vmem>> -> memref<8x128xf32, #tpu.memory_space<vmem>>
        %dma_start3A_718 = tpu.memref_slice %arg4[%arg1, %multiple_of3A_711, %multiple_of3A_714] : memref<16x80x20000xf32, #tpu.memory_space<hbm>> -> memref<1x8x128xf32, #tpu.memory_space<hbm>>
        %dma_start3A_719 = tpu.memref_squeeze %dma_start3A_718 : memref<1x8x128xf32, #tpu.memory_space<hbm>> -> memref<8x128xf32, #tpu.memory_space<hbm>>
        %dma_start3A_720 = arith.constant 0 : i32
        %dma_start3A_721 = arith.constant 1408 : i32
        %dma_start3A_722 = tpu.memref_slice %arg18[%dma_start3A_720, %dma_start3A_721] : memref<8x2048xf32, #tpu.memory_space<vmem>> -> memref<8x128xf32, #tpu.memory_space<vmem>>
        %dma_start3A_723 = tpu.memref_slice %arg4[%arg1, %multiple_of3A_711, %multiple_of3A_714] : memref<16x80x20000xf32, #tpu.memory_space<hbm>> -> memref<1x8x128xf32, #tpu.memory_space<hbm>>
        %dma_start3A_724 = tpu.memref_squeeze %dma_start3A_723 : memref<1x8x128xf32, #tpu.memory_space<hbm>> -> memref<8x128xf32, #tpu.memory_space<hbm>>
        tpu.enqueue_dma source(%dma_start3A_724 : memref<8x128xf32, #tpu.memory_space<hbm>>) target(%dma_start3A_722 : memref<8x128xf32, #tpu.memory_space<vmem>>) target_semaphore(%arg27 : memref<!tpu.dma_semaphore, #tpu.memory_space<semaphore_mem>>)
        %dma_start3A_725 = arith.constant 0 : i32
        %dma_start3A_726 = arith.constant 1408 : i32
        %dma_start3A_727 = tpu.memref_slice %arg20[%dma_start3A_725, %dma_start3A_726] : memref<4x2048xf32, #tpu.memory_space<vmem>> -> memref<4x128xf32, #tpu.memory_space<vmem>>
        %dma_start3A_728 = arith.constant 0 : i32
        %dma_start3A_729 = tpu.memref_slice %arg3[%arg1, %dma_start3A_728, %multiple_of3A_714] : memref<16x4x20000xf32, #tpu.memory_space<hbm>> -> memref<1x4x128xf32, #tpu.memory_space<hbm>>
        %dma_start3A_730 = tpu.memref_squeeze %dma_start3A_729 : memref<1x4x128xf32, #tpu.memory_space<hbm>> -> memref<4x128xf32, #tpu.memory_space<hbm>>
        %dma_start3A_731 = arith.constant 0 : i32
        %dma_start3A_732 = arith.constant 1408 : i32
        %dma_start3A_733 = tpu.memref_slice %arg20[%dma_start3A_731, %dma_start3A_732] : memref<4x2048xf32, #tpu.memory_space<vmem>> -> memref<4x128xf32, #tpu.memory_space<vmem>>
        %dma_start3A_734 = arith.constant 0 : i32
        %dma_start3A_735 = tpu.memref_slice %arg3[%arg1, %dma_start3A_734, %multiple_of3A_714] : memref<16x4x20000xf32, #tpu.memory_space<hbm>> -> memref<1x4x128xf32, #tpu.memory_space<hbm>>
        %dma_start3A_736 = tpu.memref_squeeze %dma_start3A_735 : memref<1x4x128xf32, #tpu.memory_space<hbm>> -> memref<4x128xf32, #tpu.memory_space<hbm>>
        tpu.enqueue_dma source(%dma_start3A_736 : memref<4x128xf32, #tpu.memory_space<hbm>>) target(%dma_start3A_733 : memref<4x128xf32, #tpu.memory_space<vmem>>) target_semaphore(%arg27 : memref<!tpu.dma_semaphore, #tpu.memory_space<semaphore_mem>>)
        %slice3A_737 = vector.extract_strided_slice %and3A_392 {offsets = [12], sizes = [1], strides = [1]} : vector<16xi32> to vector<1xi32>
        %squeeze3A_738 = vector.extract %slice3A_737[0] : i32 from vector<1xi32>
        %multiple_of3A_739 = tpu.assume_multiple %squeeze3A_738, 8 : i32
        %slice3A_740 = vector.extract_strided_slice %mul3A_401 {offsets = [12], sizes = [1], strides = [1]} : vector<16xi32> to vector<1xi32>
        %squeeze3A_741 = vector.extract %slice3A_740[0] : i32 from vector<1xi32>
        %multiple_of3A_742 = tpu.assume_multiple %squeeze3A_741, 128 : i32
        %dma_start3A_743 = arith.constant 0 : i32
        %dma_start3A_744 = arith.constant 1536 : i32
        %dma_start3A_745 = tpu.memref_slice %arg18[%dma_start3A_743, %dma_start3A_744] : memref<8x2048xf32, #tpu.memory_space<vmem>> -> memref<8x128xf32, #tpu.memory_space<vmem>>
        %dma_start3A_746 = tpu.memref_slice %arg4[%arg1, %multiple_of3A_739, %multiple_of3A_742] : memref<16x80x20000xf32, #tpu.memory_space<hbm>> -> memref<1x8x128xf32, #tpu.memory_space<hbm>>
        %dma_start3A_747 = tpu.memref_squeeze %dma_start3A_746 : memref<1x8x128xf32, #tpu.memory_space<hbm>> -> memref<8x128xf32, #tpu.memory_space<hbm>>
        %dma_start3A_748 = arith.constant 0 : i32
        %dma_start3A_749 = arith.constant 1536 : i32
        %dma_start3A_750 = tpu.memref_slice %arg18[%dma_start3A_748, %dma_start3A_749] : memref<8x2048xf32, #tpu.memory_space<vmem>> -> memref<8x128xf32, #tpu.memory_space<vmem>>
        %dma_start3A_751 = tpu.memref_slice %arg4[%arg1, %multiple_of3A_739, %multiple_of3A_742] : memref<16x80x20000xf32, #tpu.memory_space<hbm>> -> memref<1x8x128xf32, #tpu.memory_space<hbm>>
        %dma_start3A_752 = tpu.memref_squeeze %dma_start3A_751 : memref<1x8x128xf32, #tpu.memory_space<hbm>> -> memref<8x128xf32, #tpu.memory_space<hbm>>
        tpu.enqueue_dma source(%dma_start3A_752 : memref<8x128xf32, #tpu.memory_space<hbm>>) target(%dma_start3A_750 : memref<8x128xf32, #tpu.memory_space<vmem>>) target_semaphore(%arg27 : memref<!tpu.dma_semaphore, #tpu.memory_space<semaphore_mem>>)
        %dma_start3A_753 = arith.constant 0 : i32
        %dma_start3A_754 = arith.constant 1536 : i32
        %dma_start3A_755 = tpu.memref_slice %arg20[%dma_start3A_753, %dma_start3A_754] : memref<4x2048xf32, #tpu.memory_space<vmem>> -> memref<4x128xf32, #tpu.memory_space<vmem>>
        %dma_start3A_756 = arith.constant 0 : i32
        %dma_start3A_757 = tpu.memref_slice %arg3[%arg1, %dma_start3A_756, %multiple_of3A_742] : memref<16x4x20000xf32, #tpu.memory_space<hbm>> -> memref<1x4x128xf32, #tpu.memory_space<hbm>>
        %dma_start3A_758 = tpu.memref_squeeze %dma_start3A_757 : memref<1x4x128xf32, #tpu.memory_space<hbm>> -> memref<4x128xf32, #tpu.memory_space<hbm>>
        %dma_start3A_759 = arith.constant 0 : i32
        %dma_start3A_760 = arith.constant 1536 : i32
        %dma_start3A_761 = tpu.memref_slice %arg20[%dma_start3A_759, %dma_start3A_760] : memref<4x2048xf32, #tpu.memory_space<vmem>> -> memref<4x128xf32, #tpu.memory_space<vmem>>
        %dma_start3A_762 = arith.constant 0 : i32
        %dma_start3A_763 = tpu.memref_slice %arg3[%arg1, %dma_start3A_762, %multiple_of3A_742] : memref<16x4x20000xf32, #tpu.memory_space<hbm>> -> memref<1x4x128xf32, #tpu.memory_space<hbm>>
        %dma_start3A_764 = tpu.memref_squeeze %dma_start3A_763 : memref<1x4x128xf32, #tpu.memory_space<hbm>> -> memref<4x128xf32, #tpu.memory_space<hbm>>
        tpu.enqueue_dma source(%dma_start3A_764 : memref<4x128xf32, #tpu.memory_space<hbm>>) target(%dma_start3A_761 : memref<4x128xf32, #tpu.memory_space<vmem>>) target_semaphore(%arg27 : memref<!tpu.dma_semaphore, #tpu.memory_space<semaphore_mem>>)
        %slice3A_765 = vector.extract_strided_slice %and3A_392 {offsets = [13], sizes = [1], strides = [1]} : vector<16xi32> to vector<1xi32>
        %squeeze3A_766 = vector.extract %slice3A_765[0] : i32 from vector<1xi32>
        %multiple_of3A_767 = tpu.assume_multiple %squeeze3A_766, 8 : i32
        %slice3A_768 = vector.extract_strided_slice %mul3A_401 {offsets = [13], sizes = [1], strides = [1]} : vector<16xi32> to vector<1xi32>
        %squeeze3A_769 = vector.extract %slice3A_768[0] : i32 from vector<1xi32>
        %multiple_of3A_770 = tpu.assume_multiple %squeeze3A_769, 128 : i32
        %dma_start3A_771 = arith.constant 0 : i32
        %dma_start3A_772 = arith.constant 1664 : i32
        %dma_start3A_773 = tpu.memref_slice %arg18[%dma_start3A_771, %dma_start3A_772] : memref<8x2048xf32, #tpu.memory_space<vmem>> -> memref<8x128xf32, #tpu.memory_space<vmem>>
        %dma_start3A_774 = tpu.memref_slice %arg4[%arg1, %multiple_of3A_767, %multiple_of3A_770] : memref<16x80x20000xf32, #tpu.memory_space<hbm>> -> memref<1x8x128xf32, #tpu.memory_space<hbm>>
        %dma_start3A_775 = tpu.memref_squeeze %dma_start3A_774 : memref<1x8x128xf32, #tpu.memory_space<hbm>> -> memref<8x128xf32, #tpu.memory_space<hbm>>
        %dma_start3A_776 = arith.constant 0 : i32
        %dma_start3A_777 = arith.constant 1664 : i32
        %dma_start3A_778 = tpu.memref_slice %arg18[%dma_start3A_776, %dma_start3A_777] : memref<8x2048xf32, #tpu.memory_space<vmem>> -> memref<8x128xf32, #tpu.memory_space<vmem>>
        %dma_start3A_779 = tpu.memref_slice %arg4[%arg1, %multiple_of3A_767, %multiple_of3A_770] : memref<16x80x20000xf32, #tpu.memory_space<hbm>> -> memref<1x8x128xf32, #tpu.memory_space<hbm>>
        %dma_start3A_780 = tpu.memref_squeeze %dma_start3A_779 : memref<1x8x128xf32, #tpu.memory_space<hbm>> -> memref<8x128xf32, #tpu.memory_space<hbm>>
        tpu.enqueue_dma source(%dma_start3A_780 : memref<8x128xf32, #tpu.memory_space<hbm>>) target(%dma_start3A_778 : memref<8x128xf32, #tpu.memory_space<vmem>>) target_semaphore(%arg27 : memref<!tpu.dma_semaphore, #tpu.memory_space<semaphore_mem>>)
        %dma_start3A_781 = arith.constant 0 : i32
        %dma_start3A_782 = arith.constant 1664 : i32
        %dma_start3A_783 = tpu.memref_slice %arg20[%dma_start3A_781, %dma_start3A_782] : memref<4x2048xf32, #tpu.memory_space<vmem>> -> memref<4x128xf32, #tpu.memory_space<vmem>>
        %dma_start3A_784 = arith.constant 0 : i32
        %dma_start3A_785 = tpu.memref_slice %arg3[%arg1, %dma_start3A_784, %multiple_of3A_770] : memref<16x4x20000xf32, #tpu.memory_space<hbm>> -> memref<1x4x128xf32, #tpu.memory_space<hbm>>
        %dma_start3A_786 = tpu.memref_squeeze %dma_start3A_785 : memref<1x4x128xf32, #tpu.memory_space<hbm>> -> memref<4x128xf32, #tpu.memory_space<hbm>>
        %dma_start3A_787 = arith.constant 0 : i32
        %dma_start3A_788 = arith.constant 1664 : i32
        %dma_start3A_789 = tpu.memref_slice %arg20[%dma_start3A_787, %dma_start3A_788] : memref<4x2048xf32, #tpu.memory_space<vmem>> -> memref<4x128xf32, #tpu.memory_space<vmem>>
        %dma_start3A_790 = arith.constant 0 : i32
        %dma_start3A_791 = tpu.memref_slice %arg3[%arg1, %dma_start3A_790, %multiple_of3A_770] : memref<16x4x20000xf32, #tpu.memory_space<hbm>> -> memref<1x4x128xf32, #tpu.memory_space<hbm>>
        %dma_start3A_792 = tpu.memref_squeeze %dma_start3A_791 : memref<1x4x128xf32, #tpu.memory_space<hbm>> -> memref<4x128xf32, #tpu.memory_space<hbm>>
        tpu.enqueue_dma source(%dma_start3A_792 : memref<4x128xf32, #tpu.memory_space<hbm>>) target(%dma_start3A_789 : memref<4x128xf32, #tpu.memory_space<vmem>>) target_semaphore(%arg27 : memref<!tpu.dma_semaphore, #tpu.memory_space<semaphore_mem>>)
        %slice3A_793 = vector.extract_strided_slice %and3A_392 {offsets = [14], sizes = [1], strides = [1]} : vector<16xi32> to vector<1xi32>
        %squeeze3A_794 = vector.extract %slice3A_793[0] : i32 from vector<1xi32>
        %multiple_of3A_795 = tpu.assume_multiple %squeeze3A_794, 8 : i32
        %slice3A_796 = vector.extract_strided_slice %mul3A_401 {offsets = [14], sizes = [1], strides = [1]} : vector<16xi32> to vector<1xi32>
        %squeeze3A_797 = vector.extract %slice3A_796[0] : i32 from vector<1xi32>
        %multiple_of3A_798 = tpu.assume_multiple %squeeze3A_797, 128 : i32
        %dma_start3A_799 = arith.constant 0 : i32
        %dma_start3A_800 = arith.constant 1792 : i32
        %dma_start3A_801 = tpu.memref_slice %arg18[%dma_start3A_799, %dma_start3A_800] : memref<8x2048xf32, #tpu.memory_space<vmem>> -> memref<8x128xf32, #tpu.memory_space<vmem>>
        %dma_start3A_802 = tpu.memref_slice %arg4[%arg1, %multiple_of3A_795, %multiple_of3A_798] : memref<16x80x20000xf32, #tpu.memory_space<hbm>> -> memref<1x8x128xf32, #tpu.memory_space<hbm>>
        %dma_start3A_803 = tpu.memref_squeeze %dma_start3A_802 : memref<1x8x128xf32, #tpu.memory_space<hbm>> -> memref<8x128xf32, #tpu.memory_space<hbm>>
        %dma_start3A_804 = arith.constant 0 : i32
        %dma_start3A_805 = arith.constant 1792 : i32
        %dma_start3A_806 = tpu.memref_slice %arg18[%dma_start3A_804, %dma_start3A_805] : memref<8x2048xf32, #tpu.memory_space<vmem>> -> memref<8x128xf32, #tpu.memory_space<vmem>>
        %dma_start3A_807 = tpu.memref_slice %arg4[%arg1, %multiple_of3A_795, %multiple_of3A_798] : memref<16x80x20000xf32, #tpu.memory_space<hbm>> -> memref<1x8x128xf32, #tpu.memory_space<hbm>>
        %dma_start3A_808 = tpu.memref_squeeze %dma_start3A_807 : memref<1x8x128xf32, #tpu.memory_space<hbm>> -> memref<8x128xf32, #tpu.memory_space<hbm>>
        tpu.enqueue_dma source(%dma_start3A_808 : memref<8x128xf32, #tpu.memory_space<hbm>>) target(%dma_start3A_806 : memref<8x128xf32, #tpu.memory_space<vmem>>) target_semaphore(%arg27 : memref<!tpu.dma_semaphore, #tpu.memory_space<semaphore_mem>>)
        %dma_start3A_809 = arith.constant 0 : i32
        %dma_start3A_810 = arith.constant 1792 : i32
        %dma_start3A_811 = tpu.memref_slice %arg20[%dma_start3A_809, %dma_start3A_810] : memref<4x2048xf32, #tpu.memory_space<vmem>> -> memref<4x128xf32, #tpu.memory_space<vmem>>
        %dma_start3A_812 = arith.constant 0 : i32
        %dma_start3A_813 = tpu.memref_slice %arg3[%arg1, %dma_start3A_812, %multiple_of3A_798] : memref<16x4x20000xf32, #tpu.memory_space<hbm>> -> memref<1x4x128xf32, #tpu.memory_space<hbm>>
        %dma_start3A_814 = tpu.memref_squeeze %dma_start3A_813 : memref<1x4x128xf32, #tpu.memory_space<hbm>> -> memref<4x128xf32, #tpu.memory_space<hbm>>
        %dma_start3A_815 = arith.constant 0 : i32
        %dma_start3A_816 = arith.constant 1792 : i32
        %dma_start3A_817 = tpu.memref_slice %arg20[%dma_start3A_815, %dma_start3A_816] : memref<4x2048xf32, #tpu.memory_space<vmem>> -> memref<4x128xf32, #tpu.memory_space<vmem>>
        %dma_start3A_818 = arith.constant 0 : i32
        %dma_start3A_819 = tpu.memref_slice %arg3[%arg1, %dma_start3A_818, %multiple_of3A_798] : memref<16x4x20000xf32, #tpu.memory_space<hbm>> -> memref<1x4x128xf32, #tpu.memory_space<hbm>>
        %dma_start3A_820 = tpu.memref_squeeze %dma_start3A_819 : memref<1x4x128xf32, #tpu.memory_space<hbm>> -> memref<4x128xf32, #tpu.memory_space<hbm>>
        tpu.enqueue_dma source(%dma_start3A_820 : memref<4x128xf32, #tpu.memory_space<hbm>>) target(%dma_start3A_817 : memref<4x128xf32, #tpu.memory_space<vmem>>) target_semaphore(%arg27 : memref<!tpu.dma_semaphore, #tpu.memory_space<semaphore_mem>>)
        %slice3A_821 = vector.extract_strided_slice %and3A_392 {offsets = [15], sizes = [1], strides = [1]} : vector<16xi32> to vector<1xi32>
        %squeeze3A_822 = vector.extract %slice3A_821[0] : i32 from vector<1xi32>
        %multiple_of3A_823 = tpu.assume_multiple %squeeze3A_822, 8 : i32
        %slice3A_824 = vector.extract_strided_slice %mul3A_401 {offsets = [15], sizes = [1], strides = [1]} : vector<16xi32> to vector<1xi32>
        %squeeze3A_825 = vector.extract %slice3A_824[0] : i32 from vector<1xi32>
        %multiple_of3A_826 = tpu.assume_multiple %squeeze3A_825, 128 : i32
        %dma_start3A_827 = arith.constant 0 : i32
        %dma_start3A_828 = arith.constant 1920 : i32
        %dma_start3A_829 = tpu.memref_slice %arg18[%dma_start3A_827, %dma_start3A_828] : memref<8x2048xf32, #tpu.memory_space<vmem>> -> memref<8x128xf32, #tpu.memory_space<vmem>>
        %dma_start3A_830 = tpu.memref_slice %arg4[%arg1, %multiple_of3A_823, %multiple_of3A_826] : memref<16x80x20000xf32, #tpu.memory_space<hbm>> -> memref<1x8x128xf32, #tpu.memory_space<hbm>>
        %dma_start3A_831 = tpu.memref_squeeze %dma_start3A_830 : memref<1x8x128xf32, #tpu.memory_space<hbm>> -> memref<8x128xf32, #tpu.memory_space<hbm>>
        %dma_start3A_832 = arith.constant 0 : i32
        %dma_start3A_833 = arith.constant 1920 : i32
        %dma_start3A_834 = tpu.memref_slice %arg18[%dma_start3A_832, %dma_start3A_833] : memref<8x2048xf32, #tpu.memory_space<vmem>> -> memref<8x128xf32, #tpu.memory_space<vmem>>
        %dma_start3A_835 = tpu.memref_slice %arg4[%arg1, %multiple_of3A_823, %multiple_of3A_826] : memref<16x80x20000xf32, #tpu.memory_space<hbm>> -> memref<1x8x128xf32, #tpu.memory_space<hbm>>
        %dma_start3A_836 = tpu.memref_squeeze %dma_start3A_835 : memref<1x8x128xf32, #tpu.memory_space<hbm>> -> memref<8x128xf32, #tpu.memory_space<hbm>>
        tpu.enqueue_dma source(%dma_start3A_836 : memref<8x128xf32, #tpu.memory_space<hbm>>) target(%dma_start3A_834 : memref<8x128xf32, #tpu.memory_space<vmem>>) target_semaphore(%arg27 : memref<!tpu.dma_semaphore, #tpu.memory_space<semaphore_mem>>)
        %dma_start3A_837 = arith.constant 0 : i32
        %dma_start3A_838 = arith.constant 1920 : i32
        %dma_start3A_839 = tpu.memref_slice %arg20[%dma_start3A_837, %dma_start3A_838] : memref<4x2048xf32, #tpu.memory_space<vmem>> -> memref<4x128xf32, #tpu.memory_space<vmem>>
        %dma_start3A_840 = arith.constant 0 : i32
        %dma_start3A_841 = tpu.memref_slice %arg3[%arg1, %dma_start3A_840, %multiple_of3A_826] : memref<16x4x20000xf32, #tpu.memory_space<hbm>> -> memref<1x4x128xf32, #tpu.memory_space<hbm>>
        %dma_start3A_842 = tpu.memref_squeeze %dma_start3A_841 : memref<1x4x128xf32, #tpu.memory_space<hbm>> -> memref<4x128xf32, #tpu.memory_space<hbm>>
        %dma_start3A_843 = arith.constant 0 : i32
        %dma_start3A_844 = arith.constant 1920 : i32
        %dma_start3A_845 = tpu.memref_slice %arg20[%dma_start3A_843, %dma_start3A_844] : memref<4x2048xf32, #tpu.memory_space<vmem>> -> memref<4x128xf32, #tpu.memory_space<vmem>>
        %dma_start3A_846 = arith.constant 0 : i32
        %dma_start3A_847 = tpu.memref_slice %arg3[%arg1, %dma_start3A_846, %multiple_of3A_826] : memref<16x4x20000xf32, #tpu.memory_space<hbm>> -> memref<1x4x128xf32, #tpu.memory_space<hbm>>
        %dma_start3A_848 = tpu.memref_squeeze %dma_start3A_847 : memref<1x4x128xf32, #tpu.memory_space<hbm>> -> memref<4x128xf32, #tpu.memory_space<hbm>>
        tpu.enqueue_dma source(%dma_start3A_848 : memref<4x128xf32, #tpu.memory_space<hbm>>) target(%dma_start3A_845 : memref<4x128xf32, #tpu.memory_space<vmem>>) target_semaphore(%arg27 : memref<!tpu.dma_semaphore, #tpu.memory_space<semaphore_mem>>)
      } else {
      }
      %add3A_369 = arith.constant 1 : i32
      %add3A_370 = arith.addi %mul3A_335, %add3A_369 : i32
      %mul3A_371 = arith.constant 2 : i32
      %mul3A_372 = arith.muli %mul3A_371, %add3A_370 : i32
      %add3A_373 = arith.addi %mul3A_372, %arg0 : i32
      %mul3A_374 = arith.constant 16 : i32
      %mul3A_375 = arith.muli %add3A_373, %mul3A_374 : i32
      %lt3A_376 = arith.cmpi slt, %mul3A_375, %squeeze3A : i32
      %convert_element_type3A_377 = arith.extui %lt3A_376 : i1 to i32
      %cond3A_378 = arith.constant 0 : i32
      %cond3A_379 = arith.cmpi ne, %convert_element_type3A_377, %cond3A_378 : i32
      scf.if %cond3A_379 {
        %dma_wait3A_380 = arith.constant 0 : i32
        %dma_wait3A_381 = arith.constant 0 : i32
        %dma_wait3A_382 = arith.constant 0 : i32
        %dma_wait3A_383 = tpu.memref_slice %arg4[%dma_wait3A_380, %dma_wait3A_381, %dma_wait3A_382] : memref<16x80x20000xf32, #tpu.memory_space<hbm>> -> memref<1x8x2048xf32, #tpu.memory_space<hbm>>
        %dma_wait3A_384 = tpu.memref_squeeze %dma_wait3A_383 : memref<1x8x2048xf32, #tpu.memory_space<hbm>> -> memref<8x2048xf32, #tpu.memory_space<hbm>>
        %dma_wait3A_385 = arith.constant 0 : i32
        %dma_wait3A_386 = arith.constant 0 : i32
        %dma_wait3A_387 = tpu.memref_slice %arg4[%dma_wait3A_380, %dma_wait3A_385, %dma_wait3A_386] : memref<16x80x20000xf32, #tpu.memory_space<hbm>> -> memref<1x8x2048xf32, #tpu.memory_space<hbm>>
        %dma_wait3A_388 = tpu.memref_squeeze %dma_wait3A_387 : memref<1x8x2048xf32, #tpu.memory_space<hbm>> -> memref<8x2048xf32, #tpu.memory_space<hbm>>
        tpu.wait_dma2 semaphore(%arg28 : memref<!tpu.dma_semaphore, #tpu.memory_space<semaphore_mem>>) src(%dma_wait3A_388 : memref<8x2048xf32, #tpu.memory_space<hbm>>) dst(%arg19 : memref<8x2048xf32, #tpu.memory_space<vmem>>)
        %dma_wait3A_389 = arith.constant 0 : i32
        %dma_wait3A_390 = arith.constant 0 : i32
        %dma_wait3A_391 = arith.constant 0 : i32
        %dma_wait3A_392 = tpu.memref_slice %arg3[%dma_wait3A_389, %dma_wait3A_390, %dma_wait3A_391] : memref<16x4x20000xf32, #tpu.memory_space<hbm>> -> memref<1x4x2048xf32, #tpu.memory_space<hbm>>
        %dma_wait3A_393 = tpu.memref_squeeze %dma_wait3A_392 : memref<1x4x2048xf32, #tpu.memory_space<hbm>> -> memref<4x2048xf32, #tpu.memory_space<hbm>>
        %dma_wait3A_394 = arith.constant 0 : i32
        %dma_wait3A_395 = arith.constant 0 : i32
        %dma_wait3A_396 = tpu.memref_slice %arg3[%dma_wait3A_389, %dma_wait3A_394, %dma_wait3A_395] : memref<16x4x20000xf32, #tpu.memory_space<hbm>> -> memref<1x4x2048xf32, #tpu.memory_space<hbm>>
        %dma_wait3A_397 = tpu.memref_squeeze %dma_wait3A_396 : memref<1x4x2048xf32, #tpu.memory_space<hbm>> -> memref<4x2048xf32, #tpu.memory_space<hbm>>
        tpu.wait_dma2 semaphore(%arg28 : memref<!tpu.dma_semaphore, #tpu.memory_space<semaphore_mem>>) src(%dma_wait3A_397 : memref<4x2048xf32, #tpu.memory_space<hbm>>) dst(%arg21 : memref<4x2048xf32, #tpu.memory_space<vmem>>)
        %add3A_398 = arith.constant 1 : i32
        %add3A_399 = arith.addi %mul3A_335, %add3A_398 : i32
        %mul3A_400 = arith.constant 2 : i32
        %mul3A_401 = arith.muli %mul3A_400, %add3A_399 : i32
        %add3A_402 = arith.addi %mul3A_401, %arg0 : i32
        %mul3A_403 = arith.constant 16 : i32
        %mul3A_404 = arith.muli %add3A_402, %mul3A_403 : i32
        %get3A = arith.index_cast %mul3A_404 : i32 to index
        %get3A_405 = tpu.vector_load %arg15[%get3A] {strides = array<i32>} : memref<1024xi32, #tpu.memory_space<vmem>>, vector<16xi32>,
        %and3A_406 = arith.constant 32767 : i32
        %and3A_407 = vector.broadcast %and3A_406 : i32 to vector<16xi32>
        %and3A_408 = arith.andi %get3A_405, %and3A_407 : vector<16xi32>
        %shift_right_arithmetic3A = arith.constant 15 : i32
        %shift_right_arithmetic3A_409 = vector.broadcast %shift_right_arithmetic3A : i32 to vector<16xi32>
        %shift_right_arithmetic3A_410 = arith.shrsi %get3A_405, %shift_right_arithmetic3A_409 : vector<16xi32>
        %and3A_411 = arith.constant 7 : i32
        %and3A_412 = vector.broadcast %and3A_411 : i32 to vector<16xi32>
        %and3A_413 = arith.andi %shift_right_arithmetic3A_410, %and3A_412 : vector<16xi32>
        %add3A_414 = vector.broadcast %mul3A_404 : i32 to vector<16xi32>
        %add3A_415 = arith.addi %add3A_414, %iota3A : vector<16xi32>
        %ge3A = arith.cmpi sge, %add3A_415, %min3A_29 : vector<16xi32>
        %mul3A_416 = arith.constant 128 : i32
        %mul3A_417 = vector.broadcast %mul3A_416 : i32 to vector<16xi32>
        %mul3A_418 = arith.muli %iota3A, %mul3A_417 : vector<16xi32>
        %and3A_419 = arith.constant 127 : i32
        %and3A_420 = vector.broadcast %and3A_419 : i32 to vector<16xi32>
        %and3A_421 = arith.andi %and3A_408, %and3A_420 : vector<16xi32>
        %add3A_422 = arith.addi %mul3A_418, %and3A_421 : vector<16xi32>
        %gather3A = tpu.vector_load_idx %arg19[%and3A_413, %add3A_422] : memref<8x2048xf32, #tpu.memory_space<vmem>>[vector<16xi32>, vector<16xi32>], vector<16xf32>,
        %select_n3A = arith.select %ge3A, %broadcast_in_dim3A_2, %gather3A : vector<16xi1>, vector<16xf32>
        tpu.vector_store_idx %arg17[%add3A_415], %select_n3A : memref<1024xf32, #tpu.memory_space<vmem>>[vector<16xi32>], vector<16xf32>,
        %gather3A_423 = tpu.vector_load_idx %arg21[%broadcast_in_dim3A_295, %add3A_422] : memref<4x2048xf32, #tpu.memory_space<vmem>>[vector<16xi32>, vector<16xi32>], vector<16xf32>,
        %select_n3A_424 = arith.select %ge3A, %broadcast_in_dim3A_2, %gather3A_423 : vector<16xi1>, vector<16xf32>
        %mul3A_425 = arith.constant 4 : i32
        %mul3A_426 = vector.broadcast %mul3A_425 : i32 to vector<16xi32>
        %mul3A_427 = arith.muli %add3A_415, %mul3A_426 : vector<16xi32>
        %add3A_428 = arith.constant 0 : i32
        %add3A_429 = vector.broadcast %add3A_428 : i32 to vector<16xi32>
        %add3A_430 = arith.addi %mul3A_427, %add3A_429 : vector<16xi32>
        tpu.vector_store_idx %arg22[%add3A_430], %select_n3A_424 : memref<4096xf32, #tpu.memory_space<vmem>>[vector<16xi32>], vector<16xf32>,
        %gather3A_431 = tpu.vector_load_idx %arg21[%broadcast_in_dim3A_297, %add3A_422] : memref<4x2048xf32, #tpu.memory_space<vmem>>[vector<16xi32>, vector<16xi32>], vector<16xf32>,
        %select_n3A_432 = arith.select %ge3A, %broadcast_in_dim3A_2, %gather3A_431 : vector<16xi1>, vector<16xf32>
        %mul3A_433 = arith.constant 4 : i32
        %mul3A_434 = vector.broadcast %mul3A_433 : i32 to vector<16xi32>
        %mul3A_435 = arith.muli %add3A_415, %mul3A_434 : vector<16xi32>
        %add3A_436 = arith.constant 1 : i32
        %add3A_437 = vector.broadcast %add3A_436 : i32 to vector<16xi32>
        %add3A_438 = arith.addi %mul3A_435, %add3A_437 : vector<16xi32>
        tpu.vector_store_idx %arg22[%add3A_438], %select_n3A_432 : memref<4096xf32, #tpu.memory_space<vmem>>[vector<16xi32>], vector<16xf32>,
        %gather3A_439 = tpu.vector_load_idx %arg21[%broadcast_in_dim3A_299, %add3A_422] : memref<4x2048xf32, #tpu.memory_space<vmem>>[vector<16xi32>, vector<16xi32>], vector<16xf32>,
        %select_n3A_440 = arith.select %ge3A, %broadcast_in_dim3A_2, %gather3A_439 : vector<16xi1>, vector<16xf32>
        %mul3A_441 = arith.constant 4 : i32
        %mul3A_442 = vector.broadcast %mul3A_441 : i32 to vector<16xi32>
        %mul3A_443 = arith.muli %add3A_415, %mul3A_442 : vector<16xi32>
        %add3A_444 = arith.constant 2 : i32
        %add3A_445 = vector.broadcast %add3A_444 : i32 to vector<16xi32>
        %add3A_446 = arith.addi %mul3A_443, %add3A_445 : vector<16xi32>
        tpu.vector_store_idx %arg22[%add3A_446], %select_n3A_440 : memref<4096xf32, #tpu.memory_space<vmem>>[vector<16xi32>], vector<16xf32>,
        %gather3A_447 = tpu.vector_load_idx %arg21[%broadcast_in_dim3A_301, %add3A_422] : memref<4x2048xf32, #tpu.memory_space<vmem>>[vector<16xi32>, vector<16xi32>], vector<16xf32>,
        %select_n3A_448 = arith.select %ge3A, %broadcast_in_dim3A_2, %gather3A_447 : vector<16xi1>, vector<16xf32>
        %mul3A_449 = arith.constant 4 : i32
        %mul3A_450 = vector.broadcast %mul3A_449 : i32 to vector<16xi32>
        %mul3A_451 = arith.muli %add3A_415, %mul3A_450 : vector<16xi32>
        %add3A_452 = arith.constant 3 : i32
        %add3A_453 = vector.broadcast %add3A_452 : i32 to vector<16xi32>
        %add3A_454 = arith.addi %mul3A_451, %add3A_453 : vector<16xi32>
        tpu.vector_store_idx %arg22[%add3A_454], %select_n3A_448 : memref<4096xf32, #tpu.memory_space<vmem>>[vector<16xi32>], vector<16xf32>,
      } else {
      }
    }
    %scan3A_309 = arith.constant 16 : i32
    %scan3A_310 = arith.constant 0 : i32
    %scan3A_311 = arith.constant 31 : i32
    %scan3A_312 = arith.addi %scan3A_310, %scan3A_311 : i32
    %scan3A_313 = arith.constant 1 : i32
    scf.for %scan3A_329 = %scan3A_310 to %scan3A_312 step %scan3A_313  : i32 {
      %mul3A_330 = arith.constant 1 : i32
      %mul3A_331 = arith.muli %scan3A_329, %mul3A_330 : i32
      %add3A_332 = arith.constant 0 : i32
      %add3A_333 = arith.addi %add3A_332, %mul3A_331 : i32
      %mul3A_334 = arith.constant 32 : i32
      %mul3A_335 = arith.muli %mul3A_334, %add3A_333 : i32
      %mul3A_336 = arith.constant 16 : i32
      %mul3A_337 = arith.muli %mul3A_336, %arg0 : i32
      %add3A_338 = arith.addi %mul3A_335, %mul3A_337 : i32
      %mul3A_339 = arith.constant 4 : i32
      %mul3A_340 = arith.muli %mul3A_339, %add3A_338 : i32
      %mul3A_341 = arith.constant 4 : i32
      %mul3A_342 = arith.muli %arg1, %mul3A_341 : i32
      %mul3A_343 = arith.constant 1000 : i32
      %mul3A_344 = arith.muli %mul3A_342, %mul3A_343 : i32
      %mul3A_345 = arith.constant 4 : i32
      %mul3A_346 = arith.muli %mul3A_345, %add3A_338 : i32
      %add3A_347 = arith.addi %mul3A_344, %mul3A_346 : i32
      %dma_start3A_348 = tpu.memref_slice %arg22[%mul3A_340] : memref<4096xf32, #tpu.memory_space<vmem>> -> memref<64xf32, #tpu.memory_space<vmem>>
      %dma_start3A_349 = tpu.memref_slice %arg6[%add3A_347] : memref<64000xf32, #tpu.memory_space<hbm>> -> memref<64xf32, #tpu.memory_space<hbm>>
      %dma_start3A_350 = tpu.memref_slice %arg6[%add3A_347] : memref<64000xf32, #tpu.memory_space<hbm>> -> memref<64xf32, #tpu.memory_space<hbm>>
      %dma_start3A_351 = tpu.memref_slice %arg22[%mul3A_340] : memref<4096xf32, #tpu.memory_space<vmem>> -> memref<64xf32, #tpu.memory_space<vmem>>
      tpu.enqueue_dma source(%dma_start3A_351 : memref<64xf32, #tpu.memory_space<vmem>>) target(%dma_start3A_350 : memref<64xf32, #tpu.memory_space<hbm>>) target_semaphore(%arg26 : memref<!tpu.dma_semaphore, #tpu.memory_space<semaphore_mem>>)
      %mul3A_352 = arith.constant 1000 : i32
      %mul3A_353 = arith.muli %arg1, %mul3A_352 : i32
      %add3A_354 = arith.addi %mul3A_353, %add3A_338 : i32
      %dma_start3A_355 = tpu.memref_slice %arg17[%add3A_338] : memref<1024xf32, #tpu.memory_space<vmem>> -> memref<16xf32, #tpu.memory_space<vmem>>
      %dma_start3A_356 = tpu.memref_slice %arg7[%add3A_354] : memref<16000xf32, #tpu.memory_space<hbm>> -> memref<16xf32, #tpu.memory_space<hbm>>
      %dma_start3A_357 = tpu.memref_slice %arg7[%add3A_354] : memref<16000xf32, #tpu.memory_space<hbm>> -> memref<16xf32, #tpu.memory_space<hbm>>
      %dma_start3A_358 = tpu.memref_slice %arg17[%add3A_338] : memref<1024xf32, #tpu.memory_space<vmem>> -> memref<16xf32, #tpu.memory_space<vmem>>
      tpu.enqueue_dma source(%dma_start3A_358 : memref<16xf32, #tpu.memory_space<vmem>>) target(%dma_start3A_357 : memref<16xf32, #tpu.memory_space<hbm>>) target_semaphore(%arg26 : memref<!tpu.dma_semaphore, #tpu.memory_space<semaphore_mem>>)
      %mul3A_359 = arith.constant 1000 : i32
      %mul3A_360 = arith.muli %arg1, %mul3A_359 : i32
      %add3A_361 = arith.addi %mul3A_360, %add3A_338 : i32
      %dma_start3A_362 = tpu.memref_slice %arg16[%add3A_338] : memref<1024xi32, #tpu.memory_space<vmem>> -> memref<16xi32, #tpu.memory_space<vmem>>
      %dma_start3A_363 = tpu.memref_slice %arg8[%add3A_361] : memref<16000xi32, #tpu.memory_space<hbm>> -> memref<16xi32, #tpu.memory_space<hbm>>
      %dma_start3A_364 = tpu.memref_slice %arg8[%add3A_361] : memref<16000xi32, #tpu.memory_space<hbm>> -> memref<16xi32, #tpu.memory_space<hbm>>
      %dma_start3A_365 = tpu.memref_slice %arg16[%add3A_338] : memref<1024xi32, #tpu.memory_space<vmem>> -> memref<16xi32, #tpu.memory_space<vmem>>
      tpu.enqueue_dma source(%dma_start3A_365 : memref<16xi32, #tpu.memory_space<vmem>>) target(%dma_start3A_364 : memref<16xi32, #tpu.memory_space<hbm>>) target_semaphore(%arg26 : memref<!tpu.dma_semaphore, #tpu.memory_space<semaphore_mem>>)
    }
    %scan3A_314 = arith.constant 31 : i32
    %eq3A = arith.constant 0 : i32
    %eq3A_315 = arith.cmpi eq, %arg0, %eq3A : i32
    %convert_element_type3A_316 = arith.extui %eq3A_315 : i1 to i32
    %cond3A_317 = arith.constant 0 : i32
    %cond3A_318 = arith.cmpi ne, %convert_element_type3A_316, %cond3A_317 : i32
    scf.if %cond3A_318 {
      %mul3A_329 = arith.constant 4 : i32
      %mul3A_330 = arith.muli %arg1, %mul3A_329 : i32
      %mul3A_331 = arith.constant 1000 : i32
      %mul3A_332 = arith.muli %mul3A_330, %mul3A_331 : i32
      %add3A_333 = arith.constant 3968 : i32
      %add3A_334 = arith.addi %mul3A_332, %add3A_333 : i32
      %dma_start3A_335 = arith.constant 3968 : i32
      %dma_start3A_336 = tpu.memref_slice %arg22[%dma_start3A_335] : memref<4096xf32, #tpu.memory_space<vmem>> -> memref<32xf32, #tpu.memory_space<vmem>>
      %dma_start3A_337 = tpu.memref_slice %arg6[%add3A_334] : memref<64000xf32, #tpu.memory_space<hbm>> -> memref<32xf32, #tpu.memory_space<hbm>>
      %dma_start3A_338 = tpu.memref_slice %arg6[%add3A_334] : memref<64000xf32, #tpu.memory_space<hbm>> -> memref<32xf32, #tpu.memory_space<hbm>>
      %dma_start3A_339 = arith.constant 3968 : i32
      %dma_start3A_340 = tpu.memref_slice %arg22[%dma_start3A_339] : memref<4096xf32, #tpu.memory_space<vmem>> -> memref<32xf32, #tpu.memory_space<vmem>>
      tpu.enqueue_dma source(%dma_start3A_340 : memref<32xf32, #tpu.memory_space<vmem>>) target(%dma_start3A_338 : memref<32xf32, #tpu.memory_space<hbm>>) target_semaphore(%arg26 : memref<!tpu.dma_semaphore, #tpu.memory_space<semaphore_mem>>)
      %mul3A_341 = arith.constant 1000 : i32
      %mul3A_342 = arith.muli %arg1, %mul3A_341 : i32
      %add3A_343 = arith.constant 992 : i32
      %add3A_344 = arith.addi %mul3A_342, %add3A_343 : i32
      %dma_start3A_345 = arith.constant 992 : i32
      %dma_start3A_346 = tpu.memref_slice %arg17[%dma_start3A_345] : memref<1024xf32, #tpu.memory_space<vmem>> -> memref<8xf32, #tpu.memory_space<vmem>>
      %dma_start3A_347 = tpu.memref_slice %arg7[%add3A_344] : memref<16000xf32, #tpu.memory_space<hbm>> -> memref<8xf32, #tpu.memory_space<hbm>>
      %dma_start3A_348 = tpu.memref_slice %arg7[%add3A_344] : memref<16000xf32, #tpu.memory_space<hbm>> -> memref<8xf32, #tpu.memory_space<hbm>>
      %dma_start3A_349 = arith.constant 992 : i32
      %dma_start3A_350 = tpu.memref_slice %arg17[%dma_start3A_349] : memref<1024xf32, #tpu.memory_space<vmem>> -> memref<8xf32, #tpu.memory_space<vmem>>
      tpu.enqueue_dma source(%dma_start3A_350 : memref<8xf32, #tpu.memory_space<vmem>>) target(%dma_start3A_348 : memref<8xf32, #tpu.memory_space<hbm>>) target_semaphore(%arg26 : memref<!tpu.dma_semaphore, #tpu.memory_space<semaphore_mem>>)
      %mul3A_351 = arith.constant 1000 : i32
      %mul3A_352 = arith.muli %arg1, %mul3A_351 : i32
      %add3A_353 = arith.constant 992 : i32
      %add3A_354 = arith.addi %mul3A_352, %add3A_353 : i32
      %dma_start3A_355 = arith.constant 992 : i32
      %dma_start3A_356 = tpu.memref_slice %arg16[%dma_start3A_355] : memref<1024xi32, #tpu.memory_space<vmem>> -> memref<8xi32, #tpu.memory_space<vmem>>
      %dma_start3A_357 = tpu.memref_slice %arg8[%add3A_354] : memref<16000xi32, #tpu.memory_space<hbm>> -> memref<8xi32, #tpu.memory_space<hbm>>
      %dma_start3A_358 = tpu.memref_slice %arg8[%add3A_354] : memref<16000xi32, #tpu.memory_space<hbm>> -> memref<8xi32, #tpu.memory_space<hbm>>
      %dma_start3A_359 = arith.constant 992 : i32
      %dma_start3A_360 = tpu.memref_slice %arg16[%dma_start3A_359] : memref<1024xi32, #tpu.memory_space<vmem>> -> memref<8xi32, #tpu.memory_space<vmem>>
      tpu.enqueue_dma source(%dma_start3A_360 : memref<8xi32, #tpu.memory_space<vmem>>) target(%dma_start3A_358 : memref<8xi32, #tpu.memory_space<hbm>>) target_semaphore(%arg26 : memref<!tpu.dma_semaphore, #tpu.memory_space<semaphore_mem>>)
      "tpu.region"() ({
        %run_scoped3A = tpu.sem_alloc : memref<!tpu.dma_semaphore, #tpu.memory_space<semaphore_mem>>
        %dma_start3A_361 = arith.constant 0 : i32
        %dma_start3A_362 = tpu.memref_slice %arg5[%arg1, %dma_start3A_361] : memref<16x16xi32, #tpu.memory_space<hbm>> -> memref<1x16xi32, #tpu.memory_space<hbm>>
        %dma_start3A_363 = tpu.memref_squeeze %dma_start3A_362 : memref<1x16xi32, #tpu.memory_space<hbm>> -> memref<16xi32, #tpu.memory_space<hbm>>
        %dma_start3A_364 = arith.constant 0 : i32
        %dma_start3A_365 = tpu.memref_slice %arg5[%arg1, %dma_start3A_364] : memref<16x16xi32, #tpu.memory_space<hbm>> -> memref<1x16xi32, #tpu.memory_space<hbm>>
        %dma_start3A_366 = tpu.memref_squeeze %dma_start3A_365 : memref<1x16xi32, #tpu.memory_space<hbm>> -> memref<16xi32, #tpu.memory_space<hbm>>
        tpu.enqueue_dma source(%arg25 : memref<16xi32, #tpu.memory_space<vmem>>) target(%dma_start3A_366 : memref<16xi32, #tpu.memory_space<hbm>>) target_semaphore(%run_scoped3A : memref<!tpu.dma_semaphore, #tpu.memory_space<semaphore_mem>>)
        %dma_wait3A_367 = arith.constant 0 : i32
        %dma_wait3A_368 = tpu.memref_slice %arg5[%arg1, %dma_wait3A_367] : memref<16x16xi32, #tpu.memory_space<hbm>> -> memref<1x16xi32, #tpu.memory_space<hbm>>
        %dma_wait3A_369 = tpu.memref_squeeze %dma_wait3A_368 : memref<1x16xi32, #tpu.memory_space<hbm>> -> memref<16xi32, #tpu.memory_space<hbm>>
        %dma_wait3A_370 = arith.constant 0 : i32
        %dma_wait3A_371 = tpu.memref_slice %arg5[%arg1, %dma_wait3A_370] : memref<16x16xi32, #tpu.memory_space<hbm>> -> memref<1x16xi32, #tpu.memory_space<hbm>>
        %dma_wait3A_372 = tpu.memref_squeeze %dma_wait3A_371 : memref<1x16xi32, #tpu.memory_space<hbm>> -> memref<16xi32, #tpu.memory_space<hbm>>
        tpu.wait_dma2 semaphore(%run_scoped3A : memref<!tpu.dma_semaphore, #tpu.memory_space<semaphore_mem>>) src(%arg25 : memref<16xi32, #tpu.memory_space<vmem>>) dst(%dma_wait3A_372 : memref<16xi32, #tpu.memory_space<hbm>>)
        tpu.yield
      }) : () -> ()
    } else {
    }
    %scan3A_319 = arith.constant 0 : i32
    %scan3A_320 = arith.constant 31 : i32
    %scan3A_321 = arith.addi %scan3A_319, %scan3A_320 : i32
    %scan3A_322 = arith.constant 1 : i32
    scf.for %scan3A_329 = %scan3A_319 to %scan3A_321 step %scan3A_322  : i32 {
      %mul3A_330 = arith.constant 1 : i32
      %mul3A_331 = arith.muli %scan3A_329, %mul3A_330 : i32
      %add3A_332 = arith.constant 0 : i32
      %add3A_333 = arith.addi %add3A_332, %mul3A_331 : i32
      %dma_wait3A_334 = arith.constant 0 : i32
      %dma_wait3A_335 = tpu.memref_slice %arg7[%dma_wait3A_334] : memref<16000xf32, #tpu.memory_space<hbm>> -> memref<96xf32, #tpu.memory_space<hbm>>
      %dma_wait3A_336 = arith.constant 0 : i32
      %dma_wait3A_337 = tpu.memref_slice %arg7[%dma_wait3A_336] : memref<16000xf32, #tpu.memory_space<hbm>> -> memref<96xf32, #tpu.memory_space<hbm>>
      tpu.wait_dma2 semaphore(%arg26 : memref<!tpu.dma_semaphore, #tpu.memory_space<semaphore_mem>>) src(%dma_wait3A_337 : memref<96xf32, #tpu.memory_space<hbm>>) dst(%arg23 : memref<96xf32, #tpu.memory_space<vmem>>)
    }
    %scan3A_323 = arith.constant 31 : i32
    %eq3A_324 = arith.constant 0 : i32
    %eq3A_325 = arith.cmpi eq, %arg0, %eq3A_324 : i32
    %convert_element_type3A_326 = arith.extui %eq3A_325 : i1 to i32
    %cond3A_327 = arith.constant 0 : i32
    %cond3A_328 = arith.cmpi ne, %convert_element_type3A_326, %cond3A_327 : i32
    scf.if %cond3A_328 {
      %dma_wait3A_329 = arith.constant 0 : i32
      %dma_wait3A_330 = tpu.memref_slice %arg7[%dma_wait3A_329] : memref<16000xf32, #tpu.memory_space<hbm>> -> memref<48xf32, #tpu.memory_space<hbm>>
      %dma_wait3A_331 = arith.constant 0 : i32
      %dma_wait3A_332 = tpu.memref_slice %arg7[%dma_wait3A_331] : memref<16000xf32, #tpu.memory_space<hbm>> -> memref<48xf32, #tpu.memory_space<hbm>>
      tpu.wait_dma2 semaphore(%arg26 : memref<!tpu.dma_semaphore, #tpu.memory_space<semaphore_mem>>) src(%dma_wait3A_332 : memref<48xf32, #tpu.memory_space<hbm>>) dst(%arg24 : memref<48xf32, #tpu.memory_space<vmem>>)
    } else {
    }
    return
  }
}

</mosaic_0001>

<sc_bundles>
// kernel: kernel.3.cloned.1.call-start
scs
__scs_entry_jumppad:
0x0: {  	(pc) =	sbr.rel $0x88, $3  }
0x1: {  	(tag) =	ssettag $0x0;
	lr =	simm.s32 $0x1  }
0x2: {  	[smem:$0x3F9E] =	sst lr;
	_ =	strace $0xD0000000  }
0x3: {  	_ = 	snop  }
0x4: {  	_ = 	snop  }
0x5: {  	_ = 	snop  }
0x6: {  	_ = 	snop  }
0x7: {  	_ = 	snop  }
__scs_overlays_trampoline_lowered:
0x8: {  	[smem:$0x3FAD] =	sst s0  }
0x9: {  	[smem:$0x3FAE] =	sst s1  }
0xa: {  	[smem:$0x3FAF] =	sst s2  }
0xb: {  	[smem:$0x3FB0] =	sst s3  }
0xc: {  	[smem:$0x3FB1] =	sst s4  }
0xd: {  	[smem:$0x3FB2] =	sst s5  }
0xe: {  	[smem:$0x3FB3] =	sst s6  }
0xf: {  	[smem:$0x3FB4] =	sst s7  }
0x10: {  	[smem:$0x3FB5] =	sst s8  }
0x11: {  	[smem:$0x3FB6] =	sst s9;
	s0 =	simm.s32 @!p0 $0x0  }
0x12: {  	s1 =	sld [smem:$0x3F9C];
	s0 =	simm.s32 @p0 $0x1  }
0x13: {  	[smem:$0x3FB7] =	sst s0;
	s0 =	simm.s32 @!p1 $0x0  }
0x14: {  	s2 =	sld [smem:$0x3F9B];
	s0 =	simm.s32 @p1 $0x1  }
0x15: {  	[smem:$0x3FB8] =	sst s0;
	s0 =	simm.s32 @!p2 $0x0  }
0x16: {  	s3 =	sld [smem:$0x3FDB];
	s0 =	simm.s32 @p2 $0x1  }
0x17: {  	s4 =	simm.s32 $0x1BF5;
	[smem:$0x3FBA] =	sst s0  }
0x18: {  	s0 =	sld [smem:$0x3F9D];
	_ =	swait.ge [sflag:s4], $0x0  }
0x19: {  	s7 =	sld [smem:$0x3F9E]  }
0x1a: {  	s8 =	sadd.s32 $0xFFFFE003, lr  }
0x1b: {  	s9 =	sadd.s32 $0xFFFFFEF7, lr;
	s5 =	simm.s32 $0xFFFFFFFF;
	p2 =	slt.u32 s8, $0xFFFFF086  }
0x1c: {  	p1 =	slt.u32 s9, $0xF7A;
	s5 =	simm.s32 @!p2 $0x0  }
0x1d: {  	s5 =	simm.s32 @p1 $0x1;
	p0 =	seq.s32 s7, s2  }
0x1e: {  	s7 =	smul.u32 @!p0 $0xF7A, s2;
	p2 =	seq.s32 @!p0 s5, $0x0  }
0x1f: {  	s9 =	smul.u32 $0xF7A, s1;
	s8 =	simm.s32 @!p0 $0x1BF5;
	p2 =	por !p2, p0  }
0x20: {  	[sflag:s8] =	ssyncset.s32 @!p0 $0xFFFFF086;
	s6 =	sadd.s32 @!p0 s3, s7;
	s7 =	simm.s32 @!p0 $0x108  }
0x21: {  	s3 =	sadd.s32 s3, s9;
	s6 =	sadd.s32 @!p0 $0x88, s6;
	s7 =	simm.s32 @p2 $0x1082  }
0x22: {  	[simem:s7], [sflag:s8] =	dma.local @!p0 [hbm:s6], $0xF7A  }
0x23: {  	s9 =	sor.u32 $0xD0000000, s2;
	s6 =	simm.s32 $0x108;
	_ =	swait.ge @!p0 [sflag:s8], $0x0  }
0x24: {  	s3 =	sadd.s32 $0x88, s3;
	s6 =	simm.s32 @!p1 $0x1082;
	[sflag:s4] =	ssyncset.s32 $0xFFFFF086  }
0x25: {  	[simem:s6], [sflag:s4] =	dma.local [hbm:s3], $0xF7A  }
0x26: {  	[smem:$0x3F9E] =	sst s1;
	(tag) =	ssettag s2;
	_ =	strace s9  }
0x27: {  	s1 =	sld [smem:$0x3FAE]  }
0x28: {  	s2 =	sld [smem:$0x3FAF]  }
0x29: {  	s4 =	sld [smem:$0x3FB1]  }
0x2a: {  	p0 =	seq.s32 s5, $0x0;
	s5 =	sld [smem:$0x3FB2]  }
0x2b: {  	s6 =	sld [smem:$0x3FB3]  }
0x2c: {  	s7 =	sld [smem:$0x3FB4]  }
0x2d: {  	s3 =	simm.s32 $0x108;
	s8 =	sld [smem:$0x3FB5]  }
0x2e: {  	s3 =	simm.s32 @!p0 $0x1082;
	s9 =	sld [smem:$0x3FB6]  }
0x2f: {  	lr =	sadd.s32 s0, s3;
	s0 =	sld [smem:$0x3FAD]  }
0x30: {  	s3 =	sld [smem:$0x3FB0]  }
0x31: {  	[smem:$0x3FB9] =	sst s10  }
0x32: {  	s10 =	sld [smem:$0x3FB7];
	_ =	sdelay $0x3  }
0x33: {  	p0 =	seq.s32 s10, $0x1;
	s10 =	sld [smem:$0x3FB9];
	_ =	sdelay $0x3  }
0x34: {  	[smem:$0x3FB9] =	sst s10  }
0x35: {  	s10 =	sld [smem:$0x3FB8];
	_ =	sdelay $0x3  }
0x36: {  	p1 =	seq.s32 s10, $0x1;
	s10 =	sld [smem:$0x3FB9];
	_ =	sdelay $0x3  }
0x37: {  	[smem:$0x3FB9] =	sst s10  }
0x38: {  	s10 =	sld [smem:$0x3FBA]  }
0x39: {  	_ = 	snop;
	(pc) =	sbr.ind lr, $3  }
0x3a: {  	_ = 	snop  }
0x3b: {  	_ = 	snop  }
0x3c: {  	p2 =	seq.s32 s10, $0x1;
	s10 =	sld [smem:$0x3FB9]  }
0x3d: {  	_ =	shalt  }
0x3e: {  	_ =	shalt  }
0x3f: {  	_ =	shalt  }
0x40: {  	_ =	shalt  }
0x41: {  	_ =	shalt  }
0x42: {  	_ =	shalt  }
0x43: {  	_ =	shalt  }
0x44: {  	_ =	shalt  }
0x45: {  	_ =	shalt  }
0x46: {  	_ =	shalt  }
0x47: {  	_ =	shalt  }
0x48: {  	_ =	shalt  }
0x49: {  	_ =	shalt  }
0x4a: {  	_ =	shalt  }
0x4b: {  	_ =	shalt  }
0x4c: {  	_ =	shalt  }
0x4d: {  	_ =	shalt  }
0x4e: {  	_ =	shalt  }
0x4f: {  	_ =	shalt  }
0x50: {  	_ =	shalt  }
0x51: {  	_ =	shalt  }
0x52: {  	_ =	shalt  }
0x53: {  	_ =	shalt  }
0x54: {  	_ =	shalt  }
0x55: {  	_ =	shalt  }
0x56: {  	_ =	shalt  }
0x57: {  	_ =	shalt  }
0x58: {  	_ =	shalt  }
0x59: {  	_ =	shalt  }
0x5a: {  	_ =	shalt  }
0x5b: {  	_ =	shalt  }
0x5c: {  	_ =	shalt  }
0x5d: {  	_ =	shalt  }
0x5e: {  	_ =	shalt  }
0x5f: {  	_ =	shalt  }
0x60: {  	_ =	shalt  }
0x61: {  	_ =	shalt  }
0x62: {  	_ =	shalt  }
0x63: {  	_ =	shalt  }
0x64: {  	_ =	shalt  }
0x65: {  	_ =	shalt  }
0x66: {  	_ =	shalt  }
0x67: {  	_ =	shalt  }
0x68: {  	_ =	shalt  }
0x69: {  	_ =	shalt  }
0x6a: {  	_ =	shalt  }
0x6b: {  	_ =	shalt  }
0x6c: {  	_ =	shalt  }
0x6d: {  	_ =	shalt  }
0x6e: {  	_ =	shalt  }
0x6f: {  	_ =	shalt  }
0x70: {  	_ =	shalt  }
0x71: {  	_ =	shalt  }
0x72: {  	_ =	shalt  }
0x73: {  	_ =	shalt  }
0x74: {  	_ =	shalt  }
0x75: {  	_ =	shalt  }
0x76: {  	_ =	shalt  }
0x77: {  	_ =	shalt  }
0x78: {  	_ =	shalt  }
0x79: {  	_ =	shalt  }
0x7a: {  	_ =	shalt  }
0x7b: {  	_ =	shalt  }
0x7c: {  	_ =	shalt  }
0x7d: {  	_ =	shalt  }
0x7e: {  	_ =	shalt  }
0x7f: {  	_ =	shalt  }
0x80: {  	_ =	shalt  }
0x81: {  	_ =	shalt  }
0x82: {  	_ =	shalt  }
0x83: {  	_ =	shalt  }
0x84: {  	_ =	shalt  }
0x85: {  	_ =	shalt  }
0x86: {  	_ =	shalt  }
0x87: {  	_ =	shalt  }
.Lfunc_end0:
.L_simem_size_0:
called_computation_lowered:
.L_overlay_start_0:
0x88: {  	s2 =	sld [smem:$0x3FD9]  }
0x89: {  	s3 =	sld [smem:$0x3FFE];
	_ =	sdelay $0x1  }
0x8a: {  	s1 =	srdreg.scid  }
0x8b: {  	s0 =	sand.u32 $0x1, s1  }
0x8c: {  	s14 =	sshll.u32 s0, $0xA;
	s2 =	sadd.s32 s3, s2  }
0x8d: {  	s2 =	sadd.s32 s2, s14  }
0x8e: {  	[smem:$0x3FC5] =	sst s2  }
0x8f: {  	_ = 	snop  }
0x90: {  	s2 =	sld [smem:$0x3FD0];
	_ =	sdelay $0x1  }
0x91: {  	s15 =	sld [smem:$0x3FC9]  }
0x92: {  	s5 =	simm.s32 $0xA;
	s6 =	simm.s32 $0x10;
	s4 =	sld [smem:$0x3FC8]  }
0x93: {  	[smem:s6], [sflag:s5] =	dma.local [hbm:s2], $0x1  }
0x94: {  	_ =	swait.eq [sflag:s5], $0x1  }
0x95: {  	s16 =	sld [smem:$0x11];
	[sflag:s5] =	ssyncset.done $0x0  }
0x96: {  	s17 =	sld [smem:$0x12];
	[sflag:s5] =	ssyncadd.s32 $0xFFFFFFFF  }
0x97: {  	s18 =	sld [smem:$0x13];
	(tm) =	ssettm $0x1  }
0x98: {  	s7 =	sld [smem:$0x3FFB];
	_ =	sdelay $0x3  }
0x99: {  	_ =	strace s7  }
0x9a: {  	s7 =	sld [smem:$0x3FFC];
	_ =	sdelay $0x3  }
0x9b: {  	_ =	strace s7  }
0x9c: {  	s7 =	sld [smem:$0x3FFD];
	_ =	sdelay $0x3  }
0x9d: {  	_ =	strace s7  }
0x9e: {  	_ =	strace $0x8FFFFFFF  }
0x9f: {  	s19 =	sld [smem:$0x3FDB];
	_ =	sdelay $0x1  }
0xa0: {  	s8 =	simm.s32 $_scs_section_size  }
0xa1: {  	s9 =	simm.s32 $_size__tile_overlayer_lowered;
	s10 =	simm.s32 $_tile_overlayer_lowered  }
0xa2: {  	s22 =	simm.s32 $0x1BFF;
	s21 =	sshll.u32 s10, $0x1;
	s7 =	sadd.s32 s8, s19  }
0xa3: {  	s11 =	simm.s32 $0x0;
	s20 =	sshll.u32 s9, $0x1;
	s9 =	sadd.s32 s21, s7  }
0xa4: {  	[timem:s11], [sflag:s22] =	dma.local [hbm:s9], s20  }
0xa5: {  	_ =	swait.ge [sflag:s22], s20  }
0xa6: {  	s8 =	ssub.s32 $0x0, s20;
	[sflag:s22] =	ssyncset.done $0x0  }
0xa7: {  	[sflag:s22] =	ssyncadd.s32 s8;
	_ =	sdelay $0x1  }
0xa8: {  	s23 =	simm.s32 $0x1B8B  }
0xa9: {  	_ =	swait.ge [sflag:s23], $0x1  }
0xaa: {  	[sflag:s23] =	ssyncset.done $0x0  }
0xab: {  	s25 =	simm.s32 $0x1B8E;
	s24 =	sld [smem:$0x3FFE];
	[sflag:s23] =	ssyncadd.s32 $0xFFFFFFFF  }
0xac: {  	s26 =	simm.s32 $execute0_lowered;
	[smem:$0x3FD2] =	sst s25  }
0xad: {  	s9 =	sshll.u32 s26, $0x1;
	_ =	strace $0x80000046;
	[dreg:$0x1] =	wrdreg $0xFFFFFFFF  }
0xae: {  	s28 =	simm.s32 $_size_execute0_lowered;
	s7 =	sadd.s32 s7, s9;
	[dreg:$0x0] =	wrdreg $0x0  }
0xaf: {  	s9 =	sshll.u32 s28, $0x1;
	[dreg:$0x2] =	wrdreg s7  }
0xb0: {  	[dreg:$0x3] =	wrdreg s9  }
0xb1: {  	[dreg:$0x4] =	wrdreg $0xC0  }
0xb2: {  	_ =	task [dreg:s11], $0x5FFFF  }
0xb3: {  	[dreg:$0x1] =	wrdreg $0xFFFFFFFF  }
0xb4: {  	[dreg:$0x0] =	wrdreg $0x60  }
0xb5: {  	[dreg:$0x2] =	wrdreg s24  }
0xb6: {  	[dreg:$0x3] =	wrdreg s15  }
0xb7: {  	[dreg:$0x4] =	wrdreg s4  }
0xb8: {  	[dreg:$0x5] =	wrdreg s17  }
0xb9: {  	[dreg:$0x6] =	wrdreg s16  }
0xba: {  	[dreg:$0x7] =	wrdreg s18  }
0xbb: {  	[dreg:$0x8] =	wrdreg $0x9  }
0xbc: {  	_ =	task.clear_ibuf [dreg:s11], $0x9FFFF;
	_ =	strace $0x90000046  }
0xbd: {  	s29 =	simm.s32 $0x9;
	_ =	strace $0x80000048  }
0xbe: {  	_ =	swait.ge [sflag:s29], $0x1  }
0xbf: {  	[sflag:s29] =	ssyncadd.s32 $0xFFFFFFFF  }
0xc0: {  	_ =	strace $0x90000048  }
0xc1: {  	_ =	sfence  }
0xc2: {  	s30 =	sld [smem:$0x0];
	_ =	sdelay $0x2  }
0xc3: {  	s31 =	sshll.u32 s1, $0xD;
	s1 =	sshrl.u32 s1, $0x2  }
0xc4: {  	s3 =	sand.u32 $0x4000, s31;
	s1 =	sadd.s32 s1, s30  }
0xc5: {  	s0 =	sor.u32 s3, s0;
	s1 =	sshll.u32 s1, $0x11  }
0xc6: {  	s0 =	sor.u32 s1, s0  }
0xc7: {  	s0 =	sadd.s32 $0x8F2B, s0  }
0xc8: {  	[sflag:s0] =	ssyncadd.remote.s32 $0x1  }
0xc9: {  	_ =	sfence.sel $0xFFFF  }
0xca: {  	[dreg:$0x0] =	wrdreg $0xFFFFFFFF;
	(pc) =	sbr.abs _section_cstart, $3  }
0xcb: {  	[dreg:$0x1] =	wrdreg $0xFFFFFFFF  }
0xcc: {  	_ =	task.clear_ibuf [dreg:s11], $0x2FFFF;
	_ =	strace $0x9FFFFFFF  }
0xcd: {  	(tm) =	ssettm $0x7FFFFFFF  }
tec
execute0_lowered:
.L_overlay_start_1:
0x0: {  	(tag) =	ssettag $0x1  }
0x1: {  	s0 =	rddreg [dreg:$0x0]  }
0x2: {  	s1 =	rddreg [dreg:$0x1]  }
0x3: {  	s2 =	rddreg [dreg:$0x2]  }
0x4: {  	s3 =	rddreg [dreg:$0x3]  }
0x5: {  	s9 =	rddreg [dreg:$0x4]  }
0x6: {  	s10 =	rddreg [dreg:$0x5];
	s5 =	srdreg.scid;
	s4 =	simm.s32 $0x0  }
0x7: {  	s18 =	stileid.u32;
	s28 =	simm.s32 $0x1;
	s29 =	simm.s32 $0x6800  }
0x8: {  	s30 =	simm.s32 $0xD400;
	s31 =	simm.s32 $0x6C00;
	s12 =	smul.u32 $0xFA0, s18  }
0x9: {  	s11 =	sand.u32 $0x1, s5;
	[smem:$0x7FF] =	sst s4;
	s13 =	smul.u32 $0x3E8, s18  }
0xa: {  	s5 =	sadd.s32 $0x800, s0;
	s0 =	sadd.s32 $0x1400, s0;
	s21 =	sshll.u32 s18, $0x4  }
0xb: {  	s6 =	ssub.s32 $0x2, s11;
	_ =	strace $0x80000047;
	s17 =	sshll.u32 s11, $0x6  }
0xc: {  	s3 =	sadd.s32 s3, s21;
	p0 =	sne.s32 s11, $0x0;
	s7 =	sshrl.u32 s6, $0x1  }
0xd: {  	s8 =	sshrl.u32 s12, $0x3;
	s15 =	sshrl.u32 s13, $0x3;
	[dreg:$0xa] =	wrdreg s3  }
0xe: {  	s22 =	sshrl.u32 s17, $0x2;
	s24 =	sadd.s32 s17, s12;
	s26 =	sor.u32 $0x10000, s17  }
0xf: {  	s12 =	simm.s32 $0xDE00;
	s17 =	simm.s32 $0x0;
	s14 =	ssub.s32 s6, s7  }
0x10: {  	s6 =	sshll.u32 s11, $0x4;
	s7 =	smul.u32 $0x188800, s18;
	s16 =	sadd.s32 s9, s8  }
0x11: {  	s15 =	sadd.s32 $0x7C, s15;
	s23 =	sor.u32 $0x3420, s22;
	[dreg:$0x10] =	wrdreg s26  }
0x12: {  	s8 =	smul.u32 $0x13A00, s18;
	s25 =	sor.u32 $0x3C00, s22;
	[dreg:$0xc] =	wrdreg s23  }
0x13: {  	s3 =	sor.u32 $0x3800, s22;
	s22 =	simm.s32 $0x1F80;
	[dreg:$0xd] =	wrdreg s25  }
0x14: {  	s26 =	simm.s32 $0xDA00;
	s16 =	sadd.s32 $0x1F0, s16;
	[dreg:$0xe] =	wrdreg s3  }
0x15: {  	s11 =	simm.s32 $0x7C00;
	s20 =	sadd.s32 s10, s15;
	[dreg:$0x7] =	wrdreg s16  }
0x16: {  	s15 =	sadd.s32 s0, s15;
	s13 =	sadd.s32 s6, s13;
	[dreg:$0x8] =	wrdreg s20  }
0x17: {  	s14 =	smax.u32 s14, $0x1;
	s3 =	simm.s32 $0x7000;
	[dreg:$0x9] =	wrdreg s15  }
0x18: {  	s25 =	simm.s32 $0x7400;
	[dreg:$0xb] =	wrdreg s14;
	s13 =	sshrl.u32 s13, $0x3  }
0x19: {  	s15 =	sadd.s32 s13, s0;
	s16 =	sadd.s32 s13, s10;
	s0 =	sshrl.u32 s24, $0x3  }
0x1a: {  	v1 =	vimm.f32 $0.0e+00;
	v2 =	vlaneseq.u32;
	v3 =	vimm.s32 $0x0;
	s24 =	simm.s32 $0xD800;
	s10 =	simm.s32 $0xDC00;
	s0 =	sadd.s32 s0, s9  }
0x1b: {  	v5 =	vimm.s32 $0xF;
	v0 =	vmov s18;
	v4 =	vor.u32 $0x400, v2;
	s9 =	simm.s32 $0x7800;
	[dreg:$0xf] =	wrdreg s0;
	s0 =	simm.s32 $0xD600  }
.LBB2_1:
0x1c: {  	s13 =	simm.s32 $0x0  }
.LBB2_2:
0x1d: {  	p1 =	sne.s32 s13, $0xFC0  }
.Ltmp0:
0x1e: {  	_ = 	snop;
	(pc) =	sbr.rel @p1 .LBB2_2-.Ltmp0, $4  }
0x1f: {  	_ = 	snop  }
0x20: {  	s14 =	sshra.s32 s13, $0x2  }
0x21: {  	[tilespmem:s14+$0x3C00] =	vst v1  }
0x22: {  	s13 =	sadd.s32 $0x40, s13;
	[tilespmem:s14+$0x3800] =	vst v3  }
0x23: {  	s13 =	simm.s32 $0x40;
	s14 =	simm.s32 $0x0  }
.LBB2_4:
0x24: {  	p1 =	sne.s32 s13, $0x3FC0;
	[tilespmem:s14+$0x10000] =	vst v1;
	s14 =	smov.u32 s13;
	s13 =	sadd.s32 $0x40, s13  }
.Ltmp1:
0x25: {  	(pc) =	sbr.rel @p1 .LBB2_4-.Ltmp1, $2  }
0x26: {  	_ =	sdelay $0x2  }
0x27: {  	s14 =	sshra.s32 s14, $0x2  }
0x28: {  	[dreg:$0x11] =	wrdreg s17;
	[tilespmem:s14+$0x10000] =	vst v1;
	s13 =	simm.s32 $0x0;
	s23 =	simm.s32 $0x4  }
0x29: {  	[tilespmem:s13], [sflag:$0x4] =	stream.linear.gather [hbm4b:s5+s13], $0x1F40, $0x38;
	[tilespmem:$0x11080] =	vst v63  }
0x2a: {  	_ =	swait.ge [sflag:s23], $0x1F40  }
0x2b: {  	[sflag:s23] =	ssyncset.done $0x0  }
0x2c: {  	s14 =	simm.s32 $0x0;
	s13 =	simm.s32 $0x40;
	[sflag:s23] =	ssyncadd.s32 $0xFFFFE0C0  }
.LBB2_6:
0x2d: {  	p1 =	sne.s32 s13, $0xFC0;
	[tilespmem:s14+$0x1F80] =	vst v3;
	s14 =	smov.u32 s13;
	s13 =	sadd.s32 $0x40, s13  }
.Ltmp2:
0x2e: {  	(pc) =	sbr.rel @p1 .LBB2_6-.Ltmp2, $2  }
0x2f: {  	_ =	sdelay $0x2  }
0x30: {  	s14 =	sshra.s32 s14, $0x2  }
0x31: {  	[tilespmem:s14+$0x1F80] =	vst v3;
	v6 =	vimm.s32 $0x0  }
0x32: {  	s13 =	simm.s32 $0x0;
	[tilespmem:$0x11000] =	vst v6  }
0x33: {  	s14 =	simm.s32 $0x10;
	s17 =	simm.s32 $0x0;
	v7 =	vld [tilespmem:s13+$0x0]  }
.LBB2_8:
0x34: {  	p1 =	sne.s32 s14, $0x1F30;
	_ =	sdelay $0x3  }
0x35: {  	vm0 =	veq.s32 v7, v0  }
0x36: {  	v7 =	vsel vm0, $0x1, v3  }
0x37: {  	(xrf0) =	vadd.scan.msk.s32 $0xffff, v7;
	_ =	sdelay $0x5  }
0x38: {  	v7, _, _ =	vpop (xrf0)  }
0x39: {  	v8 =	vadd.s32 v7, v6;
	v7 =	vperm.xlane v7, v5  }
0x3a: {  	v8 =	vadd.s32 $0xFFFFFFFF, v8  }
0x3b: {  	vm1 =	vlt.s32 v8, v4;
	v6 =	vadd.s32 v6, v7  }
0x3c: {  	v7 =	vsel vm1, v8, v4  }
0x3d: {  	v7 =	vsel vm0, v7, v4;
	_ =	sdelay $0x1  }
.Ltmp3:
0x3e: {  	(pc) =	sbr.rel @p1 .LBB2_8-.Ltmp3, $4  }
0x3f: {  	_ = 	snop  }
0x40: {  	v8 =	vor.u32 s13, v2;
	s13 =	smov.u32 s14  }
0x41: {  	s17 =	sadd.s32 $0x10, s17;
	[tilespmem:v7+s22+$0x0] =	vst.idx.msk $0xffff, v8  }
0x42: {  	s14 =	sadd.s32 $0x10, s14;
	v7 =	vld [tilespmem:s17+$0x0]  }
0x43: {  	_ =	sdelay $0x3  }
0x44: {  	vm0 =	veq.s32 v7, v0  }
0x45: {  	v7 =	vsel vm0, $0x1, v3  }
0x46: {  	(xrf0) =	vadd.scan.msk.s32 $0xffff, v7;
	_ =	sdelay $0x5  }
0x47: {  	v7, _, _ =	vpop (xrf0)  }
0x48: {  	v8 =	vadd.s32 v7, v6  }
0x49: {  	v8 =	vadd.s32 $0xFFFFFFFF, v8  }
0x4a: {  	vm1 =	vlt.s32 v8, v4  }
0x4b: {  	v8 =	vsel vm1, v8, v4  }
0x4c: {  	v8 =	vsel vm0, v8, v4;
	_ =	sdelay $0x2  }
0x4d: {  	v7 =	vperm.xlane v7, v5  }
0x4e: {  	v9 =	vor.u32 s13, v2  }
0x4f: {  	v6 =	vadd.s32 v6, v7;
	[tilespmem:v8+s22+$0x0] =	vst.idx.msk $0xffff, v9  }
0x50: {  	s13 =	simm.s32 $0x0;
	[tilespmem:$0x11000] =	vst v6  }
0x51: {  	v7 =	vld [tilespmem:s13+$0x1F80]  }
0x52: {  	s14 =	simm.s32 $0x40  }
.LBB2_10:
0x53: {  	p1 =	sne.s32 s14, $0xFC0  }
.Ltmp4:
0x54: {  	_ = 	snop;
	(pc) =	sbr.rel @p1 .LBB2_10-.Ltmp4, $4  }
0x55: {  	_ = 	snop  }
0x56: {  	s17 =	sshra.s32 s14, $0x2;
	s14 =	sadd.s32 $0x40, s14;
	v8 =	vadd.s32 $0x3E80, v7;
	v9 =	vadd.s32 $0x1F40, v7  }
0x57: {  	v7 =	vld [tilespmem:s17+$0x1F80];
	[tilespmem:s13+$0x2800] =	vst v9  }
0x58: {  	[tilespmem:s13+$0x2400] =	vst v8;
	s13 =	smov.u32 s17  }
0x59: {  	_ =	sdelay $0x2  }
0x5a: {  	v8 =	vadd.s32 $0x1F40, v7  }
0x5b: {  	v7 =	vadd.s32 $0x3E80, v7;
	[tilespmem:s13+$0x2800] =	vst v8  }
0x5c: {  	s17 =	simm.s32 $0x80;
	s14 =	simm.s32 $0x2400;
	[tilespmem:s13+$0x2400] =	vst v7;
	s13 =	simm.s32 $0x2C00  }
0x5d: {  	[tilespmem:s13], [sflag:$0x1] =	stream.indirect.gather [hbm4b:s5+s17], $0x1, s14, s17, $0xb8;
	[tilespmem:$0x11080] =	vst v63  }
0x5e: {  	s18 =	simm.s32 $0x2800;
	s14 =	simm.s32 $0x3000  }
0x5f: {  	[tilespmem:s14], [sflag:$0x1] =	stream.indirect.gather [hbm4b:s5+s17], $0x1, s18, s17, $0xb8;
	[tilespmem:$0x11080] =	vst v63  }
0x60: {  	s23 =	simm.s32 $0x2480;
	s19 =	simm.s32 $0x2C80  }
0x61: {  	[tilespmem:s19], [sflag:$0x1] =	stream.indirect.gather [hbm4b:s5+s17], $0x1, s23, s17, $0xb8;
	[tilespmem:$0x11080] =	vst v63  }
0x62: {  	s20 =	simm.s32 $0x3080;
	s19 =	simm.s32 $0x2880  }
0x63: {  	[tilespmem:s20], [sflag:$0x1] =	stream.indirect.gather [hbm4b:s5+s17], $0x1, s19, s17, $0xb8;
	[tilespmem:$0x11080] =	vst v63  }
0x64: {  	s21 =	simm.s32 $0x2500;
	s23 =	simm.s32 $0x2D00  }
0x65: {  	[tilespmem:s23], [sflag:$0x1] =	stream.indirect.gather [hbm4b:s5+s17], $0x1, s21, s17, $0xb8;
	[tilespmem:$0x11080] =	vst v63  }
0x66: {  	s19 =	simm.s32 $0x2900;
	s20 =	simm.s32 $0x3100  }
0x67: {  	[tilespmem:s20], [sflag:$0x1] =	stream.indirect.gather [hbm4b:s5+s17], $0x1, s19, s17, $0xb8;
	[tilespmem:$0x11080] =	vst v63  }
0x68: {  	s21 =	simm.s32 $0x2580;
	s23 =	simm.s32 $0x2D80  }
0x69: {  	[tilespmem:s23], [sflag:$0x1] =	stream.indirect.gather [hbm4b:s5+s17], $0x1, s21, s17, $0xb8;
	[tilespmem:$0x11080] =	vst v63  }
0x6a: {  	s19 =	simm.s32 $0x2980;
	s20 =	simm.s32 $0x3180  }
0x6b: {  	[tilespmem:s20], [sflag:$0x1] =	stream.indirect.gather [hbm4b:s5+s17], $0x1, s19, s17, $0xb8;
	[tilespmem:$0x11080] =	vst v63  }
0x6c: {  	s21 =	simm.s32 $0x2600;
	s23 =	simm.s32 $0x2E00  }
0x6d: {  	[tilespmem:s23], [sflag:$0x1] =	stream.indirect.gather [hbm4b:s5+s17], $0x1, s21, s17, $0xb8;
	[tilespmem:$0x11080] =	vst v63  }
0x6e: {  	s19 =	simm.s32 $0x2A00;
	s20 =	simm.s32 $0x3200  }
0x6f: {  	[tilespmem:s20], [sflag:$0x1] =	stream.indirect.gather [hbm4b:s5+s17], $0x1, s19, s17, $0xb8;
	[tilespmem:$0x11080] =	vst v63  }
0x70: {  	s21 =	simm.s32 $0x2680;
	s23 =	simm.s32 $0x2E80  }
0x71: {  	[tilespmem:s23], [sflag:$0x1] =	stream.indirect.gather [hbm4b:s5+s17], $0x1, s21, s17, $0xb8;
	[tilespmem:$0x11080] =	vst v63  }
0x72: {  	s19 =	simm.s32 $0x2A80;
	s20 =	simm.s32 $0x3280  }
0x73: {  	[tilespmem:s20], [sflag:$0x1] =	stream.indirect.gather [hbm4b:s5+s17], $0x1, s19, s17, $0xb8;
	[tilespmem:$0x11080] =	vst v63  }
0x74: {  	s21 =	simm.s32 $0x2700;
	s23 =	simm.s32 $0x2F00  }
0x75: {  	[tilespmem:s23], [sflag:$0x1] =	stream.indirect.gather [hbm4b:s5+s17], $0x1, s21, s17, $0xb8;
	[tilespmem:$0x11080] =	vst v63  }
0x76: {  	s19 =	simm.s32 $0x2B00;
	s20 =	simm.s32 $0x3300  }
0x77: {  	[tilespmem:s20], [sflag:$0x1] =	stream.indirect.gather [hbm4b:s5+s17], $0x1, s19, s17, $0xb8;
	[tilespmem:$0x11080] =	vst v63  }
0x78: {  	s21 =	simm.s32 $0x2780;
	s23 =	simm.s32 $0x2F80  }
0x79: {  	[tilespmem:s23], [sflag:$0x1] =	stream.indirect.gather [hbm4b:s5+s17], $0x1, s21, s17, $0xb8;
	[tilespmem:$0x11080] =	vst v63  }
0x7a: {  	s20 =	simm.s32 $0x2B80;
	s21 =	simm.s32 $0x3380  }
0x7b: {  	[tilespmem:s21], [sflag:$0x1] =	stream.indirect.gather [hbm4b:s5+s17], $0x1, s20, s17, $0xb8;
	[tilespmem:$0x11080] =	vst v63  }
0x7c: {  	_ =	swait.ge [sflag:s28], $0x80  }
0x7d: {  	[sflag:s28] =	ssyncset.done $0x0  }
0x7e: {  	[sflag:s28] =	ssyncadd.s32 $0xFFFFFF80  }
0x7f: {  	_ =	swait.ge [sflag:s28], $0x80  }
0x80: {  	[sflag:s28] =	ssyncset.done $0x0  }
0x81: {  	[sflag:s28] =	ssyncadd.s32 $0xFFFFFF80  }
0x82: {  	_ =	swait.ge [sflag:s28], $0x80  }
0x83: {  	[sflag:s28] =	ssyncset.done $0x0  }
0x84: {  	[sflag:s28] =	ssyncadd.s32 $0xFFFFFF80  }
0x85: {  	_ =	swait.ge [sflag:s28], $0x80  }
0x86: {  	[sflag:s28] =	ssyncset.done $0x0  }
0x87: {  	[sflag:s28] =	ssyncadd.s32 $0xFFFFFF80  }
0x88: {  	_ =	swait.ge [sflag:s28], $0x80  }
0x89: {  	[sflag:s28] =	ssyncset.done $0x0  }
0x8a: {  	[sflag:s28] =	ssyncadd.s32 $0xFFFFFF80  }
0x8b: {  	_ =	swait.ge [sflag:s28], $0x80  }
0x8c: {  	[sflag:s28] =	ssyncset.done $0x0  }
0x8d: {  	[sflag:s28] =	ssyncadd.s32 $0xFFFFFF80  }
0x8e: {  	_ =	swait.ge [sflag:s28], $0x80  }
0x8f: {  	[sflag:s28] =	ssyncset.done $0x0  }
0x90: {  	[sflag:s28] =	ssyncadd.s32 $0xFFFFFF80  }
0x91: {  	_ =	swait.ge [sflag:s28], $0x80  }
0x92: {  	[sflag:s28] =	ssyncset.done $0x0  }
0x93: {  	[sflag:s28] =	ssyncadd.s32 $0xFFFFFF80  }
0x94: {  	_ =	swait.ge [sflag:s28], $0x80  }
0x95: {  	[sflag:s28] =	ssyncset.done $0x0  }
0x96: {  	[sflag:s28] =	ssyncadd.s32 $0xFFFFFF80  }
0x97: {  	_ =	swait.ge [sflag:s28], $0x80  }
0x98: {  	[sflag:s28] =	ssyncset.done $0x0  }
0x99: {  	[sflag:s28] =	ssyncadd.s32 $0xFFFFFF80  }
0x9a: {  	_ =	swait.ge [sflag:s28], $0x80  }
0x9b: {  	[sflag:s28] =	ssyncset.done $0x0  }
0x9c: {  	[sflag:s28] =	ssyncadd.s32 $0xFFFFFF80  }
0x9d: {  	_ =	swait.ge [sflag:s28], $0x80  }
0x9e: {  	[sflag:s28] =	ssyncset.done $0x0  }
0x9f: {  	[sflag:s28] =	ssyncadd.s32 $0xFFFFFF80  }
0xa0: {  	_ =	swait.ge [sflag:s28], $0x80  }
0xa1: {  	[sflag:s28] =	ssyncset.done $0x0  }
0xa2: {  	[sflag:s28] =	ssyncadd.s32 $0xFFFFFF80  }
0xa3: {  	_ =	swait.ge [sflag:s28], $0x80  }
0xa4: {  	[sflag:s28] =	ssyncset.done $0x0  }
0xa5: {  	[sflag:s28] =	ssyncadd.s32 $0xFFFFFF80  }
0xa6: {  	_ =	swait.ge [sflag:s28], $0x80  }
0xa7: {  	[sflag:s28] =	ssyncset.done $0x0  }
0xa8: {  	[sflag:s28] =	ssyncadd.s32 $0xFFFFFF80  }
0xa9: {  	_ =	swait.ge [sflag:s28], $0x80  }
0xaa: {  	[sflag:s28] =	ssyncset.done $0x0  }
0xab: {  	[sflag:s28] =	ssyncadd.s32 $0xFFFFFF80  }
0xac: {  	v7 =	vld [tilespmem:s14+$0x0]  }
0xad: {  	v8 =	vld [tilespmem:s13+$0x0];
	_ =	sdelay $0x1  }
0xae: {  	s23 =	simm.s32 $0x0  }
0xaf: {  	vm0 =	vlt.s32 v6, $0x3E8;
	v9 =	vor.u32 s23, v2  }
0xb0: {  	v6 =	vnsel vm0, $0x3E8, v6;
	v11 =	vshll.u32 v9, $0x7;
	v10 =	vshll.u32 v7, $0xF  }
0xb1: {  	vm0 =	vlt.s32 v9, v6;
	v9 =	vand.u32 $0x3F80, v11;
	v8 =	vadd.s32 v8, v10  }
0xb2: {  	s13 =	simm.s32 $0x3400;
	v8 =	vsel vm0, v8, v9  }
0xb3: {  	s14 =	simm.s32 $0x3800;
	v7 =	vnsel vm0, $0x0, v7;
	[tilespmem:s13+$0x0] =	vst v8  }
0xb4: {  	s17 =	simm.s32 $0x3010;
	[tilespmem:s14+$0x0] =	vst v7  }
0xb5: {  	s21 =	simm.s32 $0x2C10;
	v7 =	vld [tilespmem:s17+$0x0]  }
0xb6: {  	s19 =	simm.s32 $0x10;
	s20 =	simm.s32 $0x20;
	v8 =	vld [tilespmem:s21+$0x0]  }
.LBB2_12:
0xb7: {  	p1 =	sne.s32 s20, $0x3F0  }
0xb8: {  	v9 =	vor.u32 s19, v2;
	s19 =	smov.u32 s20  }
0xb9: {  	vm0 =	vlt.s32 v9, v6  }
0xba: {  	v9 =	vshll.u32 v9, $0x7;
	v10 =	vshll.u32 v7, $0xF;
	v7 =	vnsel vm0, $0x0, v7  }
0xbb: {  	v9 =	vand.u32 $0x3F80, v9;
	v8 =	vadd.s32 v8, v10  }
.Ltmp5:
0xbc: {  	s13 =	sadd.s32 $0x10, s13;
	v8 =	vsel vm0, v8, v9;
	(pc) =	sbr.rel @p1 .LBB2_12-.Ltmp5, $4  }
0xbd: {  	s14 =	sadd.s32 $0x10, s14;
	[tilespmem:s13+$0x0] =	vst v8  }
0xbe: {  	s17 =	sadd.s32 $0x10, s17;
	[tilespmem:s14+$0x0] =	vst v7  }
0xbf: {  	s21 =	sadd.s32 $0x10, s21;
	v7 =	vld [tilespmem:s17+$0x0]  }
0xc0: {  	s20 =	sadd.s32 $0x10, s20;
	v8 =	vld [tilespmem:s21+$0x0]  }
0xc1: {  	(v2sf) =	vpush v6, $0x0;
	_ =	sdelay $0xe  }
0xc2: {  	s17 =	sadd.s32 $0x10, s13;
	s13 =	spop (v2sf)  }
0xc3: {  	v9 =	vor.u32 s19, v2;
	p1 =	sge.s32 s6, s13  }
.Ltmp6:
0xc4: {  	v11 =	vshll.u32 v9, $0x7;
	v10 =	vshll.u32 v7, $0xF;
	(pc) =	sbr.rel @p1 .LBB2_15-.Ltmp6, $4  }
0xc5: {  	vm0 =	vlt.s32 v9, v6;
	v63 =	vand.u32 $0x3F80, v11;
	v8 =	vadd.s32 v8, v10  }
0xc6: {  	v8 =	vsel vm0, v8, v63  }
0xc7: {  	s14 =	sadd.s32 $0x10, s14;
	v7 =	vnsel vm0, $0x0, v7;
	[tilespmem:s17+$0x0] =	vst v8  }
0xc8: {  	[tilespmem:s14+$0x0] =	vst v7  }
0xc9: {  	v7 =	vld [tilespmem:s6+$0x3400];
	_ =	sdelay $0x4  }
0xca: {  	v8 =	vshrl.u32 v7, $0xF  }
0xcb: {  	v8 =	vand.u32 $0x78, v8  }
0xcc: {  	v8 =	vshrl.u32 v8, $0x3  }
0xcd: {  	v9 =	vmul.u32 $0x27400, v8;
	_ =	sdelay $0x1  }
0xce: {  	v8 =	vand.u32 $0x7F80, v7;
	v7 =	vadd.s32 s7, v9  }
0xcf: {  	(v2sf) =	vpush v8, $0x0;
	v7 =	vshrl.u32 v7, $0x3  }
0xd0: {  	(v2sf) =	vpush v7, $0x0;
	_ =	sdelay $0x2  }
0xd1: {  	(v2sf) =	vpush v8, $0x1;
	_ =	sdelay $0x1  }
0xd2: {  	(v2sf) =	vpush v7, $0x1;
	_ =	sdelay $0x8  }
0xd3: {  	s14 =	spop (v2sf);
	(v2sf) =	vpush v8, $0x2  }
0xd4: {  	s18 =	spop (v2sf);
	(v2sf) =	vpush v7, $0x2;
	_ =	sdelay $0x2  }
0xd5: {  	s23 =	spop (v2sf);
	(v2sf) =	vpush v8, $0x3;
	_ =	sdelay $0x1  }
0xd6: {  	s19 =	spop (v2sf);
	(v2sf) =	vpush v7, $0x3  }
0xd7: {  	s17 =	sadd.s32 s2, s14;
	s14 =	sshll.u32 s14, $0x2  }
0xd8: {  	s14 =	sadd.s32 s8, s14  }
0xd9: {  	s20 =	simm.s32 $0x4000;
	s14 =	sshrl.u32 s14, $0x3;
	s17 =	sadd.s32 s18, s17  }
0xda: {  	[tilespmem:s20], [sflag:$0x2] =	stream.linear.gather [hbm4b:s17+s4], $0x400, $0x38;
	[tilespmem:$0x11080] =	vst v63  }
0xdb: {  	s21 =	simm.s32 $0xC000;
	s14 =	sadd.s32 s1, s14;
	s18 =	sadd.s32 s2, s23  }
0xdc: {  	[tilespmem:s21], [sflag:$0x2] =	stream.linear.gather [hbm4b:s14+s4], $0x200, $0x38;
	[tilespmem:$0x11080] =	vst v63  }
0xdd: {  	s20 =	simm.s32 $0x4400;
	s17 =	sadd.s32 s19, s18;
	s14 =	sshll.u32 s23, $0x2  }
0xde: {  	[tilespmem:s20], [sflag:$0x2] =	stream.linear.gather [hbm4b:s17+s4], $0x400, $0x38;
	[tilespmem:$0x11080] =	vst v63  }
0xdf: {  	s14 =	sadd.s32 s8, s14;
	s23 =	spop (v2sf);
	(v2sf) =	vpush v8, $0x4  }
0xe0: {  	s14 =	sshrl.u32 s14, $0x3;
	s19 =	spop (v2sf);
	(v2sf) =	vpush v7, $0x4  }
0xe1: {  	s21 =	simm.s32 $0xC200;
	s14 =	sadd.s32 s1, s14  }
0xe2: {  	[tilespmem:s21], [sflag:$0x2] =	stream.linear.gather [hbm4b:s14+s4], $0x200, $0x38;
	[tilespmem:$0x11080] =	vst v63  }
0xe3: {  	s18 =	sadd.s32 s2, s23;
	s14 =	sshll.u32 s23, $0x2;
	s23 =	spop (v2sf);
	(v2sf) =	vpush v8, $0x5  }
0xe4: {  	_ = 	snop  }
0xe5: {  	s17 =	sadd.s32 s19, s18;
	s19 =	spop (v2sf);
	(v2sf) =	vpush v7, $0x5;
	_ =	sdelay $0x1  }
0xe6: {  	s14 =	sadd.s32 s8, s14  }
0xe7: {  	s20 =	simm.s32 $0x4800;
	s14 =	sshrl.u32 s14, $0x3  }
0xe8: {  	[tilespmem:s20], [sflag:$0x2] =	stream.linear.gather [hbm4b:s17+s4], $0x400, $0x38;
	[tilespmem:$0x11080] =	vst v63  }
0xe9: {  	s21 =	simm.s32 $0xC400;
	s14 =	sadd.s32 s1, s14;
	s18 =	sadd.s32 s2, s23  }
0xea: {  	[tilespmem:s21], [sflag:$0x2] =	stream.linear.gather [hbm4b:s14+s4], $0x200, $0x38;
	[tilespmem:$0x11080] =	vst v63  }
0xeb: {  	s20 =	simm.s32 $0x4C00;
	s17 =	sadd.s32 s19, s18;
	s14 =	sshll.u32 s23, $0x2  }
0xec: {  	[tilespmem:s20], [sflag:$0x2] =	stream.linear.gather [hbm4b:s17+s4], $0x400, $0x38;
	[tilespmem:$0x11080] =	vst v63  }
0xed: {  	s14 =	sadd.s32 s8, s14;
	s23 =	spop (v2sf);
	(v2sf) =	vpush v8, $0x6  }
0xee: {  	s14 =	sshrl.u32 s14, $0x3;
	s19 =	spop (v2sf);
	(v2sf) =	vpush v7, $0x6  }
0xef: {  	s21 =	simm.s32 $0xC600;
	s14 =	sadd.s32 s1, s14  }
0xf0: {  	[tilespmem:s21], [sflag:$0x2] =	stream.linear.gather [hbm4b:s14+s4], $0x200, $0x38;
	[tilespmem:$0x11080] =	vst v63  }
0xf1: {  	s18 =	sadd.s32 s2, s23;
	s14 =	sshll.u32 s23, $0x2;
	s23 =	spop (v2sf);
	(v2sf) =	vpush v8, $0x7  }
0xf2: {  	_ = 	snop  }
0xf3: {  	s17 =	sadd.s32 s19, s18;
	s19 =	spop (v2sf);
	(v2sf) =	vpush v7, $0x7;
	_ =	sdelay $0x1  }
0xf4: {  	s14 =	sadd.s32 s8, s14  }
0xf5: {  	s20 =	simm.s32 $0x5000;
	s14 =	sshrl.u32 s14, $0x3  }
0xf6: {  	[tilespmem:s20], [sflag:$0x2] =	stream.linear.gather [hbm4b:s17+s4], $0x400, $0x38;
	[tilespmem:$0x11080] =	vst v63  }
0xf7: {  	s21 =	simm.s32 $0xC800;
	s14 =	sadd.s32 s1, s14;
	s18 =	sadd.s32 s2, s23  }
0xf8: {  	[tilespmem:s21], [sflag:$0x2] =	stream.linear.gather [hbm4b:s14+s4], $0x200, $0x38;
	[tilespmem:$0x11080] =	vst v63  }
0xf9: {  	s20 =	simm.s32 $0x5400;
	s17 =	sadd.s32 s19, s18;
	s14 =	sshll.u32 s23, $0x2  }
0xfa: {  	[tilespmem:s20], [sflag:$0x2] =	stream.linear.gather [hbm4b:s17+s4], $0x400, $0x38;
	[tilespmem:$0x11080] =	vst v63  }
0xfb: {  	s14 =	sadd.s32 s8, s14;
	s23 =	spop (v2sf);
	(v2sf) =	vpush v8, $0x8  }
0xfc: {  	s14 =	sshrl.u32 s14, $0x3;
	s19 =	spop (v2sf);
	(v2sf) =	vpush v7, $0x8  }
0xfd: {  	s21 =	simm.s32 $0xCA00;
	s14 =	sadd.s32 s1, s14  }
0xfe: {  	[tilespmem:s21], [sflag:$0x2] =	stream.linear.gather [hbm4b:s14+s4], $0x200, $0x38;
	[tilespmem:$0x11080] =	vst v63  }
0xff: {  	s18 =	sadd.s32 s2, s23;
	s14 =	sshll.u32 s23, $0x2;
	s23 =	spop (v2sf);
	(v2sf) =	vpush v8, $0x9  }
0x100: {  	_ = 	snop  }
0x101: {  	s17 =	sadd.s32 s19, s18;
	s19 =	spop (v2sf);
	(v2sf) =	vpush v7, $0x9;
	_ =	sdelay $0x1  }
0x102: {  	s14 =	sadd.s32 s8, s14  }
0x103: {  	s20 =	simm.s32 $0x5800;
	s14 =	sshrl.u32 s14, $0x3  }
0x104: {  	[tilespmem:s20], [sflag:$0x2] =	stream.linear.gather [hbm4b:s17+s4], $0x400, $0x38;
	[tilespmem:$0x11080] =	vst v63  }
0x105: {  	s21 =	simm.s32 $0xCC00;
	s14 =	sadd.s32 s1, s14;
	s18 =	sadd.s32 s2, s23  }
0x106: {  	[tilespmem:s21], [sflag:$0x2] =	stream.linear.gather [hbm4b:s14+s4], $0x200, $0x38;
	[tilespmem:$0x11080] =	vst v63  }
0x107: {  	s20 =	simm.s32 $0x5C00;
	s17 =	sadd.s32 s19, s18;
	s14 =	sshll.u32 s23, $0x2  }
0x108: {  	[tilespmem:s20], [sflag:$0x2] =	stream.linear.gather [hbm4b:s17+s4], $0x400, $0x38;
	[tilespmem:$0x11080] =	vst v63  }
0x109: {  	s14 =	sadd.s32 s8, s14;
	s23 =	spop (v2sf);
	(v2sf) =	vpush v8, $0xA  }
0x10a: {  	s14 =	sshrl.u32 s14, $0x3;
	s19 =	spop (v2sf);
	(v2sf) =	vpush v7, $0xA  }
0x10b: {  	s21 =	simm.s32 $0xCE00;
	s14 =	sadd.s32 s1, s14  }
0x10c: {  	[tilespmem:s21], [sflag:$0x2] =	stream.linear.gather [hbm4b:s14+s4], $0x200, $0x38;
	[tilespmem:$0x11080] =	vst v63  }
0x10d: {  	s18 =	sadd.s32 s2, s23;
	s14 =	sshll.u32 s23, $0x2;
	s23 =	spop (v2sf);
	(v2sf) =	vpush v8, $0xB  }
0x10e: {  	_ = 	snop  }
0x10f: {  	s17 =	sadd.s32 s19, s18;
	s19 =	spop (v2sf);
	(v2sf) =	vpush v7, $0xB;
	_ =	sdelay $0x3  }
0x110: {  	s14 =	sadd.s32 s8, s14  }
0x111: {  	s20 =	simm.s32 $0x6000;
	s14 =	sshrl.u32 s14, $0x3  }
0x112: {  	[tilespmem:s20], [sflag:$0x2] =	stream.linear.gather [hbm4b:s17+s4], $0x400, $0x38;
	[tilespmem:$0x11080] =	vst v63  }
0x113: {  	s21 =	simm.s32 $0xD000;
	s14 =	sadd.s32 s1, s14;
	s18 =	sadd.s32 s2, s23  }
0x114: {  	[tilespmem:s21], [sflag:$0x2] =	stream.linear.gather [hbm4b:s14+s4], $0x200, $0x38;
	[tilespmem:$0x11080] =	vst v63  }
0x115: {  	s20 =	simm.s32 $0x6400;
	s14 =	sshll.u32 s23, $0x2;
	s23 =	spop (v2sf);
	(v2sf) =	vpush v8, $0xC  }
0x116: {  	s17 =	sadd.s32 s19, s18;
	s14 =	sadd.s32 s8, s14;
	s19 =	spop (v2sf);
	(v2sf) =	vpush v7, $0xC  }
0x117: {  	[tilespmem:s20], [sflag:$0x2] =	stream.linear.gather [hbm4b:s17+s4], $0x400, $0x38;
	[tilespmem:$0x11080] =	vst v63  }
0x118: {  	s14 =	sshrl.u32 s14, $0x3  }
0x119: {  	s21 =	simm.s32 $0xD200;
	s14 =	sadd.s32 s1, s14;
	s20 =	spop (v2sf);
	(v2sf) =	vpush v8, $0xD  }
0x11a: {  	[tilespmem:s21], [sflag:$0x2] =	stream.linear.gather [hbm4b:s14+s4], $0x200, $0x38;
	[tilespmem:$0x11080] =	vst v63  }
0x11b: {  	s18 =	sadd.s32 s2, s23;
	s14 =	sshll.u32 s23, $0x2;
	s23 =	spop (v2sf);
	(v2sf) =	vpush v7, $0xD  }
0x11c: {  	s14 =	sadd.s32 s8, s14  }
0x11d: {  	s14 =	sshrl.u32 s14, $0x3;
	s17 =	sadd.s32 s19, s18  }
0x11e: {  	[tilespmem:s29], [sflag:$0x2] =	stream.linear.gather [hbm4b:s17+s4], $0x400, $0x38;
	[tilespmem:$0x11080] =	vst v63  }
0x11f: {  	s14 =	sadd.s32 s1, s14  }
0x120: {  	[tilespmem:s30], [sflag:$0x2] =	stream.linear.gather [hbm4b:s14+s4], $0x200, $0x38;
	[tilespmem:$0x11080] =	vst v63  }
0x121: {  	s21 =	sadd.s32 s2, s20;
	s14 =	sshll.u32 s20, $0x2  }
0x122: {  	s17 =	sadd.s32 s23, s21;
	s14 =	sadd.s32 s8, s14  }
0x123: {  	[tilespmem:s31], [sflag:$0x2] =	stream.linear.gather [hbm4b:s17+s4], $0x400, $0x38;
	[tilespmem:$0x11080] =	vst v63  }
0x124: {  	s14 =	sshrl.u32 s14, $0x3;
	s19 =	spop (v2sf);
	(v2sf) =	vpush v8, $0xE  }
0x125: {  	s14 =	sadd.s32 s1, s14;
	s21 =	spop (v2sf);
	(v2sf) =	vpush v7, $0xE  }
0x126: {  	[tilespmem:s0], [sflag:$0x2] =	stream.linear.gather [hbm4b:s14+s4], $0x200, $0x38;
	[tilespmem:$0x11080] =	vst v63  }
0x127: {  	s20 =	sadd.s32 s2, s19;
	s14 =	sshll.u32 s19, $0x2  }
0x128: {  	s14 =	sadd.s32 s8, s14;
	s17 =	sadd.s32 s21, s20;
	s23 =	spop (v2sf)  }
0x129: {  	(v2sf) =	vpush v8, $0xF;
	[tilespmem:s3], [sflag:$0x2] =	stream.linear.gather [hbm4b:s17+s4], $0x400, $0x38;
	[tilespmem:$0x11080] =	vst v63  }
0x12a: {  	s14 =	sshrl.u32 s14, $0x3;
	s19 =	spop (v2sf);
	(v2sf) =	vpush v7, $0xF  }
0x12b: {  	s14 =	sadd.s32 s1, s14  }
0x12c: {  	[tilespmem:s24], [sflag:$0x2] =	stream.linear.gather [hbm4b:s14+s4], $0x200, $0x38;
	[tilespmem:$0x11080] =	vst v63  }
0x12d: {  	s18 =	sadd.s32 s2, s23;
	s14 =	sshll.u32 s23, $0x2  }
0x12e: {  	s17 =	sadd.s32 s19, s18;
	s14 =	sadd.s32 s8, s14  }
0x12f: {  	[tilespmem:s25], [sflag:$0x2] =	stream.linear.gather [hbm4b:s17+s4], $0x400, $0x38;
	[tilespmem:$0x11080] =	vst v63  }
0x130: {  	s14 =	sshrl.u32 s14, $0x3  }
0x131: {  	s14 =	sadd.s32 s1, s14  }
0x132: {  	[tilespmem:s26], [sflag:$0x2] =	stream.linear.gather [hbm4b:s14+s4], $0x200, $0x38;
	[tilespmem:$0x11080] =	vst v63  }
0x133: {  	s20 =	spop (v2sf)  }
0x134: {  	s23 =	sadd.s32 s2, s20;
	s21 =	spop (v2sf)  }
0x135: {  	s18 =	sshll.u32 s20, $0x2;
	s14 =	sadd.s32 s21, s23  }
0x136: {  	[tilespmem:s9], [sflag:$0x2] =	stream.linear.gather [hbm4b:s14+s4], $0x400, $0x38;
	[tilespmem:$0x11080] =	vst v63  }
0x137: {  	s14 =	sadd.s32 s8, s18  }
0x138: {  	s19 =	spop (v2sf);
	s14 =	sshrl.u32 s14, $0x3  }
0x139: {  	s20 =	spop (v2sf);
	s21 =	sadd.s32 s2, s19;
	s14 =	sadd.s32 s1, s14  }
0x13a: {  	[tilespmem:s10], [sflag:$0x2] =	stream.linear.gather [hbm4b:s14+s4], $0x200, $0x38;
	[tilespmem:$0x11080] =	vst v63  }
0x13b: {  	s23 =	sshll.u32 s19, $0x2;
	s14 =	sadd.s32 s20, s21  }
0x13c: {  	[tilespmem:s11], [sflag:$0x2] =	stream.linear.gather [hbm4b:s14+s4], $0x400, $0x38;
	[tilespmem:$0x11080] =	vst v63  }
0x13d: {  	s14 =	sadd.s32 s8, s23  }
0x13e: {  	s14 =	sshrl.u32 s14, $0x3  }
0x13f: {  	s14 =	sadd.s32 s1, s14  }
0x140: {  	[tilespmem:s12], [sflag:$0x2] =	stream.linear.gather [hbm4b:s14+s4], $0x200, $0x38;
	[tilespmem:$0x11080] =	vst v63  }
.LBB2_15:
.Ltmp7:
0x141: {  	(pc) =	sbr.rel .LBB2_16-.Ltmp7, $2  }
0x142: {  	_ =	sdelay $0x2  }
0x143: {  	s14 =	simm.s32 $0x0;
	s21 =	rddreg [dreg:$0xc]  }
.LBB2_20:
0x144: {  	s18 =	simm.s32 @!p1 $0x3  }
0x145: {  	_ =	swait.ge @!p1 [sflag:s18], $0x4000  }
0x146: {  	[sflag:s18] =	ssyncset.done @!p1 $0x0  }
0x147: {  	[sflag:s18] =	ssyncadd.s32 @!p1 $0xFFFFC000  }
0x148: {  	_ =	swait.ge @!p1 [sflag:s18], $0x2000  }
0x149: {  	[sflag:s18] =	ssyncset.done @!p1 $0x0  }
0x14a: {  	[sflag:s18] =	ssyncadd.s32 @!p1 $0xFFFFE000  }
0x14b: {  	v7 =	vld @!p1 [tilespmem:s21+$0x0];
	_ =	sdelay $0x4  }
0x14c: {  	v8 =	vlaneseq.u32 @!p1;
	v9 =	vshrl.u32 @!p1 v7, $0x8  }
0x14d: {  	v10 =	vmul.u32 @!p1 $0x400, v8;
	v7 =	vand.u32 @!p1 $0x7F, v7;
	v9 =	vand.u32 @!p1 $0x380, v9  }
0x14e: {  	v9 =	vor.u32 @!p1 v9, v7  }
0x14f: {  	v9 =	vor.u32 @!p1 v10, v9;
	_ =	sdelay $0x3  }
0x150: {  	s18 =	simm.s32 @!p1 $0x8000  }
0x151: {  	v10 =	vmul.u32 @!p1 $0x200, v8;
	v9 =	vld.idx.msk @!p1 [tilespmem:v9+s18+$0x0], $0xffff  }
0x152: {  	v8 =	vor.u32 @!p1 s17, v8  }
0x153: {  	v11 =	vor.u32 @!p1 v10, v7;
	_ =	sdelay $0x1  }
0x154: {  	vm0 =	vlt.s32 @!p1 v8, v6  }
0x155: {  	s17 =	simm.s32 @!p1 $0x3C00;
	v9 =	vnsel @!p1 vm0, $0x0, v9  }
0x156: {  	[tilespmem:v8+s17+$0x0] =	vst.idx.msk @!p1 $0xffff, v9;
	s17 =	simm.s32 @!p1 $0xE000  }
0x157: {  	v9 =	vld.idx.msk @!p1 [tilespmem:v11+s17+$0x0], $0xffff  }
0x158: {  	v8 =	vshll.u32 @!p1 v8, $0x2;
	v11 =	vor.u32 @!p1 $0x80, v10  }
0x159: {  	v11 =	vor.u32 @!p1 v11, v7;
	_ =	sdelay $0x2  }
0x15a: {  	s18 =	simm.s32 @!p1 $0x10000;
	v9 =	vnsel @!p1 vm0, $0x0, v9  }
0x15b: {  	[tilespmem:v8+s18+$0x0] =	vst.idx.msk @!p1 $0xffff, v9  }
0x15c: {  	v9 =	vld.idx.msk @!p1 [tilespmem:v11+s17+$0x0], $0xffff  }
0x15d: {  	v12 =	vor.u32 @!p1 $0x100, v10;
	v11 =	vor.u32 @!p1 $0x1, v8  }
0x15e: {  	v12 =	vor.u32 @!p1 v12, v7;
	_ =	sdelay $0x2  }
0x15f: {  	v9 =	vnsel @!p1 vm0, $0x0, v9  }
0x160: {  	[tilespmem:v11+s18+$0x0] =	vst.idx.msk @!p1 $0xffff, v9  }
0x161: {  	v9 =	vld.idx.msk @!p1 [tilespmem:v12+s17+$0x0], $0xffff  }
0x162: {  	v10 =	vor.u32 @!p1 $0x180, v10;
	v11 =	vor.u32 @!p1 $0x2, v8  }
0x163: {  	v7 =	vor.u32 @!p1 v10, v7;
	_ =	sdelay $0x2  }
0x164: {  	v9 =	vnsel @!p1 vm0, $0x0, v9  }
0x165: {  	[tilespmem:v11+s18+$0x0] =	vst.idx.msk @!p1 $0xffff, v9  }
0x166: {  	s14 =	sadd.s32 $0x40, s14;
	v7 =	vld.idx.msk @!p1 [tilespmem:v7+s17+$0x0], $0xffff  }
0x167: {  	p2 =	sne.s32 s14, $0x400;
	v8 =	vor.u32 @!p1 $0x3, v8  }
.Ltmp8:
0x168: {  	_ = 	snop;
	(pc) =	sbr.rel @!p2 .LBB2_21-.Ltmp8, $3  }
0x169: {  	_ =	sdelay $0x1  }
0x16a: {  	v7 =	vnsel @!p1 vm0, $0x0, v7  }
0x16b: {  	s21 =	sadd.s32 $0x40, s21;
	[tilespmem:v8+s18+$0x0] =	vst.idx.msk @!p1 $0xffff, v7  }
.LBB2_16:
0x16c: {  	s19 =	sadd.s32 s14, s6  }
0x16d: {  	s17 =	sadd.s32 $0x20, s19  }
0x16e: {  	p1 =	sge.s32 s17, s13  }
.Ltmp9:
0x16f: {  	_ = 	snop;
	(pc) =	sbr.rel @p1 .LBB2_18-.Ltmp9, $1  }
0x170: {  	_ =	sdelay $0x3  }
0x171: {  	v7 =	vld [tilespmem:s21+$0x0];
	_ =	sdelay $0x4  }
0x172: {  	v8 =	vshrl.u32 v7, $0xF  }
0x173: {  	v8 =	vand.u32 $0x78, v8  }
0x174: {  	v8 =	vshrl.u32 v8, $0x3  }
0x175: {  	v9 =	vmul.u32 $0x27400, v8;
	_ =	sdelay $0x1  }
0x176: {  	v8 =	vand.u32 $0x7F80, v7;
	v7 =	vadd.s32 s7, v9  }
0x177: {  	(v2sf) =	vpush v8, $0x0;
	v7 =	vshrl.u32 v7, $0x3  }
0x178: {  	(v2sf) =	vpush v7, $0x0;
	_ =	sdelay $0x5  }
0x179: {  	(v2sf) =	vpush v8, $0x1;
	_ =	sdelay $0x1  }
0x17a: {  	(v2sf) =	vpush v7, $0x1;
	_ =	sdelay $0x5  }
0x17b: {  	s18 =	spop (v2sf);
	(v2sf) =	vpush v8, $0x2  }
0x17c: {  	s20 =	sadd.s32 s2, s18;
	s18 =	sshll.u32 s18, $0x2;
	s23 =	spop (v2sf);
	(v2sf) =	vpush v7, $0x2  }
0x17d: {  	s18 =	sadd.s32 s8, s18  }
0x17e: {  	s18 =	sshrl.u32 s18, $0x3;
	s20 =	sadd.s32 s23, s20;
	s23 =	simm.s32 $0x8000  }
0x17f: {  	[tilespmem:s23], [sflag:$0x3] =	stream.linear.gather [hbm4b:s20+s4], $0x400, $0x38;
	[tilespmem:$0x11080] =	vst v63  }
0x180: {  	s18 =	sadd.s32 s1, s18;
	s23 =	simm.s32 $0xE000  }
0x181: {  	[tilespmem:s23], [sflag:$0x3] =	stream.linear.gather [hbm4b:s18+s4], $0x200, $0x38;
	[tilespmem:$0x11080] =	vst v63  }
0x182: {  	s18 =	spop (v2sf);
	(v2sf) =	vpush v8, $0x3;
	_ =	sdelay $0x1  }
0x183: {  	s20 =	sadd.s32 s2, s18;
	s23 =	spop (v2sf);
	s18 =	sshll.u32 s18, $0x2;
	(v2sf) =	vpush v7, $0x3  }
0x184: {  	s20 =	sadd.s32 s23, s20;
	s23 =	simm.s32 $0x8400;
	s18 =	sadd.s32 s8, s18  }
0x185: {  	[tilespmem:s23], [sflag:$0x3] =	stream.linear.gather [hbm4b:s20+s4], $0x400, $0x38;
	[tilespmem:$0x11080] =	vst v63  }
0x186: {  	s18 =	sshrl.u32 s18, $0x3  }
0x187: {  	s23 =	simm.s32 $0xE200;
	s18 =	sadd.s32 s1, s18  }
0x188: {  	[tilespmem:s23], [sflag:$0x3] =	stream.linear.gather [hbm4b:s18+s4], $0x200, $0x38;
	[tilespmem:$0x11080] =	vst v63  }
0x189: {  	s18 =	spop (v2sf);
	(v2sf) =	vpush v8, $0x4  }
0x18a: {  	s20 =	sadd.s32 s2, s18;
	s18 =	sshll.u32 s18, $0x2;
	s23 =	spop (v2sf);
	(v2sf) =	vpush v7, $0x4  }
0x18b: {  	s18 =	sadd.s32 s8, s18  }
0x18c: {  	s18 =	sshrl.u32 s18, $0x3;
	s20 =	sadd.s32 s23, s20;
	s23 =	simm.s32 $0x8800  }
0x18d: {  	[tilespmem:s23], [sflag:$0x3] =	stream.linear.gather [hbm4b:s20+s4], $0x400, $0x38;
	[tilespmem:$0x11080] =	vst v63  }
0x18e: {  	s18 =	sadd.s32 s1, s18;
	s23 =	simm.s32 $0xE400  }
0x18f: {  	[tilespmem:s23], [sflag:$0x3] =	stream.linear.gather [hbm4b:s18+s4], $0x200, $0x38;
	[tilespmem:$0x11080] =	vst v63  }
0x190: {  	s18 =	spop (v2sf);
	(v2sf) =	vpush v8, $0x5;
	_ =	sdelay $0x1  }
0x191: {  	s20 =	sadd.s32 s2, s18;
	s23 =	spop (v2sf);
	s18 =	sshll.u32 s18, $0x2;
	(v2sf) =	vpush v7, $0x5  }
0x192: {  	s20 =	sadd.s32 s23, s20;
	s23 =	simm.s32 $0x8C00;
	s18 =	sadd.s32 s8, s18  }
0x193: {  	[tilespmem:s23], [sflag:$0x3] =	stream.linear.gather [hbm4b:s20+s4], $0x400, $0x38;
	[tilespmem:$0x11080] =	vst v63  }
0x194: {  	s18 =	sshrl.u32 s18, $0x3  }
0x195: {  	s23 =	simm.s32 $0xE600;
	s18 =	sadd.s32 s1, s18  }
0x196: {  	[tilespmem:s23], [sflag:$0x3] =	stream.linear.gather [hbm4b:s18+s4], $0x200, $0x38;
	[tilespmem:$0x11080] =	vst v63  }
0x197: {  	s18 =	spop (v2sf);
	(v2sf) =	vpush v8, $0x6  }
0x198: {  	s20 =	sadd.s32 s2, s18;
	s18 =	sshll.u32 s18, $0x2;
	s23 =	spop (v2sf);
	(v2sf) =	vpush v7, $0x6  }
0x199: {  	s18 =	sadd.s32 s8, s18  }
0x19a: {  	s18 =	sshrl.u32 s18, $0x3;
	s20 =	sadd.s32 s23, s20;
	s23 =	simm.s32 $0x9000  }
0x19b: {  	[tilespmem:s23], [sflag:$0x3] =	stream.linear.gather [hbm4b:s20+s4], $0x400, $0x38;
	[tilespmem:$0x11080] =	vst v63  }
0x19c: {  	s18 =	sadd.s32 s1, s18;
	s23 =	simm.s32 $0xE800  }
0x19d: {  	[tilespmem:s23], [sflag:$0x3] =	stream.linear.gather [hbm4b:s18+s4], $0x200, $0x38;
	[tilespmem:$0x11080] =	vst v63  }
0x19e: {  	s18 =	spop (v2sf);
	(v2sf) =	vpush v8, $0x7;
	_ =	sdelay $0x1  }
0x19f: {  	s20 =	sadd.s32 s2, s18;
	s23 =	spop (v2sf);
	s18 =	sshll.u32 s18, $0x2;
	(v2sf) =	vpush v7, $0x7  }
0x1a0: {  	s20 =	sadd.s32 s23, s20;
	s23 =	simm.s32 $0x9400;
	s18 =	sadd.s32 s8, s18  }
0x1a1: {  	[tilespmem:s23], [sflag:$0x3] =	stream.linear.gather [hbm4b:s20+s4], $0x400, $0x38;
	[tilespmem:$0x11080] =	vst v63  }
0x1a2: {  	s18 =	sshrl.u32 s18, $0x3  }
0x1a3: {  	s23 =	simm.s32 $0xEA00;
	s18 =	sadd.s32 s1, s18  }
0x1a4: {  	[tilespmem:s23], [sflag:$0x3] =	stream.linear.gather [hbm4b:s18+s4], $0x200, $0x38;
	[tilespmem:$0x11080] =	vst v63  }
0x1a5: {  	s18 =	spop (v2sf);
	(v2sf) =	vpush v8, $0x8  }
0x1a6: {  	s20 =	sadd.s32 s2, s18;
	s18 =	sshll.u32 s18, $0x2;
	s23 =	spop (v2sf);
	(v2sf) =	vpush v7, $0x8  }
0x1a7: {  	s18 =	sadd.s32 s8, s18  }
0x1a8: {  	s18 =	sshrl.u32 s18, $0x3;
	s20 =	sadd.s32 s23, s20;
	s23 =	simm.s32 $0x9800  }
0x1a9: {  	[tilespmem:s23], [sflag:$0x3] =	stream.linear.gather [hbm4b:s20+s4], $0x400, $0x38;
	[tilespmem:$0x11080] =	vst v63  }
0x1aa: {  	s18 =	sadd.s32 s1, s18;
	s23 =	simm.s32 $0xEC00  }
0x1ab: {  	[tilespmem:s23], [sflag:$0x3] =	stream.linear.gather [hbm4b:s18+s4], $0x200, $0x38;
	[tilespmem:$0x11080] =	vst v63  }
0x1ac: {  	s18 =	spop (v2sf);
	(v2sf) =	vpush v8, $0x9;
	_ =	sdelay $0x1  }
0x1ad: {  	s20 =	sadd.s32 s2, s18;
	s23 =	spop (v2sf);
	s18 =	sshll.u32 s18, $0x2;
	(v2sf) =	vpush v7, $0x9  }
0x1ae: {  	s20 =	sadd.s32 s23, s20;
	s23 =	simm.s32 $0x9C00;
	s18 =	sadd.s32 s8, s18  }
0x1af: {  	[tilespmem:s23], [sflag:$0x3] =	stream.linear.gather [hbm4b:s20+s4], $0x400, $0x38;
	[tilespmem:$0x11080] =	vst v63  }
0x1b0: {  	s18 =	sshrl.u32 s18, $0x3  }
0x1b1: {  	s23 =	simm.s32 $0xEE00;
	s18 =	sadd.s32 s1, s18  }
0x1b2: {  	[tilespmem:s23], [sflag:$0x3] =	stream.linear.gather [hbm4b:s18+s4], $0x200, $0x38;
	[tilespmem:$0x11080] =	vst v63  }
0x1b3: {  	s18 =	spop (v2sf);
	(v2sf) =	vpush v8, $0xA  }
0x1b4: {  	s20 =	sadd.s32 s2, s18;
	s18 =	sshll.u32 s18, $0x2;
	s23 =	spop (v2sf);
	(v2sf) =	vpush v7, $0xA  }
0x1b5: {  	s18 =	sadd.s32 s8, s18  }
0x1b6: {  	s18 =	sshrl.u32 s18, $0x3;
	s20 =	sadd.s32 s23, s20;
	s23 =	simm.s32 $0xA000  }
0x1b7: {  	[tilespmem:s23], [sflag:$0x3] =	stream.linear.gather [hbm4b:s20+s4], $0x400, $0x38;
	[tilespmem:$0x11080] =	vst v63  }
0x1b8: {  	s18 =	sadd.s32 s1, s18;
	s23 =	simm.s32 $0xF000  }
0x1b9: {  	[tilespmem:s23], [sflag:$0x3] =	stream.linear.gather [hbm4b:s18+s4], $0x200, $0x38;
	[tilespmem:$0x11080] =	vst v63  }
0x1ba: {  	s18 =	spop (v2sf);
	(v2sf) =	vpush v8, $0xB;
	_ =	sdelay $0x1  }
0x1bb: {  	s20 =	sadd.s32 s2, s18;
	s23 =	spop (v2sf);
	s18 =	sshll.u32 s18, $0x2;
	(v2sf) =	vpush v7, $0xB  }
0x1bc: {  	s20 =	sadd.s32 s23, s20;
	s23 =	simm.s32 $0xA400;
	s18 =	sadd.s32 s8, s18  }
0x1bd: {  	[tilespmem:s23], [sflag:$0x3] =	stream.linear.gather [hbm4b:s20+s4], $0x400, $0x38;
	[tilespmem:$0x11080] =	vst v63  }
0x1be: {  	s18 =	sshrl.u32 s18, $0x3  }
0x1bf: {  	s23 =	simm.s32 $0xF200;
	s18 =	sadd.s32 s1, s18  }
0x1c0: {  	[tilespmem:s23], [sflag:$0x3] =	stream.linear.gather [hbm4b:s18+s4], $0x200, $0x38;
	[tilespmem:$0x11080] =	vst v63  }
0x1c1: {  	s18 =	spop (v2sf);
	(v2sf) =	vpush v8, $0xC  }
0x1c2: {  	s20 =	sadd.s32 s2, s18;
	s18 =	sshll.u32 s18, $0x2;
	s23 =	spop (v2sf);
	(v2sf) =	vpush v7, $0xC  }
0x1c3: {  	s18 =	sadd.s32 s8, s18  }
0x1c4: {  	s18 =	sshrl.u32 s18, $0x3;
	s20 =	sadd.s32 s23, s20;
	s23 =	simm.s32 $0xA800  }
0x1c5: {  	[tilespmem:s23], [sflag:$0x3] =	stream.linear.gather [hbm4b:s20+s4], $0x400, $0x38;
	[tilespmem:$0x11080] =	vst v63  }
0x1c6: {  	s18 =	sadd.s32 s1, s18;
	s23 =	simm.s32 $0xF400  }
0x1c7: {  	[tilespmem:s23], [sflag:$0x3] =	stream.linear.gather [hbm4b:s18+s4], $0x200, $0x38;
	[tilespmem:$0x11080] =	vst v63  }
0x1c8: {  	s18 =	spop (v2sf);
	(v2sf) =	vpush v8, $0xD;
	_ =	sdelay $0x1  }
0x1c9: {  	s20 =	sadd.s32 s2, s18;
	s23 =	spop (v2sf);
	s18 =	sshll.u32 s18, $0x2;
	(v2sf) =	vpush v7, $0xD  }
0x1ca: {  	s20 =	sadd.s32 s23, s20;
	s23 =	simm.s32 $0xAC00;
	s18 =	sadd.s32 s8, s18  }
0x1cb: {  	[tilespmem:s23], [sflag:$0x3] =	stream.linear.gather [hbm4b:s20+s4], $0x400, $0x38;
	[tilespmem:$0x11080] =	vst v63  }
0x1cc: {  	s18 =	sshrl.u32 s18, $0x3  }
0x1cd: {  	s23 =	simm.s32 $0xF600;
	s18 =	sadd.s32 s1, s18  }
0x1ce: {  	[tilespmem:s23], [sflag:$0x3] =	stream.linear.gather [hbm4b:s18+s4], $0x200, $0x38;
	[tilespmem:$0x11080] =	vst v63  }
0x1cf: {  	s18 =	spop (v2sf);
	(v2sf) =	vpush v8, $0xE  }
0x1d0: {  	s20 =	sadd.s32 s2, s18;
	s18 =	sshll.u32 s18, $0x2;
	s23 =	spop (v2sf);
	(v2sf) =	vpush v7, $0xE  }
0x1d1: {  	s18 =	sadd.s32 s8, s18  }
0x1d2: {  	s18 =	sshrl.u32 s18, $0x3;
	s20 =	sadd.s32 s23, s20;
	s23 =	simm.s32 $0xB000  }
0x1d3: {  	[tilespmem:s23], [sflag:$0x3] =	stream.linear.gather [hbm4b:s20+s4], $0x400, $0x38;
	[tilespmem:$0x11080] =	vst v63  }
0x1d4: {  	s18 =	sadd.s32 s1, s18;
	s23 =	simm.s32 $0xF800  }
0x1d5: {  	[tilespmem:s23], [sflag:$0x3] =	stream.linear.gather [hbm4b:s18+s4], $0x200, $0x38;
	[tilespmem:$0x11080] =	vst v63  }
0x1d6: {  	s18 =	spop (v2sf);
	(v2sf) =	vpush v8, $0xF;
	_ =	sdelay $0x1  }
0x1d7: {  	s20 =	sadd.s32 s2, s18;
	s23 =	spop (v2sf);
	(v2sf) =	vpush v7, $0xF;
	s18 =	sshll.u32 s18, $0x2  }
0x1d8: {  	s20 =	sadd.s32 s23, s20;
	s23 =	simm.s32 $0xB400;
	s18 =	sadd.s32 s8, s18  }
0x1d9: {  	[tilespmem:s23], [sflag:$0x3] =	stream.linear.gather [hbm4b:s20+s4], $0x400, $0x38;
	[tilespmem:$0x11080] =	vst v63  }
0x1da: {  	s18 =	sshrl.u32 s18, $0x3  }
0x1db: {  	s23 =	simm.s32 $0xFA00;
	s18 =	sadd.s32 s1, s18  }
0x1dc: {  	[tilespmem:s23], [sflag:$0x3] =	stream.linear.gather [hbm4b:s18+s4], $0x200, $0x38;
	[tilespmem:$0x11080] =	vst v63  }
0x1dd: {  	s20 =	spop (v2sf)  }
0x1de: {  	s23 =	sadd.s32 s2, s20;
	s18 =	spop (v2sf)  }
0x1df: {  	s18 =	sadd.s32 s18, s23;
	s23 =	simm.s32 $0xB800  }
0x1e0: {  	[tilespmem:s23], [sflag:$0x3] =	stream.linear.gather [hbm4b:s18+s4], $0x400, $0x38;
	[tilespmem:$0x11080] =	vst v63  }
0x1e1: {  	s23 =	sshll.u32 s20, $0x2  }
0x1e2: {  	s18 =	sadd.s32 s8, s23  }
0x1e3: {  	s18 =	sshrl.u32 s18, $0x3  }
0x1e4: {  	s23 =	simm.s32 $0xFC00;
	s20 =	spop (v2sf);
	s18 =	sadd.s32 s1, s18  }
0x1e5: {  	[tilespmem:s23], [sflag:$0x3] =	stream.linear.gather [hbm4b:s18+s4], $0x200, $0x38;
	[tilespmem:$0x11080] =	vst v63  }
0x1e6: {  	s18 =	spop (v2sf);
	s23 =	sadd.s32 s2, s20  }
0x1e7: {  	s20 =	sshll.u32 s20, $0x2;
	s18 =	sadd.s32 s18, s23;
	s23 =	simm.s32 $0xBC00  }
0x1e8: {  	[tilespmem:s23], [sflag:$0x3] =	stream.linear.gather [hbm4b:s18+s4], $0x400, $0x38;
	[tilespmem:$0x11080] =	vst v63  }
0x1e9: {  	s18 =	sadd.s32 s8, s20  }
0x1ea: {  	s18 =	sshrl.u32 s18, $0x3  }
0x1eb: {  	s23 =	simm.s32 $0xFE00;
	s18 =	sadd.s32 s1, s18  }
0x1ec: {  	[tilespmem:s23], [sflag:$0x3] =	stream.linear.gather [hbm4b:s18+s4], $0x200, $0x38;
	[tilespmem:$0x11080] =	vst v63  }
.LBB2_18:
0x1ed: {  	p2 =	sge.s32 s19, s13  }
0x1ee: {  	s18 =	simm.s32 @!p2 $0x2  }
0x1ef: {  	_ =	swait.ge @!p2 [sflag:s18], $0x4000  }
0x1f0: {  	[sflag:s18] =	ssyncset.done @!p2 $0x0  }
0x1f1: {  	[sflag:s18] =	ssyncadd.s32 @!p2 $0xFFFFC000  }
0x1f2: {  	_ =	swait.ge @!p2 [sflag:s18], $0x2000  }
0x1f3: {  	[sflag:s18] =	ssyncset.done @!p2 $0x0  }
0x1f4: {  	[sflag:s18] =	ssyncadd.s32 @!p2 $0xFFFFE000  }
0x1f5: {  	v7 =	vld @!p2 [tilespmem:s21+$0xFFFFFFE0];
	_ =	sdelay $0x4  }
0x1f6: {  	v8 =	vlaneseq.u32 @!p2;
	v9 =	vshrl.u32 @!p2 v7, $0x8  }
0x1f7: {  	v10 =	vmul.u32 @!p2 $0x400, v8;
	v7 =	vand.u32 @!p2 $0x7F, v7;
	v9 =	vand.u32 @!p2 $0x380, v9  }
0x1f8: {  	v9 =	vor.u32 @!p2 v9, v7  }
0x1f9: {  	v9 =	vor.u32 @!p2 v10, v9;
	_ =	sdelay $0x3  }
0x1fa: {  	s18 =	simm.s32 @!p2 $0x4000  }
0x1fb: {  	v10 =	vmul.u32 @!p2 $0x200, v8;
	v9 =	vld.idx.msk @!p2 [tilespmem:v9+s18+$0x0], $0xffff  }
0x1fc: {  	v8 =	vor.u32 @!p2 s19, v8  }
0x1fd: {  	v11 =	vor.u32 @!p2 v10, v7;
	_ =	sdelay $0x1  }
0x1fe: {  	vm0 =	vlt.s32 @!p2 v8, v6  }
0x1ff: {  	s18 =	simm.s32 @!p2 $0x3C00;
	v9 =	vnsel @!p2 vm0, $0x0, v9  }
0x200: {  	[tilespmem:v8+s18+$0x0] =	vst.idx.msk @!p2 $0xffff, v9;
	s18 =	simm.s32 @!p2 $0xC000  }
0x201: {  	v9 =	vld.idx.msk @!p2 [tilespmem:v11+s18+$0x0], $0xffff  }
0x202: {  	v8 =	vshll.u32 @!p2 v8, $0x2;
	v11 =	vor.u32 @!p2 $0x80, v10  }
0x203: {  	v11 =	vor.u32 @!p2 v11, v7;
	_ =	sdelay $0x2  }
0x204: {  	s20 =	simm.s32 @!p2 $0x10000;
	v9 =	vnsel @!p2 vm0, $0x0, v9  }
0x205: {  	[tilespmem:v8+s20+$0x0] =	vst.idx.msk @!p2 $0xffff, v9  }
0x206: {  	v9 =	vld.idx.msk @!p2 [tilespmem:v11+s18+$0x0], $0xffff  }
0x207: {  	v12 =	vor.u32 @!p2 $0x100, v10;
	v11 =	vor.u32 @!p2 $0x1, v8  }
0x208: {  	v12 =	vor.u32 @!p2 v12, v7;
	_ =	sdelay $0x2  }
0x209: {  	v9 =	vnsel @!p2 vm0, $0x0, v9  }
0x20a: {  	[tilespmem:v11+s20+$0x0] =	vst.idx.msk @!p2 $0xffff, v9  }
0x20b: {  	v9 =	vld.idx.msk @!p2 [tilespmem:v12+s18+$0x0], $0xffff  }
0x20c: {  	v10 =	vor.u32 @!p2 $0x180, v10;
	v11 =	vor.u32 @!p2 $0x2, v8  }
0x20d: {  	v7 =	vor.u32 @!p2 v10, v7;
	_ =	sdelay $0x2  }
0x20e: {  	v9 =	vnsel @!p2 vm0, $0x0, v9  }
0x20f: {  	[tilespmem:v11+s20+$0x0] =	vst.idx.msk @!p2 $0xffff, v9  }
0x210: {  	p3 =	seq.s32 s14, $0x3C0;
	v7 =	vld.idx.msk @!p2 [tilespmem:v7+s18+$0x0], $0xffff;
	s18 =	sadd.s32 $0x40, s19  }
0x211: {  	p4 =	sge.s32 @!p3 s18, s13  }
0x212: {  	v8 =	vor.u32 @!p2 $0x3, v8;
	p3 =	por p3, p4  }
.Ltmp10:
0x213: {  	_ = 	snop;
	(pc) =	sbr.rel @p3 .LBB2_20-.Ltmp10, $3  }
0x214: {  	_ =	sdelay $0x1  }
0x215: {  	v7 =	vnsel @!p2 vm0, $0x0, v7  }
0x216: {  	[tilespmem:v8+s20+$0x0] =	vst.idx.msk @!p2 $0xffff, v7  }
0x217: {  	v7 =	vld [tilespmem:s21+$0x20];
	_ =	sdelay $0x4  }
0x218: {  	v8 =	vshrl.u32 v7, $0xF  }
0x219: {  	v8 =	vand.u32 $0x78, v8  }
0x21a: {  	v8 =	vshrl.u32 v8, $0x3  }
0x21b: {  	v9 =	vmul.u32 $0x27400, v8  }
0x21c: {  	v8 =	vand.u32 $0x7F80, v7  }
0x21d: {  	(v2sf) =	vpush v8, $0x0;
	v7 =	vadd.s32 s7, v9  }
0x21e: {  	v7 =	vshrl.u32 v7, $0x3  }
0x21f: {  	(v2sf) =	vpush v7, $0x0;
	_ =	sdelay $0x4  }
0x220: {  	(v2sf) =	vpush v8, $0x1;
	_ =	sdelay $0x1  }
0x221: {  	(v2sf) =	vpush v7, $0x1;
	_ =	sdelay $0x5  }
0x222: {  	s18 =	spop (v2sf);
	(v2sf) =	vpush v8, $0x2  }
0x223: {  	s19 =	sadd.s32 s2, s18;
	s18 =	sshll.u32 s18, $0x2  }
0x224: {  	s18 =	sadd.s32 s8, s18;
	s20 =	spop (v2sf);
	(v2sf) =	vpush v7, $0x2  }
0x225: {  	s23 =	simm.s32 $0x4000;
	s18 =	sshrl.u32 s18, $0x3;
	s19 =	sadd.s32 s20, s19  }
0x226: {  	[tilespmem:s23], [sflag:$0x2] =	stream.linear.gather [hbm4b:s19+s4], $0x400, $0x38;
	[tilespmem:$0x11080] =	vst v63  }
0x227: {  	s18 =	sadd.s32 s1, s18;
	s23 =	simm.s32 $0xC000  }
0x228: {  	[tilespmem:s23], [sflag:$0x2] =	stream.linear.gather [hbm4b:s18+s4], $0x200, $0x38;
	[tilespmem:$0x11080] =	vst v63  }
0x229: {  	s18 =	spop (v2sf);
	(v2sf) =	vpush v8, $0x3;
	_ =	sdelay $0x1  }
0x22a: {  	s20 =	sadd.s32 s2, s18;
	s23 =	spop (v2sf);
	s18 =	sshll.u32 s18, $0x2;
	(v2sf) =	vpush v7, $0x3  }
0x22b: {  	s19 =	sadd.s32 s23, s20;
	s23 =	simm.s32 $0x4400;
	s18 =	sadd.s32 s8, s18  }
0x22c: {  	[tilespmem:s23], [sflag:$0x2] =	stream.linear.gather [hbm4b:s19+s4], $0x400, $0x38;
	[tilespmem:$0x11080] =	vst v63  }
0x22d: {  	s18 =	sshrl.u32 s18, $0x3  }
0x22e: {  	s23 =	simm.s32 $0xC200;
	s18 =	sadd.s32 s1, s18  }
0x22f: {  	[tilespmem:s23], [sflag:$0x2] =	stream.linear.gather [hbm4b:s18+s4], $0x200, $0x38;
	[tilespmem:$0x11080] =	vst v63  }
0x230: {  	s18 =	spop (v2sf);
	(v2sf) =	vpush v8, $0x4  }
0x231: {  	s20 =	sadd.s32 s2, s18;
	s18 =	sshll.u32 s18, $0x2  }
0x232: {  	s18 =	sadd.s32 s8, s18;
	s23 =	spop (v2sf);
	(v2sf) =	vpush v7, $0x4  }
0x233: {  	s18 =	sshrl.u32 s18, $0x3;
	s19 =	sadd.s32 s23, s20;
	s23 =	simm.s32 $0x4800  }
0x234: {  	[tilespmem:s23], [sflag:$0x2] =	stream.linear.gather [hbm4b:s19+s4], $0x400, $0x38;
	[tilespmem:$0x11080] =	vst v63  }
0x235: {  	s18 =	sadd.s32 s1, s18;
	s23 =	simm.s32 $0xC400  }
0x236: {  	[tilespmem:s23], [sflag:$0x2] =	stream.linear.gather [hbm4b:s18+s4], $0x200, $0x38;
	[tilespmem:$0x11080] =	vst v63  }
0x237: {  	s18 =	spop (v2sf);
	(v2sf) =	vpush v8, $0x5;
	_ =	sdelay $0x1  }
0x238: {  	s20 =	sadd.s32 s2, s18;
	s23 =	spop (v2sf);
	s18 =	sshll.u32 s18, $0x2;
	(v2sf) =	vpush v7, $0x5  }
0x239: {  	s19 =	sadd.s32 s23, s20;
	s23 =	simm.s32 $0x4C00;
	s18 =	sadd.s32 s8, s18  }
0x23a: {  	[tilespmem:s23], [sflag:$0x2] =	stream.linear.gather [hbm4b:s19+s4], $0x400, $0x38;
	[tilespmem:$0x11080] =	vst v63  }
0x23b: {  	s18 =	sshrl.u32 s18, $0x3  }
0x23c: {  	s23 =	simm.s32 $0xC600;
	s18 =	sadd.s32 s1, s18  }
0x23d: {  	[tilespmem:s23], [sflag:$0x2] =	stream.linear.gather [hbm4b:s18+s4], $0x200, $0x38;
	[tilespmem:$0x11080] =	vst v63  }
0x23e: {  	s18 =	spop (v2sf);
	(v2sf) =	vpush v8, $0x6  }
0x23f: {  	s20 =	sadd.s32 s2, s18;
	s18 =	sshll.u32 s18, $0x2  }
0x240: {  	s18 =	sadd.s32 s8, s18;
	s23 =	spop (v2sf);
	(v2sf) =	vpush v7, $0x6  }
0x241: {  	s18 =	sshrl.u32 s18, $0x3;
	s19 =	sadd.s32 s23, s20;
	s23 =	simm.s32 $0x5000  }
0x242: {  	[tilespmem:s23], [sflag:$0x2] =	stream.linear.gather [hbm4b:s19+s4], $0x400, $0x38;
	[tilespmem:$0x11080] =	vst v63  }
0x243: {  	s18 =	sadd.s32 s1, s18;
	s23 =	simm.s32 $0xC800  }
0x244: {  	[tilespmem:s23], [sflag:$0x2] =	stream.linear.gather [hbm4b:s18+s4], $0x200, $0x38;
	[tilespmem:$0x11080] =	vst v63  }
0x245: {  	s18 =	spop (v2sf);
	(v2sf) =	vpush v8, $0x7;
	_ =	sdelay $0x1  }
0x246: {  	s20 =	sadd.s32 s2, s18;
	s23 =	spop (v2sf);
	s18 =	sshll.u32 s18, $0x2;
	(v2sf) =	vpush v7, $0x7  }
0x247: {  	s19 =	sadd.s32 s23, s20;
	s23 =	simm.s32 $0x5400;
	s18 =	sadd.s32 s8, s18  }
0x248: {  	[tilespmem:s23], [sflag:$0x2] =	stream.linear.gather [hbm4b:s19+s4], $0x400, $0x38;
	[tilespmem:$0x11080] =	vst v63  }
0x249: {  	s18 =	sshrl.u32 s18, $0x3  }
0x24a: {  	s23 =	simm.s32 $0xCA00;
	s18 =	sadd.s32 s1, s18  }
0x24b: {  	[tilespmem:s23], [sflag:$0x2] =	stream.linear.gather [hbm4b:s18+s4], $0x200, $0x38;
	[tilespmem:$0x11080] =	vst v63  }
0x24c: {  	s18 =	spop (v2sf);
	(v2sf) =	vpush v8, $0x8  }
0x24d: {  	s20 =	sadd.s32 s2, s18;
	s18 =	sshll.u32 s18, $0x2  }
0x24e: {  	s18 =	sadd.s32 s8, s18;
	s23 =	spop (v2sf);
	(v2sf) =	vpush v7, $0x8  }
0x24f: {  	s18 =	sshrl.u32 s18, $0x3;
	s19 =	sadd.s32 s23, s20;
	s23 =	simm.s32 $0x5800  }
0x250: {  	[tilespmem:s23], [sflag:$0x2] =	stream.linear.gather [hbm4b:s19+s4], $0x400, $0x38;
	[tilespmem:$0x11080] =	vst v63  }
0x251: {  	s18 =	sadd.s32 s1, s18;
	s23 =	simm.s32 $0xCC00  }
0x252: {  	[tilespmem:s23], [sflag:$0x2] =	stream.linear.gather [hbm4b:s18+s4], $0x200, $0x38;
	[tilespmem:$0x11080] =	vst v63  }
0x253: {  	s18 =	spop (v2sf);
	(v2sf) =	vpush v8, $0x9;
	_ =	sdelay $0x1  }
0x254: {  	s20 =	sadd.s32 s2, s18;
	s23 =	spop (v2sf);
	s18 =	sshll.u32 s18, $0x2;
	(v2sf) =	vpush v7, $0x9  }
0x255: {  	s19 =	sadd.s32 s23, s20;
	s23 =	simm.s32 $0x5C00;
	s18 =	sadd.s32 s8, s18  }
0x256: {  	[tilespmem:s23], [sflag:$0x2] =	stream.linear.gather [hbm4b:s19+s4], $0x400, $0x38;
	[tilespmem:$0x11080] =	vst v63  }
0x257: {  	s18 =	sshrl.u32 s18, $0x3  }
0x258: {  	s23 =	simm.s32 $0xCE00;
	s18 =	sadd.s32 s1, s18  }
0x259: {  	[tilespmem:s23], [sflag:$0x2] =	stream.linear.gather [hbm4b:s18+s4], $0x200, $0x38;
	[tilespmem:$0x11080] =	vst v63  }
0x25a: {  	s18 =	spop (v2sf);
	(v2sf) =	vpush v8, $0xA  }
0x25b: {  	s20 =	sadd.s32 s2, s18;
	s18 =	sshll.u32 s18, $0x2  }
0x25c: {  	s18 =	sadd.s32 s8, s18;
	s23 =	spop (v2sf);
	(v2sf) =	vpush v7, $0xA  }
0x25d: {  	s18 =	sshrl.u32 s18, $0x3;
	s19 =	sadd.s32 s23, s20;
	s23 =	simm.s32 $0x6000  }
0x25e: {  	[tilespmem:s23], [sflag:$0x2] =	stream.linear.gather [hbm4b:s19+s4], $0x400, $0x38;
	[tilespmem:$0x11080] =	vst v63  }
0x25f: {  	s18 =	sadd.s32 s1, s18;
	s23 =	simm.s32 $0xD000  }
0x260: {  	[tilespmem:s23], [sflag:$0x2] =	stream.linear.gather [hbm4b:s18+s4], $0x200, $0x38;
	[tilespmem:$0x11080] =	vst v63  }
0x261: {  	s18 =	spop (v2sf);
	(v2sf) =	vpush v8, $0xB;
	_ =	sdelay $0x1  }
0x262: {  	s20 =	sadd.s32 s2, s18;
	s23 =	spop (v2sf);
	s18 =	sshll.u32 s18, $0x2;
	(v2sf) =	vpush v7, $0xB  }
0x263: {  	s19 =	sadd.s32 s23, s20;
	s23 =	simm.s32 $0x6400;
	s18 =	sadd.s32 s8, s18  }
0x264: {  	[tilespmem:s23], [sflag:$0x2] =	stream.linear.gather [hbm4b:s19+s4], $0x400, $0x38;
	[tilespmem:$0x11080] =	vst v63  }
0x265: {  	s18 =	sshrl.u32 s18, $0x3  }
0x266: {  	s23 =	simm.s32 $0xD200;
	s18 =	sadd.s32 s1, s18  }
0x267: {  	[tilespmem:s23], [sflag:$0x2] =	stream.linear.gather [hbm4b:s18+s4], $0x200, $0x38;
	[tilespmem:$0x11080] =	vst v63  }
0x268: {  	s18 =	spop (v2sf);
	(v2sf) =	vpush v8, $0xC  }
0x269: {  	s20 =	sadd.s32 s2, s18;
	s18 =	sshll.u32 s18, $0x2  }
0x26a: {  	s18 =	sadd.s32 s8, s18;
	s23 =	spop (v2sf);
	(v2sf) =	vpush v7, $0xC  }
0x26b: {  	s18 =	sshrl.u32 s18, $0x3;
	s19 =	sadd.s32 s23, s20  }
0x26c: {  	[tilespmem:s29], [sflag:$0x2] =	stream.linear.gather [hbm4b:s19+s4], $0x400, $0x38;
	[tilespmem:$0x11080] =	vst v63  }
0x26d: {  	s18 =	sadd.s32 s1, s18  }
0x26e: {  	[tilespmem:s30], [sflag:$0x2] =	stream.linear.gather [hbm4b:s18+s4], $0x200, $0x38;
	[tilespmem:$0x11080] =	vst v63  }
0x26f: {  	s18 =	spop (v2sf);
	(v2sf) =	vpush v8, $0xD;
	_ =	sdelay $0x1  }
0x270: {  	s20 =	sadd.s32 s2, s18;
	s23 =	spop (v2sf);
	s18 =	sshll.u32 s18, $0x2;
	(v2sf) =	vpush v7, $0xD  }
0x271: {  	s19 =	sadd.s32 s23, s20;
	s18 =	sadd.s32 s8, s18  }
0x272: {  	[tilespmem:s31], [sflag:$0x2] =	stream.linear.gather [hbm4b:s19+s4], $0x400, $0x38;
	[tilespmem:$0x11080] =	vst v63  }
0x273: {  	s18 =	sshrl.u32 s18, $0x3  }
0x274: {  	s18 =	sadd.s32 s1, s18  }
0x275: {  	[tilespmem:s0], [sflag:$0x2] =	stream.linear.gather [hbm4b:s18+s4], $0x200, $0x38;
	[tilespmem:$0x11080] =	vst v63  }
0x276: {  	s18 =	spop (v2sf)  }
0x277: {  	(v2sf) =	vpush v8, $0xE;
	s20 =	sadd.s32 s2, s18;
	s18 =	sshll.u32 s18, $0x2  }
0x278: {  	s18 =	sadd.s32 s8, s18;
	s23 =	spop (v2sf);
	(v2sf) =	vpush v7, $0xE  }
0x279: {  	s18 =	sshrl.u32 s18, $0x3;
	s19 =	sadd.s32 s23, s20  }
0x27a: {  	[tilespmem:s3], [sflag:$0x2] =	stream.linear.gather [hbm4b:s19+s4], $0x400, $0x38;
	[tilespmem:$0x11080] =	vst v63  }
0x27b: {  	s18 =	sadd.s32 s1, s18  }
0x27c: {  	[tilespmem:s24], [sflag:$0x2] =	stream.linear.gather [hbm4b:s18+s4], $0x200, $0x38;
	[tilespmem:$0x11080] =	vst v63  }
0x27d: {  	s18 =	spop (v2sf);
	(v2sf) =	vpush v8, $0xF;
	_ =	sdelay $0x1  }
0x27e: {  	s23 =	spop (v2sf);
	(v2sf) =	vpush v7, $0xF  }
0x27f: {  	s20 =	sadd.s32 s2, s18;
	s18 =	sshll.u32 s18, $0x2  }
0x280: {  	s19 =	sadd.s32 s23, s20;
	s18 =	sadd.s32 s8, s18  }
0x281: {  	[tilespmem:s25], [sflag:$0x2] =	stream.linear.gather [hbm4b:s19+s4], $0x400, $0x38;
	[tilespmem:$0x11080] =	vst v63  }
0x282: {  	s18 =	sshrl.u32 s18, $0x3  }
0x283: {  	s18 =	sadd.s32 s1, s18  }
0x284: {  	[tilespmem:s26], [sflag:$0x2] =	stream.linear.gather [hbm4b:s18+s4], $0x200, $0x38;
	[tilespmem:$0x11080] =	vst v63  }
0x285: {  	s19 =	spop (v2sf)  }
0x286: {  	s23 =	sadd.s32 s2, s19;
	s20 =	spop (v2sf)  }
0x287: {  	s19 =	sshll.u32 s19, $0x2;
	s18 =	sadd.s32 s20, s23  }
0x288: {  	[tilespmem:s9], [sflag:$0x2] =	stream.linear.gather [hbm4b:s18+s4], $0x400, $0x38;
	[tilespmem:$0x11080] =	vst v63  }
0x289: {  	s18 =	sadd.s32 s8, s19  }
0x28a: {  	s18 =	sshrl.u32 s18, $0x3  }
0x28b: {  	s19 =	spop (v2sf);
	s18 =	sadd.s32 s1, s18  }
0x28c: {  	[tilespmem:s10], [sflag:$0x2] =	stream.linear.gather [hbm4b:s18+s4], $0x200, $0x38;
	[tilespmem:$0x11080] =	vst v63  }
0x28d: {  	s20 =	spop (v2sf);
	s23 =	sadd.s32 s2, s19  }
0x28e: {  	s18 =	sadd.s32 s20, s23  }
0x28f: {  	[tilespmem:s11], [sflag:$0x2] =	stream.linear.gather [hbm4b:s18+s4], $0x400, $0x38;
	[tilespmem:$0x11080] =	vst v63  }
.Ltmp11:
0x290: {  	s23 =	sshll.u32 s19, $0x2;
	(pc) =	sbr.rel .LBB2_20-.Ltmp11, $4  }
0x291: {  	s18 =	sadd.s32 s8, s23  }
0x292: {  	s18 =	sshrl.u32 s18, $0x3  }
0x293: {  	s18 =	sadd.s32 s1, s18  }
0x294: {  	[tilespmem:s12], [sflag:$0x2] =	stream.linear.gather [hbm4b:s18+s4], $0x200, $0x38;
	[tilespmem:$0x11080] =	vst v63  }
.LBB2_21:
0x295: {  	s14 =	rddreg [dreg:$0xf]  }
0x296: {  	s17 =	rddreg [dreg:$0x10]  }
0x297: {  	s13 =	sadd.s32 $0x0, s16;
	s19 =	rddreg [dreg:$0xd];
	s18 =	sadd.s32 $0x0, s15  }
0x298: {  	[hbm4b:s14+s4] =	stream.linear.scatter [tilespmem:s17], [sflag:$0x1], $0x40, $0x38;
	[tilespmem:$0x11080] =	vst v63  }
0x299: {  	s21 =	rddreg [dreg:$0xe];
	s14 =	sadd.s32 $0x10, s14;
	s17 =	sadd.s32 $0x80, s17  }
0x29a: {  	[hbm4b:s13+s4] =	stream.linear.scatter [tilespmem:s19], [sflag:$0x1], $0x10, $0x38;
	[tilespmem:$0x11080] =	vst v63  }
0x29b: {  	s20 =	sadd.s32 $0x20, s21;
	s13 =	simm.s32 $0x4;
	s19 =	sadd.s32 $0x20, s19  }
.LBB2_22:
0x29c: {  	[hbm4b:s18+s4] =	stream.linear.scatter [tilespmem:s21], [sflag:$0x1], $0x10, $0x38;
	[tilespmem:$0x11080] =	vst v63  }
0x29d: {  	s18 =	smov.u32 s13;
	s21 =	smov.u32 s20;
	p1 =	sne.s32 s13, $0x78  }
.Ltmp12:
0x29e: {  	s13 =	sadd.s32 $0x4, s13;
	(pc) =	sbr.rel @p1 .LBB2_22-.Ltmp12, $4  }
0x29f: {  	[hbm4b:s14+s4] =	stream.linear.scatter [tilespmem:s17], [sflag:$0x1], $0x40, $0x38;
	[tilespmem:$0x11080] =	vst v63  }
0x2a0: {  	s23 =	sadd.s32 s18, s16;
	s14 =	sadd.s32 $0x10, s14;
	s17 =	sadd.s32 $0x80, s17  }
0x2a1: {  	[hbm4b:s23+s4] =	stream.linear.scatter [tilespmem:s19], [sflag:$0x1], $0x10, $0x38;
	[tilespmem:$0x11080] =	vst v63  }
0x2a2: {  	s20 =	sadd.s32 $0x20, s20;
	s18 =	sadd.s32 s18, s15;
	s19 =	sadd.s32 $0x20, s19  }
0x2a3: {  	[hbm4b:s18+s4] =	stream.linear.scatter [tilespmem:s21], [sflag:$0x1], $0x10, $0x38;
	[tilespmem:$0x11080] =	vst v63  }
0x2a4: {  	s13 =	simm.s32 @!p0 $0x0;
	s14 =	simm.s32 @!p0 $0x10F80;
	s17 =	rddreg [dreg:$0x7]  }
0x2a5: {  	[hbm4b:s17+s13] =	stream.linear.scatter @!p0 [tilespmem:s14], [sflag:$0x1], $0x20, $0x38;
	[tilespmem:$0x11080] =	vst v63  }
0x2a6: {  	s14 =	simm.s32 @!p0 $0x3FE0;
	s17 =	rddreg [dreg:$0x8]  }
0x2a7: {  	[hbm4b:s17+s13] =	stream.linear.scatter @!p0 [tilespmem:s14], [sflag:$0x1], $0x8, $0x38;
	[tilespmem:$0x11080] =	vst v63  }
0x2a8: {  	s14 =	simm.s32 @!p0 $0x3BE0;
	s17 =	rddreg [dreg:$0x9]  }
0x2a9: {  	[hbm4b:s17+s13] =	stream.linear.scatter @!p0 [tilespmem:s14], [sflag:$0x1], $0x8, $0x38;
	[tilespmem:$0x11080] =	vst v63  }
0x2aa: {  	s14 =	simm.s32 @!p0 $0x11000;
	s17 =	rddreg [dreg:$0xa]  }
0x2ab: {  	[hbm4b:s17+s13] =	stream.linear.scatter @!p0 [tilespmem:s14], [sflag:$0x4], $0x80, $0x38;
	[tilespmem:$0x11080] =	vst v63  }
0x2ac: {  	s13 =	simm.s32 @!p0 $0x4  }
0x2ad: {  	_ =	swait.ge @!p0 [sflag:s13], $0x80  }
0x2ae: {  	[sflag:s13] =	ssyncset.done @!p0 $0x0  }
0x2af: {  	[sflag:s13] =	ssyncadd.s32 @!p0 $0xFFFFFF80  }
0x2b0: {  	_ =	swait.ge [sflag:s28], $0x60  }
0x2b1: {  	[sflag:s28] =	ssyncset.done $0x0  }
0x2b2: {  	[sflag:s28] =	ssyncadd.s32 $0xFFFFFFA0  }
0x2b3: {  	_ =	swait.ge [sflag:s28], $0x60  }
0x2b4: {  	[sflag:s28] =	ssyncset.done $0x0  }
0x2b5: {  	[sflag:s28] =	ssyncadd.s32 $0xFFFFFFA0  }
0x2b6: {  	_ =	swait.ge [sflag:s28], $0x60  }
0x2b7: {  	[sflag:s28] =	ssyncset.done $0x0  }
0x2b8: {  	[sflag:s28] =	ssyncadd.s32 $0xFFFFFFA0  }
0x2b9: {  	_ =	swait.ge [sflag:s28], $0x60  }
0x2ba: {  	[sflag:s28] =	ssyncset.done $0x0  }
0x2bb: {  	[sflag:s28] =	ssyncadd.s32 $0xFFFFFFA0  }
0x2bc: {  	_ =	swait.ge [sflag:s28], $0x60  }
0x2bd: {  	[sflag:s28] =	ssyncset.done $0x0  }
0x2be: {  	[sflag:s28] =	ssyncadd.s32 $0xFFFFFFA0  }
0x2bf: {  	_ =	swait.ge [sflag:s28], $0x60  }
0x2c0: {  	[sflag:s28] =	ssyncset.done $0x0  }
0x2c1: {  	[sflag:s28] =	ssyncadd.s32 $0xFFFFFFA0  }
0x2c2: {  	_ =	swait.ge [sflag:s28], $0x60  }
0x2c3: {  	[sflag:s28] =	ssyncset.done $0x0  }
0x2c4: {  	[sflag:s28] =	ssyncadd.s32 $0xFFFFFFA0  }
0x2c5: {  	_ =	swait.ge [sflag:s28], $0x60  }
0x2c6: {  	[sflag:s28] =	ssyncset.done $0x0  }
0x2c7: {  	[sflag:s28] =	ssyncadd.s32 $0xFFFFFFA0  }
0x2c8: {  	_ =	swait.ge [sflag:s28], $0x60  }
0x2c9: {  	[sflag:s28] =	ssyncset.done $0x0  }
0x2ca: {  	[sflag:s28] =	ssyncadd.s32 $0xFFFFFFA0  }
0x2cb: {  	_ =	swait.ge [sflag:s28], $0x60  }
0x2cc: {  	[sflag:s28] =	ssyncset.done $0x0  }
0x2cd: {  	[sflag:s28] =	ssyncadd.s32 $0xFFFFFFA0  }
0x2ce: {  	_ =	swait.ge [sflag:s28], $0x60  }
0x2cf: {  	[sflag:s28] =	ssyncset.done $0x0  }
0x2d0: {  	[sflag:s28] =	ssyncadd.s32 $0xFFFFFFA0  }
0x2d1: {  	_ =	swait.ge [sflag:s28], $0x60  }
0x2d2: {  	[sflag:s28] =	ssyncset.done $0x0  }
0x2d3: {  	[sflag:s28] =	ssyncadd.s32 $0xFFFFFFA0  }
0x2d4: {  	_ =	swait.ge [sflag:s28], $0x60  }
0x2d5: {  	[sflag:s28] =	ssyncset.done $0x0  }
0x2d6: {  	[sflag:s28] =	ssyncadd.s32 $0xFFFFFFA0  }
0x2d7: {  	_ =	swait.ge [sflag:s28], $0x60  }
0x2d8: {  	[sflag:s28] =	ssyncset.done $0x0  }
0x2d9: {  	[sflag:s28] =	ssyncadd.s32 $0xFFFFFFA0  }
0x2da: {  	_ =	swait.ge [sflag:s28], $0x60  }
0x2db: {  	[sflag:s28] =	ssyncset.done $0x0  }
0x2dc: {  	[sflag:s28] =	ssyncadd.s32 $0xFFFFFFA0  }
0x2dd: {  	_ =	swait.ge [sflag:s28], $0x60  }
0x2de: {  	[sflag:s28] =	ssyncset.done $0x0  }
0x2df: {  	[sflag:s28] =	ssyncadd.s32 $0xFFFFFFA0  }
0x2e0: {  	_ =	swait.ge [sflag:s28], $0x60  }
0x2e1: {  	[sflag:s28] =	ssyncset.done $0x0  }
0x2e2: {  	[sflag:s28] =	ssyncadd.s32 $0xFFFFFFA0  }
0x2e3: {  	_ =	swait.ge [sflag:s28], $0x60  }
0x2e4: {  	[sflag:s28] =	ssyncset.done $0x0  }
0x2e5: {  	[sflag:s28] =	ssyncadd.s32 $0xFFFFFFA0  }
0x2e6: {  	_ =	swait.ge [sflag:s28], $0x60  }
0x2e7: {  	[sflag:s28] =	ssyncset.done $0x0  }
0x2e8: {  	[sflag:s28] =	ssyncadd.s32 $0xFFFFFFA0  }
0x2e9: {  	_ =	swait.ge [sflag:s28], $0x60  }
0x2ea: {  	[sflag:s28] =	ssyncset.done $0x0  }
0x2eb: {  	[sflag:s28] =	ssyncadd.s32 $0xFFFFFFA0  }
0x2ec: {  	_ =	swait.ge [sflag:s28], $0x60  }
0x2ed: {  	[sflag:s28] =	ssyncset.done $0x0  }
0x2ee: {  	[sflag:s28] =	ssyncadd.s32 $0xFFFFFFA0  }
0x2ef: {  	_ =	swait.ge [sflag:s28], $0x60  }
0x2f0: {  	[sflag:s28] =	ssyncset.done $0x0  }
0x2f1: {  	[sflag:s28] =	ssyncadd.s32 $0xFFFFFFA0  }
0x2f2: {  	_ =	swait.ge [sflag:s28], $0x60  }
0x2f3: {  	[sflag:s28] =	ssyncset.done $0x0  }
0x2f4: {  	[sflag:s28] =	ssyncadd.s32 $0xFFFFFFA0  }
0x2f5: {  	_ =	swait.ge [sflag:s28], $0x60  }
0x2f6: {  	[sflag:s28] =	ssyncset.done $0x0  }
0x2f7: {  	[sflag:s28] =	ssyncadd.s32 $0xFFFFFFA0  }
0x2f8: {  	_ =	swait.ge [sflag:s28], $0x60  }
0x2f9: {  	[sflag:s28] =	ssyncset.done $0x0  }
0x2fa: {  	[sflag:s28] =	ssyncadd.s32 $0xFFFFFFA0  }
0x2fb: {  	_ =	swait.ge [sflag:s28], $0x60  }
0x2fc: {  	[sflag:s28] =	ssyncset.done $0x0  }
0x2fd: {  	[sflag:s28] =	ssyncadd.s32 $0xFFFFFFA0  }
0x2fe: {  	_ =	swait.ge [sflag:s28], $0x60  }
0x2ff: {  	[sflag:s28] =	ssyncset.done $0x0  }
0x300: {  	[sflag:s28] =	ssyncadd.s32 $0xFFFFFFA0  }
0x301: {  	_ =	swait.ge [sflag:s28], $0x60  }
0x302: {  	[sflag:s28] =	ssyncset.done $0x0  }
0x303: {  	[sflag:s28] =	ssyncadd.s32 $0xFFFFFFA0  }
0x304: {  	_ =	swait.ge [sflag:s28], $0x60  }
0x305: {  	[sflag:s28] =	ssyncset.done $0x0  }
0x306: {  	[sflag:s28] =	ssyncadd.s32 $0xFFFFFFA0  }
0x307: {  	_ =	swait.ge [sflag:s28], $0x60  }
0x308: {  	[sflag:s28] =	ssyncset.done $0x0  }
0x309: {  	[sflag:s28] =	ssyncadd.s32 $0xFFFFFFA0  }
0x30a: {  	_ =	swait.ge [sflag:s28], $0x60  }
0x30b: {  	[sflag:s28] =	ssyncset.done $0x0  }
0x30c: {  	s13 =	simm.s32 @!p0 $0x1;
	[sflag:s28] =	ssyncadd.s32 $0xFFFFFFA0  }
0x30d: {  	_ =	swait.ge @!p0 [sflag:s13], $0x30  }
0x30e: {  	s21 =	rddreg [dreg:$0x11]  }
0x30f: {  	s23 =	rddreg [dreg:$0xb];
	s17 =	sadd.s32 $0x1, s21  }
0x310: {  	p1 =	sne.s32 s17, s23  }
.Ltmp13:
0x311: {  	_ = 	snop;
	(pc) =	sbr.rel @p1 .LBB2_1-.Ltmp13, $3  }
0x312: {  	_ =	sdelay $0x1  }
0x313: {  	[sflag:s13] =	ssyncset.done @!p0 $0x0  }
0x314: {  	[sflag:s13] =	ssyncadd.s32 @!p0 $0xFFFFFFD0  }
0x315: {  	_ =	sfence.sel $0x180000  }
0x316: {  	[bflag:$0x0] =	sbarrier.arrive $0xFFFF  }
0x317: {  	_ =	strace $0x90000047  }
0x318: {  	s0 =	stileid.u32;
	[bflag:$0x2] =	sbarrier.arrive $0xFFFF  }
0x319: {  	p0 =	sne.s32 s0, $0x0;
	s0 =	rddreg [dreg:$0x6]  }
0x31a: {  	s0 =	sadd.s32 @!p0 $0x100000, s0  }
0x31b: {  	[sflag:s0] =	ssyncadd.tile.s32 @!p0 $0x1;
	_ =	shalt  }
.Lfunc_end2:
_tile_overlayer_lowered:
.L_overlay_start_2:
0x31c: {  	(tag) =	ssettag $0x2  }
0x31d: {  	s0 =	rddreg [dreg:$0x0];
	s2 =	stileid.u32  }
0x31e: {  	s1 =	rddreg [dreg:$0x1];
	p0 =	sne.s32 s2, $0x0  }
0x31f: {  	s3 =	rddreg [dreg:$0x2];
	[bflag:$0x3] =	sbarrier.arrive $0xFFFF;
	s2 =	simm.s32 @!p0 $0x1C04  }
0x320: {  	[timem:s3], [sflag:s2] =	dma.local @!p0 [hbm:s0], s1  }
0x321: {  	s0 =	simm.s32 @!p0 $0x4  }
0x322: {  	_ =	swait.ge @!p0 [sflag:s0], s1  }
0x323: {  	s1 =	ssub.s32 @!p0 $0x0, s1;
	[sflag:s0] =	ssyncset.done @!p0 $0x0  }
0x324: {  	[sflag:s0] =	ssyncadd.s32 @!p0 s1  }
0x325: {  	[bflag:$0x3] =	sbarrier.arrive $0xFFFF  }
0x326: {  	_ =	shalt  }

</sc_bundles>
